<compile_context>
chip_gen: v7x
topology: tpu7x:2x2x1
jax: 0.10.2.dev20260603
libtpu: 0.0.44.dev20260713+nightly
codegen_flags: <defaults>
</compile_context>

<pallas_src>
import jax
import jax.numpy as jnp
from jax import lax
from jax.experimental import pallas as pl
from jax.experimental.pallas import tpu as pltpu
from jax.experimental.pallas import tpu_sc as plsc

E = 8
NB = 2
B = 16
T = 32
H = 768
F = 3072
R = B * NB
GS = 4
G = 14
S_PAD = 64
KC = 2
FH = F // KC


def _gate_kernel(x_ref, gw_ref, prob_ref, topv_ref, topi_ref, imp_ref):
    x = x_ref[...]
    xm = jnp.mean(x, axis=1)
    logits = jax.lax.dot_general(
        xm, gw_ref[...], (((1,), (1,)), ((), ())),
        preferred_element_type=jnp.float32)
    p = jax.nn.softmax(logits, axis=-1)
    prob_ref[...] = p
    cols = jax.lax.broadcasted_iota(jnp.int32, p.shape, 1)
    i1 = jnp.argmax(p, axis=-1)
    v1 = jnp.max(p, axis=-1)
    pm = jnp.where(cols == i1[:, None], -jnp.inf, p)
    i2 = jnp.argmax(pm, axis=-1)
    v2 = jnp.max(pm, axis=-1)
    topv_ref[...] = jnp.concatenate([v1[:, None], v2[:, None]], axis=1)
    topi_ref[...] = jnp.concatenate([i1[:, None], i2[:, None]], axis=1)
    imp = jnp.sum(p, axis=0, keepdims=True)
    m = jnp.mean(imp)
    var = jnp.sum((imp - m) ** 2) / (E - 1)
    imp_ref[...] = (var / (m * m)).reshape(1, 1)


L = 16


GN_OFF = 0
SB_OFF = L
SR_OFF = L + S_PAD
PACKED = L + 2 * S_PAD
QMAX = (B + GS - 1) // GS


def _route_sc_body(sel_hbm, tv_hbm, outi_hbm, outf_hbm,
                   selv, tvv, permv, outiv, spv, sem1, sem2):
    cid = lax.axis_index("c")
    sid = lax.axis_index("s")

    @pl.when((cid == 0) & (sid == 0))
    def _():
        cp1 = pltpu.make_async_copy(sel_hbm, selv, sem1)
        cp2 = pltpu.make_async_copy(tv_hbm, tvv, sem2)
        cp1.start()
        cp2.start()
        cp1.wait()
        cp2.wait()
        s0 = selv[pl.ds(0, L)]
        s1 = selv[pl.ds(L, L)]
        iota = lax.iota(jnp.int32, L)
        zero = iota * 0
        cnt, rank0, rank1 = [], zero, zero
        for e in range(E):
            m0 = (s0 == e).astype(jnp.int32)
            m1 = (s1 == e).astype(jnp.int32)
            c0 = jnp.sum(m0)
            cnt.append(c0 + jnp.sum(m1))
            rank0 = rank0 + m0 * (plsc.cumsum(m0) - m0)
            rank1 = rank1 + m1 * (plsc.cumsum(m1) - m1 + c0)
        starts, ngr, gstarts = [], [], []
        acc_s = 0
        acc_g = 0
        for e in range(E):
            starts.append(acc_s)
            gstarts.append(acc_g)
            ngr.append((cnt[e] + GS - 1) // GS)
            acc_s = acc_s + cnt[e]
            acc_g = acc_g + ngr[e]
        used = acc_g
        last_e = jnp.int32(0)
        for e in range(E):
            last_e = jnp.where(cnt[e] > 0, jnp.int32(e), last_e)
        st0, st1 = zero, zero
        for e in range(E):
            st0 = st0 + (s0 == e).astype(jnp.int32) * starts[e]
            st1 = st1 + (s1 == e).astype(jnp.int32) * starts[e]
        plsc.store_scatter(permv, [st0 + rank0], iota)
        plsc.store_scatter(permv, [st1 + rank1], iota + L)
        def expert_of(g):
            ev = g * 0
            for e in range(E):
                m = (g >= gstarts[e]) & (g < gstarts[e] + ngr[e])
                ev = ev + m.astype(jnp.int32) * e
            return ev + (g >= used).astype(jnp.int32) * last_e

        gn = zero
        for e in range(E):
            gn = gn + (iota == e).astype(jnp.int32) * gstarts[e]
            gn = gn + (iota == E + e).astype(jnp.int32) * ngr[e]
        outiv[pl.ds(GN_OFF, L)] = gn
        for c in range(S_PAD // L):
            sids = iota + L * c
            gg = sids // GS
            e_s = expert_of(gg)
            gst, cts, sts = zero, zero, zero
            for e in range(E):
                m = (e_s == e).astype(jnp.int32)
                gst = gst + m * gstarts[e]
                cts = cts + m * cnt[e]
                sts = sts + m * starts[e]
            j = (gg - gst) * GS + sids % GS
            valid = (j < cts).astype(jnp.int32)
            sidx = jnp.clip(sts + j, 0, R - 1)
            rows = plsc.load_gather(permv, [sidx])
            probs = plsc.load_gather(tvv, [rows])
            outiv[pl.ds(SR_OFF + L * c, L)] = rows * valid + (1 - valid) * R
            outiv[pl.ds(SB_OFF + L * c, L)] = (rows // NB) * valid
            spv[pl.ds(L * c, L)] = probs * valid.astype(jnp.float32)
        cp3 = pltpu.make_async_copy(outiv, outi_hbm, sem1)
        cp4 = pltpu.make_async_copy(spv, outf_hbm, sem2)
        cp3.start()
        cp4.start()
        cp3.wait()
        cp4.wait()


def _route_sc(sel, beam_scores):
    return pl.kernel(
        _route_sc_body,
        out_type=(
            jax.ShapeDtypeStruct((PACKED,), jnp.int32),
            jax.ShapeDtypeStruct((S_PAD,), jnp.float32),
        ),
        mesh=plsc.VectorSubcoreMesh(
            core_axis_name="c", subcore_axis_name="s", num_cores=1),
        compiler_params=pltpu.CompilerParams(needs_layout_passes=False),
        scratch_types=[
            pltpu.VMEM((R,), jnp.int32),
            pltpu.VMEM((R,), jnp.float32),
            pltpu.VMEM((R,), jnp.int32),
            pltpu.VMEM((PACKED,), jnp.int32),
            pltpu.VMEM((S_PAD,), jnp.float32),
            pltpu.SemaphoreType.DMA,
            pltpu.SemaphoreType.DMA,
        ],
    )(sel, beam_scores)


def _ffn_kernel(ci_ref, sp_ref,
                x_ref, w1_ref, b1_ref, w2_ref, b2_ref, out_ref, xs_ref):
    k = pl.program_id(0)
    e = pl.program_id(1)
    gst = ci_ref[GN_OFF + e]
    ng = ci_ref[GN_OFF + E + e]
    w1b = w1_ref[0].astype(jnp.bfloat16)
    w2b = w2_ref[0].astype(jnp.bfloat16)
    for q in range(QMAX):

        @pl.when(q < ng)
        def _():
            g = gst + q

            @pl.when(k == 0)
            def _():
                xs_ref[g] = jnp.concatenate(
                    [x_ref[ci_ref[SB_OFF + GS * g + s]] for s in range(GS)],
                    axis=0).astype(jnp.bfloat16)

            h = jax.lax.dot_general(
                xs_ref[g], w1b, (((1,), (1,)), ((), ())),
                preferred_element_type=jnp.float32)
            h = jax.nn.gelu(h + b1_ref[0, 0])
            part = jax.lax.dot_general(
                h.astype(jnp.bfloat16), w2b, (((1,), (1,)), ((), ())),
                preferred_element_type=jnp.float32)
            for s in range(GS):
                r = GS * g + s
                row = ci_ref[SR_OFF + r]

                @pl.when((row < R) & (k == 0))
                def _():
                    out_ref[row] = sp_ref[r] * (
                        part[T * s:T * (s + 1)] + b2_ref[0, 0])

                @pl.when((row < R) & (k != 0))
                def _():
                    out_ref[row] = out_ref[row] + (
                        sp_ref[r] * part[T * s:T * (s + 1)])


@jax.jit
def kernel(x, gate_w, w1, b1, w2, b2):
    prob, topv, topi, imp = pl.pallas_call(
        _gate_kernel,
        out_shape=(
            jax.ShapeDtypeStruct((B, E), jnp.float32),
            jax.ShapeDtypeStruct((B, NB), jnp.float32),
            jax.ShapeDtypeStruct((B, NB), jnp.int32),
            jax.ShapeDtypeStruct((1, 1), jnp.float32),
        ),
    )(x, gate_w)

    sel = topi.reshape(R)
    beam_scores = topv.reshape(R)
    expert_route = sel[:, None]
    beam_idx = jnp.arange(R, dtype=jnp.int32)
    importance_loss = imp[0, 0]

    packed_i, slot_prob = _route_sc(sel, beam_scores)

    b1r = b1.reshape(E, 1, F)
    b2r = b2.reshape(E, 1, H)

    grid_spec = pltpu.PrefetchScalarGridSpec(
        num_scalar_prefetch=2,
        grid=(KC, E),
        in_specs=[
            pl.BlockSpec((B, T, H), lambda k, e, ci, sp: (0, 0, 0)),
            pl.BlockSpec((1, FH, H), lambda k, e, ci, sp: (e, k, 0)),
            pl.BlockSpec((1, 1, FH), lambda k, e, ci, sp: (e, 0, k)),
            pl.BlockSpec((1, H, FH), lambda k, e, ci, sp: (e, 0, k)),
            pl.BlockSpec((1, 1, H), lambda k, e, ci, sp: (e, 0, 0)),
        ],
        out_specs=pl.BlockSpec((R, T, H), lambda k, e, ci, sp: (0, 0, 0)),
        scratch_shapes=[pltpu.VMEM((G, GS * T, H), jnp.bfloat16)],
    )
    out = pl.pallas_call(
        _ffn_kernel,
        grid_spec=grid_spec,
        out_shape=jax.ShapeDtypeStruct((R, T, H), jnp.float32),
        compiler_params=pltpu.CompilerParams(
            vmem_limit_bytes=60000 * 1024),
    )(packed_i, slot_prob, x, w1, b1r, w2, b2r)

    return out, beam_scores, expert_route, beam_idx, importance_loss

# --- scband reference (transcript-rebuilt; emitter-appended) ---
"""Pipeline reference for scband-route-mo-elayer-11201274708406 (READ-ONLY COPY).

The authoritative reference and input builder live on the scoring server;
editing this copy changes nothing except your own understanding.
"""

import jax, jax.numpy as jnp
import numpy as np

NUM_EXPERTS = 8
NUM_BEAMS = 2
HIDDEN = 768
DFF = 3072
BATCH = 16
TOKENS = 32


def setup_inputs(seed: int = 0):
    key = jax.random.key(seed)
    ks = jax.random.split(key, 6)
    x = jax.random.normal(ks[0], (BATCH, TOKENS, HIDDEN), dtype=jnp.float32)
    gate_w = jax.random.normal(ks[1], (NUM_EXPERTS, HIDDEN), dtype=jnp.float32) * 0.02
    w1 = jax.random.normal(ks[2], (NUM_EXPERTS, DFF, HIDDEN), dtype=jnp.float32) * 0.02
    b1 = jnp.zeros((NUM_EXPERTS, DFF), dtype=jnp.float32)
    w2 = jax.random.normal(ks[3], (NUM_EXPERTS, HIDDEN, DFF), dtype=jnp.float32) * 0.02
    b2 = jnp.zeros((NUM_EXPERTS, HIDDEN), dtype=jnp.float32)
    return {"x": x, "gate_w": gate_w, "w1": w1, "b1": b1, "w2": w2, "b2": b2}


def _forward(x, gate_w, w1, b1, w2, b2):
    B, T, H = x.shape
    # ---- forward_gate: mask (all ones), mean-pool tokens, linear gate, softmax ----
    attention_mask = jnp.ones((B, T), dtype=x.dtype)
    x_masked = x * attention_mask[:, :, None]
    x_average = jnp.mean(x_masked, axis=1)                 # [B, H]
    logits_gate = x_average @ gate_w.T                     # [B, E]
    prob_gate = jax.nn.softmax(logits_gate, axis=-1)       # [B, E]
    # ---- importance auxiliary loss (torch.std uses ddof=1) ----
    importance = jnp.sum(prob_gate, axis=0)
    importance_loss = (jnp.std(importance, ddof=1) / jnp.mean(importance)) ** 2
    current_scores_log = jnp.log(prob_gate)
    # ---- beam_search, layer_judge == 'first' branch ----
    current_scores = jnp.exp(current_scores_log)
    topk_values, gate_idx = jax.lax.top_k(current_scores, NUM_BEAMS)
    beam_scores = topk_values.reshape(B * NUM_BEAMS)
    expert_route = gate_idx.reshape(B * NUM_BEAMS)[:, None]
    beam_idx = jnp.arange(B * NUM_BEAMS)
    current_expert_select = expert_route[:, -1]            # [B*num_beams]
    # ---- replicate x and gate probs across beams (layer_judge == 'first') ----
    x_rep = jnp.broadcast_to(x[:, None, :, :], (B, NUM_BEAMS, T, H)).reshape(B * NUM_BEAMS, T, H)
    scores_rep = jnp.broadcast_to(prob_gate[:, None, :], (B, NUM_BEAMS, NUM_EXPERTS)).reshape(B * NUM_BEAMS, NUM_EXPERTS)
    # ---- forward_expert_ffn: run EVERY expert densely on all tokens ----
    def expert_fn(w1e, b1e, w2e, b2e):
        h = jnp.einsum('btd,fd->btf', x_rep, w1e) + b1e
        h = jax.nn.gelu(h)
        return jnp.einsum('btf,df->btd', h, w2e) + b2e
    candidate_output = jax.vmap(expert_fn)(w1, b1, w2, b2)          # [E, B*nb, T, H]
    candidate_output = jnp.transpose(candidate_output, (1, 0, 2, 3))  # [B*nb, E, T, H]
    expert_select_matrix = jax.nn.one_hot(current_expert_select, NUM_EXPERTS, dtype=x.dtype)
    # weight_type == 'ffn_prob'
    tmp_prob = scores_rep * expert_select_matrix
    candidate_output = candidate_output * tmp_prob[:, :, None, None]
    output = jnp.sum(candidate_output, axis=1)             # [B*nb, T, H]
    return output, beam_scores, expert_route, beam_idx, importance_loss


def reference(x, gate_w, w1, b1, w2, b2):
    return _forward(x, gate_w, w1, b1, w2, b2)

if __name__ == "__main__":
    import jax
    _d = setup_inputs()
    print(jax.jit(kernel)(*tuple(_d.values())))

</pallas_src>

<mosaic_0001>
#map = affine_map<(d0, d1) -> (0)>
module attributes {stable_mosaic.version = 14 : i64} {
  func.func @_route_sc_body(%arg0: i32, %arg1: i32, %arg2: memref<32xi32, #tpu.memory_space<hbm>>, %arg3: memref<32xf32, #tpu.memory_space<hbm>>, %arg4: memref<144xi32, #tpu.memory_space<hbm>>, %arg5: memref<64xf32, #tpu.memory_space<hbm>>, %arg6: memref<32xi32, #tpu.memory_space<vmem>>, %arg7: memref<32xf32, #tpu.memory_space<vmem>>, %arg8: memref<32xi32, #tpu.memory_space<vmem>>, %arg9: memref<144xi32, #tpu.memory_space<vmem>>, %arg10: memref<64xf32, #tpu.memory_space<vmem>>, %arg11: memref<!tpu.dma_semaphore, #tpu.memory_space<semaphore_mem>>, %arg12: memref<!tpu.dma_semaphore, #tpu.memory_space<semaphore_mem>>) attributes {dimension_semantics = [#tpu.dimension_semantics<core_parallel>, #tpu.dimension_semantics<subcore_parallel>], iteration_bounds = array<i64: 1, 16>, scalar_prefetch = 0 : i64, scratch_operands = 7 : i64, tpu.core_type = #tpu.core_type<sc_vector_subcore>, window_params = [{transform_indices = #map}, {transform_indices = #map}, {transform_indices = #map}, {transform_indices = #map}]} {
    %eq3A = arith.constant 0 : i32
    %eq3A_0 = arith.cmpi eq, %arg0, %eq3A : i32
    %eq3A_1 = arith.constant 0 : i32
    %eq3A_2 = arith.cmpi eq, %arg1, %eq3A_1 : i32
    %and3A = arith.andi %eq3A_0, %eq3A_2 : i1
    %convert_element_type3A = arith.extui %and3A : i1 to i32
    %cond3A = arith.constant 0 : i32
    %cond3A_3 = arith.cmpi ne, %convert_element_type3A, %cond3A : i32
    scf.if %cond3A_3 {
      tpu.enqueue_dma source(%arg2 : memref<32xi32, #tpu.memory_space<hbm>>) target(%arg6 : memref<32xi32, #tpu.memory_space<vmem>>) target_semaphore(%arg11 : memref<!tpu.dma_semaphore, #tpu.memory_space<semaphore_mem>>)
      tpu.enqueue_dma source(%arg3 : memref<32xf32, #tpu.memory_space<hbm>>) target(%arg7 : memref<32xf32, #tpu.memory_space<vmem>>) target_semaphore(%arg12 : memref<!tpu.dma_semaphore, #tpu.memory_space<semaphore_mem>>)
      tpu.wait_dma2 semaphore(%arg11 : memref<!tpu.dma_semaphore, #tpu.memory_space<semaphore_mem>>) src(%arg2 : memref<32xi32, #tpu.memory_space<hbm>>) dst(%arg6 : memref<32xi32, #tpu.memory_space<vmem>>)
      tpu.wait_dma2 semaphore(%arg12 : memref<!tpu.dma_semaphore, #tpu.memory_space<semaphore_mem>>) src(%arg3 : memref<32xf32, #tpu.memory_space<hbm>>) dst(%arg7 : memref<32xf32, #tpu.memory_space<vmem>>)
      %get3A = arith.constant 0 : index
      %get3A_4 = tpu.vector_load %arg6[%get3A] {strides = array<i32>} : memref<32xi32, #tpu.memory_space<vmem>>, vector<16xi32>,
      %get3A_5 = arith.constant 16 : index
      %get3A_6 = tpu.vector_load %arg6[%get3A_5] {strides = array<i32>} : memref<32xi32, #tpu.memory_space<vmem>>, vector<16xi32>,
      %iota3A = tpu.iota {dimensions = array<i32: 0>} : vector<16xi32>
      %mul3A = arith.constant 0 : i32
      %mul3A_7 = vector.broadcast %mul3A : i32 to vector<16xi32>
      %mul3A_8 = arith.muli %iota3A, %mul3A_7 : vector<16xi32>
      %eq3A_9 = arith.constant 0 : i32
      %eq3A_10 = vector.broadcast %eq3A_9 : i32 to vector<16xi32>
      %eq3A_11 = arith.cmpi eq, %get3A_4, %eq3A_10 : vector<16xi32>
      %convert_element_type3A_12 = arith.extui %eq3A_11 : vector<16xi1> to vector<16xi32>
      %eq3A_13 = arith.constant 0 : i32
      %eq3A_14 = vector.broadcast %eq3A_13 : i32 to vector<16xi32>
      %eq3A_15 = arith.cmpi eq, %get3A_6, %eq3A_14 : vector<16xi32>
      %convert_element_type3A_16 = arith.extui %eq3A_15 : vector<16xi1> to vector<16xi32>
      %reduce_sum3A = arith.constant true
      %reduce_sum3A_17 = vector.broadcast %reduce_sum3A : i1 to vector<16xi1>
      %reduce_sum3A_18 = tpu.scan <sum>, %convert_element_type3A_12 masked %reduce_sum3A_17 : vector<16xi32>, vector<16xi1> -> vector<16xi32>
      %reduce_sum3A_19 = vector.extract %reduce_sum3A_18[15] : i32 from vector<16xi32>
      %reduce_sum3A_20 = arith.constant true
      %reduce_sum3A_21 = vector.broadcast %reduce_sum3A_20 : i1 to vector<16xi1>
      %reduce_sum3A_22 = tpu.scan <sum>, %convert_element_type3A_16 masked %reduce_sum3A_21 : vector<16xi32>, vector<16xi1> -> vector<16xi32>
      %reduce_sum3A_23 = vector.extract %reduce_sum3A_22[15] : i32 from vector<16xi32>
      %add3A = arith.addi %reduce_sum3A_19, %reduce_sum3A_23 : i32
      %broadcast_in_dim3A = arith.constant true
      %broadcast_in_dim3A_24 = vector.broadcast %broadcast_in_dim3A : i1 to vector<16xi1>
      %masked_cumsum3A = tpu.scan <sum>, %convert_element_type3A_12 masked %broadcast_in_dim3A_24 : vector<16xi32>, vector<16xi1> -> vector<16xi32>
      %sub3A = arith.subi %masked_cumsum3A, %convert_element_type3A_12 : vector<16xi32>
      %mul3A_25 = arith.muli %convert_element_type3A_12, %sub3A : vector<16xi32>
      %add3A_26 = arith.addi %mul3A_8, %mul3A_25 : vector<16xi32>
      %broadcast_in_dim3A_27 = arith.constant true
      %broadcast_in_dim3A_28 = vector.broadcast %broadcast_in_dim3A_27 : i1 to vector<16xi1>
      %masked_cumsum3A_29 = tpu.scan <sum>, %convert_element_type3A_16 masked %broadcast_in_dim3A_28 : vector<16xi32>, vector<16xi1> -> vector<16xi32>
      %sub3A_30 = arith.subi %masked_cumsum3A_29, %convert_element_type3A_16 : vector<16xi32>
      %add3A_31 = vector.broadcast %reduce_sum3A_19 : i32 to vector<16xi32>
      %add3A_32 = arith.addi %sub3A_30, %add3A_31 : vector<16xi32>
      %mul3A_33 = arith.muli %convert_element_type3A_16, %add3A_32 : vector<16xi32>
      %add3A_34 = arith.addi %mul3A_8, %mul3A_33 : vector<16xi32>
      %eq3A_35 = arith.constant 1 : i32
      %eq3A_36 = vector.broadcast %eq3A_35 : i32 to vector<16xi32>
      %eq3A_37 = arith.cmpi eq, %get3A_4, %eq3A_36 : vector<16xi32>
      %convert_element_type3A_38 = arith.extui %eq3A_37 : vector<16xi1> to vector<16xi32>
      %eq3A_39 = arith.constant 1 : i32
      %eq3A_40 = vector.broadcast %eq3A_39 : i32 to vector<16xi32>
      %eq3A_41 = arith.cmpi eq, %get3A_6, %eq3A_40 : vector<16xi32>
      %convert_element_type3A_42 = arith.extui %eq3A_41 : vector<16xi1> to vector<16xi32>
      %reduce_sum3A_43 = arith.constant true
      %reduce_sum3A_44 = vector.broadcast %reduce_sum3A_43 : i1 to vector<16xi1>
      %reduce_sum3A_45 = tpu.scan <sum>, %convert_element_type3A_38 masked %reduce_sum3A_44 : vector<16xi32>, vector<16xi1> -> vector<16xi32>
      %reduce_sum3A_46 = vector.extract %reduce_sum3A_45[15] : i32 from vector<16xi32>
      %reduce_sum3A_47 = arith.constant true
      %reduce_sum3A_48 = vector.broadcast %reduce_sum3A_47 : i1 to vector<16xi1>
      %reduce_sum3A_49 = tpu.scan <sum>, %convert_element_type3A_42 masked %reduce_sum3A_48 : vector<16xi32>, vector<16xi1> -> vector<16xi32>
      %reduce_sum3A_50 = vector.extract %reduce_sum3A_49[15] : i32 from vector<16xi32>
      %add3A_51 = arith.addi %reduce_sum3A_46, %reduce_sum3A_50 : i32
      %broadcast_in_dim3A_52 = arith.constant true
      %broadcast_in_dim3A_53 = vector.broadcast %broadcast_in_dim3A_52 : i1 to vector<16xi1>
      %masked_cumsum3A_54 = tpu.scan <sum>, %convert_element_type3A_38 masked %broadcast_in_dim3A_53 : vector<16xi32>, vector<16xi1> -> vector<16xi32>
      %sub3A_55 = arith.subi %masked_cumsum3A_54, %convert_element_type3A_38 : vector<16xi32>
      %mul3A_56 = arith.muli %convert_element_type3A_38, %sub3A_55 : vector<16xi32>
      %add3A_57 = arith.addi %add3A_26, %mul3A_56 : vector<16xi32>
      %broadcast_in_dim3A_58 = arith.constant true
      %broadcast_in_dim3A_59 = vector.broadcast %broadcast_in_dim3A_58 : i1 to vector<16xi1>
      %masked_cumsum3A_60 = tpu.scan <sum>, %convert_element_type3A_42 masked %broadcast_in_dim3A_59 : vector<16xi32>, vector<16xi1> -> vector<16xi32>
      %sub3A_61 = arith.subi %masked_cumsum3A_60, %convert_element_type3A_42 : vector<16xi32>
      %add3A_62 = vector.broadcast %reduce_sum3A_46 : i32 to vector<16xi32>
      %add3A_63 = arith.addi %sub3A_61, %add3A_62 : vector<16xi32>
      %mul3A_64 = arith.muli %convert_element_type3A_42, %add3A_63 : vector<16xi32>
      %add3A_65 = arith.addi %add3A_34, %mul3A_64 : vector<16xi32>
      %eq3A_66 = arith.constant 2 : i32
      %eq3A_67 = vector.broadcast %eq3A_66 : i32 to vector<16xi32>
      %eq3A_68 = arith.cmpi eq, %get3A_4, %eq3A_67 : vector<16xi32>
      %convert_element_type3A_69 = arith.extui %eq3A_68 : vector<16xi1> to vector<16xi32>
      %eq3A_70 = arith.constant 2 : i32
      %eq3A_71 = vector.broadcast %eq3A_70 : i32 to vector<16xi32>
      %eq3A_72 = arith.cmpi eq, %get3A_6, %eq3A_71 : vector<16xi32>
      %convert_element_type3A_73 = arith.extui %eq3A_72 : vector<16xi1> to vector<16xi32>
      %reduce_sum3A_74 = arith.constant true
      %reduce_sum3A_75 = vector.broadcast %reduce_sum3A_74 : i1 to vector<16xi1>
      %reduce_sum3A_76 = tpu.scan <sum>, %convert_element_type3A_69 masked %reduce_sum3A_75 : vector<16xi32>, vector<16xi1> -> vector<16xi32>
      %reduce_sum3A_77 = vector.extract %reduce_sum3A_76[15] : i32 from vector<16xi32>
      %reduce_sum3A_78 = arith.constant true
      %reduce_sum3A_79 = vector.broadcast %reduce_sum3A_78 : i1 to vector<16xi1>
      %reduce_sum3A_80 = tpu.scan <sum>, %convert_element_type3A_73 masked %reduce_sum3A_79 : vector<16xi32>, vector<16xi1> -> vector<16xi32>
      %reduce_sum3A_81 = vector.extract %reduce_sum3A_80[15] : i32 from vector<16xi32>
      %add3A_82 = arith.addi %reduce_sum3A_77, %reduce_sum3A_81 : i32
      %broadcast_in_dim3A_83 = arith.constant true
      %broadcast_in_dim3A_84 = vector.broadcast %broadcast_in_dim3A_83 : i1 to vector<16xi1>
      %masked_cumsum3A_85 = tpu.scan <sum>, %convert_element_type3A_69 masked %broadcast_in_dim3A_84 : vector<16xi32>, vector<16xi1> -> vector<16xi32>
      %sub3A_86 = arith.subi %masked_cumsum3A_85, %convert_element_type3A_69 : vector<16xi32>
      %mul3A_87 = arith.muli %convert_element_type3A_69, %sub3A_86 : vector<16xi32>
      %add3A_88 = arith.addi %add3A_57, %mul3A_87 : vector<16xi32>
      %broadcast_in_dim3A_89 = arith.constant true
      %broadcast_in_dim3A_90 = vector.broadcast %broadcast_in_dim3A_89 : i1 to vector<16xi1>
      %masked_cumsum3A_91 = tpu.scan <sum>, %convert_element_type3A_73 masked %broadcast_in_dim3A_90 : vector<16xi32>, vector<16xi1> -> vector<16xi32>
      %sub3A_92 = arith.subi %masked_cumsum3A_91, %convert_element_type3A_73 : vector<16xi32>
      %add3A_93 = vector.broadcast %reduce_sum3A_77 : i32 to vector<16xi32>
      %add3A_94 = arith.addi %sub3A_92, %add3A_93 : vector<16xi32>
      %mul3A_95 = arith.muli %convert_element_type3A_73, %add3A_94 : vector<16xi32>
      %add3A_96 = arith.addi %add3A_65, %mul3A_95 : vector<16xi32>
      %eq3A_97 = arith.constant 3 : i32
      %eq3A_98 = vector.broadcast %eq3A_97 : i32 to vector<16xi32>
      %eq3A_99 = arith.cmpi eq, %get3A_4, %eq3A_98 : vector<16xi32>
      %convert_element_type3A_100 = arith.extui %eq3A_99 : vector<16xi1> to vector<16xi32>
      %eq3A_101 = arith.constant 3 : i32
      %eq3A_102 = vector.broadcast %eq3A_101 : i32 to vector<16xi32>
      %eq3A_103 = arith.cmpi eq, %get3A_6, %eq3A_102 : vector<16xi32>
      %convert_element_type3A_104 = arith.extui %eq3A_103 : vector<16xi1> to vector<16xi32>
      %reduce_sum3A_105 = arith.constant true
      %reduce_sum3A_106 = vector.broadcast %reduce_sum3A_105 : i1 to vector<16xi1>
      %reduce_sum3A_107 = tpu.scan <sum>, %convert_element_type3A_100 masked %reduce_sum3A_106 : vector<16xi32>, vector<16xi1> -> vector<16xi32>
      %reduce_sum3A_108 = vector.extract %reduce_sum3A_107[15] : i32 from vector<16xi32>
      %reduce_sum3A_109 = arith.constant true
      %reduce_sum3A_110 = vector.broadcast %reduce_sum3A_109 : i1 to vector<16xi1>
      %reduce_sum3A_111 = tpu.scan <sum>, %convert_element_type3A_104 masked %reduce_sum3A_110 : vector<16xi32>, vector<16xi1> -> vector<16xi32>
      %reduce_sum3A_112 = vector.extract %reduce_sum3A_111[15] : i32 from vector<16xi32>
      %add3A_113 = arith.addi %reduce_sum3A_108, %reduce_sum3A_112 : i32
      %broadcast_in_dim3A_114 = arith.constant true
      %broadcast_in_dim3A_115 = vector.broadcast %broadcast_in_dim3A_114 : i1 to vector<16xi1>
      %masked_cumsum3A_116 = tpu.scan <sum>, %convert_element_type3A_100 masked %broadcast_in_dim3A_115 : vector<16xi32>, vector<16xi1> -> vector<16xi32>
      %sub3A_117 = arith.subi %masked_cumsum3A_116, %convert_element_type3A_100 : vector<16xi32>
      %mul3A_118 = arith.muli %convert_element_type3A_100, %sub3A_117 : vector<16xi32>
      %add3A_119 = arith.addi %add3A_88, %mul3A_118 : vector<16xi32>
      %broadcast_in_dim3A_120 = arith.constant true
      %broadcast_in_dim3A_121 = vector.broadcast %broadcast_in_dim3A_120 : i1 to vector<16xi1>
      %masked_cumsum3A_122 = tpu.scan <sum>, %convert_element_type3A_104 masked %broadcast_in_dim3A_121 : vector<16xi32>, vector<16xi1> -> vector<16xi32>
      %sub3A_123 = arith.subi %masked_cumsum3A_122, %convert_element_type3A_104 : vector<16xi32>
      %add3A_124 = vector.broadcast %reduce_sum3A_108 : i32 to vector<16xi32>
      %add3A_125 = arith.addi %sub3A_123, %add3A_124 : vector<16xi32>
      %mul3A_126 = arith.muli %convert_element_type3A_104, %add3A_125 : vector<16xi32>
      %add3A_127 = arith.addi %add3A_96, %mul3A_126 : vector<16xi32>
      %eq3A_128 = arith.constant 4 : i32
      %eq3A_129 = vector.broadcast %eq3A_128 : i32 to vector<16xi32>
      %eq3A_130 = arith.cmpi eq, %get3A_4, %eq3A_129 : vector<16xi32>
      %convert_element_type3A_131 = arith.extui %eq3A_130 : vector<16xi1> to vector<16xi32>
      %eq3A_132 = arith.constant 4 : i32
      %eq3A_133 = vector.broadcast %eq3A_132 : i32 to vector<16xi32>
      %eq3A_134 = arith.cmpi eq, %get3A_6, %eq3A_133 : vector<16xi32>
      %convert_element_type3A_135 = arith.extui %eq3A_134 : vector<16xi1> to vector<16xi32>
      %reduce_sum3A_136 = arith.constant true
      %reduce_sum3A_137 = vector.broadcast %reduce_sum3A_136 : i1 to vector<16xi1>
      %reduce_sum3A_138 = tpu.scan <sum>, %convert_element_type3A_131 masked %reduce_sum3A_137 : vector<16xi32>, vector<16xi1> -> vector<16xi32>
      %reduce_sum3A_139 = vector.extract %reduce_sum3A_138[15] : i32 from vector<16xi32>
      %reduce_sum3A_140 = arith.constant true
      %reduce_sum3A_141 = vector.broadcast %reduce_sum3A_140 : i1 to vector<16xi1>
      %reduce_sum3A_142 = tpu.scan <sum>, %convert_element_type3A_135 masked %reduce_sum3A_141 : vector<16xi32>, vector<16xi1> -> vector<16xi32>
      %reduce_sum3A_143 = vector.extract %reduce_sum3A_142[15] : i32 from vector<16xi32>
      %add3A_144 = arith.addi %reduce_sum3A_139, %reduce_sum3A_143 : i32
      %broadcast_in_dim3A_145 = arith.constant true
      %broadcast_in_dim3A_146 = vector.broadcast %broadcast_in_dim3A_145 : i1 to vector<16xi1>
      %masked_cumsum3A_147 = tpu.scan <sum>, %convert_element_type3A_131 masked %broadcast_in_dim3A_146 : vector<16xi32>, vector<16xi1> -> vector<16xi32>
      %sub3A_148 = arith.subi %masked_cumsum3A_147, %convert_element_type3A_131 : vector<16xi32>
      %mul3A_149 = arith.muli %convert_element_type3A_131, %sub3A_148 : vector<16xi32>
      %add3A_150 = arith.addi %add3A_119, %mul3A_149 : vector<16xi32>
      %broadcast_in_dim3A_151 = arith.constant true
      %broadcast_in_dim3A_152 = vector.broadcast %broadcast_in_dim3A_151 : i1 to vector<16xi1>
      %masked_cumsum3A_153 = tpu.scan <sum>, %convert_element_type3A_135 masked %broadcast_in_dim3A_152 : vector<16xi32>, vector<16xi1> -> vector<16xi32>
      %sub3A_154 = arith.subi %masked_cumsum3A_153, %convert_element_type3A_135 : vector<16xi32>
      %add3A_155 = vector.broadcast %reduce_sum3A_139 : i32 to vector<16xi32>
      %add3A_156 = arith.addi %sub3A_154, %add3A_155 : vector<16xi32>
      %mul3A_157 = arith.muli %convert_element_type3A_135, %add3A_156 : vector<16xi32>
      %add3A_158 = arith.addi %add3A_127, %mul3A_157 : vector<16xi32>
      %eq3A_159 = arith.constant 5 : i32
      %eq3A_160 = vector.broadcast %eq3A_159 : i32 to vector<16xi32>
      %eq3A_161 = arith.cmpi eq, %get3A_4, %eq3A_160 : vector<16xi32>
      %convert_element_type3A_162 = arith.extui %eq3A_161 : vector<16xi1> to vector<16xi32>
      %eq3A_163 = arith.constant 5 : i32
      %eq3A_164 = vector.broadcast %eq3A_163 : i32 to vector<16xi32>
      %eq3A_165 = arith.cmpi eq, %get3A_6, %eq3A_164 : vector<16xi32>
      %convert_element_type3A_166 = arith.extui %eq3A_165 : vector<16xi1> to vector<16xi32>
      %reduce_sum3A_167 = arith.constant true
      %reduce_sum3A_168 = vector.broadcast %reduce_sum3A_167 : i1 to vector<16xi1>
      %reduce_sum3A_169 = tpu.scan <sum>, %convert_element_type3A_162 masked %reduce_sum3A_168 : vector<16xi32>, vector<16xi1> -> vector<16xi32>
      %reduce_sum3A_170 = vector.extract %reduce_sum3A_169[15] : i32 from vector<16xi32>
      %reduce_sum3A_171 = arith.constant true
      %reduce_sum3A_172 = vector.broadcast %reduce_sum3A_171 : i1 to vector<16xi1>
      %reduce_sum3A_173 = tpu.scan <sum>, %convert_element_type3A_166 masked %reduce_sum3A_172 : vector<16xi32>, vector<16xi1> -> vector<16xi32>
      %reduce_sum3A_174 = vector.extract %reduce_sum3A_173[15] : i32 from vector<16xi32>
      %add3A_175 = arith.addi %reduce_sum3A_170, %reduce_sum3A_174 : i32
      %broadcast_in_dim3A_176 = arith.constant true
      %broadcast_in_dim3A_177 = vector.broadcast %broadcast_in_dim3A_176 : i1 to vector<16xi1>
      %masked_cumsum3A_178 = tpu.scan <sum>, %convert_element_type3A_162 masked %broadcast_in_dim3A_177 : vector<16xi32>, vector<16xi1> -> vector<16xi32>
      %sub3A_179 = arith.subi %masked_cumsum3A_178, %convert_element_type3A_162 : vector<16xi32>
      %mul3A_180 = arith.muli %convert_element_type3A_162, %sub3A_179 : vector<16xi32>
      %add3A_181 = arith.addi %add3A_150, %mul3A_180 : vector<16xi32>
      %broadcast_in_dim3A_182 = arith.constant true
      %broadcast_in_dim3A_183 = vector.broadcast %broadcast_in_dim3A_182 : i1 to vector<16xi1>
      %masked_cumsum3A_184 = tpu.scan <sum>, %convert_element_type3A_166 masked %broadcast_in_dim3A_183 : vector<16xi32>, vector<16xi1> -> vector<16xi32>
      %sub3A_185 = arith.subi %masked_cumsum3A_184, %convert_element_type3A_166 : vector<16xi32>
      %add3A_186 = vector.broadcast %reduce_sum3A_170 : i32 to vector<16xi32>
      %add3A_187 = arith.addi %sub3A_185, %add3A_186 : vector<16xi32>
      %mul3A_188 = arith.muli %convert_element_type3A_166, %add3A_187 : vector<16xi32>
      %add3A_189 = arith.addi %add3A_158, %mul3A_188 : vector<16xi32>
      %eq3A_190 = arith.constant 6 : i32
      %eq3A_191 = vector.broadcast %eq3A_190 : i32 to vector<16xi32>
      %eq3A_192 = arith.cmpi eq, %get3A_4, %eq3A_191 : vector<16xi32>
      %convert_element_type3A_193 = arith.extui %eq3A_192 : vector<16xi1> to vector<16xi32>
      %eq3A_194 = arith.constant 6 : i32
      %eq3A_195 = vector.broadcast %eq3A_194 : i32 to vector<16xi32>
      %eq3A_196 = arith.cmpi eq, %get3A_6, %eq3A_195 : vector<16xi32>
      %convert_element_type3A_197 = arith.extui %eq3A_196 : vector<16xi1> to vector<16xi32>
      %reduce_sum3A_198 = arith.constant true
      %reduce_sum3A_199 = vector.broadcast %reduce_sum3A_198 : i1 to vector<16xi1>
      %reduce_sum3A_200 = tpu.scan <sum>, %convert_element_type3A_193 masked %reduce_sum3A_199 : vector<16xi32>, vector<16xi1> -> vector<16xi32>
      %reduce_sum3A_201 = vector.extract %reduce_sum3A_200[15] : i32 from vector<16xi32>
      %reduce_sum3A_202 = arith.constant true
      %reduce_sum3A_203 = vector.broadcast %reduce_sum3A_202 : i1 to vector<16xi1>
      %reduce_sum3A_204 = tpu.scan <sum>, %convert_element_type3A_197 masked %reduce_sum3A_203 : vector<16xi32>, vector<16xi1> -> vector<16xi32>
      %reduce_sum3A_205 = vector.extract %reduce_sum3A_204[15] : i32 from vector<16xi32>
      %add3A_206 = arith.addi %reduce_sum3A_201, %reduce_sum3A_205 : i32
      %broadcast_in_dim3A_207 = arith.constant true
      %broadcast_in_dim3A_208 = vector.broadcast %broadcast_in_dim3A_207 : i1 to vector<16xi1>
      %masked_cumsum3A_209 = tpu.scan <sum>, %convert_element_type3A_193 masked %broadcast_in_dim3A_208 : vector<16xi32>, vector<16xi1> -> vector<16xi32>
      %sub3A_210 = arith.subi %masked_cumsum3A_209, %convert_element_type3A_193 : vector<16xi32>
      %mul3A_211 = arith.muli %convert_element_type3A_193, %sub3A_210 : vector<16xi32>
      %add3A_212 = arith.addi %add3A_181, %mul3A_211 : vector<16xi32>
      %broadcast_in_dim3A_213 = arith.constant true
      %broadcast_in_dim3A_214 = vector.broadcast %broadcast_in_dim3A_213 : i1 to vector<16xi1>
      %masked_cumsum3A_215 = tpu.scan <sum>, %convert_element_type3A_197 masked %broadcast_in_dim3A_214 : vector<16xi32>, vector<16xi1> -> vector<16xi32>
      %sub3A_216 = arith.subi %masked_cumsum3A_215, %convert_element_type3A_197 : vector<16xi32>
      %add3A_217 = vector.broadcast %reduce_sum3A_201 : i32 to vector<16xi32>
      %add3A_218 = arith.addi %sub3A_216, %add3A_217 : vector<16xi32>
      %mul3A_219 = arith.muli %convert_element_type3A_197, %add3A_218 : vector<16xi32>
      %add3A_220 = arith.addi %add3A_189, %mul3A_219 : vector<16xi32>
      %eq3A_221 = arith.constant 7 : i32
      %eq3A_222 = vector.broadcast %eq3A_221 : i32 to vector<16xi32>
      %eq3A_223 = arith.cmpi eq, %get3A_4, %eq3A_222 : vector<16xi32>
      %convert_element_type3A_224 = arith.extui %eq3A_223 : vector<16xi1> to vector<16xi32>
      %eq3A_225 = arith.constant 7 : i32
      %eq3A_226 = vector.broadcast %eq3A_225 : i32 to vector<16xi32>
      %eq3A_227 = arith.cmpi eq, %get3A_6, %eq3A_226 : vector<16xi32>
      %convert_element_type3A_228 = arith.extui %eq3A_227 : vector<16xi1> to vector<16xi32>
      %reduce_sum3A_229 = arith.constant true
      %reduce_sum3A_230 = vector.broadcast %reduce_sum3A_229 : i1 to vector<16xi1>
      %reduce_sum3A_231 = tpu.scan <sum>, %convert_element_type3A_224 masked %reduce_sum3A_230 : vector<16xi32>, vector<16xi1> -> vector<16xi32>
      %reduce_sum3A_232 = vector.extract %reduce_sum3A_231[15] : i32 from vector<16xi32>
      %reduce_sum3A_233 = arith.constant true
      %reduce_sum3A_234 = vector.broadcast %reduce_sum3A_233 : i1 to vector<16xi1>
      %reduce_sum3A_235 = tpu.scan <sum>, %convert_element_type3A_228 masked %reduce_sum3A_234 : vector<16xi32>, vector<16xi1> -> vector<16xi32>
      %reduce_sum3A_236 = vector.extract %reduce_sum3A_235[15] : i32 from vector<16xi32>
      %add3A_237 = arith.addi %reduce_sum3A_232, %reduce_sum3A_236 : i32
      %broadcast_in_dim3A_238 = arith.constant true
      %broadcast_in_dim3A_239 = vector.broadcast %broadcast_in_dim3A_238 : i1 to vector<16xi1>
      %masked_cumsum3A_240 = tpu.scan <sum>, %convert_element_type3A_224 masked %broadcast_in_dim3A_239 : vector<16xi32>, vector<16xi1> -> vector<16xi32>
      %sub3A_241 = arith.subi %masked_cumsum3A_240, %convert_element_type3A_224 : vector<16xi32>
      %mul3A_242 = arith.muli %convert_element_type3A_224, %sub3A_241 : vector<16xi32>
      %add3A_243 = arith.addi %add3A_212, %mul3A_242 : vector<16xi32>
      %broadcast_in_dim3A_244 = arith.constant true
      %broadcast_in_dim3A_245 = vector.broadcast %broadcast_in_dim3A_244 : i1 to vector<16xi1>
      %masked_cumsum3A_246 = tpu.scan <sum>, %convert_element_type3A_228 masked %broadcast_in_dim3A_245 : vector<16xi32>, vector<16xi1> -> vector<16xi32>
      %sub3A_247 = arith.subi %masked_cumsum3A_246, %convert_element_type3A_228 : vector<16xi32>
      %add3A_248 = vector.broadcast %reduce_sum3A_232 : i32 to vector<16xi32>
      %add3A_249 = arith.addi %sub3A_247, %add3A_248 : vector<16xi32>
      %mul3A_250 = arith.muli %convert_element_type3A_228, %add3A_249 : vector<16xi32>
      %add3A_251 = arith.addi %add3A_220, %mul3A_250 : vector<16xi32>
      %add3A_252 = arith.constant 4 : i32
      %add3A_253 = arith.addi %add3A, %add3A_252 : i32
      %sub3A_254 = arith.constant 1 : i32
      %sub3A_255 = arith.subi %add3A_253, %sub3A_254 : i32
      %jit3A = arith.constant 4 : i32
      %div3A = arith.divsi %sub3A_255, %jit3A : i32
      %sign3A = arith.constant 0 : i32
      %sign3A_256 = arith.cmpi sgt, %sub3A_255, %sign3A : i32
      %sign3A_257 = arith.extui %sign3A_256 : i1 to i32
      %sign3A_258 = arith.constant 0 : i32
      %sign3A_259 = arith.cmpi slt, %sub3A_255, %sign3A_258 : i32
      %sign3A_260 = arith.extui %sign3A_259 : i1 to i32
      %sign3A_261 = arith.subi %sign3A_257, %sign3A_260 : i32
      %sign3A_262 = arith.constant 0 : i32
      %sign3A_263 = arith.cmpi sgt, %jit3A, %sign3A_262 : i32
      %sign3A_264 = arith.extui %sign3A_263 : i1 to i32
      %sign3A_265 = arith.constant 0 : i32
      %sign3A_266 = arith.cmpi slt, %jit3A, %sign3A_265 : i32
      %sign3A_267 = arith.extui %sign3A_266 : i1 to i32
      %sign3A_268 = arith.subi %sign3A_264, %sign3A_267 : i32
      %ne3A = arith.cmpi ne, %sign3A_261, %sign3A_268 : i32
      %rem3A = arith.remsi %sub3A_255, %jit3A : i32
      %ne3A_269 = arith.constant 0 : i32
      %ne3A_270 = arith.cmpi ne, %rem3A, %ne3A_269 : i32
      %and3A_271 = arith.andi %ne3A, %ne3A_270 : i1
      %sub3A_272 = arith.constant 1 : i32
      %sub3A_273 = arith.subi %div3A, %sub3A_272 : i32
      %select_n3A = arith.select %and3A_271, %sub3A_273, %div3A : i32
      %add3A_274 = arith.constant 0 : i32
      %add3A_275 = arith.addi %add3A_274, %add3A : i32
      %add3A_276 = arith.constant 0 : i32
      %add3A_277 = arith.addi %add3A_276, %select_n3A : i32
      %add3A_278 = arith.constant 4 : i32
      %add3A_279 = arith.addi %add3A_51, %add3A_278 : i32
      %sub3A_280 = arith.constant 1 : i32
      %sub3A_281 = arith.subi %add3A_279, %sub3A_280 : i32
      %jit3A_282 = arith.constant 4 : i32
      %div3A_283 = arith.divsi %sub3A_281, %jit3A_282 : i32
      %sign3A_284 = arith.constant 0 : i32
      %sign3A_285 = arith.cmpi sgt, %sub3A_281, %sign3A_284 : i32
      %sign3A_286 = arith.extui %sign3A_285 : i1 to i32
      %sign3A_287 = arith.constant 0 : i32
      %sign3A_288 = arith.cmpi slt, %sub3A_281, %sign3A_287 : i32
      %sign3A_289 = arith.extui %sign3A_288 : i1 to i32
      %sign3A_290 = arith.subi %sign3A_286, %sign3A_289 : i32
      %sign3A_291 = arith.constant 0 : i32
      %sign3A_292 = arith.cmpi sgt, %jit3A_282, %sign3A_291 : i32
      %sign3A_293 = arith.extui %sign3A_292 : i1 to i32
      %sign3A_294 = arith.constant 0 : i32
      %sign3A_295 = arith.cmpi slt, %jit3A_282, %sign3A_294 : i32
      %sign3A_296 = arith.extui %sign3A_295 : i1 to i32
      %sign3A_297 = arith.subi %sign3A_293, %sign3A_296 : i32
      %ne3A_298 = arith.cmpi ne, %sign3A_290, %sign3A_297 : i32
      %rem3A_299 = arith.remsi %sub3A_281, %jit3A_282 : i32
      %ne3A_300 = arith.constant 0 : i32
      %ne3A_301 = arith.cmpi ne, %rem3A_299, %ne3A_300 : i32
      %and3A_302 = arith.andi %ne3A_298, %ne3A_301 : i1
      %sub3A_303 = arith.constant 1 : i32
      %sub3A_304 = arith.subi %div3A_283, %sub3A_303 : i32
      %select_n3A_305 = arith.select %and3A_302, %sub3A_304, %div3A_283 : i32
      %add3A_306 = arith.addi %add3A_275, %add3A_51 : i32
      %add3A_307 = arith.addi %add3A_277, %select_n3A_305 : i32
      %add3A_308 = arith.constant 4 : i32
      %add3A_309 = arith.addi %add3A_82, %add3A_308 : i32
      %sub3A_310 = arith.constant 1 : i32
      %sub3A_311 = arith.subi %add3A_309, %sub3A_310 : i32
      %jit3A_312 = arith.constant 4 : i32
      %div3A_313 = arith.divsi %sub3A_311, %jit3A_312 : i32
      %sign3A_314 = arith.constant 0 : i32
      %sign3A_315 = arith.cmpi sgt, %sub3A_311, %sign3A_314 : i32
      %sign3A_316 = arith.extui %sign3A_315 : i1 to i32
      %sign3A_317 = arith.constant 0 : i32
      %sign3A_318 = arith.cmpi slt, %sub3A_311, %sign3A_317 : i32
      %sign3A_319 = arith.extui %sign3A_318 : i1 to i32
      %sign3A_320 = arith.subi %sign3A_316, %sign3A_319 : i32
      %sign3A_321 = arith.constant 0 : i32
      %sign3A_322 = arith.cmpi sgt, %jit3A_312, %sign3A_321 : i32
      %sign3A_323 = arith.extui %sign3A_322 : i1 to i32
      %sign3A_324 = arith.constant 0 : i32
      %sign3A_325 = arith.cmpi slt, %jit3A_312, %sign3A_324 : i32
      %sign3A_326 = arith.extui %sign3A_325 : i1 to i32
      %sign3A_327 = arith.subi %sign3A_323, %sign3A_326 : i32
      %ne3A_328 = arith.cmpi ne, %sign3A_320, %sign3A_327 : i32
      %rem3A_329 = arith.remsi %sub3A_311, %jit3A_312 : i32
      %ne3A_330 = arith.constant 0 : i32
      %ne3A_331 = arith.cmpi ne, %rem3A_329, %ne3A_330 : i32
      %and3A_332 = arith.andi %ne3A_328, %ne3A_331 : i1
      %sub3A_333 = arith.constant 1 : i32
      %sub3A_334 = arith.subi %div3A_313, %sub3A_333 : i32
      %select_n3A_335 = arith.select %and3A_332, %sub3A_334, %div3A_313 : i32
      %add3A_336 = arith.addi %add3A_306, %add3A_82 : i32
      %add3A_337 = arith.addi %add3A_307, %select_n3A_335 : i32
      %add3A_338 = arith.constant 4 : i32
      %add3A_339 = arith.addi %add3A_113, %add3A_338 : i32
      %sub3A_340 = arith.constant 1 : i32
      %sub3A_341 = arith.subi %add3A_339, %sub3A_340 : i32
      %jit3A_342 = arith.constant 4 : i32
      %div3A_343 = arith.divsi %sub3A_341, %jit3A_342 : i32
      %sign3A_344 = arith.constant 0 : i32
      %sign3A_345 = arith.cmpi sgt, %sub3A_341, %sign3A_344 : i32
      %sign3A_346 = arith.extui %sign3A_345 : i1 to i32
      %sign3A_347 = arith.constant 0 : i32
      %sign3A_348 = arith.cmpi slt, %sub3A_341, %sign3A_347 : i32
      %sign3A_349 = arith.extui %sign3A_348 : i1 to i32
      %sign3A_350 = arith.subi %sign3A_346, %sign3A_349 : i32
      %sign3A_351 = arith.constant 0 : i32
      %sign3A_352 = arith.cmpi sgt, %jit3A_342, %sign3A_351 : i32
      %sign3A_353 = arith.extui %sign3A_352 : i1 to i32
      %sign3A_354 = arith.constant 0 : i32
      %sign3A_355 = arith.cmpi slt, %jit3A_342, %sign3A_354 : i32
      %sign3A_356 = arith.extui %sign3A_355 : i1 to i32
      %sign3A_357 = arith.subi %sign3A_353, %sign3A_356 : i32
      %ne3A_358 = arith.cmpi ne, %sign3A_350, %sign3A_357 : i32
      %rem3A_359 = arith.remsi %sub3A_341, %jit3A_342 : i32
      %ne3A_360 = arith.constant 0 : i32
      %ne3A_361 = arith.cmpi ne, %rem3A_359, %ne3A_360 : i32
      %and3A_362 = arith.andi %ne3A_358, %ne3A_361 : i1
      %sub3A_363 = arith.constant 1 : i32
      %sub3A_364 = arith.subi %div3A_343, %sub3A_363 : i32
      %select_n3A_365 = arith.select %and3A_362, %sub3A_364, %div3A_343 : i32
      %add3A_366 = arith.addi %add3A_336, %add3A_113 : i32
      %add3A_367 = arith.addi %add3A_337, %select_n3A_365 : i32
      %add3A_368 = arith.constant 4 : i32
      %add3A_369 = arith.addi %add3A_144, %add3A_368 : i32
      %sub3A_370 = arith.constant 1 : i32
      %sub3A_371 = arith.subi %add3A_369, %sub3A_370 : i32
      %jit3A_372 = arith.constant 4 : i32
      %div3A_373 = arith.divsi %sub3A_371, %jit3A_372 : i32
      %sign3A_374 = arith.constant 0 : i32
      %sign3A_375 = arith.cmpi sgt, %sub3A_371, %sign3A_374 : i32
      %sign3A_376 = arith.extui %sign3A_375 : i1 to i32
      %sign3A_377 = arith.constant 0 : i32
      %sign3A_378 = arith.cmpi slt, %sub3A_371, %sign3A_377 : i32
      %sign3A_379 = arith.extui %sign3A_378 : i1 to i32
      %sign3A_380 = arith.subi %sign3A_376, %sign3A_379 : i32
      %sign3A_381 = arith.constant 0 : i32
      %sign3A_382 = arith.cmpi sgt, %jit3A_372, %sign3A_381 : i32
      %sign3A_383 = arith.extui %sign3A_382 : i1 to i32
      %sign3A_384 = arith.constant 0 : i32
      %sign3A_385 = arith.cmpi slt, %jit3A_372, %sign3A_384 : i32
      %sign3A_386 = arith.extui %sign3A_385 : i1 to i32
      %sign3A_387 = arith.subi %sign3A_383, %sign3A_386 : i32
      %ne3A_388 = arith.cmpi ne, %sign3A_380, %sign3A_387 : i32
      %rem3A_389 = arith.remsi %sub3A_371, %jit3A_372 : i32
      %ne3A_390 = arith.constant 0 : i32
      %ne3A_391 = arith.cmpi ne, %rem3A_389, %ne3A_390 : i32
      %and3A_392 = arith.andi %ne3A_388, %ne3A_391 : i1
      %sub3A_393 = arith.constant 1 : i32
      %sub3A_394 = arith.subi %div3A_373, %sub3A_393 : i32
      %select_n3A_395 = arith.select %and3A_392, %sub3A_394, %div3A_373 : i32
      %add3A_396 = arith.addi %add3A_366, %add3A_144 : i32
      %add3A_397 = arith.addi %add3A_367, %select_n3A_395 : i32
      %add3A_398 = arith.constant 4 : i32
      %add3A_399 = arith.addi %add3A_175, %add3A_398 : i32
      %sub3A_400 = arith.constant 1 : i32
      %sub3A_401 = arith.subi %add3A_399, %sub3A_400 : i32
      %jit3A_402 = arith.constant 4 : i32
      %div3A_403 = arith.divsi %sub3A_401, %jit3A_402 : i32
      %sign3A_404 = arith.constant 0 : i32
      %sign3A_405 = arith.cmpi sgt, %sub3A_401, %sign3A_404 : i32
      %sign3A_406 = arith.extui %sign3A_405 : i1 to i32
      %sign3A_407 = arith.constant 0 : i32
      %sign3A_408 = arith.cmpi slt, %sub3A_401, %sign3A_407 : i32
      %sign3A_409 = arith.extui %sign3A_408 : i1 to i32
      %sign3A_410 = arith.subi %sign3A_406, %sign3A_409 : i32
      %sign3A_411 = arith.constant 0 : i32
      %sign3A_412 = arith.cmpi sgt, %jit3A_402, %sign3A_411 : i32
      %sign3A_413 = arith.extui %sign3A_412 : i1 to i32
      %sign3A_414 = arith.constant 0 : i32
      %sign3A_415 = arith.cmpi slt, %jit3A_402, %sign3A_414 : i32
      %sign3A_416 = arith.extui %sign3A_415 : i1 to i32
      %sign3A_417 = arith.subi %sign3A_413, %sign3A_416 : i32
      %ne3A_418 = arith.cmpi ne, %sign3A_410, %sign3A_417 : i32
      %rem3A_419 = arith.remsi %sub3A_401, %jit3A_402 : i32
      %ne3A_420 = arith.constant 0 : i32
      %ne3A_421 = arith.cmpi ne, %rem3A_419, %ne3A_420 : i32
      %and3A_422 = arith.andi %ne3A_418, %ne3A_421 : i1
      %sub3A_423 = arith.constant 1 : i32
      %sub3A_424 = arith.subi %div3A_403, %sub3A_423 : i32
      %select_n3A_425 = arith.select %and3A_422, %sub3A_424, %div3A_403 : i32
      %add3A_426 = arith.addi %add3A_396, %add3A_175 : i32
      %add3A_427 = arith.addi %add3A_397, %select_n3A_425 : i32
      %add3A_428 = arith.constant 4 : i32
      %add3A_429 = arith.addi %add3A_206, %add3A_428 : i32
      %sub3A_430 = arith.constant 1 : i32
      %sub3A_431 = arith.subi %add3A_429, %sub3A_430 : i32
      %jit3A_432 = arith.constant 4 : i32
      %div3A_433 = arith.divsi %sub3A_431, %jit3A_432 : i32
      %sign3A_434 = arith.constant 0 : i32
      %sign3A_435 = arith.cmpi sgt, %sub3A_431, %sign3A_434 : i32
      %sign3A_436 = arith.extui %sign3A_435 : i1 to i32
      %sign3A_437 = arith.constant 0 : i32
      %sign3A_438 = arith.cmpi slt, %sub3A_431, %sign3A_437 : i32
      %sign3A_439 = arith.extui %sign3A_438 : i1 to i32
      %sign3A_440 = arith.subi %sign3A_436, %sign3A_439 : i32
      %sign3A_441 = arith.constant 0 : i32
      %sign3A_442 = arith.cmpi sgt, %jit3A_432, %sign3A_441 : i32
      %sign3A_443 = arith.extui %sign3A_442 : i1 to i32
      %sign3A_444 = arith.constant 0 : i32
      %sign3A_445 = arith.cmpi slt, %jit3A_432, %sign3A_444 : i32
      %sign3A_446 = arith.extui %sign3A_445 : i1 to i32
      %sign3A_447 = arith.subi %sign3A_443, %sign3A_446 : i32
      %ne3A_448 = arith.cmpi ne, %sign3A_440, %sign3A_447 : i32
      %rem3A_449 = arith.remsi %sub3A_431, %jit3A_432 : i32
      %ne3A_450 = arith.constant 0 : i32
      %ne3A_451 = arith.cmpi ne, %rem3A_449, %ne3A_450 : i32
      %and3A_452 = arith.andi %ne3A_448, %ne3A_451 : i1
      %sub3A_453 = arith.constant 1 : i32
      %sub3A_454 = arith.subi %div3A_433, %sub3A_453 : i32
      %select_n3A_455 = arith.select %and3A_452, %sub3A_454, %div3A_433 : i32
      %add3A_456 = arith.addi %add3A_426, %add3A_206 : i32
      %add3A_457 = arith.addi %add3A_427, %select_n3A_455 : i32
      %add3A_458 = arith.constant 4 : i32
      %add3A_459 = arith.addi %add3A_237, %add3A_458 : i32
      %sub3A_460 = arith.constant 1 : i32
      %sub3A_461 = arith.subi %add3A_459, %sub3A_460 : i32
      %jit3A_462 = arith.constant 4 : i32
      %div3A_463 = arith.divsi %sub3A_461, %jit3A_462 : i32
      %sign3A_464 = arith.constant 0 : i32
      %sign3A_465 = arith.cmpi sgt, %sub3A_461, %sign3A_464 : i32
      %sign3A_466 = arith.extui %sign3A_465 : i1 to i32
      %sign3A_467 = arith.constant 0 : i32
      %sign3A_468 = arith.cmpi slt, %sub3A_461, %sign3A_467 : i32
      %sign3A_469 = arith.extui %sign3A_468 : i1 to i32
      %sign3A_470 = arith.subi %sign3A_466, %sign3A_469 : i32
      %sign3A_471 = arith.constant 0 : i32
      %sign3A_472 = arith.cmpi sgt, %jit3A_462, %sign3A_471 : i32
      %sign3A_473 = arith.extui %sign3A_472 : i1 to i32
      %sign3A_474 = arith.constant 0 : i32
      %sign3A_475 = arith.cmpi slt, %jit3A_462, %sign3A_474 : i32
      %sign3A_476 = arith.extui %sign3A_475 : i1 to i32
      %sign3A_477 = arith.subi %sign3A_473, %sign3A_476 : i32
      %ne3A_478 = arith.cmpi ne, %sign3A_470, %sign3A_477 : i32
      %rem3A_479 = arith.remsi %sub3A_461, %jit3A_462 : i32
      %ne3A_480 = arith.constant 0 : i32
      %ne3A_481 = arith.cmpi ne, %rem3A_479, %ne3A_480 : i32
      %and3A_482 = arith.andi %ne3A_478, %ne3A_481 : i1
      %sub3A_483 = arith.constant 1 : i32
      %sub3A_484 = arith.subi %div3A_463, %sub3A_483 : i32
      %select_n3A_485 = arith.select %and3A_482, %sub3A_484, %div3A_463 : i32
      %add3A_486 = arith.addi %add3A_456, %add3A_237 : i32
      %add3A_487 = arith.addi %add3A_457, %select_n3A_485 : i32
      %gt3A = arith.constant 0 : i32
      %gt3A_488 = arith.cmpi sgt, %add3A, %gt3A : i32
      %jit3A_489 = arith.constant 0 : i32
      %jit3A_490 = arith.constant 0 : i32
      %select_n3A_491 = arith.select %gt3A_488, %jit3A_489, %jit3A_490 : i32
      %gt3A_492 = arith.constant 0 : i32
      %gt3A_493 = arith.cmpi sgt, %add3A_51, %gt3A_492 : i32
      %jit3A_494 = arith.constant 1 : i32
      %select_n3A_495 = arith.select %gt3A_493, %jit3A_494, %select_n3A_491 : i32
      %gt3A_496 = arith.constant 0 : i32
      %gt3A_497 = arith.cmpi sgt, %add3A_82, %gt3A_496 : i32
      %jit3A_498 = arith.constant 2 : i32
      %select_n3A_499 = arith.select %gt3A_497, %jit3A_498, %select_n3A_495 : i32
      %gt3A_500 = arith.constant 0 : i32
      %gt3A_501 = arith.cmpi sgt, %add3A_113, %gt3A_500 : i32
      %jit3A_502 = arith.constant 3 : i32
      %select_n3A_503 = arith.select %gt3A_501, %jit3A_502, %select_n3A_499 : i32
      %gt3A_504 = arith.constant 0 : i32
      %gt3A_505 = arith.cmpi sgt, %add3A_144, %gt3A_504 : i32
      %jit3A_506 = arith.constant 4 : i32
      %select_n3A_507 = arith.select %gt3A_505, %jit3A_506, %select_n3A_503 : i32
      %gt3A_508 = arith.constant 0 : i32
      %gt3A_509 = arith.cmpi sgt, %add3A_175, %gt3A_508 : i32
      %jit3A_510 = arith.constant 5 : i32
      %select_n3A_511 = arith.select %gt3A_509, %jit3A_510, %select_n3A_507 : i32
      %gt3A_512 = arith.constant 0 : i32
      %gt3A_513 = arith.cmpi sgt, %add3A_206, %gt3A_512 : i32
      %jit3A_514 = arith.constant 6 : i32
      %select_n3A_515 = arith.select %gt3A_513, %jit3A_514, %select_n3A_511 : i32
      %gt3A_516 = arith.constant 0 : i32
      %gt3A_517 = arith.cmpi sgt, %add3A_237, %gt3A_516 : i32
      %jit3A_518 = arith.constant 7 : i32
      %select_n3A_519 = arith.select %gt3A_517, %jit3A_518, %select_n3A_515 : i32
      %eq3A_520 = arith.constant 0 : i32
      %eq3A_521 = vector.broadcast %eq3A_520 : i32 to vector<16xi32>
      %eq3A_522 = arith.cmpi eq, %get3A_4, %eq3A_521 : vector<16xi32>
      %convert_element_type3A_523 = arith.extui %eq3A_522 : vector<16xi1> to vector<16xi32>
      %mul3A_524 = arith.constant 0 : i32
      %mul3A_525 = vector.broadcast %mul3A_524 : i32 to vector<16xi32>
      %mul3A_526 = arith.muli %convert_element_type3A_523, %mul3A_525 : vector<16xi32>
      %add3A_527 = arith.addi %mul3A_8, %mul3A_526 : vector<16xi32>
      %eq3A_528 = arith.constant 0 : i32
      %eq3A_529 = vector.broadcast %eq3A_528 : i32 to vector<16xi32>
      %eq3A_530 = arith.cmpi eq, %get3A_6, %eq3A_529 : vector<16xi32>
      %convert_element_type3A_531 = arith.extui %eq3A_530 : vector<16xi1> to vector<16xi32>
      %mul3A_532 = arith.constant 0 : i32
      %mul3A_533 = vector.broadcast %mul3A_532 : i32 to vector<16xi32>
      %mul3A_534 = arith.muli %convert_element_type3A_531, %mul3A_533 : vector<16xi32>
      %add3A_535 = arith.addi %mul3A_8, %mul3A_534 : vector<16xi32>
      %eq3A_536 = arith.constant 1 : i32
      %eq3A_537 = vector.broadcast %eq3A_536 : i32 to vector<16xi32>
      %eq3A_538 = arith.cmpi eq, %get3A_4, %eq3A_537 : vector<16xi32>
      %convert_element_type3A_539 = arith.extui %eq3A_538 : vector<16xi1> to vector<16xi32>
      %mul3A_540 = vector.broadcast %add3A_275 : i32 to vector<16xi32>
      %mul3A_541 = arith.muli %convert_element_type3A_539, %mul3A_540 : vector<16xi32>
      %add3A_542 = arith.addi %add3A_527, %mul3A_541 : vector<16xi32>
      %eq3A_543 = arith.constant 1 : i32
      %eq3A_544 = vector.broadcast %eq3A_543 : i32 to vector<16xi32>
      %eq3A_545 = arith.cmpi eq, %get3A_6, %eq3A_544 : vector<16xi32>
      %convert_element_type3A_546 = arith.extui %eq3A_545 : vector<16xi1> to vector<16xi32>
      %mul3A_547 = vector.broadcast %add3A_275 : i32 to vector<16xi32>
      %mul3A_548 = arith.muli %convert_element_type3A_546, %mul3A_547 : vector<16xi32>
      %add3A_549 = arith.addi %add3A_535, %mul3A_548 : vector<16xi32>
      %eq3A_550 = arith.constant 2 : i32
      %eq3A_551 = vector.broadcast %eq3A_550 : i32 to vector<16xi32>
      %eq3A_552 = arith.cmpi eq, %get3A_4, %eq3A_551 : vector<16xi32>
      %convert_element_type3A_553 = arith.extui %eq3A_552 : vector<16xi1> to vector<16xi32>
      %mul3A_554 = vector.broadcast %add3A_306 : i32 to vector<16xi32>
      %mul3A_555 = arith.muli %convert_element_type3A_553, %mul3A_554 : vector<16xi32>
      %add3A_556 = arith.addi %add3A_542, %mul3A_555 : vector<16xi32>
      %eq3A_557 = arith.constant 2 : i32
      %eq3A_558 = vector.broadcast %eq3A_557 : i32 to vector<16xi32>
      %eq3A_559 = arith.cmpi eq, %get3A_6, %eq3A_558 : vector<16xi32>
      %convert_element_type3A_560 = arith.extui %eq3A_559 : vector<16xi1> to vector<16xi32>
      %mul3A_561 = vector.broadcast %add3A_306 : i32 to vector<16xi32>
      %mul3A_562 = arith.muli %convert_element_type3A_560, %mul3A_561 : vector<16xi32>
      %add3A_563 = arith.addi %add3A_549, %mul3A_562 : vector<16xi32>
      %eq3A_564 = arith.constant 3 : i32
      %eq3A_565 = vector.broadcast %eq3A_564 : i32 to vector<16xi32>
      %eq3A_566 = arith.cmpi eq, %get3A_4, %eq3A_565 : vector<16xi32>
      %convert_element_type3A_567 = arith.extui %eq3A_566 : vector<16xi1> to vector<16xi32>
      %mul3A_568 = vector.broadcast %add3A_336 : i32 to vector<16xi32>
      %mul3A_569 = arith.muli %convert_element_type3A_567, %mul3A_568 : vector<16xi32>
      %add3A_570 = arith.addi %add3A_556, %mul3A_569 : vector<16xi32>
      %eq3A_571 = arith.constant 3 : i32
      %eq3A_572 = vector.broadcast %eq3A_571 : i32 to vector<16xi32>
      %eq3A_573 = arith.cmpi eq, %get3A_6, %eq3A_572 : vector<16xi32>
      %convert_element_type3A_574 = arith.extui %eq3A_573 : vector<16xi1> to vector<16xi32>
      %mul3A_575 = vector.broadcast %add3A_336 : i32 to vector<16xi32>
      %mul3A_576 = arith.muli %convert_element_type3A_574, %mul3A_575 : vector<16xi32>
      %add3A_577 = arith.addi %add3A_563, %mul3A_576 : vector<16xi32>
      %eq3A_578 = arith.constant 4 : i32
      %eq3A_579 = vector.broadcast %eq3A_578 : i32 to vector<16xi32>
      %eq3A_580 = arith.cmpi eq, %get3A_4, %eq3A_579 : vector<16xi32>
      %convert_element_type3A_581 = arith.extui %eq3A_580 : vector<16xi1> to vector<16xi32>
      %mul3A_582 = vector.broadcast %add3A_366 : i32 to vector<16xi32>
      %mul3A_583 = arith.muli %convert_element_type3A_581, %mul3A_582 : vector<16xi32>
      %add3A_584 = arith.addi %add3A_570, %mul3A_583 : vector<16xi32>
      %eq3A_585 = arith.constant 4 : i32
      %eq3A_586 = vector.broadcast %eq3A_585 : i32 to vector<16xi32>
      %eq3A_587 = arith.cmpi eq, %get3A_6, %eq3A_586 : vector<16xi32>
      %convert_element_type3A_588 = arith.extui %eq3A_587 : vector<16xi1> to vector<16xi32>
      %mul3A_589 = vector.broadcast %add3A_366 : i32 to vector<16xi32>
      %mul3A_590 = arith.muli %convert_element_type3A_588, %mul3A_589 : vector<16xi32>
      %add3A_591 = arith.addi %add3A_577, %mul3A_590 : vector<16xi32>
      %eq3A_592 = arith.constant 5 : i32
      %eq3A_593 = vector.broadcast %eq3A_592 : i32 to vector<16xi32>
      %eq3A_594 = arith.cmpi eq, %get3A_4, %eq3A_593 : vector<16xi32>
      %convert_element_type3A_595 = arith.extui %eq3A_594 : vector<16xi1> to vector<16xi32>
      %mul3A_596 = vector.broadcast %add3A_396 : i32 to vector<16xi32>
      %mul3A_597 = arith.muli %convert_element_type3A_595, %mul3A_596 : vector<16xi32>
      %add3A_598 = arith.addi %add3A_584, %mul3A_597 : vector<16xi32>
      %eq3A_599 = arith.constant 5 : i32
      %eq3A_600 = vector.broadcast %eq3A_599 : i32 to vector<16xi32>
      %eq3A_601 = arith.cmpi eq, %get3A_6, %eq3A_600 : vector<16xi32>
      %convert_element_type3A_602 = arith.extui %eq3A_601 : vector<16xi1> to vector<16xi32>
      %mul3A_603 = vector.broadcast %add3A_396 : i32 to vector<16xi32>
      %mul3A_604 = arith.muli %convert_element_type3A_602, %mul3A_603 : vector<16xi32>
      %add3A_605 = arith.addi %add3A_591, %mul3A_604 : vector<16xi32>
      %eq3A_606 = arith.constant 6 : i32
      %eq3A_607 = vector.broadcast %eq3A_606 : i32 to vector<16xi32>
      %eq3A_608 = arith.cmpi eq, %get3A_4, %eq3A_607 : vector<16xi32>
      %convert_element_type3A_609 = arith.extui %eq3A_608 : vector<16xi1> to vector<16xi32>
      %mul3A_610 = vector.broadcast %add3A_426 : i32 to vector<16xi32>
      %mul3A_611 = arith.muli %convert_element_type3A_609, %mul3A_610 : vector<16xi32>
      %add3A_612 = arith.addi %add3A_598, %mul3A_611 : vector<16xi32>
      %eq3A_613 = arith.constant 6 : i32
      %eq3A_614 = vector.broadcast %eq3A_613 : i32 to vector<16xi32>
      %eq3A_615 = arith.cmpi eq, %get3A_6, %eq3A_614 : vector<16xi32>
      %convert_element_type3A_616 = arith.extui %eq3A_615 : vector<16xi1> to vector<16xi32>
      %mul3A_617 = vector.broadcast %add3A_426 : i32 to vector<16xi32>
      %mul3A_618 = arith.muli %convert_element_type3A_616, %mul3A_617 : vector<16xi32>
      %add3A_619 = arith.addi %add3A_605, %mul3A_618 : vector<16xi32>
      %eq3A_620 = arith.constant 7 : i32
      %eq3A_621 = vector.broadcast %eq3A_620 : i32 to vector<16xi32>
      %eq3A_622 = arith.cmpi eq, %get3A_4, %eq3A_621 : vector<16xi32>
      %convert_element_type3A_623 = arith.extui %eq3A_622 : vector<16xi1> to vector<16xi32>
      %mul3A_624 = vector.broadcast %add3A_456 : i32 to vector<16xi32>
      %mul3A_625 = arith.muli %convert_element_type3A_623, %mul3A_624 : vector<16xi32>
      %add3A_626 = arith.addi %add3A_612, %mul3A_625 : vector<16xi32>
      %eq3A_627 = arith.constant 7 : i32
      %eq3A_628 = vector.broadcast %eq3A_627 : i32 to vector<16xi32>
      %eq3A_629 = arith.cmpi eq, %get3A_6, %eq3A_628 : vector<16xi32>
      %convert_element_type3A_630 = arith.extui %eq3A_629 : vector<16xi1> to vector<16xi32>
      %mul3A_631 = vector.broadcast %add3A_456 : i32 to vector<16xi32>
      %mul3A_632 = arith.muli %convert_element_type3A_630, %mul3A_631 : vector<16xi32>
      %add3A_633 = arith.addi %add3A_619, %mul3A_632 : vector<16xi32>
      %add3A_634 = arith.addi %add3A_626, %add3A_243 : vector<16xi32>
      tpu.vector_store_idx %arg8[%add3A_634], %iota3A : memref<32xi32, #tpu.memory_space<vmem>>[vector<16xi32>], vector<16xi32>,
      %add3A_635 = arith.addi %add3A_633, %add3A_251 : vector<16xi32>
      %add3A_636 = arith.constant 16 : i32
      %add3A_637 = vector.broadcast %add3A_636 : i32 to vector<16xi32>
      %add3A_638 = arith.addi %iota3A, %add3A_637 : vector<16xi32>
      tpu.vector_store_idx %arg8[%add3A_635], %add3A_638 : memref<32xi32, #tpu.memory_space<vmem>>[vector<16xi32>], vector<16xi32>,
      %eq3A_639 = arith.constant 0 : i32
      %eq3A_640 = vector.broadcast %eq3A_639 : i32 to vector<16xi32>
      %eq3A_641 = arith.cmpi eq, %iota3A, %eq3A_640 : vector<16xi32>
      %convert_element_type3A_642 = arith.extui %eq3A_641 : vector<16xi1> to vector<16xi32>
      %mul3A_643 = arith.constant 0 : i32
      %mul3A_644 = vector.broadcast %mul3A_643 : i32 to vector<16xi32>
      %mul3A_645 = arith.muli %convert_element_type3A_642, %mul3A_644 : vector<16xi32>
      %add3A_646 = arith.addi %mul3A_8, %mul3A_645 : vector<16xi32>
      %eq3A_647 = arith.constant 8 : i32
      %eq3A_648 = vector.broadcast %eq3A_647 : i32 to vector<16xi32>
      %eq3A_649 = arith.cmpi eq, %iota3A, %eq3A_648 : vector<16xi32>
      %convert_element_type3A_650 = arith.extui %eq3A_649 : vector<16xi1> to vector<16xi32>
      %mul3A_651 = vector.broadcast %select_n3A : i32 to vector<16xi32>
      %mul3A_652 = arith.muli %convert_element_type3A_650, %mul3A_651 : vector<16xi32>
      %add3A_653 = arith.addi %add3A_646, %mul3A_652 : vector<16xi32>
      %eq3A_654 = arith.constant 1 : i32
      %eq3A_655 = vector.broadcast %eq3A_654 : i32 to vector<16xi32>
      %eq3A_656 = arith.cmpi eq, %iota3A, %eq3A_655 : vector<16xi32>
      %convert_element_type3A_657 = arith.extui %eq3A_656 : vector<16xi1> to vector<16xi32>
      %mul3A_658 = vector.broadcast %add3A_277 : i32 to vector<16xi32>
      %mul3A_659 = arith.muli %convert_element_type3A_657, %mul3A_658 : vector<16xi32>
      %add3A_660 = arith.addi %add3A_653, %mul3A_659 : vector<16xi32>
      %eq3A_661 = arith.constant 9 : i32
      %eq3A_662 = vector.broadcast %eq3A_661 : i32 to vector<16xi32>
      %eq3A_663 = arith.cmpi eq, %iota3A, %eq3A_662 : vector<16xi32>
      %convert_element_type3A_664 = arith.extui %eq3A_663 : vector<16xi1> to vector<16xi32>
      %mul3A_665 = vector.broadcast %select_n3A_305 : i32 to vector<16xi32>
      %mul3A_666 = arith.muli %convert_element_type3A_664, %mul3A_665 : vector<16xi32>
      %add3A_667 = arith.addi %add3A_660, %mul3A_666 : vector<16xi32>
      %eq3A_668 = arith.constant 2 : i32
      %eq3A_669 = vector.broadcast %eq3A_668 : i32 to vector<16xi32>
      %eq3A_670 = arith.cmpi eq, %iota3A, %eq3A_669 : vector<16xi32>
      %convert_element_type3A_671 = arith.extui %eq3A_670 : vector<16xi1> to vector<16xi32>
      %mul3A_672 = vector.broadcast %add3A_307 : i32 to vector<16xi32>
      %mul3A_673 = arith.muli %convert_element_type3A_671, %mul3A_672 : vector<16xi32>
      %add3A_674 = arith.addi %add3A_667, %mul3A_673 : vector<16xi32>
      %eq3A_675 = arith.constant 10 : i32
      %eq3A_676 = vector.broadcast %eq3A_675 : i32 to vector<16xi32>
      %eq3A_677 = arith.cmpi eq, %iota3A, %eq3A_676 : vector<16xi32>
      %convert_element_type3A_678 = arith.extui %eq3A_677 : vector<16xi1> to vector<16xi32>
      %mul3A_679 = vector.broadcast %select_n3A_335 : i32 to vector<16xi32>
      %mul3A_680 = arith.muli %convert_element_type3A_678, %mul3A_679 : vector<16xi32>
      %add3A_681 = arith.addi %add3A_674, %mul3A_680 : vector<16xi32>
      %eq3A_682 = arith.constant 3 : i32
      %eq3A_683 = vector.broadcast %eq3A_682 : i32 to vector<16xi32>
      %eq3A_684 = arith.cmpi eq, %iota3A, %eq3A_683 : vector<16xi32>
      %convert_element_type3A_685 = arith.extui %eq3A_684 : vector<16xi1> to vector<16xi32>
      %mul3A_686 = vector.broadcast %add3A_337 : i32 to vector<16xi32>
      %mul3A_687 = arith.muli %convert_element_type3A_685, %mul3A_686 : vector<16xi32>
      %add3A_688 = arith.addi %add3A_681, %mul3A_687 : vector<16xi32>
      %eq3A_689 = arith.constant 11 : i32
      %eq3A_690 = vector.broadcast %eq3A_689 : i32 to vector<16xi32>
      %eq3A_691 = arith.cmpi eq, %iota3A, %eq3A_690 : vector<16xi32>
      %convert_element_type3A_692 = arith.extui %eq3A_691 : vector<16xi1> to vector<16xi32>
      %mul3A_693 = vector.broadcast %select_n3A_365 : i32 to vector<16xi32>
      %mul3A_694 = arith.muli %convert_element_type3A_692, %mul3A_693 : vector<16xi32>
      %add3A_695 = arith.addi %add3A_688, %mul3A_694 : vector<16xi32>
      %eq3A_696 = arith.constant 4 : i32
      %eq3A_697 = vector.broadcast %eq3A_696 : i32 to vector<16xi32>
      %eq3A_698 = arith.cmpi eq, %iota3A, %eq3A_697 : vector<16xi32>
      %convert_element_type3A_699 = arith.extui %eq3A_698 : vector<16xi1> to vector<16xi32>
      %mul3A_700 = vector.broadcast %add3A_367 : i32 to vector<16xi32>
      %mul3A_701 = arith.muli %convert_element_type3A_699, %mul3A_700 : vector<16xi32>
      %add3A_702 = arith.addi %add3A_695, %mul3A_701 : vector<16xi32>
      %eq3A_703 = arith.constant 12 : i32
      %eq3A_704 = vector.broadcast %eq3A_703 : i32 to vector<16xi32>
      %eq3A_705 = arith.cmpi eq, %iota3A, %eq3A_704 : vector<16xi32>
      %convert_element_type3A_706 = arith.extui %eq3A_705 : vector<16xi1> to vector<16xi32>
      %mul3A_707 = vector.broadcast %select_n3A_395 : i32 to vector<16xi32>
      %mul3A_708 = arith.muli %convert_element_type3A_706, %mul3A_707 : vector<16xi32>
      %add3A_709 = arith.addi %add3A_702, %mul3A_708 : vector<16xi32>
      %eq3A_710 = arith.constant 5 : i32
      %eq3A_711 = vector.broadcast %eq3A_710 : i32 to vector<16xi32>
      %eq3A_712 = arith.cmpi eq, %iota3A, %eq3A_711 : vector<16xi32>
      %convert_element_type3A_713 = arith.extui %eq3A_712 : vector<16xi1> to vector<16xi32>
      %mul3A_714 = vector.broadcast %add3A_397 : i32 to vector<16xi32>
      %mul3A_715 = arith.muli %convert_element_type3A_713, %mul3A_714 : vector<16xi32>
      %add3A_716 = arith.addi %add3A_709, %mul3A_715 : vector<16xi32>
      %eq3A_717 = arith.constant 13 : i32
      %eq3A_718 = vector.broadcast %eq3A_717 : i32 to vector<16xi32>
      %eq3A_719 = arith.cmpi eq, %iota3A, %eq3A_718 : vector<16xi32>
      %convert_element_type3A_720 = arith.extui %eq3A_719 : vector<16xi1> to vector<16xi32>
      %mul3A_721 = vector.broadcast %select_n3A_425 : i32 to vector<16xi32>
      %mul3A_722 = arith.muli %convert_element_type3A_720, %mul3A_721 : vector<16xi32>
      %add3A_723 = arith.addi %add3A_716, %mul3A_722 : vector<16xi32>
      %eq3A_724 = arith.constant 6 : i32
      %eq3A_725 = vector.broadcast %eq3A_724 : i32 to vector<16xi32>
      %eq3A_726 = arith.cmpi eq, %iota3A, %eq3A_725 : vector<16xi32>
      %convert_element_type3A_727 = arith.extui %eq3A_726 : vector<16xi1> to vector<16xi32>
      %mul3A_728 = vector.broadcast %add3A_427 : i32 to vector<16xi32>
      %mul3A_729 = arith.muli %convert_element_type3A_727, %mul3A_728 : vector<16xi32>
      %add3A_730 = arith.addi %add3A_723, %mul3A_729 : vector<16xi32>
      %eq3A_731 = arith.constant 14 : i32
      %eq3A_732 = vector.broadcast %eq3A_731 : i32 to vector<16xi32>
      %eq3A_733 = arith.cmpi eq, %iota3A, %eq3A_732 : vector<16xi32>
      %convert_element_type3A_734 = arith.extui %eq3A_733 : vector<16xi1> to vector<16xi32>
      %mul3A_735 = vector.broadcast %select_n3A_455 : i32 to vector<16xi32>
      %mul3A_736 = arith.muli %convert_element_type3A_734, %mul3A_735 : vector<16xi32>
      %add3A_737 = arith.addi %add3A_730, %mul3A_736 : vector<16xi32>
      %eq3A_738 = arith.constant 7 : i32
      %eq3A_739 = vector.broadcast %eq3A_738 : i32 to vector<16xi32>
      %eq3A_740 = arith.cmpi eq, %iota3A, %eq3A_739 : vector<16xi32>
      %convert_element_type3A_741 = arith.extui %eq3A_740 : vector<16xi1> to vector<16xi32>
      %mul3A_742 = vector.broadcast %add3A_457 : i32 to vector<16xi32>
      %mul3A_743 = arith.muli %convert_element_type3A_741, %mul3A_742 : vector<16xi32>
      %add3A_744 = arith.addi %add3A_737, %mul3A_743 : vector<16xi32>
      %eq3A_745 = arith.constant 15 : i32
      %eq3A_746 = vector.broadcast %eq3A_745 : i32 to vector<16xi32>
      %eq3A_747 = arith.cmpi eq, %iota3A, %eq3A_746 : vector<16xi32>
      %convert_element_type3A_748 = arith.extui %eq3A_747 : vector<16xi1> to vector<16xi32>
      %mul3A_749 = vector.broadcast %select_n3A_485 : i32 to vector<16xi32>
      %mul3A_750 = arith.muli %convert_element_type3A_748, %mul3A_749 : vector<16xi32>
      %add3A_751 = arith.addi %add3A_744, %mul3A_750 : vector<16xi32>
      %swap3A = arith.constant 0 : index
      %swap3A_752 = tpu.vector_load %arg9[%swap3A] {strides = array<i32>} : memref<144xi32, #tpu.memory_space<vmem>>, vector<16xi32>,
      tpu.vector_store %arg9[%swap3A], %add3A_751 {strides = array<i32>} : memref<144xi32, #tpu.memory_space<vmem>>, vector<16xi32>,
      %add3A_753 = arith.constant 0 : i32
      %add3A_754 = vector.broadcast %add3A_753 : i32 to vector<16xi32>
      %add3A_755 = arith.addi %iota3A, %add3A_754 : vector<16xi32>
      %jit3A_756 = arith.constant 4 : i32
      %div3A_757 = vector.broadcast %jit3A_756 : i32 to vector<16xi32>
      %div3A_758 = arith.divsi %add3A_755, %div3A_757 : vector<16xi32>
      %sign3A_759 = arith.constant 0 : i32
      %sign3A_760 = vector.broadcast %sign3A_759 : i32 to vector<16xi32>
      %sign3A_761 = arith.cmpi sgt, %add3A_755, %sign3A_760 : vector<16xi32>
      %sign3A_762 = arith.extui %sign3A_761 : vector<16xi1> to vector<16xi32>
      %sign3A_763 = arith.constant 0 : i32
      %sign3A_764 = vector.broadcast %sign3A_763 : i32 to vector<16xi32>
      %sign3A_765 = arith.cmpi slt, %add3A_755, %sign3A_764 : vector<16xi32>
      %sign3A_766 = arith.extui %sign3A_765 : vector<16xi1> to vector<16xi32>
      %sign3A_767 = arith.subi %sign3A_762, %sign3A_766 : vector<16xi32>
      %sign3A_768 = arith.constant 0 : i32
      %sign3A_769 = arith.cmpi sgt, %jit3A_756, %sign3A_768 : i32
      %sign3A_770 = arith.extui %sign3A_769 : i1 to i32
      %sign3A_771 = arith.constant 0 : i32
      %sign3A_772 = arith.cmpi slt, %jit3A_756, %sign3A_771 : i32
      %sign3A_773 = arith.extui %sign3A_772 : i1 to i32
      %sign3A_774 = arith.subi %sign3A_770, %sign3A_773 : i32
      %ne3A_775 = vector.broadcast %sign3A_774 : i32 to vector<16xi32>
      %ne3A_776 = arith.cmpi ne, %sign3A_767, %ne3A_775 : vector<16xi32>
      %rem3A_777 = vector.broadcast %jit3A_756 : i32 to vector<16xi32>
      %rem3A_778 = arith.remsi %add3A_755, %rem3A_777 : vector<16xi32>
      %ne3A_779 = arith.constant 0 : i32
      %ne3A_780 = vector.broadcast %ne3A_779 : i32 to vector<16xi32>
      %ne3A_781 = arith.cmpi ne, %rem3A_778, %ne3A_780 : vector<16xi32>
      %and3A_782 = arith.andi %ne3A_776, %ne3A_781 : vector<16xi1>
      %sub3A_783 = arith.constant 1 : i32
      %sub3A_784 = vector.broadcast %sub3A_783 : i32 to vector<16xi32>
      %sub3A_785 = arith.subi %div3A_758, %sub3A_784 : vector<16xi32>
      %select_n3A_786 = arith.select %and3A_782, %sub3A_785, %div3A_758 : vector<16xi1>, vector<16xi32>
      %mul3A_787 = arith.constant 0 : i32
      %mul3A_788 = vector.broadcast %mul3A_787 : i32 to vector<16xi32>
      %mul3A_789 = arith.muli %select_n3A_786, %mul3A_788 : vector<16xi32>
      %ge3A = arith.constant 0 : i32
      %ge3A_790 = vector.broadcast %ge3A : i32 to vector<16xi32>
      %ge3A_791 = arith.cmpi sge, %select_n3A_786, %ge3A_790 : vector<16xi32>
      %add3A_792 = arith.constant 0 : i32
      %add3A_793 = arith.addi %add3A_792, %select_n3A : i32
      %lt3A = vector.broadcast %add3A_793 : i32 to vector<16xi32>
      %lt3A_794 = arith.cmpi slt, %select_n3A_786, %lt3A : vector<16xi32>
      %and3A_795 = arith.andi %ge3A_791, %lt3A_794 : vector<16xi1>
      %convert_element_type3A_796 = arith.extui %and3A_795 : vector<16xi1> to vector<16xi32>
      %mul3A_797 = arith.constant 0 : i32
      %mul3A_798 = vector.broadcast %mul3A_797 : i32 to vector<16xi32>
      %mul3A_799 = arith.muli %convert_element_type3A_796, %mul3A_798 : vector<16xi32>
      %add3A_800 = arith.addi %mul3A_789, %mul3A_799 : vector<16xi32>
      %ge3A_801 = vector.broadcast %add3A_277 : i32 to vector<16xi32>
      %ge3A_802 = arith.cmpi sge, %select_n3A_786, %ge3A_801 : vector<16xi32>
      %add3A_803 = arith.addi %add3A_277, %select_n3A_305 : i32
      %lt3A_804 = vector.broadcast %add3A_803 : i32 to vector<16xi32>
      %lt3A_805 = arith.cmpi slt, %select_n3A_786, %lt3A_804 : vector<16xi32>
      %and3A_806 = arith.andi %ge3A_802, %lt3A_805 : vector<16xi1>
      %convert_element_type3A_807 = arith.extui %and3A_806 : vector<16xi1> to vector<16xi32>
      %mul3A_808 = arith.constant 1 : i32
      %mul3A_809 = vector.broadcast %mul3A_808 : i32 to vector<16xi32>
      %mul3A_810 = arith.muli %convert_element_type3A_807, %mul3A_809 : vector<16xi32>
      %add3A_811 = arith.addi %add3A_800, %mul3A_810 : vector<16xi32>
      %ge3A_812 = vector.broadcast %add3A_307 : i32 to vector<16xi32>
      %ge3A_813 = arith.cmpi sge, %select_n3A_786, %ge3A_812 : vector<16xi32>
      %add3A_814 = arith.addi %add3A_307, %select_n3A_335 : i32
      %lt3A_815 = vector.broadcast %add3A_814 : i32 to vector<16xi32>
      %lt3A_816 = arith.cmpi slt, %select_n3A_786, %lt3A_815 : vector<16xi32>
      %and3A_817 = arith.andi %ge3A_813, %lt3A_816 : vector<16xi1>
      %convert_element_type3A_818 = arith.extui %and3A_817 : vector<16xi1> to vector<16xi32>
      %mul3A_819 = arith.constant 2 : i32
      %mul3A_820 = vector.broadcast %mul3A_819 : i32 to vector<16xi32>
      %mul3A_821 = arith.muli %convert_element_type3A_818, %mul3A_820 : vector<16xi32>
      %add3A_822 = arith.addi %add3A_811, %mul3A_821 : vector<16xi32>
      %ge3A_823 = vector.broadcast %add3A_337 : i32 to vector<16xi32>
      %ge3A_824 = arith.cmpi sge, %select_n3A_786, %ge3A_823 : vector<16xi32>
      %add3A_825 = arith.addi %add3A_337, %select_n3A_365 : i32
      %lt3A_826 = vector.broadcast %add3A_825 : i32 to vector<16xi32>
      %lt3A_827 = arith.cmpi slt, %select_n3A_786, %lt3A_826 : vector<16xi32>
      %and3A_828 = arith.andi %ge3A_824, %lt3A_827 : vector<16xi1>
      %convert_element_type3A_829 = arith.extui %and3A_828 : vector<16xi1> to vector<16xi32>
      %mul3A_830 = arith.constant 3 : i32
      %mul3A_831 = vector.broadcast %mul3A_830 : i32 to vector<16xi32>
      %mul3A_832 = arith.muli %convert_element_type3A_829, %mul3A_831 : vector<16xi32>
      %add3A_833 = arith.addi %add3A_822, %mul3A_832 : vector<16xi32>
      %ge3A_834 = vector.broadcast %add3A_367 : i32 to vector<16xi32>
      %ge3A_835 = arith.cmpi sge, %select_n3A_786, %ge3A_834 : vector<16xi32>
      %add3A_836 = arith.addi %add3A_367, %select_n3A_395 : i32
      %lt3A_837 = vector.broadcast %add3A_836 : i32 to vector<16xi32>
      %lt3A_838 = arith.cmpi slt, %select_n3A_786, %lt3A_837 : vector<16xi32>
      %and3A_839 = arith.andi %ge3A_835, %lt3A_838 : vector<16xi1>
      %convert_element_type3A_840 = arith.extui %and3A_839 : vector<16xi1> to vector<16xi32>
      %mul3A_841 = arith.constant 4 : i32
      %mul3A_842 = vector.broadcast %mul3A_841 : i32 to vector<16xi32>
      %mul3A_843 = arith.muli %convert_element_type3A_840, %mul3A_842 : vector<16xi32>
      %add3A_844 = arith.addi %add3A_833, %mul3A_843 : vector<16xi32>
      %ge3A_845 = vector.broadcast %add3A_397 : i32 to vector<16xi32>
      %ge3A_846 = arith.cmpi sge, %select_n3A_786, %ge3A_845 : vector<16xi32>
      %add3A_847 = arith.addi %add3A_397, %select_n3A_425 : i32
      %lt3A_848 = vector.broadcast %add3A_847 : i32 to vector<16xi32>
      %lt3A_849 = arith.cmpi slt, %select_n3A_786, %lt3A_848 : vector<16xi32>
      %and3A_850 = arith.andi %ge3A_846, %lt3A_849 : vector<16xi1>
      %convert_element_type3A_851 = arith.extui %and3A_850 : vector<16xi1> to vector<16xi32>
      %mul3A_852 = arith.constant 5 : i32
      %mul3A_853 = vector.broadcast %mul3A_852 : i32 to vector<16xi32>
      %mul3A_854 = arith.muli %convert_element_type3A_851, %mul3A_853 : vector<16xi32>
      %add3A_855 = arith.addi %add3A_844, %mul3A_854 : vector<16xi32>
      %ge3A_856 = vector.broadcast %add3A_427 : i32 to vector<16xi32>
      %ge3A_857 = arith.cmpi sge, %select_n3A_786, %ge3A_856 : vector<16xi32>
      %add3A_858 = arith.addi %add3A_427, %select_n3A_455 : i32
      %lt3A_859 = vector.broadcast %add3A_858 : i32 to vector<16xi32>
      %lt3A_860 = arith.cmpi slt, %select_n3A_786, %lt3A_859 : vector<16xi32>
      %and3A_861 = arith.andi %ge3A_857, %lt3A_860 : vector<16xi1>
      %convert_element_type3A_862 = arith.extui %and3A_861 : vector<16xi1> to vector<16xi32>
      %mul3A_863 = arith.constant 6 : i32
      %mul3A_864 = vector.broadcast %mul3A_863 : i32 to vector<16xi32>
      %mul3A_865 = arith.muli %convert_element_type3A_862, %mul3A_864 : vector<16xi32>
      %add3A_866 = arith.addi %add3A_855, %mul3A_865 : vector<16xi32>
      %ge3A_867 = vector.broadcast %add3A_457 : i32 to vector<16xi32>
      %ge3A_868 = arith.cmpi sge, %select_n3A_786, %ge3A_867 : vector<16xi32>
      %add3A_869 = arith.addi %add3A_457, %select_n3A_485 : i32
      %lt3A_870 = vector.broadcast %add3A_869 : i32 to vector<16xi32>
      %lt3A_871 = arith.cmpi slt, %select_n3A_786, %lt3A_870 : vector<16xi32>
      %and3A_872 = arith.andi %ge3A_868, %lt3A_871 : vector<16xi1>
      %convert_element_type3A_873 = arith.extui %and3A_872 : vector<16xi1> to vector<16xi32>
      %mul3A_874 = arith.constant 7 : i32
      %mul3A_875 = vector.broadcast %mul3A_874 : i32 to vector<16xi32>
      %mul3A_876 = arith.muli %convert_element_type3A_873, %mul3A_875 : vector<16xi32>
      %add3A_877 = arith.addi %add3A_866, %mul3A_876 : vector<16xi32>
      %ge3A_878 = vector.broadcast %add3A_487 : i32 to vector<16xi32>
      %ge3A_879 = arith.cmpi sge, %select_n3A_786, %ge3A_878 : vector<16xi32>
      %convert_element_type3A_880 = arith.extui %ge3A_879 : vector<16xi1> to vector<16xi32>
      %mul3A_881 = vector.broadcast %select_n3A_519 : i32 to vector<16xi32>
      %mul3A_882 = arith.muli %convert_element_type3A_880, %mul3A_881 : vector<16xi32>
      %add3A_883 = arith.addi %add3A_877, %mul3A_882 : vector<16xi32>
      %eq3A_884 = arith.constant 0 : i32
      %eq3A_885 = vector.broadcast %eq3A_884 : i32 to vector<16xi32>
      %eq3A_886 = arith.cmpi eq, %add3A_883, %eq3A_885 : vector<16xi32>
      %convert_element_type3A_887 = arith.extui %eq3A_886 : vector<16xi1> to vector<16xi32>
      %mul3A_888 = arith.constant 0 : i32
      %mul3A_889 = vector.broadcast %mul3A_888 : i32 to vector<16xi32>
      %mul3A_890 = arith.muli %convert_element_type3A_887, %mul3A_889 : vector<16xi32>
      %add3A_891 = arith.addi %mul3A_8, %mul3A_890 : vector<16xi32>
      %mul3A_892 = vector.broadcast %add3A : i32 to vector<16xi32>
      %mul3A_893 = arith.muli %convert_element_type3A_887, %mul3A_892 : vector<16xi32>
      %add3A_894 = arith.addi %mul3A_8, %mul3A_893 : vector<16xi32>
      %mul3A_895 = arith.constant 0 : i32
      %mul3A_896 = vector.broadcast %mul3A_895 : i32 to vector<16xi32>
      %mul3A_897 = arith.muli %convert_element_type3A_887, %mul3A_896 : vector<16xi32>
      %add3A_898 = arith.addi %mul3A_8, %mul3A_897 : vector<16xi32>
      %eq3A_899 = arith.constant 1 : i32
      %eq3A_900 = vector.broadcast %eq3A_899 : i32 to vector<16xi32>
      %eq3A_901 = arith.cmpi eq, %add3A_883, %eq3A_900 : vector<16xi32>
      %convert_element_type3A_902 = arith.extui %eq3A_901 : vector<16xi1> to vector<16xi32>
      %mul3A_903 = vector.broadcast %add3A_277 : i32 to vector<16xi32>
      %mul3A_904 = arith.muli %convert_element_type3A_902, %mul3A_903 : vector<16xi32>
      %add3A_905 = arith.addi %add3A_891, %mul3A_904 : vector<16xi32>
      %mul3A_906 = vector.broadcast %add3A_51 : i32 to vector<16xi32>
      %mul3A_907 = arith.muli %convert_element_type3A_902, %mul3A_906 : vector<16xi32>
      %add3A_908 = arith.addi %add3A_894, %mul3A_907 : vector<16xi32>
      %mul3A_909 = vector.broadcast %add3A_275 : i32 to vector<16xi32>
      %mul3A_910 = arith.muli %convert_element_type3A_902, %mul3A_909 : vector<16xi32>
      %add3A_911 = arith.addi %add3A_898, %mul3A_910 : vector<16xi32>
      %eq3A_912 = arith.constant 2 : i32
      %eq3A_913 = vector.broadcast %eq3A_912 : i32 to vector<16xi32>
      %eq3A_914 = arith.cmpi eq, %add3A_883, %eq3A_913 : vector<16xi32>
      %convert_element_type3A_915 = arith.extui %eq3A_914 : vector<16xi1> to vector<16xi32>
      %mul3A_916 = vector.broadcast %add3A_307 : i32 to vector<16xi32>
      %mul3A_917 = arith.muli %convert_element_type3A_915, %mul3A_916 : vector<16xi32>
      %add3A_918 = arith.addi %add3A_905, %mul3A_917 : vector<16xi32>
      %mul3A_919 = vector.broadcast %add3A_82 : i32 to vector<16xi32>
      %mul3A_920 = arith.muli %convert_element_type3A_915, %mul3A_919 : vector<16xi32>
      %add3A_921 = arith.addi %add3A_908, %mul3A_920 : vector<16xi32>
      %mul3A_922 = vector.broadcast %add3A_306 : i32 to vector<16xi32>
      %mul3A_923 = arith.muli %convert_element_type3A_915, %mul3A_922 : vector<16xi32>
      %add3A_924 = arith.addi %add3A_911, %mul3A_923 : vector<16xi32>
      %eq3A_925 = arith.constant 3 : i32
      %eq3A_926 = vector.broadcast %eq3A_925 : i32 to vector<16xi32>
      %eq3A_927 = arith.cmpi eq, %add3A_883, %eq3A_926 : vector<16xi32>
      %convert_element_type3A_928 = arith.extui %eq3A_927 : vector<16xi1> to vector<16xi32>
      %mul3A_929 = vector.broadcast %add3A_337 : i32 to vector<16xi32>
      %mul3A_930 = arith.muli %convert_element_type3A_928, %mul3A_929 : vector<16xi32>
      %add3A_931 = arith.addi %add3A_918, %mul3A_930 : vector<16xi32>
      %mul3A_932 = vector.broadcast %add3A_113 : i32 to vector<16xi32>
      %mul3A_933 = arith.muli %convert_element_type3A_928, %mul3A_932 : vector<16xi32>
      %add3A_934 = arith.addi %add3A_921, %mul3A_933 : vector<16xi32>
      %mul3A_935 = vector.broadcast %add3A_336 : i32 to vector<16xi32>
      %mul3A_936 = arith.muli %convert_element_type3A_928, %mul3A_935 : vector<16xi32>
      %add3A_937 = arith.addi %add3A_924, %mul3A_936 : vector<16xi32>
      %eq3A_938 = arith.constant 4 : i32
      %eq3A_939 = vector.broadcast %eq3A_938 : i32 to vector<16xi32>
      %eq3A_940 = arith.cmpi eq, %add3A_883, %eq3A_939 : vector<16xi32>
      %convert_element_type3A_941 = arith.extui %eq3A_940 : vector<16xi1> to vector<16xi32>
      %mul3A_942 = vector.broadcast %add3A_367 : i32 to vector<16xi32>
      %mul3A_943 = arith.muli %convert_element_type3A_941, %mul3A_942 : vector<16xi32>
      %add3A_944 = arith.addi %add3A_931, %mul3A_943 : vector<16xi32>
      %mul3A_945 = vector.broadcast %add3A_144 : i32 to vector<16xi32>
      %mul3A_946 = arith.muli %convert_element_type3A_941, %mul3A_945 : vector<16xi32>
      %add3A_947 = arith.addi %add3A_934, %mul3A_946 : vector<16xi32>
      %mul3A_948 = vector.broadcast %add3A_366 : i32 to vector<16xi32>
      %mul3A_949 = arith.muli %convert_element_type3A_941, %mul3A_948 : vector<16xi32>
      %add3A_950 = arith.addi %add3A_937, %mul3A_949 : vector<16xi32>
      %eq3A_951 = arith.constant 5 : i32
      %eq3A_952 = vector.broadcast %eq3A_951 : i32 to vector<16xi32>
      %eq3A_953 = arith.cmpi eq, %add3A_883, %eq3A_952 : vector<16xi32>
      %convert_element_type3A_954 = arith.extui %eq3A_953 : vector<16xi1> to vector<16xi32>
      %mul3A_955 = vector.broadcast %add3A_397 : i32 to vector<16xi32>
      %mul3A_956 = arith.muli %convert_element_type3A_954, %mul3A_955 : vector<16xi32>
      %add3A_957 = arith.addi %add3A_944, %mul3A_956 : vector<16xi32>
      %mul3A_958 = vector.broadcast %add3A_175 : i32 to vector<16xi32>
      %mul3A_959 = arith.muli %convert_element_type3A_954, %mul3A_958 : vector<16xi32>
      %add3A_960 = arith.addi %add3A_947, %mul3A_959 : vector<16xi32>
      %mul3A_961 = vector.broadcast %add3A_396 : i32 to vector<16xi32>
      %mul3A_962 = arith.muli %convert_element_type3A_954, %mul3A_961 : vector<16xi32>
      %add3A_963 = arith.addi %add3A_950, %mul3A_962 : vector<16xi32>
      %eq3A_964 = arith.constant 6 : i32
      %eq3A_965 = vector.broadcast %eq3A_964 : i32 to vector<16xi32>
      %eq3A_966 = arith.cmpi eq, %add3A_883, %eq3A_965 : vector<16xi32>
      %convert_element_type3A_967 = arith.extui %eq3A_966 : vector<16xi1> to vector<16xi32>
      %mul3A_968 = vector.broadcast %add3A_427 : i32 to vector<16xi32>
      %mul3A_969 = arith.muli %convert_element_type3A_967, %mul3A_968 : vector<16xi32>
      %add3A_970 = arith.addi %add3A_957, %mul3A_969 : vector<16xi32>
      %mul3A_971 = vector.broadcast %add3A_206 : i32 to vector<16xi32>
      %mul3A_972 = arith.muli %convert_element_type3A_967, %mul3A_971 : vector<16xi32>
      %add3A_973 = arith.addi %add3A_960, %mul3A_972 : vector<16xi32>
      %mul3A_974 = vector.broadcast %add3A_426 : i32 to vector<16xi32>
      %mul3A_975 = arith.muli %convert_element_type3A_967, %mul3A_974 : vector<16xi32>
      %add3A_976 = arith.addi %add3A_963, %mul3A_975 : vector<16xi32>
      %eq3A_977 = arith.constant 7 : i32
      %eq3A_978 = vector.broadcast %eq3A_977 : i32 to vector<16xi32>
      %eq3A_979 = arith.cmpi eq, %add3A_883, %eq3A_978 : vector<16xi32>
      %convert_element_type3A_980 = arith.extui %eq3A_979 : vector<16xi1> to vector<16xi32>
      %mul3A_981 = vector.broadcast %add3A_457 : i32 to vector<16xi32>
      %mul3A_982 = arith.muli %convert_element_type3A_980, %mul3A_981 : vector<16xi32>
      %add3A_983 = arith.addi %add3A_970, %mul3A_982 : vector<16xi32>
      %mul3A_984 = vector.broadcast %add3A_237 : i32 to vector<16xi32>
      %mul3A_985 = arith.muli %convert_element_type3A_980, %mul3A_984 : vector<16xi32>
      %add3A_986 = arith.addi %add3A_973, %mul3A_985 : vector<16xi32>
      %mul3A_987 = vector.broadcast %add3A_456 : i32 to vector<16xi32>
      %mul3A_988 = arith.muli %convert_element_type3A_980, %mul3A_987 : vector<16xi32>
      %add3A_989 = arith.addi %add3A_976, %mul3A_988 : vector<16xi32>
      %sub3A_990 = arith.subi %select_n3A_786, %add3A_983 : vector<16xi32>
      %mul3A_991 = arith.constant 4 : i32
      %mul3A_992 = vector.broadcast %mul3A_991 : i32 to vector<16xi32>
      %mul3A_993 = arith.muli %sub3A_990, %mul3A_992 : vector<16xi32>
      %jit3A_994 = arith.constant 4 : i32
      %eq3A_995 = arith.constant 0 : i32
      %eq3A_996 = arith.cmpi eq, %jit3A_994, %eq3A_995 : i32
      %jit3A_997 = arith.constant 1 : i32
      %select_n3A_998 = arith.select %eq3A_996, %jit3A_997, %jit3A_994 : i32
      %rem3A_999 = vector.broadcast %select_n3A_998 : i32 to vector<16xi32>
      %rem3A_1000 = arith.remsi %add3A_755, %rem3A_999 : vector<16xi32>
      %ne3A_1001 = arith.constant 0 : i32
      %ne3A_1002 = vector.broadcast %ne3A_1001 : i32 to vector<16xi32>
      %ne3A_1003 = arith.cmpi ne, %rem3A_1000, %ne3A_1002 : vector<16xi32>
      %lt3A_1004 = arith.constant 0 : i32
      %lt3A_1005 = vector.broadcast %lt3A_1004 : i32 to vector<16xi32>
      %lt3A_1006 = arith.cmpi slt, %rem3A_1000, %lt3A_1005 : vector<16xi32>
      %lt3A_1007 = arith.constant 0 : i32
      %lt3A_1008 = arith.cmpi slt, %select_n3A_998, %lt3A_1007 : i32
      %ne3A_1009 = vector.broadcast %lt3A_1008 : i1 to vector<16xi1>
      %ne3A_1010 = vector.broadcast %ne3A_1009 : vector<16xi1> to vector<16xi1>
      %ne3A_1011 = arith.xori %lt3A_1006, %ne3A_1010 : vector<16xi1>
      %and3A_1012 = arith.andi %ne3A_1011, %ne3A_1003 : vector<16xi1>
      %add3A_1013 = vector.broadcast %select_n3A_998 : i32 to vector<16xi32>
      %add3A_1014 = arith.addi %rem3A_1000, %add3A_1013 : vector<16xi32>
      %select_n3A_1015 = arith.select %and3A_1012, %add3A_1014, %rem3A_1000 : vector<16xi1>, vector<16xi32>
      %add3A_1016 = arith.addi %mul3A_993, %select_n3A_1015 : vector<16xi32>
      %lt3A_1017 = arith.cmpi slt, %add3A_1016, %add3A_986 : vector<16xi32>
      %convert_element_type3A_1018 = arith.extui %lt3A_1017 : vector<16xi1> to vector<16xi32>
      %add3A_1019 = arith.addi %add3A_989, %add3A_1016 : vector<16xi32>
      %jit3A_1020 = arith.constant 0 : i32
      %jit3A_1021 = arith.constant 31 : i32
      %max3A = vector.broadcast %jit3A_1020 : i32 to vector<16xi32>
      %max3A_1022 = arith.maxsi %max3A, %add3A_1019 : vector<16xi32>
      %min3A = vector.broadcast %jit3A_1021 : i32 to vector<16xi32>
      %min3A_1023 = arith.minsi %min3A, %max3A_1022 : vector<16xi32>
      %gather3A = tpu.vector_load_idx %arg8[%min3A_1023] : memref<32xi32, #tpu.memory_space<vmem>>[vector<16xi32>], vector<16xi32>,
      %gather3A_1024 = tpu.vector_load_idx %arg7[%gather3A] : memref<32xf32, #tpu.memory_space<vmem>>[vector<16xi32>], vector<16xf32>,
      %mul3A_1025 = arith.muli %gather3A, %convert_element_type3A_1018 : vector<16xi32>
      %sub3A_1026 = arith.constant 1 : i32
      %sub3A_1027 = vector.broadcast %sub3A_1026 : i32 to vector<16xi32>
      %sub3A_1028 = arith.subi %sub3A_1027, %convert_element_type3A_1018 : vector<16xi32>
      %mul3A_1029 = arith.constant 32 : i32
      %mul3A_1030 = vector.broadcast %mul3A_1029 : i32 to vector<16xi32>
      %mul3A_1031 = arith.muli %sub3A_1028, %mul3A_1030 : vector<16xi32>
      %add3A_1032 = arith.addi %mul3A_1025, %mul3A_1031 : vector<16xi32>
      %swap3A_1033 = arith.constant 80 : index
      %swap3A_1034 = tpu.vector_load %arg9[%swap3A_1033] {strides = array<i32>} : memref<144xi32, #tpu.memory_space<vmem>>, vector<16xi32>,
      tpu.vector_store %arg9[%swap3A_1033], %add3A_1032 {strides = array<i32>} : memref<144xi32, #tpu.memory_space<vmem>>, vector<16xi32>,
      %jit3A_1035 = arith.constant 2 : i32
      %div3A_1036 = vector.broadcast %jit3A_1035 : i32 to vector<16xi32>
      %div3A_1037 = arith.divsi %gather3A, %div3A_1036 : vector<16xi32>
      %sign3A_1038 = arith.constant 0 : i32
      %sign3A_1039 = vector.broadcast %sign3A_1038 : i32 to vector<16xi32>
      %sign3A_1040 = arith.cmpi sgt, %gather3A, %sign3A_1039 : vector<16xi32>
      %sign3A_1041 = arith.extui %sign3A_1040 : vector<16xi1> to vector<16xi32>
      %sign3A_1042 = arith.constant 0 : i32
      %sign3A_1043 = vector.broadcast %sign3A_1042 : i32 to vector<16xi32>
      %sign3A_1044 = arith.cmpi slt, %gather3A, %sign3A_1043 : vector<16xi32>
      %sign3A_1045 = arith.extui %sign3A_1044 : vector<16xi1> to vector<16xi32>
      %sign3A_1046 = arith.subi %sign3A_1041, %sign3A_1045 : vector<16xi32>
      %sign3A_1047 = arith.constant 0 : i32
      %sign3A_1048 = arith.cmpi sgt, %jit3A_1035, %sign3A_1047 : i32
      %sign3A_1049 = arith.extui %sign3A_1048 : i1 to i32
      %sign3A_1050 = arith.constant 0 : i32
      %sign3A_1051 = arith.cmpi slt, %jit3A_1035, %sign3A_1050 : i32
      %sign3A_1052 = arith.extui %sign3A_1051 : i1 to i32
      %sign3A_1053 = arith.subi %sign3A_1049, %sign3A_1052 : i32
      %ne3A_1054 = vector.broadcast %sign3A_1053 : i32 to vector<16xi32>
      %ne3A_1055 = arith.cmpi ne, %sign3A_1046, %ne3A_1054 : vector<16xi32>
      %rem3A_1056 = vector.broadcast %jit3A_1035 : i32 to vector<16xi32>
      %rem3A_1057 = arith.remsi %gather3A, %rem3A_1056 : vector<16xi32>
      %ne3A_1058 = arith.constant 0 : i32
      %ne3A_1059 = vector.broadcast %ne3A_1058 : i32 to vector<16xi32>
      %ne3A_1060 = arith.cmpi ne, %rem3A_1057, %ne3A_1059 : vector<16xi32>
      %and3A_1061 = arith.andi %ne3A_1055, %ne3A_1060 : vector<16xi1>
      %sub3A_1062 = arith.constant 1 : i32
      %sub3A_1063 = vector.broadcast %sub3A_1062 : i32 to vector<16xi32>
      %sub3A_1064 = arith.subi %div3A_1037, %sub3A_1063 : vector<16xi32>
      %select_n3A_1065 = arith.select %and3A_1061, %sub3A_1064, %div3A_1037 : vector<16xi1>, vector<16xi32>
      %mul3A_1066 = arith.muli %select_n3A_1065, %convert_element_type3A_1018 : vector<16xi32>
      %swap3A_1067 = arith.constant 16 : index
      %swap3A_1068 = tpu.vector_load %arg9[%swap3A_1067] {strides = array<i32>} : memref<144xi32, #tpu.memory_space<vmem>>, vector<16xi32>,
      tpu.vector_store %arg9[%swap3A_1067], %mul3A_1066 {strides = array<i32>} : memref<144xi32, #tpu.memory_space<vmem>>, vector<16xi32>,
      %convert_element_type3A_1069 = arith.sitofp %convert_element_type3A_1018 : vector<16xi32> to vector<16xf32>
      %mul3A_1070 = arith.mulf %gather3A_1024, %convert_element_type3A_1069 : vector<16xf32>
      %swap3A_1071 = arith.constant 0 : index
      %swap3A_1072 = tpu.vector_load %arg10[%swap3A_1071] {strides = array<i32>} : memref<64xf32, #tpu.memory_space<vmem>>, vector<16xf32>,
      tpu.vector_store %arg10[%swap3A_1071], %mul3A_1070 {strides = array<i32>} : memref<64xf32, #tpu.memory_space<vmem>>, vector<16xf32>,
      %add3A_1073 = arith.constant 16 : i32
      %add3A_1074 = vector.broadcast %add3A_1073 : i32 to vector<16xi32>
      %add3A_1075 = arith.addi %iota3A, %add3A_1074 : vector<16xi32>
      %jit3A_1076 = arith.constant 4 : i32
      %div3A_1077 = vector.broadcast %jit3A_1076 : i32 to vector<16xi32>
      %div3A_1078 = arith.divsi %add3A_1075, %div3A_1077 : vector<16xi32>
      %sign3A_1079 = arith.constant 0 : i32
      %sign3A_1080 = vector.broadcast %sign3A_1079 : i32 to vector<16xi32>
      %sign3A_1081 = arith.cmpi sgt, %add3A_1075, %sign3A_1080 : vector<16xi32>
      %sign3A_1082 = arith.extui %sign3A_1081 : vector<16xi1> to vector<16xi32>
      %sign3A_1083 = arith.constant 0 : i32
      %sign3A_1084 = vector.broadcast %sign3A_1083 : i32 to vector<16xi32>
      %sign3A_1085 = arith.cmpi slt, %add3A_1075, %sign3A_1084 : vector<16xi32>
      %sign3A_1086 = arith.extui %sign3A_1085 : vector<16xi1> to vector<16xi32>
      %sign3A_1087 = arith.subi %sign3A_1082, %sign3A_1086 : vector<16xi32>
      %sign3A_1088 = arith.constant 0 : i32
      %sign3A_1089 = arith.cmpi sgt, %jit3A_1076, %sign3A_1088 : i32
      %sign3A_1090 = arith.extui %sign3A_1089 : i1 to i32
      %sign3A_1091 = arith.constant 0 : i32
      %sign3A_1092 = arith.cmpi slt, %jit3A_1076, %sign3A_1091 : i32
      %sign3A_1093 = arith.extui %sign3A_1092 : i1 to i32
      %sign3A_1094 = arith.subi %sign3A_1090, %sign3A_1093 : i32
      %ne3A_1095 = vector.broadcast %sign3A_1094 : i32 to vector<16xi32>
      %ne3A_1096 = arith.cmpi ne, %sign3A_1087, %ne3A_1095 : vector<16xi32>
      %rem3A_1097 = vector.broadcast %jit3A_1076 : i32 to vector<16xi32>
      %rem3A_1098 = arith.remsi %add3A_1075, %rem3A_1097 : vector<16xi32>
      %ne3A_1099 = arith.constant 0 : i32
      %ne3A_1100 = vector.broadcast %ne3A_1099 : i32 to vector<16xi32>
      %ne3A_1101 = arith.cmpi ne, %rem3A_1098, %ne3A_1100 : vector<16xi32>
      %and3A_1102 = arith.andi %ne3A_1096, %ne3A_1101 : vector<16xi1>
      %sub3A_1103 = arith.constant 1 : i32
      %sub3A_1104 = vector.broadcast %sub3A_1103 : i32 to vector<16xi32>
      %sub3A_1105 = arith.subi %div3A_1078, %sub3A_1104 : vector<16xi32>
      %select_n3A_1106 = arith.select %and3A_1102, %sub3A_1105, %div3A_1078 : vector<16xi1>, vector<16xi32>
      %mul3A_1107 = arith.constant 0 : i32
      %mul3A_1108 = vector.broadcast %mul3A_1107 : i32 to vector<16xi32>
      %mul3A_1109 = arith.muli %select_n3A_1106, %mul3A_1108 : vector<16xi32>
      %ge3A_1110 = arith.constant 0 : i32
      %ge3A_1111 = vector.broadcast %ge3A_1110 : i32 to vector<16xi32>
      %ge3A_1112 = arith.cmpi sge, %select_n3A_1106, %ge3A_1111 : vector<16xi32>
      %add3A_1113 = arith.constant 0 : i32
      %add3A_1114 = arith.addi %add3A_1113, %select_n3A : i32
      %lt3A_1115 = vector.broadcast %add3A_1114 : i32 to vector<16xi32>
      %lt3A_1116 = arith.cmpi slt, %select_n3A_1106, %lt3A_1115 : vector<16xi32>
      %and3A_1117 = arith.andi %ge3A_1112, %lt3A_1116 : vector<16xi1>
      %convert_element_type3A_1118 = arith.extui %and3A_1117 : vector<16xi1> to vector<16xi32>
      %mul3A_1119 = arith.constant 0 : i32
      %mul3A_1120 = vector.broadcast %mul3A_1119 : i32 to vector<16xi32>
      %mul3A_1121 = arith.muli %convert_element_type3A_1118, %mul3A_1120 : vector<16xi32>
      %add3A_1122 = arith.addi %mul3A_1109, %mul3A_1121 : vector<16xi32>
      %ge3A_1123 = vector.broadcast %add3A_277 : i32 to vector<16xi32>
      %ge3A_1124 = arith.cmpi sge, %select_n3A_1106, %ge3A_1123 : vector<16xi32>
      %add3A_1125 = arith.addi %add3A_277, %select_n3A_305 : i32
      %lt3A_1126 = vector.broadcast %add3A_1125 : i32 to vector<16xi32>
      %lt3A_1127 = arith.cmpi slt, %select_n3A_1106, %lt3A_1126 : vector<16xi32>
      %and3A_1128 = arith.andi %ge3A_1124, %lt3A_1127 : vector<16xi1>
      %convert_element_type3A_1129 = arith.extui %and3A_1128 : vector<16xi1> to vector<16xi32>
      %mul3A_1130 = arith.constant 1 : i32
      %mul3A_1131 = vector.broadcast %mul3A_1130 : i32 to vector<16xi32>
      %mul3A_1132 = arith.muli %convert_element_type3A_1129, %mul3A_1131 : vector<16xi32>
      %add3A_1133 = arith.addi %add3A_1122, %mul3A_1132 : vector<16xi32>
      %ge3A_1134 = vector.broadcast %add3A_307 : i32 to vector<16xi32>
      %ge3A_1135 = arith.cmpi sge, %select_n3A_1106, %ge3A_1134 : vector<16xi32>
      %add3A_1136 = arith.addi %add3A_307, %select_n3A_335 : i32
      %lt3A_1137 = vector.broadcast %add3A_1136 : i32 to vector<16xi32>
      %lt3A_1138 = arith.cmpi slt, %select_n3A_1106, %lt3A_1137 : vector<16xi32>
      %and3A_1139 = arith.andi %ge3A_1135, %lt3A_1138 : vector<16xi1>
      %convert_element_type3A_1140 = arith.extui %and3A_1139 : vector<16xi1> to vector<16xi32>
      %mul3A_1141 = arith.constant 2 : i32
      %mul3A_1142 = vector.broadcast %mul3A_1141 : i32 to vector<16xi32>
      %mul3A_1143 = arith.muli %convert_element_type3A_1140, %mul3A_1142 : vector<16xi32>
      %add3A_1144 = arith.addi %add3A_1133, %mul3A_1143 : vector<16xi32>
      %ge3A_1145 = vector.broadcast %add3A_337 : i32 to vector<16xi32>
      %ge3A_1146 = arith.cmpi sge, %select_n3A_1106, %ge3A_1145 : vector<16xi32>
      %add3A_1147 = arith.addi %add3A_337, %select_n3A_365 : i32
      %lt3A_1148 = vector.broadcast %add3A_1147 : i32 to vector<16xi32>
      %lt3A_1149 = arith.cmpi slt, %select_n3A_1106, %lt3A_1148 : vector<16xi32>
      %and3A_1150 = arith.andi %ge3A_1146, %lt3A_1149 : vector<16xi1>
      %convert_element_type3A_1151 = arith.extui %and3A_1150 : vector<16xi1> to vector<16xi32>
      %mul3A_1152 = arith.constant 3 : i32
      %mul3A_1153 = vector.broadcast %mul3A_1152 : i32 to vector<16xi32>
      %mul3A_1154 = arith.muli %convert_element_type3A_1151, %mul3A_1153 : vector<16xi32>
      %add3A_1155 = arith.addi %add3A_1144, %mul3A_1154 : vector<16xi32>
      %ge3A_1156 = vector.broadcast %add3A_367 : i32 to vector<16xi32>
      %ge3A_1157 = arith.cmpi sge, %select_n3A_1106, %ge3A_1156 : vector<16xi32>
      %add3A_1158 = arith.addi %add3A_367, %select_n3A_395 : i32
      %lt3A_1159 = vector.broadcast %add3A_1158 : i32 to vector<16xi32>
      %lt3A_1160 = arith.cmpi slt, %select_n3A_1106, %lt3A_1159 : vector<16xi32>
      %and3A_1161 = arith.andi %ge3A_1157, %lt3A_1160 : vector<16xi1>
      %convert_element_type3A_1162 = arith.extui %and3A_1161 : vector<16xi1> to vector<16xi32>
      %mul3A_1163 = arith.constant 4 : i32
      %mul3A_1164 = vector.broadcast %mul3A_1163 : i32 to vector<16xi32>
      %mul3A_1165 = arith.muli %convert_element_type3A_1162, %mul3A_1164 : vector<16xi32>
      %add3A_1166 = arith.addi %add3A_1155, %mul3A_1165 : vector<16xi32>
      %ge3A_1167 = vector.broadcast %add3A_397 : i32 to vector<16xi32>
      %ge3A_1168 = arith.cmpi sge, %select_n3A_1106, %ge3A_1167 : vector<16xi32>
      %add3A_1169 = arith.addi %add3A_397, %select_n3A_425 : i32
      %lt3A_1170 = vector.broadcast %add3A_1169 : i32 to vector<16xi32>
      %lt3A_1171 = arith.cmpi slt, %select_n3A_1106, %lt3A_1170 : vector<16xi32>
      %and3A_1172 = arith.andi %ge3A_1168, %lt3A_1171 : vector<16xi1>
      %convert_element_type3A_1173 = arith.extui %and3A_1172 : vector<16xi1> to vector<16xi32>
      %mul3A_1174 = arith.constant 5 : i32
      %mul3A_1175 = vector.broadcast %mul3A_1174 : i32 to vector<16xi32>
      %mul3A_1176 = arith.muli %convert_element_type3A_1173, %mul3A_1175 : vector<16xi32>
      %add3A_1177 = arith.addi %add3A_1166, %mul3A_1176 : vector<16xi32>
      %ge3A_1178 = vector.broadcast %add3A_427 : i32 to vector<16xi32>
      %ge3A_1179 = arith.cmpi sge, %select_n3A_1106, %ge3A_1178 : vector<16xi32>
      %add3A_1180 = arith.addi %add3A_427, %select_n3A_455 : i32
      %lt3A_1181 = vector.broadcast %add3A_1180 : i32 to vector<16xi32>
      %lt3A_1182 = arith.cmpi slt, %select_n3A_1106, %lt3A_1181 : vector<16xi32>
      %and3A_1183 = arith.andi %ge3A_1179, %lt3A_1182 : vector<16xi1>
      %convert_element_type3A_1184 = arith.extui %and3A_1183 : vector<16xi1> to vector<16xi32>
      %mul3A_1185 = arith.constant 6 : i32
      %mul3A_1186 = vector.broadcast %mul3A_1185 : i32 to vector<16xi32>
      %mul3A_1187 = arith.muli %convert_element_type3A_1184, %mul3A_1186 : vector<16xi32>
      %add3A_1188 = arith.addi %add3A_1177, %mul3A_1187 : vector<16xi32>
      %ge3A_1189 = vector.broadcast %add3A_457 : i32 to vector<16xi32>
      %ge3A_1190 = arith.cmpi sge, %select_n3A_1106, %ge3A_1189 : vector<16xi32>
      %add3A_1191 = arith.addi %add3A_457, %select_n3A_485 : i32
      %lt3A_1192 = vector.broadcast %add3A_1191 : i32 to vector<16xi32>
      %lt3A_1193 = arith.cmpi slt, %select_n3A_1106, %lt3A_1192 : vector<16xi32>
      %and3A_1194 = arith.andi %ge3A_1190, %lt3A_1193 : vector<16xi1>
      %convert_element_type3A_1195 = arith.extui %and3A_1194 : vector<16xi1> to vector<16xi32>
      %mul3A_1196 = arith.constant 7 : i32
      %mul3A_1197 = vector.broadcast %mul3A_1196 : i32 to vector<16xi32>
      %mul3A_1198 = arith.muli %convert_element_type3A_1195, %mul3A_1197 : vector<16xi32>
      %add3A_1199 = arith.addi %add3A_1188, %mul3A_1198 : vector<16xi32>
      %ge3A_1200 = vector.broadcast %add3A_487 : i32 to vector<16xi32>
      %ge3A_1201 = arith.cmpi sge, %select_n3A_1106, %ge3A_1200 : vector<16xi32>
      %convert_element_type3A_1202 = arith.extui %ge3A_1201 : vector<16xi1> to vector<16xi32>
      %mul3A_1203 = vector.broadcast %select_n3A_519 : i32 to vector<16xi32>
      %mul3A_1204 = arith.muli %convert_element_type3A_1202, %mul3A_1203 : vector<16xi32>
      %add3A_1205 = arith.addi %add3A_1199, %mul3A_1204 : vector<16xi32>
      %eq3A_1206 = arith.constant 0 : i32
      %eq3A_1207 = vector.broadcast %eq3A_1206 : i32 to vector<16xi32>
      %eq3A_1208 = arith.cmpi eq, %add3A_1205, %eq3A_1207 : vector<16xi32>
      %convert_element_type3A_1209 = arith.extui %eq3A_1208 : vector<16xi1> to vector<16xi32>
      %mul3A_1210 = arith.constant 0 : i32
      %mul3A_1211 = vector.broadcast %mul3A_1210 : i32 to vector<16xi32>
      %mul3A_1212 = arith.muli %convert_element_type3A_1209, %mul3A_1211 : vector<16xi32>
      %add3A_1213 = arith.addi %mul3A_8, %mul3A_1212 : vector<16xi32>
      %mul3A_1214 = vector.broadcast %add3A : i32 to vector<16xi32>
      %mul3A_1215 = arith.muli %convert_element_type3A_1209, %mul3A_1214 : vector<16xi32>
      %add3A_1216 = arith.addi %mul3A_8, %mul3A_1215 : vector<16xi32>
      %mul3A_1217 = arith.constant 0 : i32
      %mul3A_1218 = vector.broadcast %mul3A_1217 : i32 to vector<16xi32>
      %mul3A_1219 = arith.muli %convert_element_type3A_1209, %mul3A_1218 : vector<16xi32>
      %add3A_1220 = arith.addi %mul3A_8, %mul3A_1219 : vector<16xi32>
      %eq3A_1221 = arith.constant 1 : i32
      %eq3A_1222 = vector.broadcast %eq3A_1221 : i32 to vector<16xi32>
      %eq3A_1223 = arith.cmpi eq, %add3A_1205, %eq3A_1222 : vector<16xi32>
      %convert_element_type3A_1224 = arith.extui %eq3A_1223 : vector<16xi1> to vector<16xi32>
      %mul3A_1225 = vector.broadcast %add3A_277 : i32 to vector<16xi32>
      %mul3A_1226 = arith.muli %convert_element_type3A_1224, %mul3A_1225 : vector<16xi32>
      %add3A_1227 = arith.addi %add3A_1213, %mul3A_1226 : vector<16xi32>
      %mul3A_1228 = vector.broadcast %add3A_51 : i32 to vector<16xi32>
      %mul3A_1229 = arith.muli %convert_element_type3A_1224, %mul3A_1228 : vector<16xi32>
      %add3A_1230 = arith.addi %add3A_1216, %mul3A_1229 : vector<16xi32>
      %mul3A_1231 = vector.broadcast %add3A_275 : i32 to vector<16xi32>
      %mul3A_1232 = arith.muli %convert_element_type3A_1224, %mul3A_1231 : vector<16xi32>
      %add3A_1233 = arith.addi %add3A_1220, %mul3A_1232 : vector<16xi32>
      %eq3A_1234 = arith.constant 2 : i32
      %eq3A_1235 = vector.broadcast %eq3A_1234 : i32 to vector<16xi32>
      %eq3A_1236 = arith.cmpi eq, %add3A_1205, %eq3A_1235 : vector<16xi32>
      %convert_element_type3A_1237 = arith.extui %eq3A_1236 : vector<16xi1> to vector<16xi32>
      %mul3A_1238 = vector.broadcast %add3A_307 : i32 to vector<16xi32>
      %mul3A_1239 = arith.muli %convert_element_type3A_1237, %mul3A_1238 : vector<16xi32>
      %add3A_1240 = arith.addi %add3A_1227, %mul3A_1239 : vector<16xi32>
      %mul3A_1241 = vector.broadcast %add3A_82 : i32 to vector<16xi32>
      %mul3A_1242 = arith.muli %convert_element_type3A_1237, %mul3A_1241 : vector<16xi32>
      %add3A_1243 = arith.addi %add3A_1230, %mul3A_1242 : vector<16xi32>
      %mul3A_1244 = vector.broadcast %add3A_306 : i32 to vector<16xi32>
      %mul3A_1245 = arith.muli %convert_element_type3A_1237, %mul3A_1244 : vector<16xi32>
      %add3A_1246 = arith.addi %add3A_1233, %mul3A_1245 : vector<16xi32>
      %eq3A_1247 = arith.constant 3 : i32
      %eq3A_1248 = vector.broadcast %eq3A_1247 : i32 to vector<16xi32>
      %eq3A_1249 = arith.cmpi eq, %add3A_1205, %eq3A_1248 : vector<16xi32>
      %convert_element_type3A_1250 = arith.extui %eq3A_1249 : vector<16xi1> to vector<16xi32>
      %mul3A_1251 = vector.broadcast %add3A_337 : i32 to vector<16xi32>
      %mul3A_1252 = arith.muli %convert_element_type3A_1250, %mul3A_1251 : vector<16xi32>
      %add3A_1253 = arith.addi %add3A_1240, %mul3A_1252 : vector<16xi32>
      %mul3A_1254 = vector.broadcast %add3A_113 : i32 to vector<16xi32>
      %mul3A_1255 = arith.muli %convert_element_type3A_1250, %mul3A_1254 : vector<16xi32>
      %add3A_1256 = arith.addi %add3A_1243, %mul3A_1255 : vector<16xi32>
      %mul3A_1257 = vector.broadcast %add3A_336 : i32 to vector<16xi32>
      %mul3A_1258 = arith.muli %convert_element_type3A_1250, %mul3A_1257 : vector<16xi32>
      %add3A_1259 = arith.addi %add3A_1246, %mul3A_1258 : vector<16xi32>
      %eq3A_1260 = arith.constant 4 : i32
      %eq3A_1261 = vector.broadcast %eq3A_1260 : i32 to vector<16xi32>
      %eq3A_1262 = arith.cmpi eq, %add3A_1205, %eq3A_1261 : vector<16xi32>
      %convert_element_type3A_1263 = arith.extui %eq3A_1262 : vector<16xi1> to vector<16xi32>
      %mul3A_1264 = vector.broadcast %add3A_367 : i32 to vector<16xi32>
      %mul3A_1265 = arith.muli %convert_element_type3A_1263, %mul3A_1264 : vector<16xi32>
      %add3A_1266 = arith.addi %add3A_1253, %mul3A_1265 : vector<16xi32>
      %mul3A_1267 = vector.broadcast %add3A_144 : i32 to vector<16xi32>
      %mul3A_1268 = arith.muli %convert_element_type3A_1263, %mul3A_1267 : vector<16xi32>
      %add3A_1269 = arith.addi %add3A_1256, %mul3A_1268 : vector<16xi32>
      %mul3A_1270 = vector.broadcast %add3A_366 : i32 to vector<16xi32>
      %mul3A_1271 = arith.muli %convert_element_type3A_1263, %mul3A_1270 : vector<16xi32>
      %add3A_1272 = arith.addi %add3A_1259, %mul3A_1271 : vector<16xi32>
      %eq3A_1273 = arith.constant 5 : i32
      %eq3A_1274 = vector.broadcast %eq3A_1273 : i32 to vector<16xi32>
      %eq3A_1275 = arith.cmpi eq, %add3A_1205, %eq3A_1274 : vector<16xi32>
      %convert_element_type3A_1276 = arith.extui %eq3A_1275 : vector<16xi1> to vector<16xi32>
      %mul3A_1277 = vector.broadcast %add3A_397 : i32 to vector<16xi32>
      %mul3A_1278 = arith.muli %convert_element_type3A_1276, %mul3A_1277 : vector<16xi32>
      %add3A_1279 = arith.addi %add3A_1266, %mul3A_1278 : vector<16xi32>
      %mul3A_1280 = vector.broadcast %add3A_175 : i32 to vector<16xi32>
      %mul3A_1281 = arith.muli %convert_element_type3A_1276, %mul3A_1280 : vector<16xi32>
      %add3A_1282 = arith.addi %add3A_1269, %mul3A_1281 : vector<16xi32>
      %mul3A_1283 = vector.broadcast %add3A_396 : i32 to vector<16xi32>
      %mul3A_1284 = arith.muli %convert_element_type3A_1276, %mul3A_1283 : vector<16xi32>
      %add3A_1285 = arith.addi %add3A_1272, %mul3A_1284 : vector<16xi32>
      %eq3A_1286 = arith.constant 6 : i32
      %eq3A_1287 = vector.broadcast %eq3A_1286 : i32 to vector<16xi32>
      %eq3A_1288 = arith.cmpi eq, %add3A_1205, %eq3A_1287 : vector<16xi32>
      %convert_element_type3A_1289 = arith.extui %eq3A_1288 : vector<16xi1> to vector<16xi32>
      %mul3A_1290 = vector.broadcast %add3A_427 : i32 to vector<16xi32>
      %mul3A_1291 = arith.muli %convert_element_type3A_1289, %mul3A_1290 : vector<16xi32>
      %add3A_1292 = arith.addi %add3A_1279, %mul3A_1291 : vector<16xi32>
      %mul3A_1293 = vector.broadcast %add3A_206 : i32 to vector<16xi32>
      %mul3A_1294 = arith.muli %convert_element_type3A_1289, %mul3A_1293 : vector<16xi32>
      %add3A_1295 = arith.addi %add3A_1282, %mul3A_1294 : vector<16xi32>
      %mul3A_1296 = vector.broadcast %add3A_426 : i32 to vector<16xi32>
      %mul3A_1297 = arith.muli %convert_element_type3A_1289, %mul3A_1296 : vector<16xi32>
      %add3A_1298 = arith.addi %add3A_1285, %mul3A_1297 : vector<16xi32>
      %eq3A_1299 = arith.constant 7 : i32
      %eq3A_1300 = vector.broadcast %eq3A_1299 : i32 to vector<16xi32>
      %eq3A_1301 = arith.cmpi eq, %add3A_1205, %eq3A_1300 : vector<16xi32>
      %convert_element_type3A_1302 = arith.extui %eq3A_1301 : vector<16xi1> to vector<16xi32>
      %mul3A_1303 = vector.broadcast %add3A_457 : i32 to vector<16xi32>
      %mul3A_1304 = arith.muli %convert_element_type3A_1302, %mul3A_1303 : vector<16xi32>
      %add3A_1305 = arith.addi %add3A_1292, %mul3A_1304 : vector<16xi32>
      %mul3A_1306 = vector.broadcast %add3A_237 : i32 to vector<16xi32>
      %mul3A_1307 = arith.muli %convert_element_type3A_1302, %mul3A_1306 : vector<16xi32>
      %add3A_1308 = arith.addi %add3A_1295, %mul3A_1307 : vector<16xi32>
      %mul3A_1309 = vector.broadcast %add3A_456 : i32 to vector<16xi32>
      %mul3A_1310 = arith.muli %convert_element_type3A_1302, %mul3A_1309 : vector<16xi32>
      %add3A_1311 = arith.addi %add3A_1298, %mul3A_1310 : vector<16xi32>
      %sub3A_1312 = arith.subi %select_n3A_1106, %add3A_1305 : vector<16xi32>
      %mul3A_1313 = arith.constant 4 : i32
      %mul3A_1314 = vector.broadcast %mul3A_1313 : i32 to vector<16xi32>
      %mul3A_1315 = arith.muli %sub3A_1312, %mul3A_1314 : vector<16xi32>
      %jit3A_1316 = arith.constant 4 : i32
      %eq3A_1317 = arith.constant 0 : i32
      %eq3A_1318 = arith.cmpi eq, %jit3A_1316, %eq3A_1317 : i32
      %jit3A_1319 = arith.constant 1 : i32
      %select_n3A_1320 = arith.select %eq3A_1318, %jit3A_1319, %jit3A_1316 : i32
      %rem3A_1321 = vector.broadcast %select_n3A_1320 : i32 to vector<16xi32>
      %rem3A_1322 = arith.remsi %add3A_1075, %rem3A_1321 : vector<16xi32>
      %ne3A_1323 = arith.constant 0 : i32
      %ne3A_1324 = vector.broadcast %ne3A_1323 : i32 to vector<16xi32>
      %ne3A_1325 = arith.cmpi ne, %rem3A_1322, %ne3A_1324 : vector<16xi32>
      %lt3A_1326 = arith.constant 0 : i32
      %lt3A_1327 = vector.broadcast %lt3A_1326 : i32 to vector<16xi32>
      %lt3A_1328 = arith.cmpi slt, %rem3A_1322, %lt3A_1327 : vector<16xi32>
      %lt3A_1329 = arith.constant 0 : i32
      %lt3A_1330 = arith.cmpi slt, %select_n3A_1320, %lt3A_1329 : i32
      %ne3A_1331 = vector.broadcast %lt3A_1330 : i1 to vector<16xi1>
      %ne3A_1332 = vector.broadcast %ne3A_1331 : vector<16xi1> to vector<16xi1>
      %ne3A_1333 = arith.xori %lt3A_1328, %ne3A_1332 : vector<16xi1>
      %and3A_1334 = arith.andi %ne3A_1333, %ne3A_1325 : vector<16xi1>
      %add3A_1335 = vector.broadcast %select_n3A_1320 : i32 to vector<16xi32>
      %add3A_1336 = arith.addi %rem3A_1322, %add3A_1335 : vector<16xi32>
      %select_n3A_1337 = arith.select %and3A_1334, %add3A_1336, %rem3A_1322 : vector<16xi1>, vector<16xi32>
      %add3A_1338 = arith.addi %mul3A_1315, %select_n3A_1337 : vector<16xi32>
      %lt3A_1339 = arith.cmpi slt, %add3A_1338, %add3A_1308 : vector<16xi32>
      %convert_element_type3A_1340 = arith.extui %lt3A_1339 : vector<16xi1> to vector<16xi32>
      %add3A_1341 = arith.addi %add3A_1311, %add3A_1338 : vector<16xi32>
      %jit3A_1342 = arith.constant 0 : i32
      %jit3A_1343 = arith.constant 31 : i32
      %max3A_1344 = vector.broadcast %jit3A_1342 : i32 to vector<16xi32>
      %max3A_1345 = arith.maxsi %max3A_1344, %add3A_1341 : vector<16xi32>
      %min3A_1346 = vector.broadcast %jit3A_1343 : i32 to vector<16xi32>
      %min3A_1347 = arith.minsi %min3A_1346, %max3A_1345 : vector<16xi32>
      %gather3A_1348 = tpu.vector_load_idx %arg8[%min3A_1347] : memref<32xi32, #tpu.memory_space<vmem>>[vector<16xi32>], vector<16xi32>,
      %gather3A_1349 = tpu.vector_load_idx %arg7[%gather3A_1348] : memref<32xf32, #tpu.memory_space<vmem>>[vector<16xi32>], vector<16xf32>,
      %mul3A_1350 = arith.muli %gather3A_1348, %convert_element_type3A_1340 : vector<16xi32>
      %sub3A_1351 = arith.constant 1 : i32
      %sub3A_1352 = vector.broadcast %sub3A_1351 : i32 to vector<16xi32>
      %sub3A_1353 = arith.subi %sub3A_1352, %convert_element_type3A_1340 : vector<16xi32>
      %mul3A_1354 = arith.constant 32 : i32
      %mul3A_1355 = vector.broadcast %mul3A_1354 : i32 to vector<16xi32>
      %mul3A_1356 = arith.muli %sub3A_1353, %mul3A_1355 : vector<16xi32>
      %add3A_1357 = arith.addi %mul3A_1350, %mul3A_1356 : vector<16xi32>
      %swap3A_1358 = arith.constant 96 : index
      %swap3A_1359 = tpu.vector_load %arg9[%swap3A_1358] {strides = array<i32>} : memref<144xi32, #tpu.memory_space<vmem>>, vector<16xi32>,
      tpu.vector_store %arg9[%swap3A_1358], %add3A_1357 {strides = array<i32>} : memref<144xi32, #tpu.memory_space<vmem>>, vector<16xi32>,
      %jit3A_1360 = arith.constant 2 : i32
      %div3A_1361 = vector.broadcast %jit3A_1360 : i32 to vector<16xi32>
      %div3A_1362 = arith.divsi %gather3A_1348, %div3A_1361 : vector<16xi32>
      %sign3A_1363 = arith.constant 0 : i32
      %sign3A_1364 = vector.broadcast %sign3A_1363 : i32 to vector<16xi32>
      %sign3A_1365 = arith.cmpi sgt, %gather3A_1348, %sign3A_1364 : vector<16xi32>
      %sign3A_1366 = arith.extui %sign3A_1365 : vector<16xi1> to vector<16xi32>
      %sign3A_1367 = arith.constant 0 : i32
      %sign3A_1368 = vector.broadcast %sign3A_1367 : i32 to vector<16xi32>
      %sign3A_1369 = arith.cmpi slt, %gather3A_1348, %sign3A_1368 : vector<16xi32>
      %sign3A_1370 = arith.extui %sign3A_1369 : vector<16xi1> to vector<16xi32>
      %sign3A_1371 = arith.subi %sign3A_1366, %sign3A_1370 : vector<16xi32>
      %sign3A_1372 = arith.constant 0 : i32
      %sign3A_1373 = arith.cmpi sgt, %jit3A_1360, %sign3A_1372 : i32
      %sign3A_1374 = arith.extui %sign3A_1373 : i1 to i32
      %sign3A_1375 = arith.constant 0 : i32
      %sign3A_1376 = arith.cmpi slt, %jit3A_1360, %sign3A_1375 : i32
      %sign3A_1377 = arith.extui %sign3A_1376 : i1 to i32
      %sign3A_1378 = arith.subi %sign3A_1374, %sign3A_1377 : i32
      %ne3A_1379 = vector.broadcast %sign3A_1378 : i32 to vector<16xi32>
      %ne3A_1380 = arith.cmpi ne, %sign3A_1371, %ne3A_1379 : vector<16xi32>
      %rem3A_1381 = vector.broadcast %jit3A_1360 : i32 to vector<16xi32>
      %rem3A_1382 = arith.remsi %gather3A_1348, %rem3A_1381 : vector<16xi32>
      %ne3A_1383 = arith.constant 0 : i32
      %ne3A_1384 = vector.broadcast %ne3A_1383 : i32 to vector<16xi32>
      %ne3A_1385 = arith.cmpi ne, %rem3A_1382, %ne3A_1384 : vector<16xi32>
      %and3A_1386 = arith.andi %ne3A_1380, %ne3A_1385 : vector<16xi1>
      %sub3A_1387 = arith.constant 1 : i32
      %sub3A_1388 = vector.broadcast %sub3A_1387 : i32 to vector<16xi32>
      %sub3A_1389 = arith.subi %div3A_1362, %sub3A_1388 : vector<16xi32>
      %select_n3A_1390 = arith.select %and3A_1386, %sub3A_1389, %div3A_1362 : vector<16xi1>, vector<16xi32>
      %mul3A_1391 = arith.muli %select_n3A_1390, %convert_element_type3A_1340 : vector<16xi32>
      %swap3A_1392 = arith.constant 32 : index
      %swap3A_1393 = tpu.vector_load %arg9[%swap3A_1392] {strides = array<i32>} : memref<144xi32, #tpu.memory_space<vmem>>, vector<16xi32>,
      tpu.vector_store %arg9[%swap3A_1392], %mul3A_1391 {strides = array<i32>} : memref<144xi32, #tpu.memory_space<vmem>>, vector<16xi32>,
      %convert_element_type3A_1394 = arith.sitofp %convert_element_type3A_1340 : vector<16xi32> to vector<16xf32>
      %mul3A_1395 = arith.mulf %gather3A_1349, %convert_element_type3A_1394 : vector<16xf32>
      %swap3A_1396 = arith.constant 16 : index
      %swap3A_1397 = tpu.vector_load %arg10[%swap3A_1396] {strides = array<i32>} : memref<64xf32, #tpu.memory_space<vmem>>, vector<16xf32>,
      tpu.vector_store %arg10[%swap3A_1396], %mul3A_1395 {strides = array<i32>} : memref<64xf32, #tpu.memory_space<vmem>>, vector<16xf32>,
      %add3A_1398 = arith.constant 32 : i32
      %add3A_1399 = vector.broadcast %add3A_1398 : i32 to vector<16xi32>
      %add3A_1400 = arith.addi %iota3A, %add3A_1399 : vector<16xi32>
      %jit3A_1401 = arith.constant 4 : i32
      %div3A_1402 = vector.broadcast %jit3A_1401 : i32 to vector<16xi32>
      %div3A_1403 = arith.divsi %add3A_1400, %div3A_1402 : vector<16xi32>
      %sign3A_1404 = arith.constant 0 : i32
      %sign3A_1405 = vector.broadcast %sign3A_1404 : i32 to vector<16xi32>
      %sign3A_1406 = arith.cmpi sgt, %add3A_1400, %sign3A_1405 : vector<16xi32>
      %sign3A_1407 = arith.extui %sign3A_1406 : vector<16xi1> to vector<16xi32>
      %sign3A_1408 = arith.constant 0 : i32
      %sign3A_1409 = vector.broadcast %sign3A_1408 : i32 to vector<16xi32>
      %sign3A_1410 = arith.cmpi slt, %add3A_1400, %sign3A_1409 : vector<16xi32>
      %sign3A_1411 = arith.extui %sign3A_1410 : vector<16xi1> to vector<16xi32>
      %sign3A_1412 = arith.subi %sign3A_1407, %sign3A_1411 : vector<16xi32>
      %sign3A_1413 = arith.constant 0 : i32
      %sign3A_1414 = arith.cmpi sgt, %jit3A_1401, %sign3A_1413 : i32
      %sign3A_1415 = arith.extui %sign3A_1414 : i1 to i32
      %sign3A_1416 = arith.constant 0 : i32
      %sign3A_1417 = arith.cmpi slt, %jit3A_1401, %sign3A_1416 : i32
      %sign3A_1418 = arith.extui %sign3A_1417 : i1 to i32
      %sign3A_1419 = arith.subi %sign3A_1415, %sign3A_1418 : i32
      %ne3A_1420 = vector.broadcast %sign3A_1419 : i32 to vector<16xi32>
      %ne3A_1421 = arith.cmpi ne, %sign3A_1412, %ne3A_1420 : vector<16xi32>
      %rem3A_1422 = vector.broadcast %jit3A_1401 : i32 to vector<16xi32>
      %rem3A_1423 = arith.remsi %add3A_1400, %rem3A_1422 : vector<16xi32>
      %ne3A_1424 = arith.constant 0 : i32
      %ne3A_1425 = vector.broadcast %ne3A_1424 : i32 to vector<16xi32>
      %ne3A_1426 = arith.cmpi ne, %rem3A_1423, %ne3A_1425 : vector<16xi32>
      %and3A_1427 = arith.andi %ne3A_1421, %ne3A_1426 : vector<16xi1>
      %sub3A_1428 = arith.constant 1 : i32
      %sub3A_1429 = vector.broadcast %sub3A_1428 : i32 to vector<16xi32>
      %sub3A_1430 = arith.subi %div3A_1403, %sub3A_1429 : vector<16xi32>
      %select_n3A_1431 = arith.select %and3A_1427, %sub3A_1430, %div3A_1403 : vector<16xi1>, vector<16xi32>
      %mul3A_1432 = arith.constant 0 : i32
      %mul3A_1433 = vector.broadcast %mul3A_1432 : i32 to vector<16xi32>
      %mul3A_1434 = arith.muli %select_n3A_1431, %mul3A_1433 : vector<16xi32>
      %ge3A_1435 = arith.constant 0 : i32
      %ge3A_1436 = vector.broadcast %ge3A_1435 : i32 to vector<16xi32>
      %ge3A_1437 = arith.cmpi sge, %select_n3A_1431, %ge3A_1436 : vector<16xi32>
      %add3A_1438 = arith.constant 0 : i32
      %add3A_1439 = arith.addi %add3A_1438, %select_n3A : i32
      %lt3A_1440 = vector.broadcast %add3A_1439 : i32 to vector<16xi32>
      %lt3A_1441 = arith.cmpi slt, %select_n3A_1431, %lt3A_1440 : vector<16xi32>
      %and3A_1442 = arith.andi %ge3A_1437, %lt3A_1441 : vector<16xi1>
      %convert_element_type3A_1443 = arith.extui %and3A_1442 : vector<16xi1> to vector<16xi32>
      %mul3A_1444 = arith.constant 0 : i32
      %mul3A_1445 = vector.broadcast %mul3A_1444 : i32 to vector<16xi32>
      %mul3A_1446 = arith.muli %convert_element_type3A_1443, %mul3A_1445 : vector<16xi32>
      %add3A_1447 = arith.addi %mul3A_1434, %mul3A_1446 : vector<16xi32>
      %ge3A_1448 = vector.broadcast %add3A_277 : i32 to vector<16xi32>
      %ge3A_1449 = arith.cmpi sge, %select_n3A_1431, %ge3A_1448 : vector<16xi32>
      %add3A_1450 = arith.addi %add3A_277, %select_n3A_305 : i32
      %lt3A_1451 = vector.broadcast %add3A_1450 : i32 to vector<16xi32>
      %lt3A_1452 = arith.cmpi slt, %select_n3A_1431, %lt3A_1451 : vector<16xi32>
      %and3A_1453 = arith.andi %ge3A_1449, %lt3A_1452 : vector<16xi1>
      %convert_element_type3A_1454 = arith.extui %and3A_1453 : vector<16xi1> to vector<16xi32>
      %mul3A_1455 = arith.constant 1 : i32
      %mul3A_1456 = vector.broadcast %mul3A_1455 : i32 to vector<16xi32>
      %mul3A_1457 = arith.muli %convert_element_type3A_1454, %mul3A_1456 : vector<16xi32>
      %add3A_1458 = arith.addi %add3A_1447, %mul3A_1457 : vector<16xi32>
      %ge3A_1459 = vector.broadcast %add3A_307 : i32 to vector<16xi32>
      %ge3A_1460 = arith.cmpi sge, %select_n3A_1431, %ge3A_1459 : vector<16xi32>
      %add3A_1461 = arith.addi %add3A_307, %select_n3A_335 : i32
      %lt3A_1462 = vector.broadcast %add3A_1461 : i32 to vector<16xi32>
      %lt3A_1463 = arith.cmpi slt, %select_n3A_1431, %lt3A_1462 : vector<16xi32>
      %and3A_1464 = arith.andi %ge3A_1460, %lt3A_1463 : vector<16xi1>
      %convert_element_type3A_1465 = arith.extui %and3A_1464 : vector<16xi1> to vector<16xi32>
      %mul3A_1466 = arith.constant 2 : i32
      %mul3A_1467 = vector.broadcast %mul3A_1466 : i32 to vector<16xi32>
      %mul3A_1468 = arith.muli %convert_element_type3A_1465, %mul3A_1467 : vector<16xi32>
      %add3A_1469 = arith.addi %add3A_1458, %mul3A_1468 : vector<16xi32>
      %ge3A_1470 = vector.broadcast %add3A_337 : i32 to vector<16xi32>
      %ge3A_1471 = arith.cmpi sge, %select_n3A_1431, %ge3A_1470 : vector<16xi32>
      %add3A_1472 = arith.addi %add3A_337, %select_n3A_365 : i32
      %lt3A_1473 = vector.broadcast %add3A_1472 : i32 to vector<16xi32>
      %lt3A_1474 = arith.cmpi slt, %select_n3A_1431, %lt3A_1473 : vector<16xi32>
      %and3A_1475 = arith.andi %ge3A_1471, %lt3A_1474 : vector<16xi1>
      %convert_element_type3A_1476 = arith.extui %and3A_1475 : vector<16xi1> to vector<16xi32>
      %mul3A_1477 = arith.constant 3 : i32
      %mul3A_1478 = vector.broadcast %mul3A_1477 : i32 to vector<16xi32>
      %mul3A_1479 = arith.muli %convert_element_type3A_1476, %mul3A_1478 : vector<16xi32>
      %add3A_1480 = arith.addi %add3A_1469, %mul3A_1479 : vector<16xi32>
      %ge3A_1481 = vector.broadcast %add3A_367 : i32 to vector<16xi32>
      %ge3A_1482 = arith.cmpi sge, %select_n3A_1431, %ge3A_1481 : vector<16xi32>
      %add3A_1483 = arith.addi %add3A_367, %select_n3A_395 : i32
      %lt3A_1484 = vector.broadcast %add3A_1483 : i32 to vector<16xi32>
      %lt3A_1485 = arith.cmpi slt, %select_n3A_1431, %lt3A_1484 : vector<16xi32>
      %and3A_1486 = arith.andi %ge3A_1482, %lt3A_1485 : vector<16xi1>
      %convert_element_type3A_1487 = arith.extui %and3A_1486 : vector<16xi1> to vector<16xi32>
      %mul3A_1488 = arith.constant 4 : i32
      %mul3A_1489 = vector.broadcast %mul3A_1488 : i32 to vector<16xi32>
      %mul3A_1490 = arith.muli %convert_element_type3A_1487, %mul3A_1489 : vector<16xi32>
      %add3A_1491 = arith.addi %add3A_1480, %mul3A_1490 : vector<16xi32>
      %ge3A_1492 = vector.broadcast %add3A_397 : i32 to vector<16xi32>
      %ge3A_1493 = arith.cmpi sge, %select_n3A_1431, %ge3A_1492 : vector<16xi32>
      %add3A_1494 = arith.addi %add3A_397, %select_n3A_425 : i32
      %lt3A_1495 = vector.broadcast %add3A_1494 : i32 to vector<16xi32>
      %lt3A_1496 = arith.cmpi slt, %select_n3A_1431, %lt3A_1495 : vector<16xi32>
      %and3A_1497 = arith.andi %ge3A_1493, %lt3A_1496 : vector<16xi1>
      %convert_element_type3A_1498 = arith.extui %and3A_1497 : vector<16xi1> to vector<16xi32>
      %mul3A_1499 = arith.constant 5 : i32
      %mul3A_1500 = vector.broadcast %mul3A_1499 : i32 to vector<16xi32>
      %mul3A_1501 = arith.muli %convert_element_type3A_1498, %mul3A_1500 : vector<16xi32>
      %add3A_1502 = arith.addi %add3A_1491, %mul3A_1501 : vector<16xi32>
      %ge3A_1503 = vector.broadcast %add3A_427 : i32 to vector<16xi32>
      %ge3A_1504 = arith.cmpi sge, %select_n3A_1431, %ge3A_1503 : vector<16xi32>
      %add3A_1505 = arith.addi %add3A_427, %select_n3A_455 : i32
      %lt3A_1506 = vector.broadcast %add3A_1505 : i32 to vector<16xi32>
      %lt3A_1507 = arith.cmpi slt, %select_n3A_1431, %lt3A_1506 : vector<16xi32>
      %and3A_1508 = arith.andi %ge3A_1504, %lt3A_1507 : vector<16xi1>
      %convert_element_type3A_1509 = arith.extui %and3A_1508 : vector<16xi1> to vector<16xi32>
      %mul3A_1510 = arith.constant 6 : i32
      %mul3A_1511 = vector.broadcast %mul3A_1510 : i32 to vector<16xi32>
      %mul3A_1512 = arith.muli %convert_element_type3A_1509, %mul3A_1511 : vector<16xi32>
      %add3A_1513 = arith.addi %add3A_1502, %mul3A_1512 : vector<16xi32>
      %ge3A_1514 = vector.broadcast %add3A_457 : i32 to vector<16xi32>
      %ge3A_1515 = arith.cmpi sge, %select_n3A_1431, %ge3A_1514 : vector<16xi32>
      %add3A_1516 = arith.addi %add3A_457, %select_n3A_485 : i32
      %lt3A_1517 = vector.broadcast %add3A_1516 : i32 to vector<16xi32>
      %lt3A_1518 = arith.cmpi slt, %select_n3A_1431, %lt3A_1517 : vector<16xi32>
      %and3A_1519 = arith.andi %ge3A_1515, %lt3A_1518 : vector<16xi1>
      %convert_element_type3A_1520 = arith.extui %and3A_1519 : vector<16xi1> to vector<16xi32>
      %mul3A_1521 = arith.constant 7 : i32
      %mul3A_1522 = vector.broadcast %mul3A_1521 : i32 to vector<16xi32>
      %mul3A_1523 = arith.muli %convert_element_type3A_1520, %mul3A_1522 : vector<16xi32>
      %add3A_1524 = arith.addi %add3A_1513, %mul3A_1523 : vector<16xi32>
      %ge3A_1525 = vector.broadcast %add3A_487 : i32 to vector<16xi32>
      %ge3A_1526 = arith.cmpi sge, %select_n3A_1431, %ge3A_1525 : vector<16xi32>
      %convert_element_type3A_1527 = arith.extui %ge3A_1526 : vector<16xi1> to vector<16xi32>
      %mul3A_1528 = vector.broadcast %select_n3A_519 : i32 to vector<16xi32>
      %mul3A_1529 = arith.muli %convert_element_type3A_1527, %mul3A_1528 : vector<16xi32>
      %add3A_1530 = arith.addi %add3A_1524, %mul3A_1529 : vector<16xi32>
      %eq3A_1531 = arith.constant 0 : i32
      %eq3A_1532 = vector.broadcast %eq3A_1531 : i32 to vector<16xi32>
      %eq3A_1533 = arith.cmpi eq, %add3A_1530, %eq3A_1532 : vector<16xi32>
      %convert_element_type3A_1534 = arith.extui %eq3A_1533 : vector<16xi1> to vector<16xi32>
      %mul3A_1535 = arith.constant 0 : i32
      %mul3A_1536 = vector.broadcast %mul3A_1535 : i32 to vector<16xi32>
      %mul3A_1537 = arith.muli %convert_element_type3A_1534, %mul3A_1536 : vector<16xi32>
      %add3A_1538 = arith.addi %mul3A_8, %mul3A_1537 : vector<16xi32>
      %mul3A_1539 = vector.broadcast %add3A : i32 to vector<16xi32>
      %mul3A_1540 = arith.muli %convert_element_type3A_1534, %mul3A_1539 : vector<16xi32>
      %add3A_1541 = arith.addi %mul3A_8, %mul3A_1540 : vector<16xi32>
      %mul3A_1542 = arith.constant 0 : i32
      %mul3A_1543 = vector.broadcast %mul3A_1542 : i32 to vector<16xi32>
      %mul3A_1544 = arith.muli %convert_element_type3A_1534, %mul3A_1543 : vector<16xi32>
      %add3A_1545 = arith.addi %mul3A_8, %mul3A_1544 : vector<16xi32>
      %eq3A_1546 = arith.constant 1 : i32
      %eq3A_1547 = vector.broadcast %eq3A_1546 : i32 to vector<16xi32>
      %eq3A_1548 = arith.cmpi eq, %add3A_1530, %eq3A_1547 : vector<16xi32>
      %convert_element_type3A_1549 = arith.extui %eq3A_1548 : vector<16xi1> to vector<16xi32>
      %mul3A_1550 = vector.broadcast %add3A_277 : i32 to vector<16xi32>
      %mul3A_1551 = arith.muli %convert_element_type3A_1549, %mul3A_1550 : vector<16xi32>
      %add3A_1552 = arith.addi %add3A_1538, %mul3A_1551 : vector<16xi32>
      %mul3A_1553 = vector.broadcast %add3A_51 : i32 to vector<16xi32>
      %mul3A_1554 = arith.muli %convert_element_type3A_1549, %mul3A_1553 : vector<16xi32>
      %add3A_1555 = arith.addi %add3A_1541, %mul3A_1554 : vector<16xi32>
      %mul3A_1556 = vector.broadcast %add3A_275 : i32 to vector<16xi32>
      %mul3A_1557 = arith.muli %convert_element_type3A_1549, %mul3A_1556 : vector<16xi32>
      %add3A_1558 = arith.addi %add3A_1545, %mul3A_1557 : vector<16xi32>
      %eq3A_1559 = arith.constant 2 : i32
      %eq3A_1560 = vector.broadcast %eq3A_1559 : i32 to vector<16xi32>
      %eq3A_1561 = arith.cmpi eq, %add3A_1530, %eq3A_1560 : vector<16xi32>
      %convert_element_type3A_1562 = arith.extui %eq3A_1561 : vector<16xi1> to vector<16xi32>
      %mul3A_1563 = vector.broadcast %add3A_307 : i32 to vector<16xi32>
      %mul3A_1564 = arith.muli %convert_element_type3A_1562, %mul3A_1563 : vector<16xi32>
      %add3A_1565 = arith.addi %add3A_1552, %mul3A_1564 : vector<16xi32>
      %mul3A_1566 = vector.broadcast %add3A_82 : i32 to vector<16xi32>
      %mul3A_1567 = arith.muli %convert_element_type3A_1562, %mul3A_1566 : vector<16xi32>
      %add3A_1568 = arith.addi %add3A_1555, %mul3A_1567 : vector<16xi32>
      %mul3A_1569 = vector.broadcast %add3A_306 : i32 to vector<16xi32>
      %mul3A_1570 = arith.muli %convert_element_type3A_1562, %mul3A_1569 : vector<16xi32>
      %add3A_1571 = arith.addi %add3A_1558, %mul3A_1570 : vector<16xi32>
      %eq3A_1572 = arith.constant 3 : i32
      %eq3A_1573 = vector.broadcast %eq3A_1572 : i32 to vector<16xi32>
      %eq3A_1574 = arith.cmpi eq, %add3A_1530, %eq3A_1573 : vector<16xi32>
      %convert_element_type3A_1575 = arith.extui %eq3A_1574 : vector<16xi1> to vector<16xi32>
      %mul3A_1576 = vector.broadcast %add3A_337 : i32 to vector<16xi32>
      %mul3A_1577 = arith.muli %convert_element_type3A_1575, %mul3A_1576 : vector<16xi32>
      %add3A_1578 = arith.addi %add3A_1565, %mul3A_1577 : vector<16xi32>
      %mul3A_1579 = vector.broadcast %add3A_113 : i32 to vector<16xi32>
      %mul3A_1580 = arith.muli %convert_element_type3A_1575, %mul3A_1579 : vector<16xi32>
      %add3A_1581 = arith.addi %add3A_1568, %mul3A_1580 : vector<16xi32>
      %mul3A_1582 = vector.broadcast %add3A_336 : i32 to vector<16xi32>
      %mul3A_1583 = arith.muli %convert_element_type3A_1575, %mul3A_1582 : vector<16xi32>
      %add3A_1584 = arith.addi %add3A_1571, %mul3A_1583 : vector<16xi32>
      %eq3A_1585 = arith.constant 4 : i32
      %eq3A_1586 = vector.broadcast %eq3A_1585 : i32 to vector<16xi32>
      %eq3A_1587 = arith.cmpi eq, %add3A_1530, %eq3A_1586 : vector<16xi32>
      %convert_element_type3A_1588 = arith.extui %eq3A_1587 : vector<16xi1> to vector<16xi32>
      %mul3A_1589 = vector.broadcast %add3A_367 : i32 to vector<16xi32>
      %mul3A_1590 = arith.muli %convert_element_type3A_1588, %mul3A_1589 : vector<16xi32>
      %add3A_1591 = arith.addi %add3A_1578, %mul3A_1590 : vector<16xi32>
      %mul3A_1592 = vector.broadcast %add3A_144 : i32 to vector<16xi32>
      %mul3A_1593 = arith.muli %convert_element_type3A_1588, %mul3A_1592 : vector<16xi32>
      %add3A_1594 = arith.addi %add3A_1581, %mul3A_1593 : vector<16xi32>
      %mul3A_1595 = vector.broadcast %add3A_366 : i32 to vector<16xi32>
      %mul3A_1596 = arith.muli %convert_element_type3A_1588, %mul3A_1595 : vector<16xi32>
      %add3A_1597 = arith.addi %add3A_1584, %mul3A_1596 : vector<16xi32>
      %eq3A_1598 = arith.constant 5 : i32
      %eq3A_1599 = vector.broadcast %eq3A_1598 : i32 to vector<16xi32>
      %eq3A_1600 = arith.cmpi eq, %add3A_1530, %eq3A_1599 : vector<16xi32>
      %convert_element_type3A_1601 = arith.extui %eq3A_1600 : vector<16xi1> to vector<16xi32>
      %mul3A_1602 = vector.broadcast %add3A_397 : i32 to vector<16xi32>
      %mul3A_1603 = arith.muli %convert_element_type3A_1601, %mul3A_1602 : vector<16xi32>
      %add3A_1604 = arith.addi %add3A_1591, %mul3A_1603 : vector<16xi32>
      %mul3A_1605 = vector.broadcast %add3A_175 : i32 to vector<16xi32>
      %mul3A_1606 = arith.muli %convert_element_type3A_1601, %mul3A_1605 : vector<16xi32>
      %add3A_1607 = arith.addi %add3A_1594, %mul3A_1606 : vector<16xi32>
      %mul3A_1608 = vector.broadcast %add3A_396 : i32 to vector<16xi32>
      %mul3A_1609 = arith.muli %convert_element_type3A_1601, %mul3A_1608 : vector<16xi32>
      %add3A_1610 = arith.addi %add3A_1597, %mul3A_1609 : vector<16xi32>
      %eq3A_1611 = arith.constant 6 : i32
      %eq3A_1612 = vector.broadcast %eq3A_1611 : i32 to vector<16xi32>
      %eq3A_1613 = arith.cmpi eq, %add3A_1530, %eq3A_1612 : vector<16xi32>
      %convert_element_type3A_1614 = arith.extui %eq3A_1613 : vector<16xi1> to vector<16xi32>
      %mul3A_1615 = vector.broadcast %add3A_427 : i32 to vector<16xi32>
      %mul3A_1616 = arith.muli %convert_element_type3A_1614, %mul3A_1615 : vector<16xi32>
      %add3A_1617 = arith.addi %add3A_1604, %mul3A_1616 : vector<16xi32>
      %mul3A_1618 = vector.broadcast %add3A_206 : i32 to vector<16xi32>
      %mul3A_1619 = arith.muli %convert_element_type3A_1614, %mul3A_1618 : vector<16xi32>
      %add3A_1620 = arith.addi %add3A_1607, %mul3A_1619 : vector<16xi32>
      %mul3A_1621 = vector.broadcast %add3A_426 : i32 to vector<16xi32>
      %mul3A_1622 = arith.muli %convert_element_type3A_1614, %mul3A_1621 : vector<16xi32>
      %add3A_1623 = arith.addi %add3A_1610, %mul3A_1622 : vector<16xi32>
      %eq3A_1624 = arith.constant 7 : i32
      %eq3A_1625 = vector.broadcast %eq3A_1624 : i32 to vector<16xi32>
      %eq3A_1626 = arith.cmpi eq, %add3A_1530, %eq3A_1625 : vector<16xi32>
      %convert_element_type3A_1627 = arith.extui %eq3A_1626 : vector<16xi1> to vector<16xi32>
      %mul3A_1628 = vector.broadcast %add3A_457 : i32 to vector<16xi32>
      %mul3A_1629 = arith.muli %convert_element_type3A_1627, %mul3A_1628 : vector<16xi32>
      %add3A_1630 = arith.addi %add3A_1617, %mul3A_1629 : vector<16xi32>
      %mul3A_1631 = vector.broadcast %add3A_237 : i32 to vector<16xi32>
      %mul3A_1632 = arith.muli %convert_element_type3A_1627, %mul3A_1631 : vector<16xi32>
      %add3A_1633 = arith.addi %add3A_1620, %mul3A_1632 : vector<16xi32>
      %mul3A_1634 = vector.broadcast %add3A_456 : i32 to vector<16xi32>
      %mul3A_1635 = arith.muli %convert_element_type3A_1627, %mul3A_1634 : vector<16xi32>
      %add3A_1636 = arith.addi %add3A_1623, %mul3A_1635 : vector<16xi32>
      %sub3A_1637 = arith.subi %select_n3A_1431, %add3A_1630 : vector<16xi32>
      %mul3A_1638 = arith.constant 4 : i32
      %mul3A_1639 = vector.broadcast %mul3A_1638 : i32 to vector<16xi32>
      %mul3A_1640 = arith.muli %sub3A_1637, %mul3A_1639 : vector<16xi32>
      %jit3A_1641 = arith.constant 4 : i32
      %eq3A_1642 = arith.constant 0 : i32
      %eq3A_1643 = arith.cmpi eq, %jit3A_1641, %eq3A_1642 : i32
      %jit3A_1644 = arith.constant 1 : i32
      %select_n3A_1645 = arith.select %eq3A_1643, %jit3A_1644, %jit3A_1641 : i32
      %rem3A_1646 = vector.broadcast %select_n3A_1645 : i32 to vector<16xi32>
      %rem3A_1647 = arith.remsi %add3A_1400, %rem3A_1646 : vector<16xi32>
      %ne3A_1648 = arith.constant 0 : i32
      %ne3A_1649 = vector.broadcast %ne3A_1648 : i32 to vector<16xi32>
      %ne3A_1650 = arith.cmpi ne, %rem3A_1647, %ne3A_1649 : vector<16xi32>
      %lt3A_1651 = arith.constant 0 : i32
      %lt3A_1652 = vector.broadcast %lt3A_1651 : i32 to vector<16xi32>
      %lt3A_1653 = arith.cmpi slt, %rem3A_1647, %lt3A_1652 : vector<16xi32>
      %lt3A_1654 = arith.constant 0 : i32
      %lt3A_1655 = arith.cmpi slt, %select_n3A_1645, %lt3A_1654 : i32
      %ne3A_1656 = vector.broadcast %lt3A_1655 : i1 to vector<16xi1>
      %ne3A_1657 = vector.broadcast %ne3A_1656 : vector<16xi1> to vector<16xi1>
      %ne3A_1658 = arith.xori %lt3A_1653, %ne3A_1657 : vector<16xi1>
      %and3A_1659 = arith.andi %ne3A_1658, %ne3A_1650 : vector<16xi1>
      %add3A_1660 = vector.broadcast %select_n3A_1645 : i32 to vector<16xi32>
      %add3A_1661 = arith.addi %rem3A_1647, %add3A_1660 : vector<16xi32>
      %select_n3A_1662 = arith.select %and3A_1659, %add3A_1661, %rem3A_1647 : vector<16xi1>, vector<16xi32>
      %add3A_1663 = arith.addi %mul3A_1640, %select_n3A_1662 : vector<16xi32>
      %lt3A_1664 = arith.cmpi slt, %add3A_1663, %add3A_1633 : vector<16xi32>
      %convert_element_type3A_1665 = arith.extui %lt3A_1664 : vector<16xi1> to vector<16xi32>
      %add3A_1666 = arith.addi %add3A_1636, %add3A_1663 : vector<16xi32>
      %jit3A_1667 = arith.constant 0 : i32
      %jit3A_1668 = arith.constant 31 : i32
      %max3A_1669 = vector.broadcast %jit3A_1667 : i32 to vector<16xi32>
      %max3A_1670 = arith.maxsi %max3A_1669, %add3A_1666 : vector<16xi32>
      %min3A_1671 = vector.broadcast %jit3A_1668 : i32 to vector<16xi32>
      %min3A_1672 = arith.minsi %min3A_1671, %max3A_1670 : vector<16xi32>
      %gather3A_1673 = tpu.vector_load_idx %arg8[%min3A_1672] : memref<32xi32, #tpu.memory_space<vmem>>[vector<16xi32>], vector<16xi32>,
      %gather3A_1674 = tpu.vector_load_idx %arg7[%gather3A_1673] : memref<32xf32, #tpu.memory_space<vmem>>[vector<16xi32>], vector<16xf32>,
      %mul3A_1675 = arith.muli %gather3A_1673, %convert_element_type3A_1665 : vector<16xi32>
      %sub3A_1676 = arith.constant 1 : i32
      %sub3A_1677 = vector.broadcast %sub3A_1676 : i32 to vector<16xi32>
      %sub3A_1678 = arith.subi %sub3A_1677, %convert_element_type3A_1665 : vector<16xi32>
      %mul3A_1679 = arith.constant 32 : i32
      %mul3A_1680 = vector.broadcast %mul3A_1679 : i32 to vector<16xi32>
      %mul3A_1681 = arith.muli %sub3A_1678, %mul3A_1680 : vector<16xi32>
      %add3A_1682 = arith.addi %mul3A_1675, %mul3A_1681 : vector<16xi32>
      %swap3A_1683 = arith.constant 112 : index
      %swap3A_1684 = tpu.vector_load %arg9[%swap3A_1683] {strides = array<i32>} : memref<144xi32, #tpu.memory_space<vmem>>, vector<16xi32>,
      tpu.vector_store %arg9[%swap3A_1683], %add3A_1682 {strides = array<i32>} : memref<144xi32, #tpu.memory_space<vmem>>, vector<16xi32>,
      %jit3A_1685 = arith.constant 2 : i32
      %div3A_1686 = vector.broadcast %jit3A_1685 : i32 to vector<16xi32>
      %div3A_1687 = arith.divsi %gather3A_1673, %div3A_1686 : vector<16xi32>
      %sign3A_1688 = arith.constant 0 : i32
      %sign3A_1689 = vector.broadcast %sign3A_1688 : i32 to vector<16xi32>
      %sign3A_1690 = arith.cmpi sgt, %gather3A_1673, %sign3A_1689 : vector<16xi32>
      %sign3A_1691 = arith.extui %sign3A_1690 : vector<16xi1> to vector<16xi32>
      %sign3A_1692 = arith.constant 0 : i32
      %sign3A_1693 = vector.broadcast %sign3A_1692 : i32 to vector<16xi32>
      %sign3A_1694 = arith.cmpi slt, %gather3A_1673, %sign3A_1693 : vector<16xi32>
      %sign3A_1695 = arith.extui %sign3A_1694 : vector<16xi1> to vector<16xi32>
      %sign3A_1696 = arith.subi %sign3A_1691, %sign3A_1695 : vector<16xi32>
      %sign3A_1697 = arith.constant 0 : i32
      %sign3A_1698 = arith.cmpi sgt, %jit3A_1685, %sign3A_1697 : i32
      %sign3A_1699 = arith.extui %sign3A_1698 : i1 to i32
      %sign3A_1700 = arith.constant 0 : i32
      %sign3A_1701 = arith.cmpi slt, %jit3A_1685, %sign3A_1700 : i32
      %sign3A_1702 = arith.extui %sign3A_1701 : i1 to i32
      %sign3A_1703 = arith.subi %sign3A_1699, %sign3A_1702 : i32
      %ne3A_1704 = vector.broadcast %sign3A_1703 : i32 to vector<16xi32>
      %ne3A_1705 = arith.cmpi ne, %sign3A_1696, %ne3A_1704 : vector<16xi32>
      %rem3A_1706 = vector.broadcast %jit3A_1685 : i32 to vector<16xi32>
      %rem3A_1707 = arith.remsi %gather3A_1673, %rem3A_1706 : vector<16xi32>
      %ne3A_1708 = arith.constant 0 : i32
      %ne3A_1709 = vector.broadcast %ne3A_1708 : i32 to vector<16xi32>
      %ne3A_1710 = arith.cmpi ne, %rem3A_1707, %ne3A_1709 : vector<16xi32>
      %and3A_1711 = arith.andi %ne3A_1705, %ne3A_1710 : vector<16xi1>
      %sub3A_1712 = arith.constant 1 : i32
      %sub3A_1713 = vector.broadcast %sub3A_1712 : i32 to vector<16xi32>
      %sub3A_1714 = arith.subi %div3A_1687, %sub3A_1713 : vector<16xi32>
      %select_n3A_1715 = arith.select %and3A_1711, %sub3A_1714, %div3A_1687 : vector<16xi1>, vector<16xi32>
      %mul3A_1716 = arith.muli %select_n3A_1715, %convert_element_type3A_1665 : vector<16xi32>
      %swap3A_1717 = arith.constant 48 : index
      %swap3A_1718 = tpu.vector_load %arg9[%swap3A_1717] {strides = array<i32>} : memref<144xi32, #tpu.memory_space<vmem>>, vector<16xi32>,
      tpu.vector_store %arg9[%swap3A_1717], %mul3A_1716 {strides = array<i32>} : memref<144xi32, #tpu.memory_space<vmem>>, vector<16xi32>,
      %convert_element_type3A_1719 = arith.sitofp %convert_element_type3A_1665 : vector<16xi32> to vector<16xf32>
      %mul3A_1720 = arith.mulf %gather3A_1674, %convert_element_type3A_1719 : vector<16xf32>
      %swap3A_1721 = arith.constant 32 : index
      %swap3A_1722 = tpu.vector_load %arg10[%swap3A_1721] {strides = array<i32>} : memref<64xf32, #tpu.memory_space<vmem>>, vector<16xf32>,
      tpu.vector_store %arg10[%swap3A_1721], %mul3A_1720 {strides = array<i32>} : memref<64xf32, #tpu.memory_space<vmem>>, vector<16xf32>,
      %add3A_1723 = arith.constant 48 : i32
      %add3A_1724 = vector.broadcast %add3A_1723 : i32 to vector<16xi32>
      %add3A_1725 = arith.addi %iota3A, %add3A_1724 : vector<16xi32>
      %jit3A_1726 = arith.constant 4 : i32
      %div3A_1727 = vector.broadcast %jit3A_1726 : i32 to vector<16xi32>
      %div3A_1728 = arith.divsi %add3A_1725, %div3A_1727 : vector<16xi32>
      %sign3A_1729 = arith.constant 0 : i32
      %sign3A_1730 = vector.broadcast %sign3A_1729 : i32 to vector<16xi32>
      %sign3A_1731 = arith.cmpi sgt, %add3A_1725, %sign3A_1730 : vector<16xi32>
      %sign3A_1732 = arith.extui %sign3A_1731 : vector<16xi1> to vector<16xi32>
      %sign3A_1733 = arith.constant 0 : i32
      %sign3A_1734 = vector.broadcast %sign3A_1733 : i32 to vector<16xi32>
      %sign3A_1735 = arith.cmpi slt, %add3A_1725, %sign3A_1734 : vector<16xi32>
      %sign3A_1736 = arith.extui %sign3A_1735 : vector<16xi1> to vector<16xi32>
      %sign3A_1737 = arith.subi %sign3A_1732, %sign3A_1736 : vector<16xi32>
      %sign3A_1738 = arith.constant 0 : i32
      %sign3A_1739 = arith.cmpi sgt, %jit3A_1726, %sign3A_1738 : i32
      %sign3A_1740 = arith.extui %sign3A_1739 : i1 to i32
      %sign3A_1741 = arith.constant 0 : i32
      %sign3A_1742 = arith.cmpi slt, %jit3A_1726, %sign3A_1741 : i32
      %sign3A_1743 = arith.extui %sign3A_1742 : i1 to i32
      %sign3A_1744 = arith.subi %sign3A_1740, %sign3A_1743 : i32
      %ne3A_1745 = vector.broadcast %sign3A_1744 : i32 to vector<16xi32>
      %ne3A_1746 = arith.cmpi ne, %sign3A_1737, %ne3A_1745 : vector<16xi32>
      %rem3A_1747 = vector.broadcast %jit3A_1726 : i32 to vector<16xi32>
      %rem3A_1748 = arith.remsi %add3A_1725, %rem3A_1747 : vector<16xi32>
      %ne3A_1749 = arith.constant 0 : i32
      %ne3A_1750 = vector.broadcast %ne3A_1749 : i32 to vector<16xi32>
      %ne3A_1751 = arith.cmpi ne, %rem3A_1748, %ne3A_1750 : vector<16xi32>
      %and3A_1752 = arith.andi %ne3A_1746, %ne3A_1751 : vector<16xi1>
      %sub3A_1753 = arith.constant 1 : i32
      %sub3A_1754 = vector.broadcast %sub3A_1753 : i32 to vector<16xi32>
      %sub3A_1755 = arith.subi %div3A_1728, %sub3A_1754 : vector<16xi32>
      %select_n3A_1756 = arith.select %and3A_1752, %sub3A_1755, %div3A_1728 : vector<16xi1>, vector<16xi32>
      %mul3A_1757 = arith.constant 0 : i32
      %mul3A_1758 = vector.broadcast %mul3A_1757 : i32 to vector<16xi32>
      %mul3A_1759 = arith.muli %select_n3A_1756, %mul3A_1758 : vector<16xi32>
      %ge3A_1760 = arith.constant 0 : i32
      %ge3A_1761 = vector.broadcast %ge3A_1760 : i32 to vector<16xi32>
      %ge3A_1762 = arith.cmpi sge, %select_n3A_1756, %ge3A_1761 : vector<16xi32>
      %add3A_1763 = arith.constant 0 : i32
      %add3A_1764 = arith.addi %add3A_1763, %select_n3A : i32
      %lt3A_1765 = vector.broadcast %add3A_1764 : i32 to vector<16xi32>
      %lt3A_1766 = arith.cmpi slt, %select_n3A_1756, %lt3A_1765 : vector<16xi32>
      %and3A_1767 = arith.andi %ge3A_1762, %lt3A_1766 : vector<16xi1>
      %convert_element_type3A_1768 = arith.extui %and3A_1767 : vector<16xi1> to vector<16xi32>
      %mul3A_1769 = arith.constant 0 : i32
      %mul3A_1770 = vector.broadcast %mul3A_1769 : i32 to vector<16xi32>
      %mul3A_1771 = arith.muli %convert_element_type3A_1768, %mul3A_1770 : vector<16xi32>
      %add3A_1772 = arith.addi %mul3A_1759, %mul3A_1771 : vector<16xi32>
      %ge3A_1773 = vector.broadcast %add3A_277 : i32 to vector<16xi32>
      %ge3A_1774 = arith.cmpi sge, %select_n3A_1756, %ge3A_1773 : vector<16xi32>
      %add3A_1775 = arith.addi %add3A_277, %select_n3A_305 : i32
      %lt3A_1776 = vector.broadcast %add3A_1775 : i32 to vector<16xi32>
      %lt3A_1777 = arith.cmpi slt, %select_n3A_1756, %lt3A_1776 : vector<16xi32>
      %and3A_1778 = arith.andi %ge3A_1774, %lt3A_1777 : vector<16xi1>
      %convert_element_type3A_1779 = arith.extui %and3A_1778 : vector<16xi1> to vector<16xi32>
      %mul3A_1780 = arith.constant 1 : i32
      %mul3A_1781 = vector.broadcast %mul3A_1780 : i32 to vector<16xi32>
      %mul3A_1782 = arith.muli %convert_element_type3A_1779, %mul3A_1781 : vector<16xi32>
      %add3A_1783 = arith.addi %add3A_1772, %mul3A_1782 : vector<16xi32>
      %ge3A_1784 = vector.broadcast %add3A_307 : i32 to vector<16xi32>
      %ge3A_1785 = arith.cmpi sge, %select_n3A_1756, %ge3A_1784 : vector<16xi32>
      %add3A_1786 = arith.addi %add3A_307, %select_n3A_335 : i32
      %lt3A_1787 = vector.broadcast %add3A_1786 : i32 to vector<16xi32>
      %lt3A_1788 = arith.cmpi slt, %select_n3A_1756, %lt3A_1787 : vector<16xi32>
      %and3A_1789 = arith.andi %ge3A_1785, %lt3A_1788 : vector<16xi1>
      %convert_element_type3A_1790 = arith.extui %and3A_1789 : vector<16xi1> to vector<16xi32>
      %mul3A_1791 = arith.constant 2 : i32
      %mul3A_1792 = vector.broadcast %mul3A_1791 : i32 to vector<16xi32>
      %mul3A_1793 = arith.muli %convert_element_type3A_1790, %mul3A_1792 : vector<16xi32>
      %add3A_1794 = arith.addi %add3A_1783, %mul3A_1793 : vector<16xi32>
      %ge3A_1795 = vector.broadcast %add3A_337 : i32 to vector<16xi32>
      %ge3A_1796 = arith.cmpi sge, %select_n3A_1756, %ge3A_1795 : vector<16xi32>
      %add3A_1797 = arith.addi %add3A_337, %select_n3A_365 : i32
      %lt3A_1798 = vector.broadcast %add3A_1797 : i32 to vector<16xi32>
      %lt3A_1799 = arith.cmpi slt, %select_n3A_1756, %lt3A_1798 : vector<16xi32>
      %and3A_1800 = arith.andi %ge3A_1796, %lt3A_1799 : vector<16xi1>
      %convert_element_type3A_1801 = arith.extui %and3A_1800 : vector<16xi1> to vector<16xi32>
      %mul3A_1802 = arith.constant 3 : i32
      %mul3A_1803 = vector.broadcast %mul3A_1802 : i32 to vector<16xi32>
      %mul3A_1804 = arith.muli %convert_element_type3A_1801, %mul3A_1803 : vector<16xi32>
      %add3A_1805 = arith.addi %add3A_1794, %mul3A_1804 : vector<16xi32>
      %ge3A_1806 = vector.broadcast %add3A_367 : i32 to vector<16xi32>
      %ge3A_1807 = arith.cmpi sge, %select_n3A_1756, %ge3A_1806 : vector<16xi32>
      %add3A_1808 = arith.addi %add3A_367, %select_n3A_395 : i32
      %lt3A_1809 = vector.broadcast %add3A_1808 : i32 to vector<16xi32>
      %lt3A_1810 = arith.cmpi slt, %select_n3A_1756, %lt3A_1809 : vector<16xi32>
      %and3A_1811 = arith.andi %ge3A_1807, %lt3A_1810 : vector<16xi1>
      %convert_element_type3A_1812 = arith.extui %and3A_1811 : vector<16xi1> to vector<16xi32>
      %mul3A_1813 = arith.constant 4 : i32
      %mul3A_1814 = vector.broadcast %mul3A_1813 : i32 to vector<16xi32>
      %mul3A_1815 = arith.muli %convert_element_type3A_1812, %mul3A_1814 : vector<16xi32>
      %add3A_1816 = arith.addi %add3A_1805, %mul3A_1815 : vector<16xi32>
      %ge3A_1817 = vector.broadcast %add3A_397 : i32 to vector<16xi32>
      %ge3A_1818 = arith.cmpi sge, %select_n3A_1756, %ge3A_1817 : vector<16xi32>
      %add3A_1819 = arith.addi %add3A_397, %select_n3A_425 : i32
      %lt3A_1820 = vector.broadcast %add3A_1819 : i32 to vector<16xi32>
      %lt3A_1821 = arith.cmpi slt, %select_n3A_1756, %lt3A_1820 : vector<16xi32>
      %and3A_1822 = arith.andi %ge3A_1818, %lt3A_1821 : vector<16xi1>
      %convert_element_type3A_1823 = arith.extui %and3A_1822 : vector<16xi1> to vector<16xi32>
      %mul3A_1824 = arith.constant 5 : i32
      %mul3A_1825 = vector.broadcast %mul3A_1824 : i32 to vector<16xi32>
      %mul3A_1826 = arith.muli %convert_element_type3A_1823, %mul3A_1825 : vector<16xi32>
      %add3A_1827 = arith.addi %add3A_1816, %mul3A_1826 : vector<16xi32>
      %ge3A_1828 = vector.broadcast %add3A_427 : i32 to vector<16xi32>
      %ge3A_1829 = arith.cmpi sge, %select_n3A_1756, %ge3A_1828 : vector<16xi32>
      %add3A_1830 = arith.addi %add3A_427, %select_n3A_455 : i32
      %lt3A_1831 = vector.broadcast %add3A_1830 : i32 to vector<16xi32>
      %lt3A_1832 = arith.cmpi slt, %select_n3A_1756, %lt3A_1831 : vector<16xi32>
      %and3A_1833 = arith.andi %ge3A_1829, %lt3A_1832 : vector<16xi1>
      %convert_element_type3A_1834 = arith.extui %and3A_1833 : vector<16xi1> to vector<16xi32>
      %mul3A_1835 = arith.constant 6 : i32
      %mul3A_1836 = vector.broadcast %mul3A_1835 : i32 to vector<16xi32>
      %mul3A_1837 = arith.muli %convert_element_type3A_1834, %mul3A_1836 : vector<16xi32>
      %add3A_1838 = arith.addi %add3A_1827, %mul3A_1837 : vector<16xi32>
      %ge3A_1839 = vector.broadcast %add3A_457 : i32 to vector<16xi32>
      %ge3A_1840 = arith.cmpi sge, %select_n3A_1756, %ge3A_1839 : vector<16xi32>
      %add3A_1841 = arith.addi %add3A_457, %select_n3A_485 : i32
      %lt3A_1842 = vector.broadcast %add3A_1841 : i32 to vector<16xi32>
      %lt3A_1843 = arith.cmpi slt, %select_n3A_1756, %lt3A_1842 : vector<16xi32>
      %and3A_1844 = arith.andi %ge3A_1840, %lt3A_1843 : vector<16xi1>
      %convert_element_type3A_1845 = arith.extui %and3A_1844 : vector<16xi1> to vector<16xi32>
      %mul3A_1846 = arith.constant 7 : i32
      %mul3A_1847 = vector.broadcast %mul3A_1846 : i32 to vector<16xi32>
      %mul3A_1848 = arith.muli %convert_element_type3A_1845, %mul3A_1847 : vector<16xi32>
      %add3A_1849 = arith.addi %add3A_1838, %mul3A_1848 : vector<16xi32>
      %ge3A_1850 = vector.broadcast %add3A_487 : i32 to vector<16xi32>
      %ge3A_1851 = arith.cmpi sge, %select_n3A_1756, %ge3A_1850 : vector<16xi32>
      %convert_element_type3A_1852 = arith.extui %ge3A_1851 : vector<16xi1> to vector<16xi32>
      %mul3A_1853 = vector.broadcast %select_n3A_519 : i32 to vector<16xi32>
      %mul3A_1854 = arith.muli %convert_element_type3A_1852, %mul3A_1853 : vector<16xi32>
      %add3A_1855 = arith.addi %add3A_1849, %mul3A_1854 : vector<16xi32>
      %eq3A_1856 = arith.constant 0 : i32
      %eq3A_1857 = vector.broadcast %eq3A_1856 : i32 to vector<16xi32>
      %eq3A_1858 = arith.cmpi eq, %add3A_1855, %eq3A_1857 : vector<16xi32>
      %convert_element_type3A_1859 = arith.extui %eq3A_1858 : vector<16xi1> to vector<16xi32>
      %mul3A_1860 = arith.constant 0 : i32
      %mul3A_1861 = vector.broadcast %mul3A_1860 : i32 to vector<16xi32>
      %mul3A_1862 = arith.muli %convert_element_type3A_1859, %mul3A_1861 : vector<16xi32>
      %add3A_1863 = arith.addi %mul3A_8, %mul3A_1862 : vector<16xi32>
      %mul3A_1864 = vector.broadcast %add3A : i32 to vector<16xi32>
      %mul3A_1865 = arith.muli %convert_element_type3A_1859, %mul3A_1864 : vector<16xi32>
      %add3A_1866 = arith.addi %mul3A_8, %mul3A_1865 : vector<16xi32>
      %mul3A_1867 = arith.constant 0 : i32
      %mul3A_1868 = vector.broadcast %mul3A_1867 : i32 to vector<16xi32>
      %mul3A_1869 = arith.muli %convert_element_type3A_1859, %mul3A_1868 : vector<16xi32>
      %add3A_1870 = arith.addi %mul3A_8, %mul3A_1869 : vector<16xi32>
      %eq3A_1871 = arith.constant 1 : i32
      %eq3A_1872 = vector.broadcast %eq3A_1871 : i32 to vector<16xi32>
      %eq3A_1873 = arith.cmpi eq, %add3A_1855, %eq3A_1872 : vector<16xi32>
      %convert_element_type3A_1874 = arith.extui %eq3A_1873 : vector<16xi1> to vector<16xi32>
      %mul3A_1875 = vector.broadcast %add3A_277 : i32 to vector<16xi32>
      %mul3A_1876 = arith.muli %convert_element_type3A_1874, %mul3A_1875 : vector<16xi32>
      %add3A_1877 = arith.addi %add3A_1863, %mul3A_1876 : vector<16xi32>
      %mul3A_1878 = vector.broadcast %add3A_51 : i32 to vector<16xi32>
      %mul3A_1879 = arith.muli %convert_element_type3A_1874, %mul3A_1878 : vector<16xi32>
      %add3A_1880 = arith.addi %add3A_1866, %mul3A_1879 : vector<16xi32>
      %mul3A_1881 = vector.broadcast %add3A_275 : i32 to vector<16xi32>
      %mul3A_1882 = arith.muli %convert_element_type3A_1874, %mul3A_1881 : vector<16xi32>
      %add3A_1883 = arith.addi %add3A_1870, %mul3A_1882 : vector<16xi32>
      %eq3A_1884 = arith.constant 2 : i32
      %eq3A_1885 = vector.broadcast %eq3A_1884 : i32 to vector<16xi32>
      %eq3A_1886 = arith.cmpi eq, %add3A_1855, %eq3A_1885 : vector<16xi32>
      %convert_element_type3A_1887 = arith.extui %eq3A_1886 : vector<16xi1> to vector<16xi32>
      %mul3A_1888 = vector.broadcast %add3A_307 : i32 to vector<16xi32>
      %mul3A_1889 = arith.muli %convert_element_type3A_1887, %mul3A_1888 : vector<16xi32>
      %add3A_1890 = arith.addi %add3A_1877, %mul3A_1889 : vector<16xi32>
      %mul3A_1891 = vector.broadcast %add3A_82 : i32 to vector<16xi32>
      %mul3A_1892 = arith.muli %convert_element_type3A_1887, %mul3A_1891 : vector<16xi32>
      %add3A_1893 = arith.addi %add3A_1880, %mul3A_1892 : vector<16xi32>
      %mul3A_1894 = vector.broadcast %add3A_306 : i32 to vector<16xi32>
      %mul3A_1895 = arith.muli %convert_element_type3A_1887, %mul3A_1894 : vector<16xi32>
      %add3A_1896 = arith.addi %add3A_1883, %mul3A_1895 : vector<16xi32>
      %eq3A_1897 = arith.constant 3 : i32
      %eq3A_1898 = vector.broadcast %eq3A_1897 : i32 to vector<16xi32>
      %eq3A_1899 = arith.cmpi eq, %add3A_1855, %eq3A_1898 : vector<16xi32>
      %convert_element_type3A_1900 = arith.extui %eq3A_1899 : vector<16xi1> to vector<16xi32>
      %mul3A_1901 = vector.broadcast %add3A_337 : i32 to vector<16xi32>
      %mul3A_1902 = arith.muli %convert_element_type3A_1900, %mul3A_1901 : vector<16xi32>
      %add3A_1903 = arith.addi %add3A_1890, %mul3A_1902 : vector<16xi32>
      %mul3A_1904 = vector.broadcast %add3A_113 : i32 to vector<16xi32>
      %mul3A_1905 = arith.muli %convert_element_type3A_1900, %mul3A_1904 : vector<16xi32>
      %add3A_1906 = arith.addi %add3A_1893, %mul3A_1905 : vector<16xi32>
      %mul3A_1907 = vector.broadcast %add3A_336 : i32 to vector<16xi32>
      %mul3A_1908 = arith.muli %convert_element_type3A_1900, %mul3A_1907 : vector<16xi32>
      %add3A_1909 = arith.addi %add3A_1896, %mul3A_1908 : vector<16xi32>
      %eq3A_1910 = arith.constant 4 : i32
      %eq3A_1911 = vector.broadcast %eq3A_1910 : i32 to vector<16xi32>
      %eq3A_1912 = arith.cmpi eq, %add3A_1855, %eq3A_1911 : vector<16xi32>
      %convert_element_type3A_1913 = arith.extui %eq3A_1912 : vector<16xi1> to vector<16xi32>
      %mul3A_1914 = vector.broadcast %add3A_367 : i32 to vector<16xi32>
      %mul3A_1915 = arith.muli %convert_element_type3A_1913, %mul3A_1914 : vector<16xi32>
      %add3A_1916 = arith.addi %add3A_1903, %mul3A_1915 : vector<16xi32>
      %mul3A_1917 = vector.broadcast %add3A_144 : i32 to vector<16xi32>
      %mul3A_1918 = arith.muli %convert_element_type3A_1913, %mul3A_1917 : vector<16xi32>
      %add3A_1919 = arith.addi %add3A_1906, %mul3A_1918 : vector<16xi32>
      %mul3A_1920 = vector.broadcast %add3A_366 : i32 to vector<16xi32>
      %mul3A_1921 = arith.muli %convert_element_type3A_1913, %mul3A_1920 : vector<16xi32>
      %add3A_1922 = arith.addi %add3A_1909, %mul3A_1921 : vector<16xi32>
      %eq3A_1923 = arith.constant 5 : i32
      %eq3A_1924 = vector.broadcast %eq3A_1923 : i32 to vector<16xi32>
      %eq3A_1925 = arith.cmpi eq, %add3A_1855, %eq3A_1924 : vector<16xi32>
      %convert_element_type3A_1926 = arith.extui %eq3A_1925 : vector<16xi1> to vector<16xi32>
      %mul3A_1927 = vector.broadcast %add3A_397 : i32 to vector<16xi32>
      %mul3A_1928 = arith.muli %convert_element_type3A_1926, %mul3A_1927 : vector<16xi32>
      %add3A_1929 = arith.addi %add3A_1916, %mul3A_1928 : vector<16xi32>
      %mul3A_1930 = vector.broadcast %add3A_175 : i32 to vector<16xi32>
      %mul3A_1931 = arith.muli %convert_element_type3A_1926, %mul3A_1930 : vector<16xi32>
      %add3A_1932 = arith.addi %add3A_1919, %mul3A_1931 : vector<16xi32>
      %mul3A_1933 = vector.broadcast %add3A_396 : i32 to vector<16xi32>
      %mul3A_1934 = arith.muli %convert_element_type3A_1926, %mul3A_1933 : vector<16xi32>
      %add3A_1935 = arith.addi %add3A_1922, %mul3A_1934 : vector<16xi32>
      %eq3A_1936 = arith.constant 6 : i32
      %eq3A_1937 = vector.broadcast %eq3A_1936 : i32 to vector<16xi32>
      %eq3A_1938 = arith.cmpi eq, %add3A_1855, %eq3A_1937 : vector<16xi32>
      %convert_element_type3A_1939 = arith.extui %eq3A_1938 : vector<16xi1> to vector<16xi32>
      %mul3A_1940 = vector.broadcast %add3A_427 : i32 to vector<16xi32>
      %mul3A_1941 = arith.muli %convert_element_type3A_1939, %mul3A_1940 : vector<16xi32>
      %add3A_1942 = arith.addi %add3A_1929, %mul3A_1941 : vector<16xi32>
      %mul3A_1943 = vector.broadcast %add3A_206 : i32 to vector<16xi32>
      %mul3A_1944 = arith.muli %convert_element_type3A_1939, %mul3A_1943 : vector<16xi32>
      %add3A_1945 = arith.addi %add3A_1932, %mul3A_1944 : vector<16xi32>
      %mul3A_1946 = vector.broadcast %add3A_426 : i32 to vector<16xi32>
      %mul3A_1947 = arith.muli %convert_element_type3A_1939, %mul3A_1946 : vector<16xi32>
      %add3A_1948 = arith.addi %add3A_1935, %mul3A_1947 : vector<16xi32>
      %eq3A_1949 = arith.constant 7 : i32
      %eq3A_1950 = vector.broadcast %eq3A_1949 : i32 to vector<16xi32>
      %eq3A_1951 = arith.cmpi eq, %add3A_1855, %eq3A_1950 : vector<16xi32>
      %convert_element_type3A_1952 = arith.extui %eq3A_1951 : vector<16xi1> to vector<16xi32>
      %mul3A_1953 = vector.broadcast %add3A_457 : i32 to vector<16xi32>
      %mul3A_1954 = arith.muli %convert_element_type3A_1952, %mul3A_1953 : vector<16xi32>
      %add3A_1955 = arith.addi %add3A_1942, %mul3A_1954 : vector<16xi32>
      %mul3A_1956 = vector.broadcast %add3A_237 : i32 to vector<16xi32>
      %mul3A_1957 = arith.muli %convert_element_type3A_1952, %mul3A_1956 : vector<16xi32>
      %add3A_1958 = arith.addi %add3A_1945, %mul3A_1957 : vector<16xi32>
      %mul3A_1959 = vector.broadcast %add3A_456 : i32 to vector<16xi32>
      %mul3A_1960 = arith.muli %convert_element_type3A_1952, %mul3A_1959 : vector<16xi32>
      %add3A_1961 = arith.addi %add3A_1948, %mul3A_1960 : vector<16xi32>
      %sub3A_1962 = arith.subi %select_n3A_1756, %add3A_1955 : vector<16xi32>
      %mul3A_1963 = arith.constant 4 : i32
      %mul3A_1964 = vector.broadcast %mul3A_1963 : i32 to vector<16xi32>
      %mul3A_1965 = arith.muli %sub3A_1962, %mul3A_1964 : vector<16xi32>
      %jit3A_1966 = arith.constant 4 : i32
      %eq3A_1967 = arith.constant 0 : i32
      %eq3A_1968 = arith.cmpi eq, %jit3A_1966, %eq3A_1967 : i32
      %jit3A_1969 = arith.constant 1 : i32
      %select_n3A_1970 = arith.select %eq3A_1968, %jit3A_1969, %jit3A_1966 : i32
      %rem3A_1971 = vector.broadcast %select_n3A_1970 : i32 to vector<16xi32>
      %rem3A_1972 = arith.remsi %add3A_1725, %rem3A_1971 : vector<16xi32>
      %ne3A_1973 = arith.constant 0 : i32
      %ne3A_1974 = vector.broadcast %ne3A_1973 : i32 to vector<16xi32>
      %ne3A_1975 = arith.cmpi ne, %rem3A_1972, %ne3A_1974 : vector<16xi32>
      %lt3A_1976 = arith.constant 0 : i32
      %lt3A_1977 = vector.broadcast %lt3A_1976 : i32 to vector<16xi32>
      %lt3A_1978 = arith.cmpi slt, %rem3A_1972, %lt3A_1977 : vector<16xi32>
      %lt3A_1979 = arith.constant 0 : i32
      %lt3A_1980 = arith.cmpi slt, %select_n3A_1970, %lt3A_1979 : i32
      %ne3A_1981 = vector.broadcast %lt3A_1980 : i1 to vector<16xi1>
      %ne3A_1982 = vector.broadcast %ne3A_1981 : vector<16xi1> to vector<16xi1>
      %ne3A_1983 = arith.xori %lt3A_1978, %ne3A_1982 : vector<16xi1>
      %and3A_1984 = arith.andi %ne3A_1983, %ne3A_1975 : vector<16xi1>
      %add3A_1985 = vector.broadcast %select_n3A_1970 : i32 to vector<16xi32>
      %add3A_1986 = arith.addi %rem3A_1972, %add3A_1985 : vector<16xi32>
      %select_n3A_1987 = arith.select %and3A_1984, %add3A_1986, %rem3A_1972 : vector<16xi1>, vector<16xi32>
      %add3A_1988 = arith.addi %mul3A_1965, %select_n3A_1987 : vector<16xi32>
      %lt3A_1989 = arith.cmpi slt, %add3A_1988, %add3A_1958 : vector<16xi32>
      %convert_element_type3A_1990 = arith.extui %lt3A_1989 : vector<16xi1> to vector<16xi32>
      %add3A_1991 = arith.addi %add3A_1961, %add3A_1988 : vector<16xi32>
      %jit3A_1992 = arith.constant 0 : i32
      %jit3A_1993 = arith.constant 31 : i32
      %max3A_1994 = vector.broadcast %jit3A_1992 : i32 to vector<16xi32>
      %max3A_1995 = arith.maxsi %max3A_1994, %add3A_1991 : vector<16xi32>
      %min3A_1996 = vector.broadcast %jit3A_1993 : i32 to vector<16xi32>
      %min3A_1997 = arith.minsi %min3A_1996, %max3A_1995 : vector<16xi32>
      %gather3A_1998 = tpu.vector_load_idx %arg8[%min3A_1997] : memref<32xi32, #tpu.memory_space<vmem>>[vector<16xi32>], vector<16xi32>,
      %gather3A_1999 = tpu.vector_load_idx %arg7[%gather3A_1998] : memref<32xf32, #tpu.memory_space<vmem>>[vector<16xi32>], vector<16xf32>,
      %mul3A_2000 = arith.muli %gather3A_1998, %convert_element_type3A_1990 : vector<16xi32>
      %sub3A_2001 = arith.constant 1 : i32
      %sub3A_2002 = vector.broadcast %sub3A_2001 : i32 to vector<16xi32>
      %sub3A_2003 = arith.subi %sub3A_2002, %convert_element_type3A_1990 : vector<16xi32>
      %mul3A_2004 = arith.constant 32 : i32
      %mul3A_2005 = vector.broadcast %mul3A_2004 : i32 to vector<16xi32>
      %mul3A_2006 = arith.muli %sub3A_2003, %mul3A_2005 : vector<16xi32>
      %add3A_2007 = arith.addi %mul3A_2000, %mul3A_2006 : vector<16xi32>
      %swap3A_2008 = arith.constant 128 : index
      %swap3A_2009 = tpu.vector_load %arg9[%swap3A_2008] {strides = array<i32>} : memref<144xi32, #tpu.memory_space<vmem>>, vector<16xi32>,
      tpu.vector_store %arg9[%swap3A_2008], %add3A_2007 {strides = array<i32>} : memref<144xi32, #tpu.memory_space<vmem>>, vector<16xi32>,
      %jit3A_2010 = arith.constant 2 : i32
      %div3A_2011 = vector.broadcast %jit3A_2010 : i32 to vector<16xi32>
      %div3A_2012 = arith.divsi %gather3A_1998, %div3A_2011 : vector<16xi32>
      %sign3A_2013 = arith.constant 0 : i32
      %sign3A_2014 = vector.broadcast %sign3A_2013 : i32 to vector<16xi32>
      %sign3A_2015 = arith.cmpi sgt, %gather3A_1998, %sign3A_2014 : vector<16xi32>
      %sign3A_2016 = arith.extui %sign3A_2015 : vector<16xi1> to vector<16xi32>
      %sign3A_2017 = arith.constant 0 : i32
      %sign3A_2018 = vector.broadcast %sign3A_2017 : i32 to vector<16xi32>
      %sign3A_2019 = arith.cmpi slt, %gather3A_1998, %sign3A_2018 : vector<16xi32>
      %sign3A_2020 = arith.extui %sign3A_2019 : vector<16xi1> to vector<16xi32>
      %sign3A_2021 = arith.subi %sign3A_2016, %sign3A_2020 : vector<16xi32>
      %sign3A_2022 = arith.constant 0 : i32
      %sign3A_2023 = arith.cmpi sgt, %jit3A_2010, %sign3A_2022 : i32
      %sign3A_2024 = arith.extui %sign3A_2023 : i1 to i32
      %sign3A_2025 = arith.constant 0 : i32
      %sign3A_2026 = arith.cmpi slt, %jit3A_2010, %sign3A_2025 : i32
      %sign3A_2027 = arith.extui %sign3A_2026 : i1 to i32
      %sign3A_2028 = arith.subi %sign3A_2024, %sign3A_2027 : i32
      %ne3A_2029 = vector.broadcast %sign3A_2028 : i32 to vector<16xi32>
      %ne3A_2030 = arith.cmpi ne, %sign3A_2021, %ne3A_2029 : vector<16xi32>
      %rem3A_2031 = vector.broadcast %jit3A_2010 : i32 to vector<16xi32>
      %rem3A_2032 = arith.remsi %gather3A_1998, %rem3A_2031 : vector<16xi32>
      %ne3A_2033 = arith.constant 0 : i32
      %ne3A_2034 = vector.broadcast %ne3A_2033 : i32 to vector<16xi32>
      %ne3A_2035 = arith.cmpi ne, %rem3A_2032, %ne3A_2034 : vector<16xi32>
      %and3A_2036 = arith.andi %ne3A_2030, %ne3A_2035 : vector<16xi1>
      %sub3A_2037 = arith.constant 1 : i32
      %sub3A_2038 = vector.broadcast %sub3A_2037 : i32 to vector<16xi32>
      %sub3A_2039 = arith.subi %div3A_2012, %sub3A_2038 : vector<16xi32>
      %select_n3A_2040 = arith.select %and3A_2036, %sub3A_2039, %div3A_2012 : vector<16xi1>, vector<16xi32>
      %mul3A_2041 = arith.muli %select_n3A_2040, %convert_element_type3A_1990 : vector<16xi32>
      %swap3A_2042 = arith.constant 64 : index
      %swap3A_2043 = tpu.vector_load %arg9[%swap3A_2042] {strides = array<i32>} : memref<144xi32, #tpu.memory_space<vmem>>, vector<16xi32>,
      tpu.vector_store %arg9[%swap3A_2042], %mul3A_2041 {strides = array<i32>} : memref<144xi32, #tpu.memory_space<vmem>>, vector<16xi32>,
      %convert_element_type3A_2044 = arith.sitofp %convert_element_type3A_1990 : vector<16xi32> to vector<16xf32>
      %mul3A_2045 = arith.mulf %gather3A_1999, %convert_element_type3A_2044 : vector<16xf32>
      %swap3A_2046 = arith.constant 48 : index
      %swap3A_2047 = tpu.vector_load %arg10[%swap3A_2046] {strides = array<i32>} : memref<64xf32, #tpu.memory_space<vmem>>, vector<16xf32>,
      tpu.vector_store %arg10[%swap3A_2046], %mul3A_2045 {strides = array<i32>} : memref<64xf32, #tpu.memory_space<vmem>>, vector<16xf32>,
      tpu.enqueue_dma source(%arg9 : memref<144xi32, #tpu.memory_space<vmem>>) target(%arg4 : memref<144xi32, #tpu.memory_space<hbm>>) target_semaphore(%arg11 : memref<!tpu.dma_semaphore, #tpu.memory_space<semaphore_mem>>)
      tpu.enqueue_dma source(%arg10 : memref<64xf32, #tpu.memory_space<vmem>>) target(%arg5 : memref<64xf32, #tpu.memory_space<hbm>>) target_semaphore(%arg12 : memref<!tpu.dma_semaphore, #tpu.memory_space<semaphore_mem>>)
      tpu.wait_dma2 semaphore(%arg11 : memref<!tpu.dma_semaphore, #tpu.memory_space<semaphore_mem>>) src(%arg9 : memref<144xi32, #tpu.memory_space<vmem>>) dst(%arg4 : memref<144xi32, #tpu.memory_space<hbm>>)
      tpu.wait_dma2 semaphore(%arg12 : memref<!tpu.dma_semaphore, #tpu.memory_space<semaphore_mem>>) src(%arg10 : memref<64xf32, #tpu.memory_space<vmem>>) dst(%arg5 : memref<64xf32, #tpu.memory_space<hbm>>)
    } else {
    }
    return
  }
}

module attributes {stable_mosaic.version = 14 : i64} {
  func.func @_gate_kernel(%arg0: memref<16x32x768xf32, #tpu.memory_space<vmem>>, %arg1: memref<8x768xf32, #tpu.memory_space<vmem>>, %arg2: memref<16x8xf32, #tpu.memory_space<vmem>>, %arg3: memref<16x2xf32, #tpu.memory_space<vmem>>, %arg4: memref<16x2xi32, #tpu.memory_space<vmem>>, %arg5: memref<1x1xf32, #tpu.memory_space<vmem>>) attributes {dimension_semantics = [], scalar_prefetch = 0 : i64, scratch_operands = 0 : i64, tpu.core_type = #tpu.core_type<tc>} {
    %get3A = arith.constant 0 : index
    %get3A_0 = arith.constant 0 : index
    %get3A_1 = arith.constant 0 : index
    %get3A_2 = vector.load %arg0[%get3A, %get3A_0, %get3A_1] : memref<16x32x768xf32, #tpu.memory_space<vmem>>, vector<16x32x768xf32>
    %reduce_sum3A = arith.constant dense<0.000000e+00> : vector<16x768xf32>
    %reduce_sum3A_3 = vector.multi_reduction <add>, %get3A_2, %reduce_sum3A [1] : vector<16x32x768xf32> to vector<16x768xf32>
    %div3A = arith.constant 3.200000e+01 : f32
    %div3A_4 = vector.broadcast %div3A : f32 to vector<16x768xf32>
    %div3A_5 = arith.divf %reduce_sum3A_3, %div3A_4 : vector<16x768xf32>
    %get3A_6 = arith.constant 0 : index
    %get3A_7 = arith.constant 0 : index
    %get3A_8 = vector.load %arg1[%get3A_6, %get3A_7] : memref<8x768xf32, #tpu.memory_space<vmem>>, vector<8x768xf32>
    %dot_general3A = arith.constant dense<0.000000e+00> : vector<16x8xf32>
    %dot_general3A_9 = tpu.matmul %div3A_5, %get3A_8, %dot_general3A {dimension_numbers = #tpu.dot_dimension_numbers<[1], [1], [0], [0], [0, 0, 1, 0], [], []>, transpose_lhs_hint = false} : vector<16x768xf32>, vector<8x768xf32>, vector<16x8xf32> -> vector<16x8xf32>
    %reduce_max3A = arith.constant dense<0xFF800000> : vector<16xf32>
    %reduce_max3A_10 = vector.multi_reduction <maximumf>, %dot_general3A_9, %reduce_max3A [1] : vector<16x8xf32> to vector<16xf32>
    %max3A = arith.constant 0xFF800000 : f32
    %max3A_11 = vector.broadcast %max3A : f32 to vector<16xf32>
    %max3A_12 = arith.maximumf %max3A_11, %reduce_max3A_10 : vector<16xf32>
    %broadcast_in_dim3A = vector.shape_cast %max3A_12 : vector<16xf32> to vector<16x1xf32>
    %sub3A = vector.broadcast %broadcast_in_dim3A : vector<16x1xf32> to vector<16x8xf32>
    %sub3A_13 = arith.subf %dot_general3A_9, %sub3A : vector<16x8xf32>
    %exp3A = math.exp %sub3A_13 : vector<16x8xf32>
    %reduce_sum3A_14 = arith.constant dense<0.000000e+00> : vector<16xf32>
    %reduce_sum3A_15 = vector.multi_reduction <add>, %exp3A, %reduce_sum3A_14 [1] : vector<16x8xf32> to vector<16xf32>
    %broadcast_in_dim3A_16 = vector.shape_cast %reduce_sum3A_15 : vector<16xf32> to vector<16x1xf32>
    %div3A_17 = vector.broadcast %broadcast_in_dim3A_16 : vector<16x1xf32> to vector<16x8xf32>
    %div3A_18 = arith.divf %exp3A, %div3A_17 : vector<16x8xf32>
    %swap3A = arith.constant 0 : index
    %swap3A_19 = arith.constant 0 : index
    %swap3A_20 = vector.load %arg2[%swap3A, %swap3A_19] : memref<16x8xf32, #tpu.memory_space<vmem>>, vector<16x8xf32>
    tpu.vector_store %arg2[%swap3A, %swap3A_19], %div3A_18 {strides = array<i32>} : memref<16x8xf32, #tpu.memory_space<vmem>>, vector<16x8xf32>,
    %iota3A = tpu.iota {dimensions = array<i32: 1>} : vector<16x8xi32>
    %argmax3A = tpu.reduce_index %div3A_18 {axis = 1 : i32, kind = #tpu.reduction_kind<arg_max>} : vector<16x8xf32> -> vector<16xi32>
    %reduce_max3A_21 = arith.constant dense<0xFF800000> : vector<16xf32>
    %reduce_max3A_22 = vector.multi_reduction <maximumf>, %div3A_18, %reduce_max3A_21 [1] : vector<16x8xf32> to vector<16xf32>
    %broadcast_in_dim3A_23 = vector.shape_cast %argmax3A : vector<16xi32> to vector<16x1xi32>
    %eq3A = vector.broadcast %broadcast_in_dim3A_23 : vector<16x1xi32> to vector<16x8xi32>
    %eq3A_24 = arith.cmpi eq, %iota3A, %eq3A : vector<16x8xi32>
    %jit3A = arith.constant 0xFF800000 : f32
    %broadcast_in_dim3A_25 = vector.broadcast %jit3A : f32 to vector<16x8xf32>
    %select_n3A = arith.select %eq3A_24, %broadcast_in_dim3A_25, %div3A_18 : vector<16x8xi1>, vector<16x8xf32>
    %argmax3A_26 = tpu.reduce_index %select_n3A {axis = 1 : i32, kind = #tpu.reduction_kind<arg_max>} : vector<16x8xf32> -> vector<16xi32>
    %reduce_max3A_27 = arith.constant dense<0xFF800000> : vector<16xf32>
    %reduce_max3A_28 = vector.multi_reduction <maximumf>, %select_n3A, %reduce_max3A_27 [1] : vector<16x8xf32> to vector<16xf32>
    %broadcast_in_dim3A_29 = vector.shape_cast %reduce_max3A_22 : vector<16xf32> to vector<16x1xf32>
    %broadcast_in_dim3A_30 = vector.shape_cast %reduce_max3A_28 : vector<16xf32> to vector<16x1xf32>
    %concatenate3A = tpu.concatenate %broadcast_in_dim3A_29, %broadcast_in_dim3A_30 in 1 : vector<16x1xf32>, vector<16x1xf32> -> vector<16x2xf32>
    %swap3A_31 = arith.constant 0 : index
    %swap3A_32 = arith.constant 0 : index
    %swap3A_33 = vector.load %arg3[%swap3A_31, %swap3A_32] : memref<16x2xf32, #tpu.memory_space<vmem>>, vector<16x2xf32>
    tpu.vector_store %arg3[%swap3A_31, %swap3A_32], %concatenate3A {strides = array<i32>} : memref<16x2xf32, #tpu.memory_space<vmem>>, vector<16x2xf32>,
    %broadcast_in_dim3A_34 = vector.shape_cast %argmax3A : vector<16xi32> to vector<16x1xi32>
    %broadcast_in_dim3A_35 = vector.shape_cast %argmax3A_26 : vector<16xi32> to vector<16x1xi32>
    %concatenate3A_36 = tpu.concatenate %broadcast_in_dim3A_34, %broadcast_in_dim3A_35 in 1 : vector<16x1xi32>, vector<16x1xi32> -> vector<16x2xi32>
    %swap3A_37 = arith.constant 0 : index
    %swap3A_38 = arith.constant 0 : index
    %swap3A_39 = vector.load %arg4[%swap3A_37, %swap3A_38] : memref<16x2xi32, #tpu.memory_space<vmem>>, vector<16x2xi32>
    tpu.vector_store %arg4[%swap3A_37, %swap3A_38], %concatenate3A_36 {strides = array<i32>} : memref<16x2xi32, #tpu.memory_space<vmem>>, vector<16x2xi32>,
    %reduce_sum3A_40 = arith.constant dense<0.000000e+00> : vector<8xf32>
    %reduce_sum3A_41 = vector.multi_reduction <add>, %div3A_18, %reduce_sum3A_40 [0] : vector<16x8xf32> to vector<8xf32>
    %broadcast_in_dim3A_42 = vector.shape_cast %reduce_sum3A_41 : vector<8xf32> to vector<1x8xf32>
    %reduce_sum3A_43 = vector.shape_cast %broadcast_in_dim3A_42 : vector<1x8xf32> to vector<1x1x8xf32>
    %reduce_sum3A_44 = arith.constant dense<0.000000e+00> : vector<1xf32>
    %reduce_sum3A_45 = vector.multi_reduction <add>, %reduce_sum3A_43, %reduce_sum3A_44 [1, 2] : vector<1x1x8xf32> to vector<1xf32>
    %reduce_sum3A_46 = vector.shape_cast %reduce_sum3A_45 : vector<1xf32> to vector<1x1x1xf32>
    %reduce_sum3A_47 = vector.extract %reduce_sum3A_46[0, 0, 0] : f32 from vector<1x1x1xf32>
    %div3A_48 = arith.constant 8.000000e+00 : f32
    %div3A_49 = arith.divf %reduce_sum3A_47, %div3A_48 : f32
    %sub3A_50 = vector.broadcast %div3A_49 : f32 to vector<1x8xf32>
    %sub3A_51 = arith.subf %broadcast_in_dim3A_42, %sub3A_50 : vector<1x8xf32>
    %integer_pow3A = arith.mulf %sub3A_51, %sub3A_51 : vector<1x8xf32>
    %reduce_sum3A_52 = vector.shape_cast %integer_pow3A : vector<1x8xf32> to vector<1x1x8xf32>
    %reduce_sum3A_53 = arith.constant dense<0.000000e+00> : vector<1xf32>
    %reduce_sum3A_54 = vector.multi_reduction <add>, %reduce_sum3A_52, %reduce_sum3A_53 [1, 2] : vector<1x1x8xf32> to vector<1xf32>
    %reduce_sum3A_55 = vector.shape_cast %reduce_sum3A_54 : vector<1xf32> to vector<1x1x1xf32>
    %reduce_sum3A_56 = vector.extract %reduce_sum3A_55[0, 0, 0] : f32 from vector<1x1x1xf32>
    %div3A_57 = arith.constant 7.000000e+00 : f32
    %div3A_58 = arith.divf %reduce_sum3A_56, %div3A_57 : f32
    %mul3A = arith.mulf %div3A_49, %div3A_49 : f32
    %div3A_59 = arith.divf %div3A_58, %mul3A : f32
    %reshape3A = vector.broadcast %div3A_59 : f32 to vector<1x1xf32>
    %swap3A_60 = arith.constant 0 : index
    %swap3A_61 = arith.constant 0 : index
    %swap3A_62 = vector.load %arg5[%swap3A_60, %swap3A_61] : memref<1x1xf32, #tpu.memory_space<vmem>>, vector<1x1xf32>
    tpu.vector_store %arg5[%swap3A_60, %swap3A_61], %reshape3A {strides = array<i32>} : memref<1x1xf32, #tpu.memory_space<vmem>>, vector<1x1xf32>,
    return
  }
}

module attributes {stable_mosaic.version = 14 : i64} {
  func.func @_ffn_kernel(%arg0: i32, %arg1: i32, %arg2: memref<144xi32, #tpu.memory_space<smem>>, %arg3: memref<64xf32, #tpu.memory_space<smem>>, %arg4: memref<16x32x768xf32, #tpu.memory_space<vmem>>, %arg5: memref<1x1536x768xf32, #tpu.memory_space<vmem>>, %arg6: memref<1x1x1536xf32, #tpu.memory_space<vmem>>, %arg7: memref<1x768x1536xf32, #tpu.memory_space<vmem>>, %arg8: memref<1x1x768xf32, #tpu.memory_space<vmem>>, %arg9: memref<32x32x768xf32, #tpu.memory_space<vmem>>, %arg10: memref<14x128x768xbf16, #tpu.memory_space<vmem>>) attributes {dimension_semantics = [#tpu.dimension_semantics<arbitrary>, #tpu.dimension_semantics<arbitrary>], iteration_bounds = array<i64: 2, 8>, scalar_prefetch = 2 : i64, scratch_operands = 1 : i64, tpu.core_type = #tpu.core_type<tc>, window_params = [{pipeline_mode = #tpu.pipeline_mode<synchronous>, transform_indices = @transform_0, window_bounds = array<i64: 16, 32, 768>}, {transform_indices = @transform_1, window_bounds = array<i64: 1, 1536, 768>}, {transform_indices = @transform_2, window_bounds = array<i64: 1, 1, 1536>}, {transform_indices = @transform_3, window_bounds = array<i64: 1, 768, 1536>}, {transform_indices = @transform_4, window_bounds = array<i64: 1, 1, 768>}, {pipeline_mode = #tpu.pipeline_mode<synchronous>, transform_indices = @transform_5, window_bounds = array<i64: 32, 32, 768>}]} {
    %add3A = arith.constant 0 : i32
    %add3A_0 = arith.addi %add3A, %arg1 : i32
    %get3A = arith.index_cast %add3A_0 : i32 to index
    %get3A_1 = memref.load %arg2[%get3A] : memref<144xi32, #tpu.memory_space<smem>>
    %add3A_2 = arith.constant 8 : i32
    %add3A_3 = arith.addi %add3A_2, %arg1 : i32
    %get3A_4 = arith.index_cast %add3A_3 : i32 to index
    %get3A_5 = memref.load %arg2[%get3A_4] : memref<144xi32, #tpu.memory_space<smem>>
    %get3A_6 = arith.constant 0 : index
    %get3A_7 = arith.constant 0 : index
    %get3A_8 = arith.constant 0 : index
    %get3A_9 = vector.load %arg5[%get3A_6, %get3A_7, %get3A_8] : memref<1x1536x768xf32, #tpu.memory_space<vmem>>, vector<1x1536x768xf32>
    %get3A_10 = vector.shape_cast %get3A_9 : vector<1x1536x768xf32> to vector<1536x768xf32>
    %convert_element_type3A = arith.truncf %get3A_10 : vector<1536x768xf32> to vector<1536x768xbf16>
    %get3A_11 = arith.constant 0 : index
    %get3A_12 = arith.constant 0 : index
    %get3A_13 = arith.constant 0 : index
    %get3A_14 = vector.load %arg7[%get3A_11, %get3A_12, %get3A_13] : memref<1x768x1536xf32, #tpu.memory_space<vmem>>, vector<1x768x1536xf32>
    %get3A_15 = vector.shape_cast %get3A_14 : vector<1x768x1536xf32> to vector<768x1536xf32>
    %convert_element_type3A_16 = arith.truncf %get3A_15 : vector<768x1536xf32> to vector<768x1536xbf16>
    %gt3A = arith.constant 0 : i32
    %gt3A_17 = arith.cmpi sgt, %get3A_5, %gt3A : i32
    %convert_element_type3A_18 = arith.extui %gt3A_17 : i1 to i32
    %cond3A = arith.constant 0 : i32
    %cond3A_19 = arith.cmpi ne, %convert_element_type3A_18, %cond3A : i32
    scf.if %cond3A_19 {
      %add3A_35 = arith.constant 0 : i32
      %add3A_36 = arith.addi %get3A_1, %add3A_35 : i32
      %eq3A = arith.constant 0 : i32
      %eq3A_37 = arith.cmpi eq, %arg0, %eq3A : i32
      %convert_element_type3A_38 = arith.extui %eq3A_37 : i1 to i32
      %cond3A_39 = arith.constant 0 : i32
      %cond3A_40 = arith.cmpi ne, %convert_element_type3A_38, %cond3A_39 : i32
      scf.if %cond3A_40 {
        %mul3A_164 = arith.constant 4 : i32
        %mul3A_165 = arith.muli %mul3A_164, %add3A_36 : i32
        %add3A_166 = arith.constant 16 : i32
        %add3A_167 = arith.addi %add3A_166, %mul3A_165 : i32
        %add3A_168 = arith.constant 0 : i32
        %add3A_169 = arith.addi %add3A_167, %add3A_168 : i32
        %get3A_170 = arith.index_cast %add3A_169 : i32 to index
        %get3A_171 = memref.load %arg2[%get3A_170] : memref<144xi32, #tpu.memory_space<smem>>
        %get3A_172 = arith.index_cast %get3A_171 : i32 to index
        %get3A_173 = arith.constant 0 : index
        %get3A_174 = arith.constant 0 : index
        %get3A_175 = vector.load %arg4[%get3A_172, %get3A_173, %get3A_174] : memref<16x32x768xf32, #tpu.memory_space<vmem>>, vector<1x32x768xf32>
        %get3A_176 = vector.shape_cast %get3A_175 : vector<1x32x768xf32> to vector<32x768xf32>
        %mul3A_177 = arith.constant 4 : i32
        %mul3A_178 = arith.muli %mul3A_177, %add3A_36 : i32
        %add3A_179 = arith.constant 16 : i32
        %add3A_180 = arith.addi %add3A_179, %mul3A_178 : i32
        %add3A_181 = arith.constant 1 : i32
        %add3A_182 = arith.addi %add3A_180, %add3A_181 : i32
        %get3A_183 = arith.index_cast %add3A_182 : i32 to index
        %get3A_184 = memref.load %arg2[%get3A_183] : memref<144xi32, #tpu.memory_space<smem>>
        %get3A_185 = arith.index_cast %get3A_184 : i32 to index
        %get3A_186 = arith.constant 0 : index
        %get3A_187 = arith.constant 0 : index
        %get3A_188 = vector.load %arg4[%get3A_185, %get3A_186, %get3A_187] : memref<16x32x768xf32, #tpu.memory_space<vmem>>, vector<1x32x768xf32>
        %get3A_189 = vector.shape_cast %get3A_188 : vector<1x32x768xf32> to vector<32x768xf32>
        %mul3A_190 = arith.constant 4 : i32
        %mul3A_191 = arith.muli %mul3A_190, %add3A_36 : i32
        %add3A_192 = arith.constant 16 : i32
        %add3A_193 = arith.addi %add3A_192, %mul3A_191 : i32
        %add3A_194 = arith.constant 2 : i32
        %add3A_195 = arith.addi %add3A_193, %add3A_194 : i32
        %get3A_196 = arith.index_cast %add3A_195 : i32 to index
        %get3A_197 = memref.load %arg2[%get3A_196] : memref<144xi32, #tpu.memory_space<smem>>
        %get3A_198 = arith.index_cast %get3A_197 : i32 to index
        %get3A_199 = arith.constant 0 : index
        %get3A_200 = arith.constant 0 : index
        %get3A_201 = vector.load %arg4[%get3A_198, %get3A_199, %get3A_200] : memref<16x32x768xf32, #tpu.memory_space<vmem>>, vector<1x32x768xf32>
        %get3A_202 = vector.shape_cast %get3A_201 : vector<1x32x768xf32> to vector<32x768xf32>
        %mul3A_203 = arith.constant 4 : i32
        %mul3A_204 = arith.muli %mul3A_203, %add3A_36 : i32
        %add3A_205 = arith.constant 16 : i32
        %add3A_206 = arith.addi %add3A_205, %mul3A_204 : i32
        %add3A_207 = arith.constant 3 : i32
        %add3A_208 = arith.addi %add3A_206, %add3A_207 : i32
        %get3A_209 = arith.index_cast %add3A_208 : i32 to index
        %get3A_210 = memref.load %arg2[%get3A_209] : memref<144xi32, #tpu.memory_space<smem>>
        %get3A_211 = arith.index_cast %get3A_210 : i32 to index
        %get3A_212 = arith.constant 0 : index
        %get3A_213 = arith.constant 0 : index
        %get3A_214 = vector.load %arg4[%get3A_211, %get3A_212, %get3A_213] : memref<16x32x768xf32, #tpu.memory_space<vmem>>, vector<1x32x768xf32>
        %get3A_215 = vector.shape_cast %get3A_214 : vector<1x32x768xf32> to vector<32x768xf32>
        %concatenate3A = tpu.concatenate %get3A_176, %get3A_189, %get3A_202, %get3A_215 in 0 : vector<32x768xf32>, vector<32x768xf32>, vector<32x768xf32>, vector<32x768xf32> -> vector<128x768xf32>
        %convert_element_type3A_216 = arith.truncf %concatenate3A : vector<128x768xf32> to vector<128x768xbf16>
        %swap3A = arith.index_cast %add3A_36 : i32 to index
        %swap3A_217 = arith.constant 0 : index
        %swap3A_218 = arith.constant 0 : index
        %swap3A_219 = vector.load %arg10[%swap3A, %swap3A_217, %swap3A_218] : memref<14x128x768xbf16, #tpu.memory_space<vmem>>, vector<1x128x768xbf16>
        %swap3A_220 = vector.shape_cast %swap3A_219 : vector<1x128x768xbf16> to vector<128x768xbf16>
        %swap3A_221 = vector.shape_cast %convert_element_type3A_216 : vector<128x768xbf16> to vector<1x128x768xbf16>
        tpu.vector_store %arg10[%swap3A, %swap3A_217, %swap3A_218], %swap3A_221 {strides = array<i32>} : memref<14x128x768xbf16, #tpu.memory_space<vmem>>, vector<1x128x768xbf16>,
      } else {
      }
      %get3A_41 = arith.index_cast %add3A_36 : i32 to index
      %get3A_42 = arith.constant 0 : index
      %get3A_43 = arith.constant 0 : index
      %get3A_44 = vector.load %arg10[%get3A_41, %get3A_42, %get3A_43] : memref<14x128x768xbf16, #tpu.memory_space<vmem>>, vector<1x128x768xbf16>
      %get3A_45 = vector.shape_cast %get3A_44 : vector<1x128x768xbf16> to vector<128x768xbf16>
      %dot_general3A = arith.constant dense<0.000000e+00> : vector<128x1536xf32>
      %dot_general3A_46 = tpu.matmul %get3A_45, %convert_element_type3A, %dot_general3A {dimension_numbers = #tpu.dot_dimension_numbers<[1], [1], [0], [0], [0, 0, 1, 0], [], []>, transpose_lhs_hint = false} : vector<128x768xbf16>, vector<1536x768xbf16>, vector<128x1536xf32> -> vector<128x1536xf32>
      %get3A_47 = arith.constant 0 : index
      %get3A_48 = arith.constant 0 : index
      %get3A_49 = arith.constant 0 : index
      %get3A_50 = vector.load %arg6[%get3A_47, %get3A_48, %get3A_49] : memref<1x1x1536xf32, #tpu.memory_space<vmem>>, vector<1x1x1536xf32>
      %get3A_51 = vector.shape_cast %get3A_50 : vector<1x1x1536xf32> to vector<1536xf32>
      %broadcast_in_dim3A = vector.shape_cast %get3A_51 : vector<1536xf32> to vector<1x1536xf32>
      %add3A_52 = vector.broadcast %broadcast_in_dim3A : vector<1x1536xf32> to vector<128x1536xf32>
      %add3A_53 = arith.addf %dot_general3A_46, %add3A_52 : vector<128x1536xf32>
      %integer_pow3A = arith.mulf %add3A_53, %add3A_53 : vector<128x1536xf32>
      %integer_pow3A_54 = arith.mulf %add3A_53, %integer_pow3A : vector<128x1536xf32>
      %mul3A = arith.constant 4.471500e-02 : f32
      %mul3A_55 = vector.broadcast %mul3A : f32 to vector<128x1536xf32>
      %mul3A_56 = arith.mulf %mul3A_55, %integer_pow3A_54 : vector<128x1536xf32>
      %add3A_57 = arith.addf %add3A_53, %mul3A_56 : vector<128x1536xf32>
      %mul3A_58 = arith.constant 0.797884583 : f32
      %mul3A_59 = vector.broadcast %mul3A_58 : f32 to vector<128x1536xf32>
      %mul3A_60 = arith.mulf %mul3A_59, %add3A_57 : vector<128x1536xf32>
      %tanh3A = math.tanh %mul3A_60 : vector<128x1536xf32>
      %add3A_61 = arith.constant 1.000000e+00 : f32
      %add3A_62 = vector.broadcast %add3A_61 : f32 to vector<128x1536xf32>
      %add3A_63 = arith.addf %add3A_62, %tanh3A : vector<128x1536xf32>
      %mul3A_64 = arith.constant 5.000000e-01 : f32
      %mul3A_65 = vector.broadcast %mul3A_64 : f32 to vector<128x1536xf32>
      %mul3A_66 = arith.mulf %mul3A_65, %add3A_63 : vector<128x1536xf32>
      %mul3A_67 = arith.mulf %add3A_53, %mul3A_66 : vector<128x1536xf32>
      %convert_element_type3A_68 = arith.truncf %mul3A_67 : vector<128x1536xf32> to vector<128x1536xbf16>
      %dot_general3A_69 = arith.constant dense<0.000000e+00> : vector<128x768xf32>
      %dot_general3A_70 = tpu.matmul %convert_element_type3A_68, %convert_element_type3A_16, %dot_general3A_69 {dimension_numbers = #tpu.dot_dimension_numbers<[1], [1], [0], [0], [0, 0, 1, 0], [], []>, transpose_lhs_hint = false} : vector<128x1536xbf16>, vector<768x1536xbf16>, vector<128x768xf32> -> vector<128x768xf32>
      %mul3A_71 = arith.constant 4 : i32
      %mul3A_72 = arith.muli %mul3A_71, %add3A_36 : i32
      %add3A_73 = arith.constant 0 : i32
      %add3A_74 = arith.addi %mul3A_72, %add3A_73 : i32
      %add3A_75 = arith.constant 80 : i32
      %add3A_76 = arith.addi %add3A_75, %add3A_74 : i32
      %get3A_77 = arith.index_cast %add3A_76 : i32 to index
      %get3A_78 = memref.load %arg2[%get3A_77] : memref<144xi32, #tpu.memory_space<smem>>
      %lt3A = arith.constant 32 : i32
      %lt3A_79 = arith.cmpi slt, %get3A_78, %lt3A : i32
      %eq3A_80 = arith.constant 0 : i32
      %eq3A_81 = arith.cmpi eq, %arg0, %eq3A_80 : i32
      %and3A = arith.andi %lt3A_79, %eq3A_81 : i1
      %convert_element_type3A_82 = arith.extui %and3A : i1 to i32
      %cond3A_83 = arith.constant 0 : i32
      %cond3A_84 = arith.cmpi ne, %convert_element_type3A_82, %cond3A_83 : i32
      scf.if %cond3A_84 {
        %get3A_164 = arith.index_cast %add3A_74 : i32 to index
        %get3A_165 = memref.load %arg3[%get3A_164] : memref<64xf32, #tpu.memory_space<smem>>
        %slice3A = vector.extract_strided_slice %dot_general3A_70 {offsets = [0, 0], sizes = [32, 768], strides = [1, 1]} : vector<128x768xf32> to vector<32x768xf32>
        %get3A_166 = arith.constant 0 : index
        %get3A_167 = arith.constant 0 : index
        %get3A_168 = arith.constant 0 : index
        %get3A_169 = vector.load %arg8[%get3A_166, %get3A_167, %get3A_168] : memref<1x1x768xf32, #tpu.memory_space<vmem>>, vector<1x1x768xf32>
        %get3A_170 = vector.shape_cast %get3A_169 : vector<1x1x768xf32> to vector<768xf32>
        %broadcast_in_dim3A_171 = vector.shape_cast %get3A_170 : vector<768xf32> to vector<1x768xf32>
        %add3A_172 = vector.broadcast %broadcast_in_dim3A_171 : vector<1x768xf32> to vector<32x768xf32>
        %add3A_173 = arith.addf %slice3A, %add3A_172 : vector<32x768xf32>
        %mul3A_174 = vector.broadcast %get3A_165 : f32 to vector<32x768xf32>
        %mul3A_175 = arith.mulf %mul3A_174, %add3A_173 : vector<32x768xf32>
        %swap3A = arith.index_cast %get3A_78 : i32 to index
        %swap3A_176 = arith.constant 0 : index
        %swap3A_177 = arith.constant 0 : index
        %swap3A_178 = vector.load %arg9[%swap3A, %swap3A_176, %swap3A_177] : memref<32x32x768xf32, #tpu.memory_space<vmem>>, vector<1x32x768xf32>
        %swap3A_179 = vector.shape_cast %swap3A_178 : vector<1x32x768xf32> to vector<32x768xf32>
        %swap3A_180 = vector.shape_cast %mul3A_175 : vector<32x768xf32> to vector<1x32x768xf32>
        tpu.vector_store %arg9[%swap3A, %swap3A_176, %swap3A_177], %swap3A_180 {strides = array<i32>} : memref<32x32x768xf32, #tpu.memory_space<vmem>>, vector<1x32x768xf32>,
      } else {
      }
      %lt3A_85 = arith.constant 32 : i32
      %lt3A_86 = arith.cmpi slt, %get3A_78, %lt3A_85 : i32
      %ne3A = arith.constant 0 : i32
      %ne3A_87 = arith.cmpi ne, %arg0, %ne3A : i32
      %and3A_88 = arith.andi %lt3A_86, %ne3A_87 : i1
      %convert_element_type3A_89 = arith.extui %and3A_88 : i1 to i32
      %cond3A_90 = arith.constant 0 : i32
      %cond3A_91 = arith.cmpi ne, %convert_element_type3A_89, %cond3A_90 : i32
      scf.if %cond3A_91 {
        %get3A_164 = arith.index_cast %get3A_78 : i32 to index
        %get3A_165 = arith.constant 0 : index
        %get3A_166 = arith.constant 0 : index
        %get3A_167 = vector.load %arg9[%get3A_164, %get3A_165, %get3A_166] : memref<32x32x768xf32, #tpu.memory_space<vmem>>, vector<1x32x768xf32>
        %get3A_168 = vector.shape_cast %get3A_167 : vector<1x32x768xf32> to vector<32x768xf32>
        %get3A_169 = arith.index_cast %add3A_74 : i32 to index
        %get3A_170 = memref.load %arg3[%get3A_169] : memref<64xf32, #tpu.memory_space<smem>>
        %slice3A = vector.extract_strided_slice %dot_general3A_70 {offsets = [0, 0], sizes = [32, 768], strides = [1, 1]} : vector<128x768xf32> to vector<32x768xf32>
        %mul3A_171 = vector.broadcast %get3A_170 : f32 to vector<32x768xf32>
        %mul3A_172 = arith.mulf %mul3A_171, %slice3A : vector<32x768xf32>
        %add3A_173 = arith.addf %get3A_168, %mul3A_172 : vector<32x768xf32>
        %swap3A = arith.index_cast %get3A_78 : i32 to index
        %swap3A_174 = arith.constant 0 : index
        %swap3A_175 = arith.constant 0 : index
        %swap3A_176 = vector.load %arg9[%swap3A, %swap3A_174, %swap3A_175] : memref<32x32x768xf32, #tpu.memory_space<vmem>>, vector<1x32x768xf32>
        %swap3A_177 = vector.shape_cast %swap3A_176 : vector<1x32x768xf32> to vector<32x768xf32>
        %swap3A_178 = vector.shape_cast %add3A_173 : vector<32x768xf32> to vector<1x32x768xf32>
        tpu.vector_store %arg9[%swap3A, %swap3A_174, %swap3A_175], %swap3A_178 {strides = array<i32>} : memref<32x32x768xf32, #tpu.memory_space<vmem>>, vector<1x32x768xf32>,
      } else {
      }
      %mul3A_92 = arith.constant 4 : i32
      %mul3A_93 = arith.muli %mul3A_92, %add3A_36 : i32
      %add3A_94 = arith.constant 1 : i32
      %add3A_95 = arith.addi %mul3A_93, %add3A_94 : i32
      %add3A_96 = arith.constant 80 : i32
      %add3A_97 = arith.addi %add3A_96, %add3A_95 : i32
      %get3A_98 = arith.index_cast %add3A_97 : i32 to index
      %get3A_99 = memref.load %arg2[%get3A_98] : memref<144xi32, #tpu.memory_space<smem>>
      %lt3A_100 = arith.constant 32 : i32
      %lt3A_101 = arith.cmpi slt, %get3A_99, %lt3A_100 : i32
      %eq3A_102 = arith.constant 0 : i32
      %eq3A_103 = arith.cmpi eq, %arg0, %eq3A_102 : i32
      %and3A_104 = arith.andi %lt3A_101, %eq3A_103 : i1
      %convert_element_type3A_105 = arith.extui %and3A_104 : i1 to i32
      %cond3A_106 = arith.constant 0 : i32
      %cond3A_107 = arith.cmpi ne, %convert_element_type3A_105, %cond3A_106 : i32
      scf.if %cond3A_107 {
        %get3A_164 = arith.index_cast %add3A_95 : i32 to index
        %get3A_165 = memref.load %arg3[%get3A_164] : memref<64xf32, #tpu.memory_space<smem>>
        %slice3A = vector.extract_strided_slice %dot_general3A_70 {offsets = [32, 0], sizes = [32, 768], strides = [1, 1]} : vector<128x768xf32> to vector<32x768xf32>
        %get3A_166 = arith.constant 0 : index
        %get3A_167 = arith.constant 0 : index
        %get3A_168 = arith.constant 0 : index
        %get3A_169 = vector.load %arg8[%get3A_166, %get3A_167, %get3A_168] : memref<1x1x768xf32, #tpu.memory_space<vmem>>, vector<1x1x768xf32>
        %get3A_170 = vector.shape_cast %get3A_169 : vector<1x1x768xf32> to vector<768xf32>
        %broadcast_in_dim3A_171 = vector.shape_cast %get3A_170 : vector<768xf32> to vector<1x768xf32>
        %add3A_172 = vector.broadcast %broadcast_in_dim3A_171 : vector<1x768xf32> to vector<32x768xf32>
        %add3A_173 = arith.addf %slice3A, %add3A_172 : vector<32x768xf32>
        %mul3A_174 = vector.broadcast %get3A_165 : f32 to vector<32x768xf32>
        %mul3A_175 = arith.mulf %mul3A_174, %add3A_173 : vector<32x768xf32>
        %swap3A = arith.index_cast %get3A_99 : i32 to index
        %swap3A_176 = arith.constant 0 : index
        %swap3A_177 = arith.constant 0 : index
        %swap3A_178 = vector.load %arg9[%swap3A, %swap3A_176, %swap3A_177] : memref<32x32x768xf32, #tpu.memory_space<vmem>>, vector<1x32x768xf32>
        %swap3A_179 = vector.shape_cast %swap3A_178 : vector<1x32x768xf32> to vector<32x768xf32>
        %swap3A_180 = vector.shape_cast %mul3A_175 : vector<32x768xf32> to vector<1x32x768xf32>
        tpu.vector_store %arg9[%swap3A, %swap3A_176, %swap3A_177], %swap3A_180 {strides = array<i32>} : memref<32x32x768xf32, #tpu.memory_space<vmem>>, vector<1x32x768xf32>,
      } else {
      }
      %lt3A_108 = arith.constant 32 : i32
      %lt3A_109 = arith.cmpi slt, %get3A_99, %lt3A_108 : i32
      %ne3A_110 = arith.constant 0 : i32
      %ne3A_111 = arith.cmpi ne, %arg0, %ne3A_110 : i32
      %and3A_112 = arith.andi %lt3A_109, %ne3A_111 : i1
      %convert_element_type3A_113 = arith.extui %and3A_112 : i1 to i32
      %cond3A_114 = arith.constant 0 : i32
      %cond3A_115 = arith.cmpi ne, %convert_element_type3A_113, %cond3A_114 : i32
      scf.if %cond3A_115 {
        %get3A_164 = arith.index_cast %get3A_99 : i32 to index
        %get3A_165 = arith.constant 0 : index
        %get3A_166 = arith.constant 0 : index
        %get3A_167 = vector.load %arg9[%get3A_164, %get3A_165, %get3A_166] : memref<32x32x768xf32, #tpu.memory_space<vmem>>, vector<1x32x768xf32>
        %get3A_168 = vector.shape_cast %get3A_167 : vector<1x32x768xf32> to vector<32x768xf32>
        %get3A_169 = arith.index_cast %add3A_95 : i32 to index
        %get3A_170 = memref.load %arg3[%get3A_169] : memref<64xf32, #tpu.memory_space<smem>>
        %slice3A = vector.extract_strided_slice %dot_general3A_70 {offsets = [32, 0], sizes = [32, 768], strides = [1, 1]} : vector<128x768xf32> to vector<32x768xf32>
        %mul3A_171 = vector.broadcast %get3A_170 : f32 to vector<32x768xf32>
        %mul3A_172 = arith.mulf %mul3A_171, %slice3A : vector<32x768xf32>
        %add3A_173 = arith.addf %get3A_168, %mul3A_172 : vector<32x768xf32>
        %swap3A = arith.index_cast %get3A_99 : i32 to index
        %swap3A_174 = arith.constant 0 : index
        %swap3A_175 = arith.constant 0 : index
        %swap3A_176 = vector.load %arg9[%swap3A, %swap3A_174, %swap3A_175] : memref<32x32x768xf32, #tpu.memory_space<vmem>>, vector<1x32x768xf32>
        %swap3A_177 = vector.shape_cast %swap3A_176 : vector<1x32x768xf32> to vector<32x768xf32>
        %swap3A_178 = vector.shape_cast %add3A_173 : vector<32x768xf32> to vector<1x32x768xf32>
        tpu.vector_store %arg9[%swap3A, %swap3A_174, %swap3A_175], %swap3A_178 {strides = array<i32>} : memref<32x32x768xf32, #tpu.memory_space<vmem>>, vector<1x32x768xf32>,
      } else {
      }
      %mul3A_116 = arith.constant 4 : i32
      %mul3A_117 = arith.muli %mul3A_116, %add3A_36 : i32
      %add3A_118 = arith.constant 2 : i32
      %add3A_119 = arith.addi %mul3A_117, %add3A_118 : i32
      %add3A_120 = arith.constant 80 : i32
      %add3A_121 = arith.addi %add3A_120, %add3A_119 : i32
      %get3A_122 = arith.index_cast %add3A_121 : i32 to index
      %get3A_123 = memref.load %arg2[%get3A_122] : memref<144xi32, #tpu.memory_space<smem>>
      %lt3A_124 = arith.constant 32 : i32
      %lt3A_125 = arith.cmpi slt, %get3A_123, %lt3A_124 : i32
      %eq3A_126 = arith.constant 0 : i32
      %eq3A_127 = arith.cmpi eq, %arg0, %eq3A_126 : i32
      %and3A_128 = arith.andi %lt3A_125, %eq3A_127 : i1
      %convert_element_type3A_129 = arith.extui %and3A_128 : i1 to i32
      %cond3A_130 = arith.constant 0 : i32
      %cond3A_131 = arith.cmpi ne, %convert_element_type3A_129, %cond3A_130 : i32
      scf.if %cond3A_131 {
        %get3A_164 = arith.index_cast %add3A_119 : i32 to index
        %get3A_165 = memref.load %arg3[%get3A_164] : memref<64xf32, #tpu.memory_space<smem>>
        %slice3A = vector.extract_strided_slice %dot_general3A_70 {offsets = [64, 0], sizes = [32, 768], strides = [1, 1]} : vector<128x768xf32> to vector<32x768xf32>
        %get3A_166 = arith.constant 0 : index
        %get3A_167 = arith.constant 0 : index
        %get3A_168 = arith.constant 0 : index
        %get3A_169 = vector.load %arg8[%get3A_166, %get3A_167, %get3A_168] : memref<1x1x768xf32, #tpu.memory_space<vmem>>, vector<1x1x768xf32>
        %get3A_170 = vector.shape_cast %get3A_169 : vector<1x1x768xf32> to vector<768xf32>
        %broadcast_in_dim3A_171 = vector.shape_cast %get3A_170 : vector<768xf32> to vector<1x768xf32>
        %add3A_172 = vector.broadcast %broadcast_in_dim3A_171 : vector<1x768xf32> to vector<32x768xf32>
        %add3A_173 = arith.addf %slice3A, %add3A_172 : vector<32x768xf32>
        %mul3A_174 = vector.broadcast %get3A_165 : f32 to vector<32x768xf32>
        %mul3A_175 = arith.mulf %mul3A_174, %add3A_173 : vector<32x768xf32>
        %swap3A = arith.index_cast %get3A_123 : i32 to index
        %swap3A_176 = arith.constant 0 : index
        %swap3A_177 = arith.constant 0 : index
        %swap3A_178 = vector.load %arg9[%swap3A, %swap3A_176, %swap3A_177] : memref<32x32x768xf32, #tpu.memory_space<vmem>>, vector<1x32x768xf32>
        %swap3A_179 = vector.shape_cast %swap3A_178 : vector<1x32x768xf32> to vector<32x768xf32>
        %swap3A_180 = vector.shape_cast %mul3A_175 : vector<32x768xf32> to vector<1x32x768xf32>
        tpu.vector_store %arg9[%swap3A, %swap3A_176, %swap3A_177], %swap3A_180 {strides = array<i32>} : memref<32x32x768xf32, #tpu.memory_space<vmem>>, vector<1x32x768xf32>,
      } else {
      }
      %lt3A_132 = arith.constant 32 : i32
      %lt3A_133 = arith.cmpi slt, %get3A_123, %lt3A_132 : i32
      %ne3A_134 = arith.constant 0 : i32
      %ne3A_135 = arith.cmpi ne, %arg0, %ne3A_134 : i32
      %and3A_136 = arith.andi %lt3A_133, %ne3A_135 : i1
      %convert_element_type3A_137 = arith.extui %and3A_136 : i1 to i32
      %cond3A_138 = arith.constant 0 : i32
      %cond3A_139 = arith.cmpi ne, %convert_element_type3A_137, %cond3A_138 : i32
      scf.if %cond3A_139 {
        %get3A_164 = arith.index_cast %get3A_123 : i32 to index
        %get3A_165 = arith.constant 0 : index
        %get3A_166 = arith.constant 0 : index
        %get3A_167 = vector.load %arg9[%get3A_164, %get3A_165, %get3A_166] : memref<32x32x768xf32, #tpu.memory_space<vmem>>, vector<1x32x768xf32>
        %get3A_168 = vector.shape_cast %get3A_167 : vector<1x32x768xf32> to vector<32x768xf32>
        %get3A_169 = arith.index_cast %add3A_119 : i32 to index
        %get3A_170 = memref.load %arg3[%get3A_169] : memref<64xf32, #tpu.memory_space<smem>>
        %slice3A = vector.extract_strided_slice %dot_general3A_70 {offsets = [64, 0], sizes = [32, 768], strides = [1, 1]} : vector<128x768xf32> to vector<32x768xf32>
        %mul3A_171 = vector.broadcast %get3A_170 : f32 to vector<32x768xf32>
        %mul3A_172 = arith.mulf %mul3A_171, %slice3A : vector<32x768xf32>
        %add3A_173 = arith.addf %get3A_168, %mul3A_172 : vector<32x768xf32>
        %swap3A = arith.index_cast %get3A_123 : i32 to index
        %swap3A_174 = arith.constant 0 : index
        %swap3A_175 = arith.constant 0 : index
        %swap3A_176 = vector.load %arg9[%swap3A, %swap3A_174, %swap3A_175] : memref<32x32x768xf32, #tpu.memory_space<vmem>>, vector<1x32x768xf32>
        %swap3A_177 = vector.shape_cast %swap3A_176 : vector<1x32x768xf32> to vector<32x768xf32>
        %swap3A_178 = vector.shape_cast %add3A_173 : vector<32x768xf32> to vector<1x32x768xf32>
        tpu.vector_store %arg9[%swap3A, %swap3A_174, %swap3A_175], %swap3A_178 {strides = array<i32>} : memref<32x32x768xf32, #tpu.memory_space<vmem>>, vector<1x32x768xf32>,
      } else {
      }
      %mul3A_140 = arith.constant 4 : i32
      %mul3A_141 = arith.muli %mul3A_140, %add3A_36 : i32
      %add3A_142 = arith.constant 3 : i32
      %add3A_143 = arith.addi %mul3A_141, %add3A_142 : i32
      %add3A_144 = arith.constant 80 : i32
      %add3A_145 = arith.addi %add3A_144, %add3A_143 : i32
      %get3A_146 = arith.index_cast %add3A_145 : i32 to index
      %get3A_147 = memref.load %arg2[%get3A_146] : memref<144xi32, #tpu.memory_space<smem>>
      %lt3A_148 = arith.constant 32 : i32
      %lt3A_149 = arith.cmpi slt, %get3A_147, %lt3A_148 : i32
      %eq3A_150 = arith.constant 0 : i32
      %eq3A_151 = arith.cmpi eq, %arg0, %eq3A_150 : i32
      %and3A_152 = arith.andi %lt3A_149, %eq3A_151 : i1
      %convert_element_type3A_153 = arith.extui %and3A_152 : i1 to i32
      %cond3A_154 = arith.constant 0 : i32
      %cond3A_155 = arith.cmpi ne, %convert_element_type3A_153, %cond3A_154 : i32
      scf.if %cond3A_155 {
        %get3A_164 = arith.index_cast %add3A_143 : i32 to index
        %get3A_165 = memref.load %arg3[%get3A_164] : memref<64xf32, #tpu.memory_space<smem>>
        %slice3A = vector.extract_strided_slice %dot_general3A_70 {offsets = [96, 0], sizes = [32, 768], strides = [1, 1]} : vector<128x768xf32> to vector<32x768xf32>
        %get3A_166 = arith.constant 0 : index
        %get3A_167 = arith.constant 0 : index
        %get3A_168 = arith.constant 0 : index
        %get3A_169 = vector.load %arg8[%get3A_166, %get3A_167, %get3A_168] : memref<1x1x768xf32, #tpu.memory_space<vmem>>, vector<1x1x768xf32>
        %get3A_170 = vector.shape_cast %get3A_169 : vector<1x1x768xf32> to vector<768xf32>
        %broadcast_in_dim3A_171 = vector.shape_cast %get3A_170 : vector<768xf32> to vector<1x768xf32>
        %add3A_172 = vector.broadcast %broadcast_in_dim3A_171 : vector<1x768xf32> to vector<32x768xf32>
        %add3A_173 = arith.addf %slice3A, %add3A_172 : vector<32x768xf32>
        %mul3A_174 = vector.broadcast %get3A_165 : f32 to vector<32x768xf32>
        %mul3A_175 = arith.mulf %mul3A_174, %add3A_173 : vector<32x768xf32>
        %swap3A = arith.index_cast %get3A_147 : i32 to index
        %swap3A_176 = arith.constant 0 : index
        %swap3A_177 = arith.constant 0 : index
        %swap3A_178 = vector.load %arg9[%swap3A, %swap3A_176, %swap3A_177] : memref<32x32x768xf32, #tpu.memory_space<vmem>>, vector<1x32x768xf32>
        %swap3A_179 = vector.shape_cast %swap3A_178 : vector<1x32x768xf32> to vector<32x768xf32>
        %swap3A_180 = vector.shape_cast %mul3A_175 : vector<32x768xf32> to vector<1x32x768xf32>
        tpu.vector_store %arg9[%swap3A, %swap3A_176, %swap3A_177], %swap3A_180 {strides = array<i32>} : memref<32x32x768xf32, #tpu.memory_space<vmem>>, vector<1x32x768xf32>,
      } else {
      }
      %lt3A_156 = arith.constant 32 : i32
      %lt3A_157 = arith.cmpi slt, %get3A_147, %lt3A_156 : i32
      %ne3A_158 = arith.constant 0 : i32
      %ne3A_159 = arith.cmpi ne, %arg0, %ne3A_158 : i32
      %and3A_160 = arith.andi %lt3A_157, %ne3A_159 : i1
      %convert_element_type3A_161 = arith.extui %and3A_160 : i1 to i32
      %cond3A_162 = arith.constant 0 : i32
      %cond3A_163 = arith.cmpi ne, %convert_element_type3A_161, %cond3A_162 : i32
      scf.if %cond3A_163 {
        %get3A_164 = arith.index_cast %get3A_147 : i32 to index
        %get3A_165 = arith.constant 0 : index
        %get3A_166 = arith.constant 0 : index
        %get3A_167 = vector.load %arg9[%get3A_164, %get3A_165, %get3A_166] : memref<32x32x768xf32, #tpu.memory_space<vmem>>, vector<1x32x768xf32>
        %get3A_168 = vector.shape_cast %get3A_167 : vector<1x32x768xf32> to vector<32x768xf32>
        %get3A_169 = arith.index_cast %add3A_143 : i32 to index
        %get3A_170 = memref.load %arg3[%get3A_169] : memref<64xf32, #tpu.memory_space<smem>>
        %slice3A = vector.extract_strided_slice %dot_general3A_70 {offsets = [96, 0], sizes = [32, 768], strides = [1, 1]} : vector<128x768xf32> to vector<32x768xf32>
        %mul3A_171 = vector.broadcast %get3A_170 : f32 to vector<32x768xf32>
        %mul3A_172 = arith.mulf %mul3A_171, %slice3A : vector<32x768xf32>
        %add3A_173 = arith.addf %get3A_168, %mul3A_172 : vector<32x768xf32>
        %swap3A = arith.index_cast %get3A_147 : i32 to index
        %swap3A_174 = arith.constant 0 : index
        %swap3A_175 = arith.constant 0 : index
        %swap3A_176 = vector.load %arg9[%swap3A, %swap3A_174, %swap3A_175] : memref<32x32x768xf32, #tpu.memory_space<vmem>>, vector<1x32x768xf32>
        %swap3A_177 = vector.shape_cast %swap3A_176 : vector<1x32x768xf32> to vector<32x768xf32>
        %swap3A_178 = vector.shape_cast %add3A_173 : vector<32x768xf32> to vector<1x32x768xf32>
        tpu.vector_store %arg9[%swap3A, %swap3A_174, %swap3A_175], %swap3A_178 {strides = array<i32>} : memref<32x32x768xf32, #tpu.memory_space<vmem>>, vector<1x32x768xf32>,
      } else {
      }
    } else {
    }
    %gt3A_20 = arith.constant 1 : i32
    %gt3A_21 = arith.cmpi sgt, %get3A_5, %gt3A_20 : i32
    %convert_element_type3A_22 = arith.extui %gt3A_21 : i1 to i32
    %cond3A_23 = arith.constant 0 : i32
    %cond3A_24 = arith.cmpi ne, %convert_element_type3A_22, %cond3A_23 : i32
    scf.if %cond3A_24 {
      %add3A_35 = arith.constant 1 : i32
      %add3A_36 = arith.addi %get3A_1, %add3A_35 : i32
      %eq3A = arith.constant 0 : i32
      %eq3A_37 = arith.cmpi eq, %arg0, %eq3A : i32
      %convert_element_type3A_38 = arith.extui %eq3A_37 : i1 to i32
      %cond3A_39 = arith.constant 0 : i32
      %cond3A_40 = arith.cmpi ne, %convert_element_type3A_38, %cond3A_39 : i32
      scf.if %cond3A_40 {
        %mul3A_164 = arith.constant 4 : i32
        %mul3A_165 = arith.muli %mul3A_164, %add3A_36 : i32
        %add3A_166 = arith.constant 16 : i32
        %add3A_167 = arith.addi %add3A_166, %mul3A_165 : i32
        %add3A_168 = arith.constant 0 : i32
        %add3A_169 = arith.addi %add3A_167, %add3A_168 : i32
        %get3A_170 = arith.index_cast %add3A_169 : i32 to index
        %get3A_171 = memref.load %arg2[%get3A_170] : memref<144xi32, #tpu.memory_space<smem>>
        %get3A_172 = arith.index_cast %get3A_171 : i32 to index
        %get3A_173 = arith.constant 0 : index
        %get3A_174 = arith.constant 0 : index
        %get3A_175 = vector.load %arg4[%get3A_172, %get3A_173, %get3A_174] : memref<16x32x768xf32, #tpu.memory_space<vmem>>, vector<1x32x768xf32>
        %get3A_176 = vector.shape_cast %get3A_175 : vector<1x32x768xf32> to vector<32x768xf32>
        %mul3A_177 = arith.constant 4 : i32
        %mul3A_178 = arith.muli %mul3A_177, %add3A_36 : i32
        %add3A_179 = arith.constant 16 : i32
        %add3A_180 = arith.addi %add3A_179, %mul3A_178 : i32
        %add3A_181 = arith.constant 1 : i32
        %add3A_182 = arith.addi %add3A_180, %add3A_181 : i32
        %get3A_183 = arith.index_cast %add3A_182 : i32 to index
        %get3A_184 = memref.load %arg2[%get3A_183] : memref<144xi32, #tpu.memory_space<smem>>
        %get3A_185 = arith.index_cast %get3A_184 : i32 to index
        %get3A_186 = arith.constant 0 : index
        %get3A_187 = arith.constant 0 : index
        %get3A_188 = vector.load %arg4[%get3A_185, %get3A_186, %get3A_187] : memref<16x32x768xf32, #tpu.memory_space<vmem>>, vector<1x32x768xf32>
        %get3A_189 = vector.shape_cast %get3A_188 : vector<1x32x768xf32> to vector<32x768xf32>
        %mul3A_190 = arith.constant 4 : i32
        %mul3A_191 = arith.muli %mul3A_190, %add3A_36 : i32
        %add3A_192 = arith.constant 16 : i32
        %add3A_193 = arith.addi %add3A_192, %mul3A_191 : i32
        %add3A_194 = arith.constant 2 : i32
        %add3A_195 = arith.addi %add3A_193, %add3A_194 : i32
        %get3A_196 = arith.index_cast %add3A_195 : i32 to index
        %get3A_197 = memref.load %arg2[%get3A_196] : memref<144xi32, #tpu.memory_space<smem>>
        %get3A_198 = arith.index_cast %get3A_197 : i32 to index
        %get3A_199 = arith.constant 0 : index
        %get3A_200 = arith.constant 0 : index
        %get3A_201 = vector.load %arg4[%get3A_198, %get3A_199, %get3A_200] : memref<16x32x768xf32, #tpu.memory_space<vmem>>, vector<1x32x768xf32>
        %get3A_202 = vector.shape_cast %get3A_201 : vector<1x32x768xf32> to vector<32x768xf32>
        %mul3A_203 = arith.constant 4 : i32
        %mul3A_204 = arith.muli %mul3A_203, %add3A_36 : i32
        %add3A_205 = arith.constant 16 : i32
        %add3A_206 = arith.addi %add3A_205, %mul3A_204 : i32
        %add3A_207 = arith.constant 3 : i32
        %add3A_208 = arith.addi %add3A_206, %add3A_207 : i32
        %get3A_209 = arith.index_cast %add3A_208 : i32 to index
        %get3A_210 = memref.load %arg2[%get3A_209] : memref<144xi32, #tpu.memory_space<smem>>
        %get3A_211 = arith.index_cast %get3A_210 : i32 to index
        %get3A_212 = arith.constant 0 : index
        %get3A_213 = arith.constant 0 : index
        %get3A_214 = vector.load %arg4[%get3A_211, %get3A_212, %get3A_213] : memref<16x32x768xf32, #tpu.memory_space<vmem>>, vector<1x32x768xf32>
        %get3A_215 = vector.shape_cast %get3A_214 : vector<1x32x768xf32> to vector<32x768xf32>
        %concatenate3A = tpu.concatenate %get3A_176, %get3A_189, %get3A_202, %get3A_215 in 0 : vector<32x768xf32>, vector<32x768xf32>, vector<32x768xf32>, vector<32x768xf32> -> vector<128x768xf32>
        %convert_element_type3A_216 = arith.truncf %concatenate3A : vector<128x768xf32> to vector<128x768xbf16>
        %swap3A = arith.index_cast %add3A_36 : i32 to index
        %swap3A_217 = arith.constant 0 : index
        %swap3A_218 = arith.constant 0 : index
        %swap3A_219 = vector.load %arg10[%swap3A, %swap3A_217, %swap3A_218] : memref<14x128x768xbf16, #tpu.memory_space<vmem>>, vector<1x128x768xbf16>
        %swap3A_220 = vector.shape_cast %swap3A_219 : vector<1x128x768xbf16> to vector<128x768xbf16>
        %swap3A_221 = vector.shape_cast %convert_element_type3A_216 : vector<128x768xbf16> to vector<1x128x768xbf16>
        tpu.vector_store %arg10[%swap3A, %swap3A_217, %swap3A_218], %swap3A_221 {strides = array<i32>} : memref<14x128x768xbf16, #tpu.memory_space<vmem>>, vector<1x128x768xbf16>,
      } else {
      }
      %get3A_41 = arith.index_cast %add3A_36 : i32 to index
      %get3A_42 = arith.constant 0 : index
      %get3A_43 = arith.constant 0 : index
      %get3A_44 = vector.load %arg10[%get3A_41, %get3A_42, %get3A_43] : memref<14x128x768xbf16, #tpu.memory_space<vmem>>, vector<1x128x768xbf16>
      %get3A_45 = vector.shape_cast %get3A_44 : vector<1x128x768xbf16> to vector<128x768xbf16>
      %dot_general3A = arith.constant dense<0.000000e+00> : vector<128x1536xf32>
      %dot_general3A_46 = tpu.matmul %get3A_45, %convert_element_type3A, %dot_general3A {dimension_numbers = #tpu.dot_dimension_numbers<[1], [1], [0], [0], [0, 0, 1, 0], [], []>, transpose_lhs_hint = false} : vector<128x768xbf16>, vector<1536x768xbf16>, vector<128x1536xf32> -> vector<128x1536xf32>
      %get3A_47 = arith.constant 0 : index
      %get3A_48 = arith.constant 0 : index
      %get3A_49 = arith.constant 0 : index
      %get3A_50 = vector.load %arg6[%get3A_47, %get3A_48, %get3A_49] : memref<1x1x1536xf32, #tpu.memory_space<vmem>>, vector<1x1x1536xf32>
      %get3A_51 = vector.shape_cast %get3A_50 : vector<1x1x1536xf32> to vector<1536xf32>
      %broadcast_in_dim3A = vector.shape_cast %get3A_51 : vector<1536xf32> to vector<1x1536xf32>
      %add3A_52 = vector.broadcast %broadcast_in_dim3A : vector<1x1536xf32> to vector<128x1536xf32>
      %add3A_53 = arith.addf %dot_general3A_46, %add3A_52 : vector<128x1536xf32>
      %integer_pow3A = arith.mulf %add3A_53, %add3A_53 : vector<128x1536xf32>
      %integer_pow3A_54 = arith.mulf %add3A_53, %integer_pow3A : vector<128x1536xf32>
      %mul3A = arith.constant 4.471500e-02 : f32
      %mul3A_55 = vector.broadcast %mul3A : f32 to vector<128x1536xf32>
      %mul3A_56 = arith.mulf %mul3A_55, %integer_pow3A_54 : vector<128x1536xf32>
      %add3A_57 = arith.addf %add3A_53, %mul3A_56 : vector<128x1536xf32>
      %mul3A_58 = arith.constant 0.797884583 : f32
      %mul3A_59 = vector.broadcast %mul3A_58 : f32 to vector<128x1536xf32>
      %mul3A_60 = arith.mulf %mul3A_59, %add3A_57 : vector<128x1536xf32>
      %tanh3A = math.tanh %mul3A_60 : vector<128x1536xf32>
      %add3A_61 = arith.constant 1.000000e+00 : f32
      %add3A_62 = vector.broadcast %add3A_61 : f32 to vector<128x1536xf32>
      %add3A_63 = arith.addf %add3A_62, %tanh3A : vector<128x1536xf32>
      %mul3A_64 = arith.constant 5.000000e-01 : f32
      %mul3A_65 = vector.broadcast %mul3A_64 : f32 to vector<128x1536xf32>
      %mul3A_66 = arith.mulf %mul3A_65, %add3A_63 : vector<128x1536xf32>
      %mul3A_67 = arith.mulf %add3A_53, %mul3A_66 : vector<128x1536xf32>
      %convert_element_type3A_68 = arith.truncf %mul3A_67 : vector<128x1536xf32> to vector<128x1536xbf16>
      %dot_general3A_69 = arith.constant dense<0.000000e+00> : vector<128x768xf32>
      %dot_general3A_70 = tpu.matmul %convert_element_type3A_68, %convert_element_type3A_16, %dot_general3A_69 {dimension_numbers = #tpu.dot_dimension_numbers<[1], [1], [0], [0], [0, 0, 1, 0], [], []>, transpose_lhs_hint = false} : vector<128x1536xbf16>, vector<768x1536xbf16>, vector<128x768xf32> -> vector<128x768xf32>
      %mul3A_71 = arith.constant 4 : i32
      %mul3A_72 = arith.muli %mul3A_71, %add3A_36 : i32
      %add3A_73 = arith.constant 0 : i32
      %add3A_74 = arith.addi %mul3A_72, %add3A_73 : i32
      %add3A_75 = arith.constant 80 : i32
      %add3A_76 = arith.addi %add3A_75, %add3A_74 : i32
      %get3A_77 = arith.index_cast %add3A_76 : i32 to index
      %get3A_78 = memref.load %arg2[%get3A_77] : memref<144xi32, #tpu.memory_space<smem>>
      %lt3A = arith.constant 32 : i32
      %lt3A_79 = arith.cmpi slt, %get3A_78, %lt3A : i32
      %eq3A_80 = arith.constant 0 : i32
      %eq3A_81 = arith.cmpi eq, %arg0, %eq3A_80 : i32
      %and3A = arith.andi %lt3A_79, %eq3A_81 : i1
      %convert_element_type3A_82 = arith.extui %and3A : i1 to i32
      %cond3A_83 = arith.constant 0 : i32
      %cond3A_84 = arith.cmpi ne, %convert_element_type3A_82, %cond3A_83 : i32
      scf.if %cond3A_84 {
        %get3A_164 = arith.index_cast %add3A_74 : i32 to index
        %get3A_165 = memref.load %arg3[%get3A_164] : memref<64xf32, #tpu.memory_space<smem>>
        %slice3A = vector.extract_strided_slice %dot_general3A_70 {offsets = [0, 0], sizes = [32, 768], strides = [1, 1]} : vector<128x768xf32> to vector<32x768xf32>
        %get3A_166 = arith.constant 0 : index
        %get3A_167 = arith.constant 0 : index
        %get3A_168 = arith.constant 0 : index
        %get3A_169 = vector.load %arg8[%get3A_166, %get3A_167, %get3A_168] : memref<1x1x768xf32, #tpu.memory_space<vmem>>, vector<1x1x768xf32>
        %get3A_170 = vector.shape_cast %get3A_169 : vector<1x1x768xf32> to vector<768xf32>
        %broadcast_in_dim3A_171 = vector.shape_cast %get3A_170 : vector<768xf32> to vector<1x768xf32>
        %add3A_172 = vector.broadcast %broadcast_in_dim3A_171 : vector<1x768xf32> to vector<32x768xf32>
        %add3A_173 = arith.addf %slice3A, %add3A_172 : vector<32x768xf32>
        %mul3A_174 = vector.broadcast %get3A_165 : f32 to vector<32x768xf32>
        %mul3A_175 = arith.mulf %mul3A_174, %add3A_173 : vector<32x768xf32>
        %swap3A = arith.index_cast %get3A_78 : i32 to index
        %swap3A_176 = arith.constant 0 : index
        %swap3A_177 = arith.constant 0 : index
        %swap3A_178 = vector.load %arg9[%swap3A, %swap3A_176, %swap3A_177] : memref<32x32x768xf32, #tpu.memory_space<vmem>>, vector<1x32x768xf32>
        %swap3A_179 = vector.shape_cast %swap3A_178 : vector<1x32x768xf32> to vector<32x768xf32>
        %swap3A_180 = vector.shape_cast %mul3A_175 : vector<32x768xf32> to vector<1x32x768xf32>
        tpu.vector_store %arg9[%swap3A, %swap3A_176, %swap3A_177], %swap3A_180 {strides = array<i32>} : memref<32x32x768xf32, #tpu.memory_space<vmem>>, vector<1x32x768xf32>,
      } else {
      }
      %lt3A_85 = arith.constant 32 : i32
      %lt3A_86 = arith.cmpi slt, %get3A_78, %lt3A_85 : i32
      %ne3A = arith.constant 0 : i32
      %ne3A_87 = arith.cmpi ne, %arg0, %ne3A : i32
      %and3A_88 = arith.andi %lt3A_86, %ne3A_87 : i1
      %convert_element_type3A_89 = arith.extui %and3A_88 : i1 to i32
      %cond3A_90 = arith.constant 0 : i32
      %cond3A_91 = arith.cmpi ne, %convert_element_type3A_89, %cond3A_90 : i32
      scf.if %cond3A_91 {
        %get3A_164 = arith.index_cast %get3A_78 : i32 to index
        %get3A_165 = arith.constant 0 : index
        %get3A_166 = arith.constant 0 : index
        %get3A_167 = vector.load %arg9[%get3A_164, %get3A_165, %get3A_166] : memref<32x32x768xf32, #tpu.memory_space<vmem>>, vector<1x32x768xf32>
        %get3A_168 = vector.shape_cast %get3A_167 : vector<1x32x768xf32> to vector<32x768xf32>
        %get3A_169 = arith.index_cast %add3A_74 : i32 to index
        %get3A_170 = memref.load %arg3[%get3A_169] : memref<64xf32, #tpu.memory_space<smem>>
        %slice3A = vector.extract_strided_slice %dot_general3A_70 {offsets = [0, 0], sizes = [32, 768], strides = [1, 1]} : vector<128x768xf32> to vector<32x768xf32>
        %mul3A_171 = vector.broadcast %get3A_170 : f32 to vector<32x768xf32>
        %mul3A_172 = arith.mulf %mul3A_171, %slice3A : vector<32x768xf32>
        %add3A_173 = arith.addf %get3A_168, %mul3A_172 : vector<32x768xf32>
        %swap3A = arith.index_cast %get3A_78 : i32 to index
        %swap3A_174 = arith.constant 0 : index
        %swap3A_175 = arith.constant 0 : index
        %swap3A_176 = vector.load %arg9[%swap3A, %swap3A_174, %swap3A_175] : memref<32x32x768xf32, #tpu.memory_space<vmem>>, vector<1x32x768xf32>
        %swap3A_177 = vector.shape_cast %swap3A_176 : vector<1x32x768xf32> to vector<32x768xf32>
        %swap3A_178 = vector.shape_cast %add3A_173 : vector<32x768xf32> to vector<1x32x768xf32>
        tpu.vector_store %arg9[%swap3A, %swap3A_174, %swap3A_175], %swap3A_178 {strides = array<i32>} : memref<32x32x768xf32, #tpu.memory_space<vmem>>, vector<1x32x768xf32>,
      } else {
      }
      %mul3A_92 = arith.constant 4 : i32
      %mul3A_93 = arith.muli %mul3A_92, %add3A_36 : i32
      %add3A_94 = arith.constant 1 : i32
      %add3A_95 = arith.addi %mul3A_93, %add3A_94 : i32
      %add3A_96 = arith.constant 80 : i32
      %add3A_97 = arith.addi %add3A_96, %add3A_95 : i32
      %get3A_98 = arith.index_cast %add3A_97 : i32 to index
      %get3A_99 = memref.load %arg2[%get3A_98] : memref<144xi32, #tpu.memory_space<smem>>
      %lt3A_100 = arith.constant 32 : i32
      %lt3A_101 = arith.cmpi slt, %get3A_99, %lt3A_100 : i32
      %eq3A_102 = arith.constant 0 : i32
      %eq3A_103 = arith.cmpi eq, %arg0, %eq3A_102 : i32
      %and3A_104 = arith.andi %lt3A_101, %eq3A_103 : i1
      %convert_element_type3A_105 = arith.extui %and3A_104 : i1 to i32
      %cond3A_106 = arith.constant 0 : i32
      %cond3A_107 = arith.cmpi ne, %convert_element_type3A_105, %cond3A_106 : i32
      scf.if %cond3A_107 {
        %get3A_164 = arith.index_cast %add3A_95 : i32 to index
        %get3A_165 = memref.load %arg3[%get3A_164] : memref<64xf32, #tpu.memory_space<smem>>
        %slice3A = vector.extract_strided_slice %dot_general3A_70 {offsets = [32, 0], sizes = [32, 768], strides = [1, 1]} : vector<128x768xf32> to vector<32x768xf32>
        %get3A_166 = arith.constant 0 : index
        %get3A_167 = arith.constant 0 : index
        %get3A_168 = arith.constant 0 : index
        %get3A_169 = vector.load %arg8[%get3A_166, %get3A_167, %get3A_168] : memref<1x1x768xf32, #tpu.memory_space<vmem>>, vector<1x1x768xf32>
        %get3A_170 = vector.shape_cast %get3A_169 : vector<1x1x768xf32> to vector<768xf32>
        %broadcast_in_dim3A_171 = vector.shape_cast %get3A_170 : vector<768xf32> to vector<1x768xf32>
        %add3A_172 = vector.broadcast %broadcast_in_dim3A_171 : vector<1x768xf32> to vector<32x768xf32>
        %add3A_173 = arith.addf %slice3A, %add3A_172 : vector<32x768xf32>
        %mul3A_174 = vector.broadcast %get3A_165 : f32 to vector<32x768xf32>
        %mul3A_175 = arith.mulf %mul3A_174, %add3A_173 : vector<32x768xf32>
        %swap3A = arith.index_cast %get3A_99 : i32 to index
        %swap3A_176 = arith.constant 0 : index
        %swap3A_177 = arith.constant 0 : index
        %swap3A_178 = vector.load %arg9[%swap3A, %swap3A_176, %swap3A_177] : memref<32x32x768xf32, #tpu.memory_space<vmem>>, vector<1x32x768xf32>
        %swap3A_179 = vector.shape_cast %swap3A_178 : vector<1x32x768xf32> to vector<32x768xf32>
        %swap3A_180 = vector.shape_cast %mul3A_175 : vector<32x768xf32> to vector<1x32x768xf32>
        tpu.vector_store %arg9[%swap3A, %swap3A_176, %swap3A_177], %swap3A_180 {strides = array<i32>} : memref<32x32x768xf32, #tpu.memory_space<vmem>>, vector<1x32x768xf32>,
      } else {
      }
      %lt3A_108 = arith.constant 32 : i32
      %lt3A_109 = arith.cmpi slt, %get3A_99, %lt3A_108 : i32
      %ne3A_110 = arith.constant 0 : i32
      %ne3A_111 = arith.cmpi ne, %arg0, %ne3A_110 : i32
      %and3A_112 = arith.andi %lt3A_109, %ne3A_111 : i1
      %convert_element_type3A_113 = arith.extui %and3A_112 : i1 to i32
      %cond3A_114 = arith.constant 0 : i32
      %cond3A_115 = arith.cmpi ne, %convert_element_type3A_113, %cond3A_114 : i32
      scf.if %cond3A_115 {
        %get3A_164 = arith.index_cast %get3A_99 : i32 to index
        %get3A_165 = arith.constant 0 : index
        %get3A_166 = arith.constant 0 : index
        %get3A_167 = vector.load %arg9[%get3A_164, %get3A_165, %get3A_166] : memref<32x32x768xf32, #tpu.memory_space<vmem>>, vector<1x32x768xf32>
        %get3A_168 = vector.shape_cast %get3A_167 : vector<1x32x768xf32> to vector<32x768xf32>
        %get3A_169 = arith.index_cast %add3A_95 : i32 to index
        %get3A_170 = memref.load %arg3[%get3A_169] : memref<64xf32, #tpu.memory_space<smem>>
        %slice3A = vector.extract_strided_slice %dot_general3A_70 {offsets = [32, 0], sizes = [32, 768], strides = [1, 1]} : vector<128x768xf32> to vector<32x768xf32>
        %mul3A_171 = vector.broadcast %get3A_170 : f32 to vector<32x768xf32>
        %mul3A_172 = arith.mulf %mul3A_171, %slice3A : vector<32x768xf32>
        %add3A_173 = arith.addf %get3A_168, %mul3A_172 : vector<32x768xf32>
        %swap3A = arith.index_cast %get3A_99 : i32 to index
        %swap3A_174 = arith.constant 0 : index
        %swap3A_175 = arith.constant 0 : index
        %swap3A_176 = vector.load %arg9[%swap3A, %swap3A_174, %swap3A_175] : memref<32x32x768xf32, #tpu.memory_space<vmem>>, vector<1x32x768xf32>
        %swap3A_177 = vector.shape_cast %swap3A_176 : vector<1x32x768xf32> to vector<32x768xf32>
        %swap3A_178 = vector.shape_cast %add3A_173 : vector<32x768xf32> to vector<1x32x768xf32>
        tpu.vector_store %arg9[%swap3A, %swap3A_174, %swap3A_175], %swap3A_178 {strides = array<i32>} : memref<32x32x768xf32, #tpu.memory_space<vmem>>, vector<1x32x768xf32>,
      } else {
      }
      %mul3A_116 = arith.constant 4 : i32
      %mul3A_117 = arith.muli %mul3A_116, %add3A_36 : i32
      %add3A_118 = arith.constant 2 : i32
      %add3A_119 = arith.addi %mul3A_117, %add3A_118 : i32
      %add3A_120 = arith.constant 80 : i32
      %add3A_121 = arith.addi %add3A_120, %add3A_119 : i32
      %get3A_122 = arith.index_cast %add3A_121 : i32 to index
      %get3A_123 = memref.load %arg2[%get3A_122] : memref<144xi32, #tpu.memory_space<smem>>
      %lt3A_124 = arith.constant 32 : i32
      %lt3A_125 = arith.cmpi slt, %get3A_123, %lt3A_124 : i32
      %eq3A_126 = arith.constant 0 : i32
      %eq3A_127 = arith.cmpi eq, %arg0, %eq3A_126 : i32
      %and3A_128 = arith.andi %lt3A_125, %eq3A_127 : i1
      %convert_element_type3A_129 = arith.extui %and3A_128 : i1 to i32
      %cond3A_130 = arith.constant 0 : i32
      %cond3A_131 = arith.cmpi ne, %convert_element_type3A_129, %cond3A_130 : i32
      scf.if %cond3A_131 {
        %get3A_164 = arith.index_cast %add3A_119 : i32 to index
        %get3A_165 = memref.load %arg3[%get3A_164] : memref<64xf32, #tpu.memory_space<smem>>
        %slice3A = vector.extract_strided_slice %dot_general3A_70 {offsets = [64, 0], sizes = [32, 768], strides = [1, 1]} : vector<128x768xf32> to vector<32x768xf32>
        %get3A_166 = arith.constant 0 : index
        %get3A_167 = arith.constant 0 : index
        %get3A_168 = arith.constant 0 : index
        %get3A_169 = vector.load %arg8[%get3A_166, %get3A_167, %get3A_168] : memref<1x1x768xf32, #tpu.memory_space<vmem>>, vector<1x1x768xf32>
        %get3A_170 = vector.shape_cast %get3A_169 : vector<1x1x768xf32> to vector<768xf32>
        %broadcast_in_dim3A_171 = vector.shape_cast %get3A_170 : vector<768xf32> to vector<1x768xf32>
        %add3A_172 = vector.broadcast %broadcast_in_dim3A_171 : vector<1x768xf32> to vector<32x768xf32>
        %add3A_173 = arith.addf %slice3A, %add3A_172 : vector<32x768xf32>
        %mul3A_174 = vector.broadcast %get3A_165 : f32 to vector<32x768xf32>
        %mul3A_175 = arith.mulf %mul3A_174, %add3A_173 : vector<32x768xf32>
        %swap3A = arith.index_cast %get3A_123 : i32 to index
        %swap3A_176 = arith.constant 0 : index
        %swap3A_177 = arith.constant 0 : index
        %swap3A_178 = vector.load %arg9[%swap3A, %swap3A_176, %swap3A_177] : memref<32x32x768xf32, #tpu.memory_space<vmem>>, vector<1x32x768xf32>
        %swap3A_179 = vector.shape_cast %swap3A_178 : vector<1x32x768xf32> to vector<32x768xf32>
        %swap3A_180 = vector.shape_cast %mul3A_175 : vector<32x768xf32> to vector<1x32x768xf32>
        tpu.vector_store %arg9[%swap3A, %swap3A_176, %swap3A_177], %swap3A_180 {strides = array<i32>} : memref<32x32x768xf32, #tpu.memory_space<vmem>>, vector<1x32x768xf32>,
      } else {
      }
      %lt3A_132 = arith.constant 32 : i32
      %lt3A_133 = arith.cmpi slt, %get3A_123, %lt3A_132 : i32
      %ne3A_134 = arith.constant 0 : i32
      %ne3A_135 = arith.cmpi ne, %arg0, %ne3A_134 : i32
      %and3A_136 = arith.andi %lt3A_133, %ne3A_135 : i1
      %convert_element_type3A_137 = arith.extui %and3A_136 : i1 to i32
      %cond3A_138 = arith.constant 0 : i32
      %cond3A_139 = arith.cmpi ne, %convert_element_type3A_137, %cond3A_138 : i32
      scf.if %cond3A_139 {
        %get3A_164 = arith.index_cast %get3A_123 : i32 to index
        %get3A_165 = arith.constant 0 : index
        %get3A_166 = arith.constant 0 : index
        %get3A_167 = vector.load %arg9[%get3A_164, %get3A_165, %get3A_166] : memref<32x32x768xf32, #tpu.memory_space<vmem>>, vector<1x32x768xf32>
        %get3A_168 = vector.shape_cast %get3A_167 : vector<1x32x768xf32> to vector<32x768xf32>
        %get3A_169 = arith.index_cast %add3A_119 : i32 to index
        %get3A_170 = memref.load %arg3[%get3A_169] : memref<64xf32, #tpu.memory_space<smem>>
        %slice3A = vector.extract_strided_slice %dot_general3A_70 {offsets = [64, 0], sizes = [32, 768], strides = [1, 1]} : vector<128x768xf32> to vector<32x768xf32>
        %mul3A_171 = vector.broadcast %get3A_170 : f32 to vector<32x768xf32>
        %mul3A_172 = arith.mulf %mul3A_171, %slice3A : vector<32x768xf32>
        %add3A_173 = arith.addf %get3A_168, %mul3A_172 : vector<32x768xf32>
        %swap3A = arith.index_cast %get3A_123 : i32 to index
        %swap3A_174 = arith.constant 0 : index
        %swap3A_175 = arith.constant 0 : index
        %swap3A_176 = vector.load %arg9[%swap3A, %swap3A_174, %swap3A_175] : memref<32x32x768xf32, #tpu.memory_space<vmem>>, vector<1x32x768xf32>
        %swap3A_177 = vector.shape_cast %swap3A_176 : vector<1x32x768xf32> to vector<32x768xf32>
        %swap3A_178 = vector.shape_cast %add3A_173 : vector<32x768xf32> to vector<1x32x768xf32>
        tpu.vector_store %arg9[%swap3A, %swap3A_174, %swap3A_175], %swap3A_178 {strides = array<i32>} : memref<32x32x768xf32, #tpu.memory_space<vmem>>, vector<1x32x768xf32>,
      } else {
      }
      %mul3A_140 = arith.constant 4 : i32
      %mul3A_141 = arith.muli %mul3A_140, %add3A_36 : i32
      %add3A_142 = arith.constant 3 : i32
      %add3A_143 = arith.addi %mul3A_141, %add3A_142 : i32
      %add3A_144 = arith.constant 80 : i32
      %add3A_145 = arith.addi %add3A_144, %add3A_143 : i32
      %get3A_146 = arith.index_cast %add3A_145 : i32 to index
      %get3A_147 = memref.load %arg2[%get3A_146] : memref<144xi32, #tpu.memory_space<smem>>
      %lt3A_148 = arith.constant 32 : i32
      %lt3A_149 = arith.cmpi slt, %get3A_147, %lt3A_148 : i32
      %eq3A_150 = arith.constant 0 : i32
      %eq3A_151 = arith.cmpi eq, %arg0, %eq3A_150 : i32
      %and3A_152 = arith.andi %lt3A_149, %eq3A_151 : i1
      %convert_element_type3A_153 = arith.extui %and3A_152 : i1 to i32
      %cond3A_154 = arith.constant 0 : i32
      %cond3A_155 = arith.cmpi ne, %convert_element_type3A_153, %cond3A_154 : i32
      scf.if %cond3A_155 {
        %get3A_164 = arith.index_cast %add3A_143 : i32 to index
        %get3A_165 = memref.load %arg3[%get3A_164] : memref<64xf32, #tpu.memory_space<smem>>
        %slice3A = vector.extract_strided_slice %dot_general3A_70 {offsets = [96, 0], sizes = [32, 768], strides = [1, 1]} : vector<128x768xf32> to vector<32x768xf32>
        %get3A_166 = arith.constant 0 : index
        %get3A_167 = arith.constant 0 : index
        %get3A_168 = arith.constant 0 : index
        %get3A_169 = vector.load %arg8[%get3A_166, %get3A_167, %get3A_168] : memref<1x1x768xf32, #tpu.memory_space<vmem>>, vector<1x1x768xf32>
        %get3A_170 = vector.shape_cast %get3A_169 : vector<1x1x768xf32> to vector<768xf32>
        %broadcast_in_dim3A_171 = vector.shape_cast %get3A_170 : vector<768xf32> to vector<1x768xf32>
        %add3A_172 = vector.broadcast %broadcast_in_dim3A_171 : vector<1x768xf32> to vector<32x768xf32>
        %add3A_173 = arith.addf %slice3A, %add3A_172 : vector<32x768xf32>
        %mul3A_174 = vector.broadcast %get3A_165 : f32 to vector<32x768xf32>
        %mul3A_175 = arith.mulf %mul3A_174, %add3A_173 : vector<32x768xf32>
        %swap3A = arith.index_cast %get3A_147 : i32 to index
        %swap3A_176 = arith.constant 0 : index
        %swap3A_177 = arith.constant 0 : index
        %swap3A_178 = vector.load %arg9[%swap3A, %swap3A_176, %swap3A_177] : memref<32x32x768xf32, #tpu.memory_space<vmem>>, vector<1x32x768xf32>
        %swap3A_179 = vector.shape_cast %swap3A_178 : vector<1x32x768xf32> to vector<32x768xf32>
        %swap3A_180 = vector.shape_cast %mul3A_175 : vector<32x768xf32> to vector<1x32x768xf32>
        tpu.vector_store %arg9[%swap3A, %swap3A_176, %swap3A_177], %swap3A_180 {strides = array<i32>} : memref<32x32x768xf32, #tpu.memory_space<vmem>>, vector<1x32x768xf32>,
      } else {
      }
      %lt3A_156 = arith.constant 32 : i32
      %lt3A_157 = arith.cmpi slt, %get3A_147, %lt3A_156 : i32
      %ne3A_158 = arith.constant 0 : i32
      %ne3A_159 = arith.cmpi ne, %arg0, %ne3A_158 : i32
      %and3A_160 = arith.andi %lt3A_157, %ne3A_159 : i1
      %convert_element_type3A_161 = arith.extui %and3A_160 : i1 to i32
      %cond3A_162 = arith.constant 0 : i32
      %cond3A_163 = arith.cmpi ne, %convert_element_type3A_161, %cond3A_162 : i32
      scf.if %cond3A_163 {
        %get3A_164 = arith.index_cast %get3A_147 : i32 to index
        %get3A_165 = arith.constant 0 : index
        %get3A_166 = arith.constant 0 : index
        %get3A_167 = vector.load %arg9[%get3A_164, %get3A_165, %get3A_166] : memref<32x32x768xf32, #tpu.memory_space<vmem>>, vector<1x32x768xf32>
        %get3A_168 = vector.shape_cast %get3A_167 : vector<1x32x768xf32> to vector<32x768xf32>
        %get3A_169 = arith.index_cast %add3A_143 : i32 to index
        %get3A_170 = memref.load %arg3[%get3A_169] : memref<64xf32, #tpu.memory_space<smem>>
        %slice3A = vector.extract_strided_slice %dot_general3A_70 {offsets = [96, 0], sizes = [32, 768], strides = [1, 1]} : vector<128x768xf32> to vector<32x768xf32>
        %mul3A_171 = vector.broadcast %get3A_170 : f32 to vector<32x768xf32>
        %mul3A_172 = arith.mulf %mul3A_171, %slice3A : vector<32x768xf32>
        %add3A_173 = arith.addf %get3A_168, %mul3A_172 : vector<32x768xf32>
        %swap3A = arith.index_cast %get3A_147 : i32 to index
        %swap3A_174 = arith.constant 0 : index
        %swap3A_175 = arith.constant 0 : index
        %swap3A_176 = vector.load %arg9[%swap3A, %swap3A_174, %swap3A_175] : memref<32x32x768xf32, #tpu.memory_space<vmem>>, vector<1x32x768xf32>
        %swap3A_177 = vector.shape_cast %swap3A_176 : vector<1x32x768xf32> to vector<32x768xf32>
        %swap3A_178 = vector.shape_cast %add3A_173 : vector<32x768xf32> to vector<1x32x768xf32>
        tpu.vector_store %arg9[%swap3A, %swap3A_174, %swap3A_175], %swap3A_178 {strides = array<i32>} : memref<32x32x768xf32, #tpu.memory_space<vmem>>, vector<1x32x768xf32>,
      } else {
      }
    } else {
    }
    %gt3A_25 = arith.constant 2 : i32
    %gt3A_26 = arith.cmpi sgt, %get3A_5, %gt3A_25 : i32
    %convert_element_type3A_27 = arith.extui %gt3A_26 : i1 to i32
    %cond3A_28 = arith.constant 0 : i32
    %cond3A_29 = arith.cmpi ne, %convert_element_type3A_27, %cond3A_28 : i32
    scf.if %cond3A_29 {
      %add3A_35 = arith.constant 2 : i32
      %add3A_36 = arith.addi %get3A_1, %add3A_35 : i32
      %eq3A = arith.constant 0 : i32
      %eq3A_37 = arith.cmpi eq, %arg0, %eq3A : i32
      %convert_element_type3A_38 = arith.extui %eq3A_37 : i1 to i32
      %cond3A_39 = arith.constant 0 : i32
      %cond3A_40 = arith.cmpi ne, %convert_element_type3A_38, %cond3A_39 : i32
      scf.if %cond3A_40 {
        %mul3A_164 = arith.constant 4 : i32
        %mul3A_165 = arith.muli %mul3A_164, %add3A_36 : i32
        %add3A_166 = arith.constant 16 : i32
        %add3A_167 = arith.addi %add3A_166, %mul3A_165 : i32
        %add3A_168 = arith.constant 0 : i32
        %add3A_169 = arith.addi %add3A_167, %add3A_168 : i32
        %get3A_170 = arith.index_cast %add3A_169 : i32 to index
        %get3A_171 = memref.load %arg2[%get3A_170] : memref<144xi32, #tpu.memory_space<smem>>
        %get3A_172 = arith.index_cast %get3A_171 : i32 to index
        %get3A_173 = arith.constant 0 : index
        %get3A_174 = arith.constant 0 : index
        %get3A_175 = vector.load %arg4[%get3A_172, %get3A_173, %get3A_174] : memref<16x32x768xf32, #tpu.memory_space<vmem>>, vector<1x32x768xf32>
        %get3A_176 = vector.shape_cast %get3A_175 : vector<1x32x768xf32> to vector<32x768xf32>
        %mul3A_177 = arith.constant 4 : i32
        %mul3A_178 = arith.muli %mul3A_177, %add3A_36 : i32
        %add3A_179 = arith.constant 16 : i32
        %add3A_180 = arith.addi %add3A_179, %mul3A_178 : i32
        %add3A_181 = arith.constant 1 : i32
        %add3A_182 = arith.addi %add3A_180, %add3A_181 : i32
        %get3A_183 = arith.index_cast %add3A_182 : i32 to index
        %get3A_184 = memref.load %arg2[%get3A_183] : memref<144xi32, #tpu.memory_space<smem>>
        %get3A_185 = arith.index_cast %get3A_184 : i32 to index
        %get3A_186 = arith.constant 0 : index
        %get3A_187 = arith.constant 0 : index
        %get3A_188 = vector.load %arg4[%get3A_185, %get3A_186, %get3A_187] : memref<16x32x768xf32, #tpu.memory_space<vmem>>, vector<1x32x768xf32>
        %get3A_189 = vector.shape_cast %get3A_188 : vector<1x32x768xf32> to vector<32x768xf32>
        %mul3A_190 = arith.constant 4 : i32
        %mul3A_191 = arith.muli %mul3A_190, %add3A_36 : i32
        %add3A_192 = arith.constant 16 : i32
        %add3A_193 = arith.addi %add3A_192, %mul3A_191 : i32
        %add3A_194 = arith.constant 2 : i32
        %add3A_195 = arith.addi %add3A_193, %add3A_194 : i32
        %get3A_196 = arith.index_cast %add3A_195 : i32 to index
        %get3A_197 = memref.load %arg2[%get3A_196] : memref<144xi32, #tpu.memory_space<smem>>
        %get3A_198 = arith.index_cast %get3A_197 : i32 to index
        %get3A_199 = arith.constant 0 : index
        %get3A_200 = arith.constant 0 : index
        %get3A_201 = vector.load %arg4[%get3A_198, %get3A_199, %get3A_200] : memref<16x32x768xf32, #tpu.memory_space<vmem>>, vector<1x32x768xf32>
        %get3A_202 = vector.shape_cast %get3A_201 : vector<1x32x768xf32> to vector<32x768xf32>
        %mul3A_203 = arith.constant 4 : i32
        %mul3A_204 = arith.muli %mul3A_203, %add3A_36 : i32
        %add3A_205 = arith.constant 16 : i32
        %add3A_206 = arith.addi %add3A_205, %mul3A_204 : i32
        %add3A_207 = arith.constant 3 : i32
        %add3A_208 = arith.addi %add3A_206, %add3A_207 : i32
        %get3A_209 = arith.index_cast %add3A_208 : i32 to index
        %get3A_210 = memref.load %arg2[%get3A_209] : memref<144xi32, #tpu.memory_space<smem>>
        %get3A_211 = arith.index_cast %get3A_210 : i32 to index
        %get3A_212 = arith.constant 0 : index
        %get3A_213 = arith.constant 0 : index
        %get3A_214 = vector.load %arg4[%get3A_211, %get3A_212, %get3A_213] : memref<16x32x768xf32, #tpu.memory_space<vmem>>, vector<1x32x768xf32>
        %get3A_215 = vector.shape_cast %get3A_214 : vector<1x32x768xf32> to vector<32x768xf32>
        %concatenate3A = tpu.concatenate %get3A_176, %get3A_189, %get3A_202, %get3A_215 in 0 : vector<32x768xf32>, vector<32x768xf32>, vector<32x768xf32>, vector<32x768xf32> -> vector<128x768xf32>
        %convert_element_type3A_216 = arith.truncf %concatenate3A : vector<128x768xf32> to vector<128x768xbf16>
        %swap3A = arith.index_cast %add3A_36 : i32 to index
        %swap3A_217 = arith.constant 0 : index
        %swap3A_218 = arith.constant 0 : index
        %swap3A_219 = vector.load %arg10[%swap3A, %swap3A_217, %swap3A_218] : memref<14x128x768xbf16, #tpu.memory_space<vmem>>, vector<1x128x768xbf16>
        %swap3A_220 = vector.shape_cast %swap3A_219 : vector<1x128x768xbf16> to vector<128x768xbf16>
        %swap3A_221 = vector.shape_cast %convert_element_type3A_216 : vector<128x768xbf16> to vector<1x128x768xbf16>
        tpu.vector_store %arg10[%swap3A, %swap3A_217, %swap3A_218], %swap3A_221 {strides = array<i32>} : memref<14x128x768xbf16, #tpu.memory_space<vmem>>, vector<1x128x768xbf16>,
      } else {
      }
      %get3A_41 = arith.index_cast %add3A_36 : i32 to index
      %get3A_42 = arith.constant 0 : index
      %get3A_43 = arith.constant 0 : index
      %get3A_44 = vector.load %arg10[%get3A_41, %get3A_42, %get3A_43] : memref<14x128x768xbf16, #tpu.memory_space<vmem>>, vector<1x128x768xbf16>
      %get3A_45 = vector.shape_cast %get3A_44 : vector<1x128x768xbf16> to vector<128x768xbf16>
      %dot_general3A = arith.constant dense<0.000000e+00> : vector<128x1536xf32>
      %dot_general3A_46 = tpu.matmul %get3A_45, %convert_element_type3A, %dot_general3A {dimension_numbers = #tpu.dot_dimension_numbers<[1], [1], [0], [0], [0, 0, 1, 0], [], []>, transpose_lhs_hint = false} : vector<128x768xbf16>, vector<1536x768xbf16>, vector<128x1536xf32> -> vector<128x1536xf32>
      %get3A_47 = arith.constant 0 : index
      %get3A_48 = arith.constant 0 : index
      %get3A_49 = arith.constant 0 : index
      %get3A_50 = vector.load %arg6[%get3A_47, %get3A_48, %get3A_49] : memref<1x1x1536xf32, #tpu.memory_space<vmem>>, vector<1x1x1536xf32>
      %get3A_51 = vector.shape_cast %get3A_50 : vector<1x1x1536xf32> to vector<1536xf32>
      %broadcast_in_dim3A = vector.shape_cast %get3A_51 : vector<1536xf32> to vector<1x1536xf32>
      %add3A_52 = vector.broadcast %broadcast_in_dim3A : vector<1x1536xf32> to vector<128x1536xf32>
      %add3A_53 = arith.addf %dot_general3A_46, %add3A_52 : vector<128x1536xf32>
      %integer_pow3A = arith.mulf %add3A_53, %add3A_53 : vector<128x1536xf32>
      %integer_pow3A_54 = arith.mulf %add3A_53, %integer_pow3A : vector<128x1536xf32>
      %mul3A = arith.constant 4.471500e-02 : f32
      %mul3A_55 = vector.broadcast %mul3A : f32 to vector<128x1536xf32>
      %mul3A_56 = arith.mulf %mul3A_55, %integer_pow3A_54 : vector<128x1536xf32>
      %add3A_57 = arith.addf %add3A_53, %mul3A_56 : vector<128x1536xf32>
      %mul3A_58 = arith.constant 0.797884583 : f32
      %mul3A_59 = vector.broadcast %mul3A_58 : f32 to vector<128x1536xf32>
      %mul3A_60 = arith.mulf %mul3A_59, %add3A_57 : vector<128x1536xf32>
      %tanh3A = math.tanh %mul3A_60 : vector<128x1536xf32>
      %add3A_61 = arith.constant 1.000000e+00 : f32
      %add3A_62 = vector.broadcast %add3A_61 : f32 to vector<128x1536xf32>
      %add3A_63 = arith.addf %add3A_62, %tanh3A : vector<128x1536xf32>
      %mul3A_64 = arith.constant 5.000000e-01 : f32
      %mul3A_65 = vector.broadcast %mul3A_64 : f32 to vector<128x1536xf32>
      %mul3A_66 = arith.mulf %mul3A_65, %add3A_63 : vector<128x1536xf32>
      %mul3A_67 = arith.mulf %add3A_53, %mul3A_66 : vector<128x1536xf32>
      %convert_element_type3A_68 = arith.truncf %mul3A_67 : vector<128x1536xf32> to vector<128x1536xbf16>
      %dot_general3A_69 = arith.constant dense<0.000000e+00> : vector<128x768xf32>
      %dot_general3A_70 = tpu.matmul %convert_element_type3A_68, %convert_element_type3A_16, %dot_general3A_69 {dimension_numbers = #tpu.dot_dimension_numbers<[1], [1], [0], [0], [0, 0, 1, 0], [], []>, transpose_lhs_hint = false} : vector<128x1536xbf16>, vector<768x1536xbf16>, vector<128x768xf32> -> vector<128x768xf32>
      %mul3A_71 = arith.constant 4 : i32
      %mul3A_72 = arith.muli %mul3A_71, %add3A_36 : i32
      %add3A_73 = arith.constant 0 : i32
      %add3A_74 = arith.addi %mul3A_72, %add3A_73 : i32
      %add3A_75 = arith.constant 80 : i32
      %add3A_76 = arith.addi %add3A_75, %add3A_74 : i32
      %get3A_77 = arith.index_cast %add3A_76 : i32 to index
      %get3A_78 = memref.load %arg2[%get3A_77] : memref<144xi32, #tpu.memory_space<smem>>
      %lt3A = arith.constant 32 : i32
      %lt3A_79 = arith.cmpi slt, %get3A_78, %lt3A : i32
      %eq3A_80 = arith.constant 0 : i32
      %eq3A_81 = arith.cmpi eq, %arg0, %eq3A_80 : i32
      %and3A = arith.andi %lt3A_79, %eq3A_81 : i1
      %convert_element_type3A_82 = arith.extui %and3A : i1 to i32
      %cond3A_83 = arith.constant 0 : i32
      %cond3A_84 = arith.cmpi ne, %convert_element_type3A_82, %cond3A_83 : i32
      scf.if %cond3A_84 {
        %get3A_164 = arith.index_cast %add3A_74 : i32 to index
        %get3A_165 = memref.load %arg3[%get3A_164] : memref<64xf32, #tpu.memory_space<smem>>
        %slice3A = vector.extract_strided_slice %dot_general3A_70 {offsets = [0, 0], sizes = [32, 768], strides = [1, 1]} : vector<128x768xf32> to vector<32x768xf32>
        %get3A_166 = arith.constant 0 : index
        %get3A_167 = arith.constant 0 : index
        %get3A_168 = arith.constant 0 : index
        %get3A_169 = vector.load %arg8[%get3A_166, %get3A_167, %get3A_168] : memref<1x1x768xf32, #tpu.memory_space<vmem>>, vector<1x1x768xf32>
        %get3A_170 = vector.shape_cast %get3A_169 : vector<1x1x768xf32> to vector<768xf32>
        %broadcast_in_dim3A_171 = vector.shape_cast %get3A_170 : vector<768xf32> to vector<1x768xf32>
        %add3A_172 = vector.broadcast %broadcast_in_dim3A_171 : vector<1x768xf32> to vector<32x768xf32>
        %add3A_173 = arith.addf %slice3A, %add3A_172 : vector<32x768xf32>
        %mul3A_174 = vector.broadcast %get3A_165 : f32 to vector<32x768xf32>
        %mul3A_175 = arith.mulf %mul3A_174, %add3A_173 : vector<32x768xf32>
        %swap3A = arith.index_cast %get3A_78 : i32 to index
        %swap3A_176 = arith.constant 0 : index
        %swap3A_177 = arith.constant 0 : index
        %swap3A_178 = vector.load %arg9[%swap3A, %swap3A_176, %swap3A_177] : memref<32x32x768xf32, #tpu.memory_space<vmem>>, vector<1x32x768xf32>
        %swap3A_179 = vector.shape_cast %swap3A_178 : vector<1x32x768xf32> to vector<32x768xf32>
        %swap3A_180 = vector.shape_cast %mul3A_175 : vector<32x768xf32> to vector<1x32x768xf32>
        tpu.vector_store %arg9[%swap3A, %swap3A_176, %swap3A_177], %swap3A_180 {strides = array<i32>} : memref<32x32x768xf32, #tpu.memory_space<vmem>>, vector<1x32x768xf32>,
      } else {
      }
      %lt3A_85 = arith.constant 32 : i32
      %lt3A_86 = arith.cmpi slt, %get3A_78, %lt3A_85 : i32
      %ne3A = arith.constant 0 : i32
      %ne3A_87 = arith.cmpi ne, %arg0, %ne3A : i32
      %and3A_88 = arith.andi %lt3A_86, %ne3A_87 : i1
      %convert_element_type3A_89 = arith.extui %and3A_88 : i1 to i32
      %cond3A_90 = arith.constant 0 : i32
      %cond3A_91 = arith.cmpi ne, %convert_element_type3A_89, %cond3A_90 : i32
      scf.if %cond3A_91 {
        %get3A_164 = arith.index_cast %get3A_78 : i32 to index
        %get3A_165 = arith.constant 0 : index
        %get3A_166 = arith.constant 0 : index
        %get3A_167 = vector.load %arg9[%get3A_164, %get3A_165, %get3A_166] : memref<32x32x768xf32, #tpu.memory_space<vmem>>, vector<1x32x768xf32>
        %get3A_168 = vector.shape_cast %get3A_167 : vector<1x32x768xf32> to vector<32x768xf32>
        %get3A_169 = arith.index_cast %add3A_74 : i32 to index
        %get3A_170 = memref.load %arg3[%get3A_169] : memref<64xf32, #tpu.memory_space<smem>>
        %slice3A = vector.extract_strided_slice %dot_general3A_70 {offsets = [0, 0], sizes = [32, 768], strides = [1, 1]} : vector<128x768xf32> to vector<32x768xf32>
        %mul3A_171 = vector.broadcast %get3A_170 : f32 to vector<32x768xf32>
        %mul3A_172 = arith.mulf %mul3A_171, %slice3A : vector<32x768xf32>
        %add3A_173 = arith.addf %get3A_168, %mul3A_172 : vector<32x768xf32>
        %swap3A = arith.index_cast %get3A_78 : i32 to index
        %swap3A_174 = arith.constant 0 : index
        %swap3A_175 = arith.constant 0 : index
        %swap3A_176 = vector.load %arg9[%swap3A, %swap3A_174, %swap3A_175] : memref<32x32x768xf32, #tpu.memory_space<vmem>>, vector<1x32x768xf32>
        %swap3A_177 = vector.shape_cast %swap3A_176 : vector<1x32x768xf32> to vector<32x768xf32>
        %swap3A_178 = vector.shape_cast %add3A_173 : vector<32x768xf32> to vector<1x32x768xf32>
        tpu.vector_store %arg9[%swap3A, %swap3A_174, %swap3A_175], %swap3A_178 {strides = array<i32>} : memref<32x32x768xf32, #tpu.memory_space<vmem>>, vector<1x32x768xf32>,
      } else {
      }
      %mul3A_92 = arith.constant 4 : i32
      %mul3A_93 = arith.muli %mul3A_92, %add3A_36 : i32
      %add3A_94 = arith.constant 1 : i32
      %add3A_95 = arith.addi %mul3A_93, %add3A_94 : i32
      %add3A_96 = arith.constant 80 : i32
      %add3A_97 = arith.addi %add3A_96, %add3A_95 : i32
      %get3A_98 = arith.index_cast %add3A_97 : i32 to index
      %get3A_99 = memref.load %arg2[%get3A_98] : memref<144xi32, #tpu.memory_space<smem>>
      %lt3A_100 = arith.constant 32 : i32
      %lt3A_101 = arith.cmpi slt, %get3A_99, %lt3A_100 : i32
      %eq3A_102 = arith.constant 0 : i32
      %eq3A_103 = arith.cmpi eq, %arg0, %eq3A_102 : i32
      %and3A_104 = arith.andi %lt3A_101, %eq3A_103 : i1
      %convert_element_type3A_105 = arith.extui %and3A_104 : i1 to i32
      %cond3A_106 = arith.constant 0 : i32
      %cond3A_107 = arith.cmpi ne, %convert_element_type3A_105, %cond3A_106 : i32
      scf.if %cond3A_107 {
        %get3A_164 = arith.index_cast %add3A_95 : i32 to index
        %get3A_165 = memref.load %arg3[%get3A_164] : memref<64xf32, #tpu.memory_space<smem>>
        %slice3A = vector.extract_strided_slice %dot_general3A_70 {offsets = [32, 0], sizes = [32, 768], strides = [1, 1]} : vector<128x768xf32> to vector<32x768xf32>
        %get3A_166 = arith.constant 0 : index
        %get3A_167 = arith.constant 0 : index
        %get3A_168 = arith.constant 0 : index
        %get3A_169 = vector.load %arg8[%get3A_166, %get3A_167, %get3A_168] : memref<1x1x768xf32, #tpu.memory_space<vmem>>, vector<1x1x768xf32>
        %get3A_170 = vector.shape_cast %get3A_169 : vector<1x1x768xf32> to vector<768xf32>
        %broadcast_in_dim3A_171 = vector.shape_cast %get3A_170 : vector<768xf32> to vector<1x768xf32>
        %add3A_172 = vector.broadcast %broadcast_in_dim3A_171 : vector<1x768xf32> to vector<32x768xf32>
        %add3A_173 = arith.addf %slice3A, %add3A_172 : vector<32x768xf32>
        %mul3A_174 = vector.broadcast %get3A_165 : f32 to vector<32x768xf32>
        %mul3A_175 = arith.mulf %mul3A_174, %add3A_173 : vector<32x768xf32>
        %swap3A = arith.index_cast %get3A_99 : i32 to index
        %swap3A_176 = arith.constant 0 : index
        %swap3A_177 = arith.constant 0 : index
        %swap3A_178 = vector.load %arg9[%swap3A, %swap3A_176, %swap3A_177] : memref<32x32x768xf32, #tpu.memory_space<vmem>>, vector<1x32x768xf32>
        %swap3A_179 = vector.shape_cast %swap3A_178 : vector<1x32x768xf32> to vector<32x768xf32>
        %swap3A_180 = vector.shape_cast %mul3A_175 : vector<32x768xf32> to vector<1x32x768xf32>
        tpu.vector_store %arg9[%swap3A, %swap3A_176, %swap3A_177], %swap3A_180 {strides = array<i32>} : memref<32x32x768xf32, #tpu.memory_space<vmem>>, vector<1x32x768xf32>,
      } else {
      }
      %lt3A_108 = arith.constant 32 : i32
      %lt3A_109 = arith.cmpi slt, %get3A_99, %lt3A_108 : i32
      %ne3A_110 = arith.constant 0 : i32
      %ne3A_111 = arith.cmpi ne, %arg0, %ne3A_110 : i32
      %and3A_112 = arith.andi %lt3A_109, %ne3A_111 : i1
      %convert_element_type3A_113 = arith.extui %and3A_112 : i1 to i32
      %cond3A_114 = arith.constant 0 : i32
      %cond3A_115 = arith.cmpi ne, %convert_element_type3A_113, %cond3A_114 : i32
      scf.if %cond3A_115 {
        %get3A_164 = arith.index_cast %get3A_99 : i32 to index
        %get3A_165 = arith.constant 0 : index
        %get3A_166 = arith.constant 0 : index
        %get3A_167 = vector.load %arg9[%get3A_164, %get3A_165, %get3A_166] : memref<32x32x768xf32, #tpu.memory_space<vmem>>, vector<1x32x768xf32>
        %get3A_168 = vector.shape_cast %get3A_167 : vector<1x32x768xf32> to vector<32x768xf32>
        %get3A_169 = arith.index_cast %add3A_95 : i32 to index
        %get3A_170 = memref.load %arg3[%get3A_169] : memref<64xf32, #tpu.memory_space<smem>>
        %slice3A = vector.extract_strided_slice %dot_general3A_70 {offsets = [32, 0], sizes = [32, 768], strides = [1, 1]} : vector<128x768xf32> to vector<32x768xf32>
        %mul3A_171 = vector.broadcast %get3A_170 : f32 to vector<32x768xf32>
        %mul3A_172 = arith.mulf %mul3A_171, %slice3A : vector<32x768xf32>
        %add3A_173 = arith.addf %get3A_168, %mul3A_172 : vector<32x768xf32>
        %swap3A = arith.index_cast %get3A_99 : i32 to index
        %swap3A_174 = arith.constant 0 : index
        %swap3A_175 = arith.constant 0 : index
        %swap3A_176 = vector.load %arg9[%swap3A, %swap3A_174, %swap3A_175] : memref<32x32x768xf32, #tpu.memory_space<vmem>>, vector<1x32x768xf32>
        %swap3A_177 = vector.shape_cast %swap3A_176 : vector<1x32x768xf32> to vector<32x768xf32>
        %swap3A_178 = vector.shape_cast %add3A_173 : vector<32x768xf32> to vector<1x32x768xf32>
        tpu.vector_store %arg9[%swap3A, %swap3A_174, %swap3A_175], %swap3A_178 {strides = array<i32>} : memref<32x32x768xf32, #tpu.memory_space<vmem>>, vector<1x32x768xf32>,
      } else {
      }
      %mul3A_116 = arith.constant 4 : i32
      %mul3A_117 = arith.muli %mul3A_116, %add3A_36 : i32
      %add3A_118 = arith.constant 2 : i32
      %add3A_119 = arith.addi %mul3A_117, %add3A_118 : i32
      %add3A_120 = arith.constant 80 : i32
      %add3A_121 = arith.addi %add3A_120, %add3A_119 : i32
      %get3A_122 = arith.index_cast %add3A_121 : i32 to index
      %get3A_123 = memref.load %arg2[%get3A_122] : memref<144xi32, #tpu.memory_space<smem>>
      %lt3A_124 = arith.constant 32 : i32
      %lt3A_125 = arith.cmpi slt, %get3A_123, %lt3A_124 : i32
      %eq3A_126 = arith.constant 0 : i32
      %eq3A_127 = arith.cmpi eq, %arg0, %eq3A_126 : i32
      %and3A_128 = arith.andi %lt3A_125, %eq3A_127 : i1
      %convert_element_type3A_129 = arith.extui %and3A_128 : i1 to i32
      %cond3A_130 = arith.constant 0 : i32
      %cond3A_131 = arith.cmpi ne, %convert_element_type3A_129, %cond3A_130 : i32
      scf.if %cond3A_131 {
        %get3A_164 = arith.index_cast %add3A_119 : i32 to index
        %get3A_165 = memref.load %arg3[%get3A_164] : memref<64xf32, #tpu.memory_space<smem>>
        %slice3A = vector.extract_strided_slice %dot_general3A_70 {offsets = [64, 0], sizes = [32, 768], strides = [1, 1]} : vector<128x768xf32> to vector<32x768xf32>
        %get3A_166 = arith.constant 0 : index
        %get3A_167 = arith.constant 0 : index
        %get3A_168 = arith.constant 0 : index
        %get3A_169 = vector.load %arg8[%get3A_166, %get3A_167, %get3A_168] : memref<1x1x768xf32, #tpu.memory_space<vmem>>, vector<1x1x768xf32>
        %get3A_170 = vector.shape_cast %get3A_169 : vector<1x1x768xf32> to vector<768xf32>
        %broadcast_in_dim3A_171 = vector.shape_cast %get3A_170 : vector<768xf32> to vector<1x768xf32>
        %add3A_172 = vector.broadcast %broadcast_in_dim3A_171 : vector<1x768xf32> to vector<32x768xf32>
        %add3A_173 = arith.addf %slice3A, %add3A_172 : vector<32x768xf32>
        %mul3A_174 = vector.broadcast %get3A_165 : f32 to vector<32x768xf32>
        %mul3A_175 = arith.mulf %mul3A_174, %add3A_173 : vector<32x768xf32>
        %swap3A = arith.index_cast %get3A_123 : i32 to index
        %swap3A_176 = arith.constant 0 : index
        %swap3A_177 = arith.constant 0 : index
        %swap3A_178 = vector.load %arg9[%swap3A, %swap3A_176, %swap3A_177] : memref<32x32x768xf32, #tpu.memory_space<vmem>>, vector<1x32x768xf32>
        %swap3A_179 = vector.shape_cast %swap3A_178 : vector<1x32x768xf32> to vector<32x768xf32>
        %swap3A_180 = vector.shape_cast %mul3A_175 : vector<32x768xf32> to vector<1x32x768xf32>
        tpu.vector_store %arg9[%swap3A, %swap3A_176, %swap3A_177], %swap3A_180 {strides = array<i32>} : memref<32x32x768xf32, #tpu.memory_space<vmem>>, vector<1x32x768xf32>,
      } else {
      }
      %lt3A_132 = arith.constant 32 : i32
      %lt3A_133 = arith.cmpi slt, %get3A_123, %lt3A_132 : i32
      %ne3A_134 = arith.constant 0 : i32
      %ne3A_135 = arith.cmpi ne, %arg0, %ne3A_134 : i32
      %and3A_136 = arith.andi %lt3A_133, %ne3A_135 : i1
      %convert_element_type3A_137 = arith.extui %and3A_136 : i1 to i32
      %cond3A_138 = arith.constant 0 : i32
      %cond3A_139 = arith.cmpi ne, %convert_element_type3A_137, %cond3A_138 : i32
      scf.if %cond3A_139 {
        %get3A_164 = arith.index_cast %get3A_123 : i32 to index
        %get3A_165 = arith.constant 0 : index
        %get3A_166 = arith.constant 0 : index
        %get3A_167 = vector.load %arg9[%get3A_164, %get3A_165, %get3A_166] : memref<32x32x768xf32, #tpu.memory_space<vmem>>, vector<1x32x768xf32>
        %get3A_168 = vector.shape_cast %get3A_167 : vector<1x32x768xf32> to vector<32x768xf32>
        %get3A_169 = arith.index_cast %add3A_119 : i32 to index
        %get3A_170 = memref.load %arg3[%get3A_169] : memref<64xf32, #tpu.memory_space<smem>>
        %slice3A = vector.extract_strided_slice %dot_general3A_70 {offsets = [64, 0], sizes = [32, 768], strides = [1, 1]} : vector<128x768xf32> to vector<32x768xf32>
        %mul3A_171 = vector.broadcast %get3A_170 : f32 to vector<32x768xf32>
        %mul3A_172 = arith.mulf %mul3A_171, %slice3A : vector<32x768xf32>
        %add3A_173 = arith.addf %get3A_168, %mul3A_172 : vector<32x768xf32>
        %swap3A = arith.index_cast %get3A_123 : i32 to index
        %swap3A_174 = arith.constant 0 : index
        %swap3A_175 = arith.constant 0 : index
        %swap3A_176 = vector.load %arg9[%swap3A, %swap3A_174, %swap3A_175] : memref<32x32x768xf32, #tpu.memory_space<vmem>>, vector<1x32x768xf32>
        %swap3A_177 = vector.shape_cast %swap3A_176 : vector<1x32x768xf32> to vector<32x768xf32>
        %swap3A_178 = vector.shape_cast %add3A_173 : vector<32x768xf32> to vector<1x32x768xf32>
        tpu.vector_store %arg9[%swap3A, %swap3A_174, %swap3A_175], %swap3A_178 {strides = array<i32>} : memref<32x32x768xf32, #tpu.memory_space<vmem>>, vector<1x32x768xf32>,
      } else {
      }
      %mul3A_140 = arith.constant 4 : i32
      %mul3A_141 = arith.muli %mul3A_140, %add3A_36 : i32
      %add3A_142 = arith.constant 3 : i32
      %add3A_143 = arith.addi %mul3A_141, %add3A_142 : i32
      %add3A_144 = arith.constant 80 : i32
      %add3A_145 = arith.addi %add3A_144, %add3A_143 : i32
      %get3A_146 = arith.index_cast %add3A_145 : i32 to index
      %get3A_147 = memref.load %arg2[%get3A_146] : memref<144xi32, #tpu.memory_space<smem>>
      %lt3A_148 = arith.constant 32 : i32
      %lt3A_149 = arith.cmpi slt, %get3A_147, %lt3A_148 : i32
      %eq3A_150 = arith.constant 0 : i32
      %eq3A_151 = arith.cmpi eq, %arg0, %eq3A_150 : i32
      %and3A_152 = arith.andi %lt3A_149, %eq3A_151 : i1
      %convert_element_type3A_153 = arith.extui %and3A_152 : i1 to i32
      %cond3A_154 = arith.constant 0 : i32
      %cond3A_155 = arith.cmpi ne, %convert_element_type3A_153, %cond3A_154 : i32
      scf.if %cond3A_155 {
        %get3A_164 = arith.index_cast %add3A_143 : i32 to index
        %get3A_165 = memref.load %arg3[%get3A_164] : memref<64xf32, #tpu.memory_space<smem>>
        %slice3A = vector.extract_strided_slice %dot_general3A_70 {offsets = [96, 0], sizes = [32, 768], strides = [1, 1]} : vector<128x768xf32> to vector<32x768xf32>
        %get3A_166 = arith.constant 0 : index
        %get3A_167 = arith.constant 0 : index
        %get3A_168 = arith.constant 0 : index
        %get3A_169 = vector.load %arg8[%get3A_166, %get3A_167, %get3A_168] : memref<1x1x768xf32, #tpu.memory_space<vmem>>, vector<1x1x768xf32>
        %get3A_170 = vector.shape_cast %get3A_169 : vector<1x1x768xf32> to vector<768xf32>
        %broadcast_in_dim3A_171 = vector.shape_cast %get3A_170 : vector<768xf32> to vector<1x768xf32>
        %add3A_172 = vector.broadcast %broadcast_in_dim3A_171 : vector<1x768xf32> to vector<32x768xf32>
        %add3A_173 = arith.addf %slice3A, %add3A_172 : vector<32x768xf32>
        %mul3A_174 = vector.broadcast %get3A_165 : f32 to vector<32x768xf32>
        %mul3A_175 = arith.mulf %mul3A_174, %add3A_173 : vector<32x768xf32>
        %swap3A = arith.index_cast %get3A_147 : i32 to index
        %swap3A_176 = arith.constant 0 : index
        %swap3A_177 = arith.constant 0 : index
        %swap3A_178 = vector.load %arg9[%swap3A, %swap3A_176, %swap3A_177] : memref<32x32x768xf32, #tpu.memory_space<vmem>>, vector<1x32x768xf32>
        %swap3A_179 = vector.shape_cast %swap3A_178 : vector<1x32x768xf32> to vector<32x768xf32>
        %swap3A_180 = vector.shape_cast %mul3A_175 : vector<32x768xf32> to vector<1x32x768xf32>
        tpu.vector_store %arg9[%swap3A, %swap3A_176, %swap3A_177], %swap3A_180 {strides = array<i32>} : memref<32x32x768xf32, #tpu.memory_space<vmem>>, vector<1x32x768xf32>,
      } else {
      }
      %lt3A_156 = arith.constant 32 : i32
      %lt3A_157 = arith.cmpi slt, %get3A_147, %lt3A_156 : i32
      %ne3A_158 = arith.constant 0 : i32
      %ne3A_159 = arith.cmpi ne, %arg0, %ne3A_158 : i32
      %and3A_160 = arith.andi %lt3A_157, %ne3A_159 : i1
      %convert_element_type3A_161 = arith.extui %and3A_160 : i1 to i32
      %cond3A_162 = arith.constant 0 : i32
      %cond3A_163 = arith.cmpi ne, %convert_element_type3A_161, %cond3A_162 : i32
      scf.if %cond3A_163 {
        %get3A_164 = arith.index_cast %get3A_147 : i32 to index
        %get3A_165 = arith.constant 0 : index
        %get3A_166 = arith.constant 0 : index
        %get3A_167 = vector.load %arg9[%get3A_164, %get3A_165, %get3A_166] : memref<32x32x768xf32, #tpu.memory_space<vmem>>, vector<1x32x768xf32>
        %get3A_168 = vector.shape_cast %get3A_167 : vector<1x32x768xf32> to vector<32x768xf32>
        %get3A_169 = arith.index_cast %add3A_143 : i32 to index
        %get3A_170 = memref.load %arg3[%get3A_169] : memref<64xf32, #tpu.memory_space<smem>>
        %slice3A = vector.extract_strided_slice %dot_general3A_70 {offsets = [96, 0], sizes = [32, 768], strides = [1, 1]} : vector<128x768xf32> to vector<32x768xf32>
        %mul3A_171 = vector.broadcast %get3A_170 : f32 to vector<32x768xf32>
        %mul3A_172 = arith.mulf %mul3A_171, %slice3A : vector<32x768xf32>
        %add3A_173 = arith.addf %get3A_168, %mul3A_172 : vector<32x768xf32>
        %swap3A = arith.index_cast %get3A_147 : i32 to index
        %swap3A_174 = arith.constant 0 : index
        %swap3A_175 = arith.constant 0 : index
        %swap3A_176 = vector.load %arg9[%swap3A, %swap3A_174, %swap3A_175] : memref<32x32x768xf32, #tpu.memory_space<vmem>>, vector<1x32x768xf32>
        %swap3A_177 = vector.shape_cast %swap3A_176 : vector<1x32x768xf32> to vector<32x768xf32>
        %swap3A_178 = vector.shape_cast %add3A_173 : vector<32x768xf32> to vector<1x32x768xf32>
        tpu.vector_store %arg9[%swap3A, %swap3A_174, %swap3A_175], %swap3A_178 {strides = array<i32>} : memref<32x32x768xf32, #tpu.memory_space<vmem>>, vector<1x32x768xf32>,
      } else {
      }
    } else {
    }
    %gt3A_30 = arith.constant 3 : i32
    %gt3A_31 = arith.cmpi sgt, %get3A_5, %gt3A_30 : i32
    %convert_element_type3A_32 = arith.extui %gt3A_31 : i1 to i32
    %cond3A_33 = arith.constant 0 : i32
    %cond3A_34 = arith.cmpi ne, %convert_element_type3A_32, %cond3A_33 : i32
    scf.if %cond3A_34 {
      %add3A_35 = arith.constant 3 : i32
      %add3A_36 = arith.addi %get3A_1, %add3A_35 : i32
      %eq3A = arith.constant 0 : i32
      %eq3A_37 = arith.cmpi eq, %arg0, %eq3A : i32
      %convert_element_type3A_38 = arith.extui %eq3A_37 : i1 to i32
      %cond3A_39 = arith.constant 0 : i32
      %cond3A_40 = arith.cmpi ne, %convert_element_type3A_38, %cond3A_39 : i32
      scf.if %cond3A_40 {
        %mul3A_164 = arith.constant 4 : i32
        %mul3A_165 = arith.muli %mul3A_164, %add3A_36 : i32
        %add3A_166 = arith.constant 16 : i32
        %add3A_167 = arith.addi %add3A_166, %mul3A_165 : i32
        %add3A_168 = arith.constant 0 : i32
        %add3A_169 = arith.addi %add3A_167, %add3A_168 : i32
        %get3A_170 = arith.index_cast %add3A_169 : i32 to index
        %get3A_171 = memref.load %arg2[%get3A_170] : memref<144xi32, #tpu.memory_space<smem>>
        %get3A_172 = arith.index_cast %get3A_171 : i32 to index
        %get3A_173 = arith.constant 0 : index
        %get3A_174 = arith.constant 0 : index
        %get3A_175 = vector.load %arg4[%get3A_172, %get3A_173, %get3A_174] : memref<16x32x768xf32, #tpu.memory_space<vmem>>, vector<1x32x768xf32>
        %get3A_176 = vector.shape_cast %get3A_175 : vector<1x32x768xf32> to vector<32x768xf32>
        %mul3A_177 = arith.constant 4 : i32
        %mul3A_178 = arith.muli %mul3A_177, %add3A_36 : i32
        %add3A_179 = arith.constant 16 : i32
        %add3A_180 = arith.addi %add3A_179, %mul3A_178 : i32
        %add3A_181 = arith.constant 1 : i32
        %add3A_182 = arith.addi %add3A_180, %add3A_181 : i32
        %get3A_183 = arith.index_cast %add3A_182 : i32 to index
        %get3A_184 = memref.load %arg2[%get3A_183] : memref<144xi32, #tpu.memory_space<smem>>
        %get3A_185 = arith.index_cast %get3A_184 : i32 to index
        %get3A_186 = arith.constant 0 : index
        %get3A_187 = arith.constant 0 : index
        %get3A_188 = vector.load %arg4[%get3A_185, %get3A_186, %get3A_187] : memref<16x32x768xf32, #tpu.memory_space<vmem>>, vector<1x32x768xf32>
        %get3A_189 = vector.shape_cast %get3A_188 : vector<1x32x768xf32> to vector<32x768xf32>
        %mul3A_190 = arith.constant 4 : i32
        %mul3A_191 = arith.muli %mul3A_190, %add3A_36 : i32
        %add3A_192 = arith.constant 16 : i32
        %add3A_193 = arith.addi %add3A_192, %mul3A_191 : i32
        %add3A_194 = arith.constant 2 : i32
        %add3A_195 = arith.addi %add3A_193, %add3A_194 : i32
        %get3A_196 = arith.index_cast %add3A_195 : i32 to index
        %get3A_197 = memref.load %arg2[%get3A_196] : memref<144xi32, #tpu.memory_space<smem>>
        %get3A_198 = arith.index_cast %get3A_197 : i32 to index
        %get3A_199 = arith.constant 0 : index
        %get3A_200 = arith.constant 0 : index
        %get3A_201 = vector.load %arg4[%get3A_198, %get3A_199, %get3A_200] : memref<16x32x768xf32, #tpu.memory_space<vmem>>, vector<1x32x768xf32>
        %get3A_202 = vector.shape_cast %get3A_201 : vector<1x32x768xf32> to vector<32x768xf32>
        %mul3A_203 = arith.constant 4 : i32
        %mul3A_204 = arith.muli %mul3A_203, %add3A_36 : i32
        %add3A_205 = arith.constant 16 : i32
        %add3A_206 = arith.addi %add3A_205, %mul3A_204 : i32
        %add3A_207 = arith.constant 3 : i32
        %add3A_208 = arith.addi %add3A_206, %add3A_207 : i32
        %get3A_209 = arith.index_cast %add3A_208 : i32 to index
        %get3A_210 = memref.load %arg2[%get3A_209] : memref<144xi32, #tpu.memory_space<smem>>
        %get3A_211 = arith.index_cast %get3A_210 : i32 to index
        %get3A_212 = arith.constant 0 : index
        %get3A_213 = arith.constant 0 : index
        %get3A_214 = vector.load %arg4[%get3A_211, %get3A_212, %get3A_213] : memref<16x32x768xf32, #tpu.memory_space<vmem>>, vector<1x32x768xf32>
        %get3A_215 = vector.shape_cast %get3A_214 : vector<1x32x768xf32> to vector<32x768xf32>
        %concatenate3A = tpu.concatenate %get3A_176, %get3A_189, %get3A_202, %get3A_215 in 0 : vector<32x768xf32>, vector<32x768xf32>, vector<32x768xf32>, vector<32x768xf32> -> vector<128x768xf32>
        %convert_element_type3A_216 = arith.truncf %concatenate3A : vector<128x768xf32> to vector<128x768xbf16>
        %swap3A = arith.index_cast %add3A_36 : i32 to index
        %swap3A_217 = arith.constant 0 : index
        %swap3A_218 = arith.constant 0 : index
        %swap3A_219 = vector.load %arg10[%swap3A, %swap3A_217, %swap3A_218] : memref<14x128x768xbf16, #tpu.memory_space<vmem>>, vector<1x128x768xbf16>
        %swap3A_220 = vector.shape_cast %swap3A_219 : vector<1x128x768xbf16> to vector<128x768xbf16>
        %swap3A_221 = vector.shape_cast %convert_element_type3A_216 : vector<128x768xbf16> to vector<1x128x768xbf16>
        tpu.vector_store %arg10[%swap3A, %swap3A_217, %swap3A_218], %swap3A_221 {strides = array<i32>} : memref<14x128x768xbf16, #tpu.memory_space<vmem>>, vector<1x128x768xbf16>,
      } else {
      }
      %get3A_41 = arith.index_cast %add3A_36 : i32 to index
      %get3A_42 = arith.constant 0 : index
      %get3A_43 = arith.constant 0 : index
      %get3A_44 = vector.load %arg10[%get3A_41, %get3A_42, %get3A_43] : memref<14x128x768xbf16, #tpu.memory_space<vmem>>, vector<1x128x768xbf16>
      %get3A_45 = vector.shape_cast %get3A_44 : vector<1x128x768xbf16> to vector<128x768xbf16>
      %dot_general3A = arith.constant dense<0.000000e+00> : vector<128x1536xf32>
      %dot_general3A_46 = tpu.matmul %get3A_45, %convert_element_type3A, %dot_general3A {dimension_numbers = #tpu.dot_dimension_numbers<[1], [1], [0], [0], [0, 0, 1, 0], [], []>, transpose_lhs_hint = false} : vector<128x768xbf16>, vector<1536x768xbf16>, vector<128x1536xf32> -> vector<128x1536xf32>
      %get3A_47 = arith.constant 0 : index
      %get3A_48 = arith.constant 0 : index
      %get3A_49 = arith.constant 0 : index
      %get3A_50 = vector.load %arg6[%get3A_47, %get3A_48, %get3A_49] : memref<1x1x1536xf32, #tpu.memory_space<vmem>>, vector<1x1x1536xf32>
      %get3A_51 = vector.shape_cast %get3A_50 : vector<1x1x1536xf32> to vector<1536xf32>
      %broadcast_in_dim3A = vector.shape_cast %get3A_51 : vector<1536xf32> to vector<1x1536xf32>
      %add3A_52 = vector.broadcast %broadcast_in_dim3A : vector<1x1536xf32> to vector<128x1536xf32>
      %add3A_53 = arith.addf %dot_general3A_46, %add3A_52 : vector<128x1536xf32>
      %integer_pow3A = arith.mulf %add3A_53, %add3A_53 : vector<128x1536xf32>
      %integer_pow3A_54 = arith.mulf %add3A_53, %integer_pow3A : vector<128x1536xf32>
      %mul3A = arith.constant 4.471500e-02 : f32
      %mul3A_55 = vector.broadcast %mul3A : f32 to vector<128x1536xf32>
      %mul3A_56 = arith.mulf %mul3A_55, %integer_pow3A_54 : vector<128x1536xf32>
      %add3A_57 = arith.addf %add3A_53, %mul3A_56 : vector<128x1536xf32>
      %mul3A_58 = arith.constant 0.797884583 : f32
      %mul3A_59 = vector.broadcast %mul3A_58 : f32 to vector<128x1536xf32>
      %mul3A_60 = arith.mulf %mul3A_59, %add3A_57 : vector<128x1536xf32>
      %tanh3A = math.tanh %mul3A_60 : vector<128x1536xf32>
      %add3A_61 = arith.constant 1.000000e+00 : f32
      %add3A_62 = vector.broadcast %add3A_61 : f32 to vector<128x1536xf32>
      %add3A_63 = arith.addf %add3A_62, %tanh3A : vector<128x1536xf32>
      %mul3A_64 = arith.constant 5.000000e-01 : f32
      %mul3A_65 = vector.broadcast %mul3A_64 : f32 to vector<128x1536xf32>
      %mul3A_66 = arith.mulf %mul3A_65, %add3A_63 : vector<128x1536xf32>
      %mul3A_67 = arith.mulf %add3A_53, %mul3A_66 : vector<128x1536xf32>
      %convert_element_type3A_68 = arith.truncf %mul3A_67 : vector<128x1536xf32> to vector<128x1536xbf16>
      %dot_general3A_69 = arith.constant dense<0.000000e+00> : vector<128x768xf32>
      %dot_general3A_70 = tpu.matmul %convert_element_type3A_68, %convert_element_type3A_16, %dot_general3A_69 {dimension_numbers = #tpu.dot_dimension_numbers<[1], [1], [0], [0], [0, 0, 1, 0], [], []>, transpose_lhs_hint = false} : vector<128x1536xbf16>, vector<768x1536xbf16>, vector<128x768xf32> -> vector<128x768xf32>
      %mul3A_71 = arith.constant 4 : i32
      %mul3A_72 = arith.muli %mul3A_71, %add3A_36 : i32
      %add3A_73 = arith.constant 0 : i32
      %add3A_74 = arith.addi %mul3A_72, %add3A_73 : i32
      %add3A_75 = arith.constant 80 : i32
      %add3A_76 = arith.addi %add3A_75, %add3A_74 : i32
      %get3A_77 = arith.index_cast %add3A_76 : i32 to index
      %get3A_78 = memref.load %arg2[%get3A_77] : memref<144xi32, #tpu.memory_space<smem>>
      %lt3A = arith.constant 32 : i32
      %lt3A_79 = arith.cmpi slt, %get3A_78, %lt3A : i32
      %eq3A_80 = arith.constant 0 : i32
      %eq3A_81 = arith.cmpi eq, %arg0, %eq3A_80 : i32
      %and3A = arith.andi %lt3A_79, %eq3A_81 : i1
      %convert_element_type3A_82 = arith.extui %and3A : i1 to i32
      %cond3A_83 = arith.constant 0 : i32
      %cond3A_84 = arith.cmpi ne, %convert_element_type3A_82, %cond3A_83 : i32
      scf.if %cond3A_84 {
        %get3A_164 = arith.index_cast %add3A_74 : i32 to index
        %get3A_165 = memref.load %arg3[%get3A_164] : memref<64xf32, #tpu.memory_space<smem>>
        %slice3A = vector.extract_strided_slice %dot_general3A_70 {offsets = [0, 0], sizes = [32, 768], strides = [1, 1]} : vector<128x768xf32> to vector<32x768xf32>
        %get3A_166 = arith.constant 0 : index
        %get3A_167 = arith.constant 0 : index
        %get3A_168 = arith.constant 0 : index
        %get3A_169 = vector.load %arg8[%get3A_166, %get3A_167, %get3A_168] : memref<1x1x768xf32, #tpu.memory_space<vmem>>, vector<1x1x768xf32>
        %get3A_170 = vector.shape_cast %get3A_169 : vector<1x1x768xf32> to vector<768xf32>
        %broadcast_in_dim3A_171 = vector.shape_cast %get3A_170 : vector<768xf32> to vector<1x768xf32>
        %add3A_172 = vector.broadcast %broadcast_in_dim3A_171 : vector<1x768xf32> to vector<32x768xf32>
        %add3A_173 = arith.addf %slice3A, %add3A_172 : vector<32x768xf32>
        %mul3A_174 = vector.broadcast %get3A_165 : f32 to vector<32x768xf32>
        %mul3A_175 = arith.mulf %mul3A_174, %add3A_173 : vector<32x768xf32>
        %swap3A = arith.index_cast %get3A_78 : i32 to index
        %swap3A_176 = arith.constant 0 : index
        %swap3A_177 = arith.constant 0 : index
        %swap3A_178 = vector.load %arg9[%swap3A, %swap3A_176, %swap3A_177] : memref<32x32x768xf32, #tpu.memory_space<vmem>>, vector<1x32x768xf32>
        %swap3A_179 = vector.shape_cast %swap3A_178 : vector<1x32x768xf32> to vector<32x768xf32>
        %swap3A_180 = vector.shape_cast %mul3A_175 : vector<32x768xf32> to vector<1x32x768xf32>
        tpu.vector_store %arg9[%swap3A, %swap3A_176, %swap3A_177], %swap3A_180 {strides = array<i32>} : memref<32x32x768xf32, #tpu.memory_space<vmem>>, vector<1x32x768xf32>,
      } else {
      }
      %lt3A_85 = arith.constant 32 : i32
      %lt3A_86 = arith.cmpi slt, %get3A_78, %lt3A_85 : i32
      %ne3A = arith.constant 0 : i32
      %ne3A_87 = arith.cmpi ne, %arg0, %ne3A : i32
      %and3A_88 = arith.andi %lt3A_86, %ne3A_87 : i1
      %convert_element_type3A_89 = arith.extui %and3A_88 : i1 to i32
      %cond3A_90 = arith.constant 0 : i32
      %cond3A_91 = arith.cmpi ne, %convert_element_type3A_89, %cond3A_90 : i32
      scf.if %cond3A_91 {
        %get3A_164 = arith.index_cast %get3A_78 : i32 to index
        %get3A_165 = arith.constant 0 : index
        %get3A_166 = arith.constant 0 : index
        %get3A_167 = vector.load %arg9[%get3A_164, %get3A_165, %get3A_166] : memref<32x32x768xf32, #tpu.memory_space<vmem>>, vector<1x32x768xf32>
        %get3A_168 = vector.shape_cast %get3A_167 : vector<1x32x768xf32> to vector<32x768xf32>
        %get3A_169 = arith.index_cast %add3A_74 : i32 to index
        %get3A_170 = memref.load %arg3[%get3A_169] : memref<64xf32, #tpu.memory_space<smem>>
        %slice3A = vector.extract_strided_slice %dot_general3A_70 {offsets = [0, 0], sizes = [32, 768], strides = [1, 1]} : vector<128x768xf32> to vector<32x768xf32>
        %mul3A_171 = vector.broadcast %get3A_170 : f32 to vector<32x768xf32>
        %mul3A_172 = arith.mulf %mul3A_171, %slice3A : vector<32x768xf32>
        %add3A_173 = arith.addf %get3A_168, %mul3A_172 : vector<32x768xf32>
        %swap3A = arith.index_cast %get3A_78 : i32 to index
        %swap3A_174 = arith.constant 0 : index
        %swap3A_175 = arith.constant 0 : index
        %swap3A_176 = vector.load %arg9[%swap3A, %swap3A_174, %swap3A_175] : memref<32x32x768xf32, #tpu.memory_space<vmem>>, vector<1x32x768xf32>
        %swap3A_177 = vector.shape_cast %swap3A_176 : vector<1x32x768xf32> to vector<32x768xf32>
        %swap3A_178 = vector.shape_cast %add3A_173 : vector<32x768xf32> to vector<1x32x768xf32>
        tpu.vector_store %arg9[%swap3A, %swap3A_174, %swap3A_175], %swap3A_178 {strides = array<i32>} : memref<32x32x768xf32, #tpu.memory_space<vmem>>, vector<1x32x768xf32>,
      } else {
      }
      %mul3A_92 = arith.constant 4 : i32
      %mul3A_93 = arith.muli %mul3A_92, %add3A_36 : i32
      %add3A_94 = arith.constant 1 : i32
      %add3A_95 = arith.addi %mul3A_93, %add3A_94 : i32
      %add3A_96 = arith.constant 80 : i32
      %add3A_97 = arith.addi %add3A_96, %add3A_95 : i32
      %get3A_98 = arith.index_cast %add3A_97 : i32 to index
      %get3A_99 = memref.load %arg2[%get3A_98] : memref<144xi32, #tpu.memory_space<smem>>
      %lt3A_100 = arith.constant 32 : i32
      %lt3A_101 = arith.cmpi slt, %get3A_99, %lt3A_100 : i32
      %eq3A_102 = arith.constant 0 : i32
      %eq3A_103 = arith.cmpi eq, %arg0, %eq3A_102 : i32
      %and3A_104 = arith.andi %lt3A_101, %eq3A_103 : i1
      %convert_element_type3A_105 = arith.extui %and3A_104 : i1 to i32
      %cond3A_106 = arith.constant 0 : i32
      %cond3A_107 = arith.cmpi ne, %convert_element_type3A_105, %cond3A_106 : i32
      scf.if %cond3A_107 {
        %get3A_164 = arith.index_cast %add3A_95 : i32 to index
        %get3A_165 = memref.load %arg3[%get3A_164] : memref<64xf32, #tpu.memory_space<smem>>
        %slice3A = vector.extract_strided_slice %dot_general3A_70 {offsets = [32, 0], sizes = [32, 768], strides = [1, 1]} : vector<128x768xf32> to vector<32x768xf32>
        %get3A_166 = arith.constant 0 : index
        %get3A_167 = arith.constant 0 : index
        %get3A_168 = arith.constant 0 : index
        %get3A_169 = vector.load %arg8[%get3A_166, %get3A_167, %get3A_168] : memref<1x1x768xf32, #tpu.memory_space<vmem>>, vector<1x1x768xf32>
        %get3A_170 = vector.shape_cast %get3A_169 : vector<1x1x768xf32> to vector<768xf32>
        %broadcast_in_dim3A_171 = vector.shape_cast %get3A_170 : vector<768xf32> to vector<1x768xf32>
        %add3A_172 = vector.broadcast %broadcast_in_dim3A_171 : vector<1x768xf32> to vector<32x768xf32>
        %add3A_173 = arith.addf %slice3A, %add3A_172 : vector<32x768xf32>
        %mul3A_174 = vector.broadcast %get3A_165 : f32 to vector<32x768xf32>
        %mul3A_175 = arith.mulf %mul3A_174, %add3A_173 : vector<32x768xf32>
        %swap3A = arith.index_cast %get3A_99 : i32 to index
        %swap3A_176 = arith.constant 0 : index
        %swap3A_177 = arith.constant 0 : index
        %swap3A_178 = vector.load %arg9[%swap3A, %swap3A_176, %swap3A_177] : memref<32x32x768xf32, #tpu.memory_space<vmem>>, vector<1x32x768xf32>
        %swap3A_179 = vector.shape_cast %swap3A_178 : vector<1x32x768xf32> to vector<32x768xf32>
        %swap3A_180 = vector.shape_cast %mul3A_175 : vector<32x768xf32> to vector<1x32x768xf32>
        tpu.vector_store %arg9[%swap3A, %swap3A_176, %swap3A_177], %swap3A_180 {strides = array<i32>} : memref<32x32x768xf32, #tpu.memory_space<vmem>>, vector<1x32x768xf32>,
      } else {
      }
      %lt3A_108 = arith.constant 32 : i32
      %lt3A_109 = arith.cmpi slt, %get3A_99, %lt3A_108 : i32
      %ne3A_110 = arith.constant 0 : i32
      %ne3A_111 = arith.cmpi ne, %arg0, %ne3A_110 : i32
      %and3A_112 = arith.andi %lt3A_109, %ne3A_111 : i1
      %convert_element_type3A_113 = arith.extui %and3A_112 : i1 to i32
      %cond3A_114 = arith.constant 0 : i32
      %cond3A_115 = arith.cmpi ne, %convert_element_type3A_113, %cond3A_114 : i32
      scf.if %cond3A_115 {
        %get3A_164 = arith.index_cast %get3A_99 : i32 to index
        %get3A_165 = arith.constant 0 : index
        %get3A_166 = arith.constant 0 : index
        %get3A_167 = vector.load %arg9[%get3A_164, %get3A_165, %get3A_166] : memref<32x32x768xf32, #tpu.memory_space<vmem>>, vector<1x32x768xf32>
        %get3A_168 = vector.shape_cast %get3A_167 : vector<1x32x768xf32> to vector<32x768xf32>
        %get3A_169 = arith.index_cast %add3A_95 : i32 to index
        %get3A_170 = memref.load %arg3[%get3A_169] : memref<64xf32, #tpu.memory_space<smem>>
        %slice3A = vector.extract_strided_slice %dot_general3A_70 {offsets = [32, 0], sizes = [32, 768], strides = [1, 1]} : vector<128x768xf32> to vector<32x768xf32>
        %mul3A_171 = vector.broadcast %get3A_170 : f32 to vector<32x768xf32>
        %mul3A_172 = arith.mulf %mul3A_171, %slice3A : vector<32x768xf32>
        %add3A_173 = arith.addf %get3A_168, %mul3A_172 : vector<32x768xf32>
        %swap3A = arith.index_cast %get3A_99 : i32 to index
        %swap3A_174 = arith.constant 0 : index
        %swap3A_175 = arith.constant 0 : index
        %swap3A_176 = vector.load %arg9[%swap3A, %swap3A_174, %swap3A_175] : memref<32x32x768xf32, #tpu.memory_space<vmem>>, vector<1x32x768xf32>
        %swap3A_177 = vector.shape_cast %swap3A_176 : vector<1x32x768xf32> to vector<32x768xf32>
        %swap3A_178 = vector.shape_cast %add3A_173 : vector<32x768xf32> to vector<1x32x768xf32>
        tpu.vector_store %arg9[%swap3A, %swap3A_174, %swap3A_175], %swap3A_178 {strides = array<i32>} : memref<32x32x768xf32, #tpu.memory_space<vmem>>, vector<1x32x768xf32>,
      } else {
      }
      %mul3A_116 = arith.constant 4 : i32
      %mul3A_117 = arith.muli %mul3A_116, %add3A_36 : i32
      %add3A_118 = arith.constant 2 : i32
      %add3A_119 = arith.addi %mul3A_117, %add3A_118 : i32
      %add3A_120 = arith.constant 80 : i32
      %add3A_121 = arith.addi %add3A_120, %add3A_119 : i32
      %get3A_122 = arith.index_cast %add3A_121 : i32 to index
      %get3A_123 = memref.load %arg2[%get3A_122] : memref<144xi32, #tpu.memory_space<smem>>
      %lt3A_124 = arith.constant 32 : i32
      %lt3A_125 = arith.cmpi slt, %get3A_123, %lt3A_124 : i32
      %eq3A_126 = arith.constant 0 : i32
      %eq3A_127 = arith.cmpi eq, %arg0, %eq3A_126 : i32
      %and3A_128 = arith.andi %lt3A_125, %eq3A_127 : i1
      %convert_element_type3A_129 = arith.extui %and3A_128 : i1 to i32
      %cond3A_130 = arith.constant 0 : i32
      %cond3A_131 = arith.cmpi ne, %convert_element_type3A_129, %cond3A_130 : i32
      scf.if %cond3A_131 {
        %get3A_164 = arith.index_cast %add3A_119 : i32 to index
        %get3A_165 = memref.load %arg3[%get3A_164] : memref<64xf32, #tpu.memory_space<smem>>
        %slice3A = vector.extract_strided_slice %dot_general3A_70 {offsets = [64, 0], sizes = [32, 768], strides = [1, 1]} : vector<128x768xf32> to vector<32x768xf32>
        %get3A_166 = arith.constant 0 : index
        %get3A_167 = arith.constant 0 : index
        %get3A_168 = arith.constant 0 : index
        %get3A_169 = vector.load %arg8[%get3A_166, %get3A_167, %get3A_168] : memref<1x1x768xf32, #tpu.memory_space<vmem>>, vector<1x1x768xf32>
        %get3A_170 = vector.shape_cast %get3A_169 : vector<1x1x768xf32> to vector<768xf32>
        %broadcast_in_dim3A_171 = vector.shape_cast %get3A_170 : vector<768xf32> to vector<1x768xf32>
        %add3A_172 = vector.broadcast %broadcast_in_dim3A_171 : vector<1x768xf32> to vector<32x768xf32>
        %add3A_173 = arith.addf %slice3A, %add3A_172 : vector<32x768xf32>
        %mul3A_174 = vector.broadcast %get3A_165 : f32 to vector<32x768xf32>
        %mul3A_175 = arith.mulf %mul3A_174, %add3A_173 : vector<32x768xf32>
        %swap3A = arith.index_cast %get3A_123 : i32 to index
        %swap3A_176 = arith.constant 0 : index
        %swap3A_177 = arith.constant 0 : index
        %swap3A_178 = vector.load %arg9[%swap3A, %swap3A_176, %swap3A_177] : memref<32x32x768xf32, #tpu.memory_space<vmem>>, vector<1x32x768xf32>
        %swap3A_179 = vector.shape_cast %swap3A_178 : vector<1x32x768xf32> to vector<32x768xf32>
        %swap3A_180 = vector.shape_cast %mul3A_175 : vector<32x768xf32> to vector<1x32x768xf32>
        tpu.vector_store %arg9[%swap3A, %swap3A_176, %swap3A_177], %swap3A_180 {strides = array<i32>} : memref<32x32x768xf32, #tpu.memory_space<vmem>>, vector<1x32x768xf32>,
      } else {
      }
      %lt3A_132 = arith.constant 32 : i32
      %lt3A_133 = arith.cmpi slt, %get3A_123, %lt3A_132 : i32
      %ne3A_134 = arith.constant 0 : i32
      %ne3A_135 = arith.cmpi ne, %arg0, %ne3A_134 : i32
      %and3A_136 = arith.andi %lt3A_133, %ne3A_135 : i1
      %convert_element_type3A_137 = arith.extui %and3A_136 : i1 to i32
      %cond3A_138 = arith.constant 0 : i32
      %cond3A_139 = arith.cmpi ne, %convert_element_type3A_137, %cond3A_138 : i32
      scf.if %cond3A_139 {
        %get3A_164 = arith.index_cast %get3A_123 : i32 to index
        %get3A_165 = arith.constant 0 : index
        %get3A_166 = arith.constant 0 : index
        %get3A_167 = vector.load %arg9[%get3A_164, %get3A_165, %get3A_166] : memref<32x32x768xf32, #tpu.memory_space<vmem>>, vector<1x32x768xf32>
        %get3A_168 = vector.shape_cast %get3A_167 : vector<1x32x768xf32> to vector<32x768xf32>
        %get3A_169 = arith.index_cast %add3A_119 : i32 to index
        %get3A_170 = memref.load %arg3[%get3A_169] : memref<64xf32, #tpu.memory_space<smem>>
        %slice3A = vector.extract_strided_slice %dot_general3A_70 {offsets = [64, 0], sizes = [32, 768], strides = [1, 1]} : vector<128x768xf32> to vector<32x768xf32>
        %mul3A_171 = vector.broadcast %get3A_170 : f32 to vector<32x768xf32>
        %mul3A_172 = arith.mulf %mul3A_171, %slice3A : vector<32x768xf32>
        %add3A_173 = arith.addf %get3A_168, %mul3A_172 : vector<32x768xf32>
        %swap3A = arith.index_cast %get3A_123 : i32 to index
        %swap3A_174 = arith.constant 0 : index
        %swap3A_175 = arith.constant 0 : index
        %swap3A_176 = vector.load %arg9[%swap3A, %swap3A_174, %swap3A_175] : memref<32x32x768xf32, #tpu.memory_space<vmem>>, vector<1x32x768xf32>
        %swap3A_177 = vector.shape_cast %swap3A_176 : vector<1x32x768xf32> to vector<32x768xf32>
        %swap3A_178 = vector.shape_cast %add3A_173 : vector<32x768xf32> to vector<1x32x768xf32>
        tpu.vector_store %arg9[%swap3A, %swap3A_174, %swap3A_175], %swap3A_178 {strides = array<i32>} : memref<32x32x768xf32, #tpu.memory_space<vmem>>, vector<1x32x768xf32>,
      } else {
      }
      %mul3A_140 = arith.constant 4 : i32
      %mul3A_141 = arith.muli %mul3A_140, %add3A_36 : i32
      %add3A_142 = arith.constant 3 : i32
      %add3A_143 = arith.addi %mul3A_141, %add3A_142 : i32
      %add3A_144 = arith.constant 80 : i32
      %add3A_145 = arith.addi %add3A_144, %add3A_143 : i32
      %get3A_146 = arith.index_cast %add3A_145 : i32 to index
      %get3A_147 = memref.load %arg2[%get3A_146] : memref<144xi32, #tpu.memory_space<smem>>
      %lt3A_148 = arith.constant 32 : i32
      %lt3A_149 = arith.cmpi slt, %get3A_147, %lt3A_148 : i32
      %eq3A_150 = arith.constant 0 : i32
      %eq3A_151 = arith.cmpi eq, %arg0, %eq3A_150 : i32
      %and3A_152 = arith.andi %lt3A_149, %eq3A_151 : i1
      %convert_element_type3A_153 = arith.extui %and3A_152 : i1 to i32
      %cond3A_154 = arith.constant 0 : i32
      %cond3A_155 = arith.cmpi ne, %convert_element_type3A_153, %cond3A_154 : i32
      scf.if %cond3A_155 {
        %get3A_164 = arith.index_cast %add3A_143 : i32 to index
        %get3A_165 = memref.load %arg3[%get3A_164] : memref<64xf32, #tpu.memory_space<smem>>
        %slice3A = vector.extract_strided_slice %dot_general3A_70 {offsets = [96, 0], sizes = [32, 768], strides = [1, 1]} : vector<128x768xf32> to vector<32x768xf32>
        %get3A_166 = arith.constant 0 : index
        %get3A_167 = arith.constant 0 : index
        %get3A_168 = arith.constant 0 : index
        %get3A_169 = vector.load %arg8[%get3A_166, %get3A_167, %get3A_168] : memref<1x1x768xf32, #tpu.memory_space<vmem>>, vector<1x1x768xf32>
        %get3A_170 = vector.shape_cast %get3A_169 : vector<1x1x768xf32> to vector<768xf32>
        %broadcast_in_dim3A_171 = vector.shape_cast %get3A_170 : vector<768xf32> to vector<1x768xf32>
        %add3A_172 = vector.broadcast %broadcast_in_dim3A_171 : vector<1x768xf32> to vector<32x768xf32>
        %add3A_173 = arith.addf %slice3A, %add3A_172 : vector<32x768xf32>
        %mul3A_174 = vector.broadcast %get3A_165 : f32 to vector<32x768xf32>
        %mul3A_175 = arith.mulf %mul3A_174, %add3A_173 : vector<32x768xf32>
        %swap3A = arith.index_cast %get3A_147 : i32 to index
        %swap3A_176 = arith.constant 0 : index
        %swap3A_177 = arith.constant 0 : index
        %swap3A_178 = vector.load %arg9[%swap3A, %swap3A_176, %swap3A_177] : memref<32x32x768xf32, #tpu.memory_space<vmem>>, vector<1x32x768xf32>
        %swap3A_179 = vector.shape_cast %swap3A_178 : vector<1x32x768xf32> to vector<32x768xf32>
        %swap3A_180 = vector.shape_cast %mul3A_175 : vector<32x768xf32> to vector<1x32x768xf32>
        tpu.vector_store %arg9[%swap3A, %swap3A_176, %swap3A_177], %swap3A_180 {strides = array<i32>} : memref<32x32x768xf32, #tpu.memory_space<vmem>>, vector<1x32x768xf32>,
      } else {
      }
      %lt3A_156 = arith.constant 32 : i32
      %lt3A_157 = arith.cmpi slt, %get3A_147, %lt3A_156 : i32
      %ne3A_158 = arith.constant 0 : i32
      %ne3A_159 = arith.cmpi ne, %arg0, %ne3A_158 : i32
      %and3A_160 = arith.andi %lt3A_157, %ne3A_159 : i1
      %convert_element_type3A_161 = arith.extui %and3A_160 : i1 to i32
      %cond3A_162 = arith.constant 0 : i32
      %cond3A_163 = arith.cmpi ne, %convert_element_type3A_161, %cond3A_162 : i32
      scf.if %cond3A_163 {
        %get3A_164 = arith.index_cast %get3A_147 : i32 to index
        %get3A_165 = arith.constant 0 : index
        %get3A_166 = arith.constant 0 : index
        %get3A_167 = vector.load %arg9[%get3A_164, %get3A_165, %get3A_166] : memref<32x32x768xf32, #tpu.memory_space<vmem>>, vector<1x32x768xf32>
        %get3A_168 = vector.shape_cast %get3A_167 : vector<1x32x768xf32> to vector<32x768xf32>
        %get3A_169 = arith.index_cast %add3A_143 : i32 to index
        %get3A_170 = memref.load %arg3[%get3A_169] : memref<64xf32, #tpu.memory_space<smem>>
        %slice3A = vector.extract_strided_slice %dot_general3A_70 {offsets = [96, 0], sizes = [32, 768], strides = [1, 1]} : vector<128x768xf32> to vector<32x768xf32>
        %mul3A_171 = vector.broadcast %get3A_170 : f32 to vector<32x768xf32>
        %mul3A_172 = arith.mulf %mul3A_171, %slice3A : vector<32x768xf32>
        %add3A_173 = arith.addf %get3A_168, %mul3A_172 : vector<32x768xf32>
        %swap3A = arith.index_cast %get3A_147 : i32 to index
        %swap3A_174 = arith.constant 0 : index
        %swap3A_175 = arith.constant 0 : index
        %swap3A_176 = vector.load %arg9[%swap3A, %swap3A_174, %swap3A_175] : memref<32x32x768xf32, #tpu.memory_space<vmem>>, vector<1x32x768xf32>
        %swap3A_177 = vector.shape_cast %swap3A_176 : vector<1x32x768xf32> to vector<32x768xf32>
        %swap3A_178 = vector.shape_cast %add3A_173 : vector<32x768xf32> to vector<1x32x768xf32>
        tpu.vector_store %arg9[%swap3A, %swap3A_174, %swap3A_175], %swap3A_178 {strides = array<i32>} : memref<32x32x768xf32, #tpu.memory_space<vmem>>, vector<1x32x768xf32>,
      } else {
      }
    } else {
    }
    return
  }
  func.func @transform_0(%arg0: i32, %arg1: i32, %arg2: memref<144xi32, #tpu.memory_space<smem>>, %arg3: memref<64xf32, #tpu.memory_space<smem>>) -> (i32, i32, i32) {
    %c0_i32 = arith.constant 0 : i32
    %c0_i32_0 = arith.constant 0 : i32
    %c0_i32_1 = arith.constant 0 : i32
    %c0_i32_2 = arith.constant 0 : i32
    return %c0_i32, %c0_i32_0, %c0_i32_1 : i32, i32, i32
  }
  func.func @transform_1(%arg0: i32, %arg1: i32, %arg2: memref<144xi32, #tpu.memory_space<smem>>, %arg3: memref<64xf32, #tpu.memory_space<smem>>) -> (i32, i32, i32) {
    %c0_i32 = arith.constant 0 : i32
    %c0_i32_0 = arith.constant 0 : i32
    return %arg1, %arg0, %c0_i32 : i32, i32, i32
  }
  func.func @transform_2(%arg0: i32, %arg1: i32, %arg2: memref<144xi32, #tpu.memory_space<smem>>, %arg3: memref<64xf32, #tpu.memory_space<smem>>) -> (i32, i32, i32) {
    %c0_i32 = arith.constant 0 : i32
    %c0_i32_0 = arith.constant 0 : i32
    return %arg1, %c0_i32, %arg0 : i32, i32, i32
  }
  func.func @transform_3(%arg0: i32, %arg1: i32, %arg2: memref<144xi32, #tpu.memory_space<smem>>, %arg3: memref<64xf32, #tpu.memory_space<smem>>) -> (i32, i32, i32) {
    %c0_i32 = arith.constant 0 : i32
    %c0_i32_0 = arith.constant 0 : i32
    return %arg1, %c0_i32, %arg0 : i32, i32, i32
  }
  func.func @transform_4(%arg0: i32, %arg1: i32, %arg2: memref<144xi32, #tpu.memory_space<smem>>, %arg3: memref<64xf32, #tpu.memory_space<smem>>) -> (i32, i32, i32) {
    %c0_i32 = arith.constant 0 : i32
    %c0_i32_0 = arith.constant 0 : i32
    %c0_i32_1 = arith.constant 0 : i32
    return %arg1, %c0_i32, %c0_i32_0 : i32, i32, i32
  }
  func.func @transform_5(%arg0: i32, %arg1: i32, %arg2: memref<144xi32, #tpu.memory_space<smem>>, %arg3: memref<64xf32, #tpu.memory_space<smem>>) -> (i32, i32, i32) {
    %c0_i32 = arith.constant 0 : i32
    %c0_i32_0 = arith.constant 0 : i32
    %c0_i32_1 = arith.constant 0 : i32
    %c0_i32_2 = arith.constant 0 : i32
    return %c0_i32, %c0_i32_0, %c0_i32_1 : i32, i32, i32
  }
}

</mosaic_0001>

<sc_bundles>
// kernel: kernel.5.cloned.1.call-start
scs
__scs_entry_jumppad:
0x0: {  	(pc) =	sbr.rel $0x88, $3  }
0x1: {  	(tag) =	ssettag $0x0;
	lr =	simm.s32 $0x1  }
0x2: {  	[smem:$0x3F9B] =	sst lr;
	_ =	strace $0xD0000000  }
0x3: {  	_ = 	snop  }
0x4: {  	_ = 	snop  }
0x5: {  	_ = 	snop  }
0x6: {  	_ = 	snop  }
0x7: {  	_ = 	snop  }
__scs_overlays_trampoline_lowered:
0x8: {  	[smem:$0x3FAA] =	sst s0  }
0x9: {  	[smem:$0x3FAB] =	sst s1  }
0xa: {  	[smem:$0x3FAC] =	sst s2  }
0xb: {  	[smem:$0x3FAD] =	sst s3  }
0xc: {  	[smem:$0x3FAE] =	sst s4  }
0xd: {  	[smem:$0x3FAF] =	sst s5  }
0xe: {  	[smem:$0x3FB0] =	sst s6  }
0xf: {  	[smem:$0x3FB1] =	sst s7  }
0x10: {  	[smem:$0x3FB2] =	sst s8  }
0x11: {  	[smem:$0x3FB3] =	sst s9;
	s0 =	simm.s32 @!p0 $0x0  }
0x12: {  	s1 =	sld [smem:$0x3F99];
	s0 =	simm.s32 @p0 $0x1  }
0x13: {  	[smem:$0x3FB4] =	sst s0;
	s0 =	simm.s32 @!p1 $0x0  }
0x14: {  	s2 =	sld [smem:$0x3F98];
	s0 =	simm.s32 @p1 $0x1  }
0x15: {  	[smem:$0x3FB5] =	sst s0;
	s0 =	simm.s32 @!p2 $0x0  }
0x16: {  	s3 =	sld [smem:$0x3FDB];
	s0 =	simm.s32 @p2 $0x1  }
0x17: {  	s4 =	simm.s32 $0x1BF5;
	[smem:$0x3FB7] =	sst s0  }
0x18: {  	s0 =	sld [smem:$0x3F9A];
	_ =	swait.ge [sflag:s4], $0x0  }
0x19: {  	s7 =	sld [smem:$0x3F9B]  }
0x1a: {  	s8 =	sadd.s32 $0xFFFFE003, lr  }
0x1b: {  	s9 =	sadd.s32 $0xFFFFFEF7, lr;
	s5 =	simm.s32 $0xFFFFFFFF;
	p2 =	slt.u32 s8, $0xFFFFF086  }
0x1c: {  	p1 =	slt.u32 s9, $0xF7A;
	s5 =	simm.s32 @!p2 $0x0  }
0x1d: {  	s5 =	simm.s32 @p1 $0x1;
	p0 =	seq.s32 s7, s2  }
0x1e: {  	s7 =	smul.u32 @!p0 $0xF7A, s2;
	p2 =	seq.s32 @!p0 s5, $0x0  }
0x1f: {  	s9 =	smul.u32 $0xF7A, s1;
	s8 =	simm.s32 @!p0 $0x1BF5;
	p2 =	por !p2, p0  }
0x20: {  	[sflag:s8] =	ssyncset.s32 @!p0 $0xFFFFF086;
	s6 =	sadd.s32 @!p0 s3, s7;
	s7 =	simm.s32 @!p0 $0x108  }
0x21: {  	s3 =	sadd.s32 s3, s9;
	s6 =	sadd.s32 @!p0 $0x88, s6;
	s7 =	simm.s32 @p2 $0x1082  }
0x22: {  	[simem:s7], [sflag:s8] =	dma.local @!p0 [hbm:s6], $0xF7A  }
0x23: {  	s9 =	sor.u32 $0xD0000000, s2;
	s6 =	simm.s32 $0x108;
	_ =	swait.ge @!p0 [sflag:s8], $0x0  }
0x24: {  	s3 =	sadd.s32 $0x88, s3;
	s6 =	simm.s32 @!p1 $0x1082;
	[sflag:s4] =	ssyncset.s32 $0xFFFFF086  }
0x25: {  	[simem:s6], [sflag:s4] =	dma.local [hbm:s3], $0xF7A  }
0x26: {  	[smem:$0x3F9B] =	sst s1;
	(tag) =	ssettag s2;
	_ =	strace s9  }
0x27: {  	s1 =	sld [smem:$0x3FAB]  }
0x28: {  	s2 =	sld [smem:$0x3FAC]  }
0x29: {  	s4 =	sld [smem:$0x3FAE]  }
0x2a: {  	p0 =	seq.s32 s5, $0x0;
	s5 =	sld [smem:$0x3FAF]  }
0x2b: {  	s6 =	sld [smem:$0x3FB0]  }
0x2c: {  	s7 =	sld [smem:$0x3FB1]  }
0x2d: {  	s3 =	simm.s32 $0x108;
	s8 =	sld [smem:$0x3FB2]  }
0x2e: {  	s3 =	simm.s32 @!p0 $0x1082;
	s9 =	sld [smem:$0x3FB3]  }
0x2f: {  	lr =	sadd.s32 s0, s3;
	s0 =	sld [smem:$0x3FAA]  }
0x30: {  	s3 =	sld [smem:$0x3FAD]  }
0x31: {  	[smem:$0x3FB6] =	sst s10  }
0x32: {  	s10 =	sld [smem:$0x3FB4];
	_ =	sdelay $0x3  }
0x33: {  	p0 =	seq.s32 s10, $0x1;
	s10 =	sld [smem:$0x3FB6];
	_ =	sdelay $0x3  }
0x34: {  	[smem:$0x3FB6] =	sst s10  }
0x35: {  	s10 =	sld [smem:$0x3FB5];
	_ =	sdelay $0x3  }
0x36: {  	p1 =	seq.s32 s10, $0x1;
	s10 =	sld [smem:$0x3FB6];
	_ =	sdelay $0x3  }
0x37: {  	[smem:$0x3FB6] =	sst s10  }
0x38: {  	s10 =	sld [smem:$0x3FB7]  }
0x39: {  	_ = 	snop;
	(pc) =	sbr.ind lr, $3  }
0x3a: {  	_ = 	snop  }
0x3b: {  	_ = 	snop  }
0x3c: {  	p2 =	seq.s32 s10, $0x1;
	s10 =	sld [smem:$0x3FB6]  }
0x3d: {  	_ =	shalt  }
0x3e: {  	_ =	shalt  }
0x3f: {  	_ =	shalt  }
0x40: {  	_ =	shalt  }
0x41: {  	_ =	shalt  }
0x42: {  	_ =	shalt  }
0x43: {  	_ =	shalt  }
0x44: {  	_ =	shalt  }
0x45: {  	_ =	shalt  }
0x46: {  	_ =	shalt  }
0x47: {  	_ =	shalt  }
0x48: {  	_ =	shalt  }
0x49: {  	_ =	shalt  }
0x4a: {  	_ =	shalt  }
0x4b: {  	_ =	shalt  }
0x4c: {  	_ =	shalt  }
0x4d: {  	_ =	shalt  }
0x4e: {  	_ =	shalt  }
0x4f: {  	_ =	shalt  }
0x50: {  	_ =	shalt  }
0x51: {  	_ =	shalt  }
0x52: {  	_ =	shalt  }
0x53: {  	_ =	shalt  }
0x54: {  	_ =	shalt  }
0x55: {  	_ =	shalt  }
0x56: {  	_ =	shalt  }
0x57: {  	_ =	shalt  }
0x58: {  	_ =	shalt  }
0x59: {  	_ =	shalt  }
0x5a: {  	_ =	shalt  }
0x5b: {  	_ =	shalt  }
0x5c: {  	_ =	shalt  }
0x5d: {  	_ =	shalt  }
0x5e: {  	_ =	shalt  }
0x5f: {  	_ =	shalt  }
0x60: {  	_ =	shalt  }
0x61: {  	_ =	shalt  }
0x62: {  	_ =	shalt  }
0x63: {  	_ =	shalt  }
0x64: {  	_ =	shalt  }
0x65: {  	_ =	shalt  }
0x66: {  	_ =	shalt  }
0x67: {  	_ =	shalt  }
0x68: {  	_ =	shalt  }
0x69: {  	_ =	shalt  }
0x6a: {  	_ =	shalt  }
0x6b: {  	_ =	shalt  }
0x6c: {  	_ =	shalt  }
0x6d: {  	_ =	shalt  }
0x6e: {  	_ =	shalt  }
0x6f: {  	_ =	shalt  }
0x70: {  	_ =	shalt  }
0x71: {  	_ =	shalt  }
0x72: {  	_ =	shalt  }
0x73: {  	_ =	shalt  }
0x74: {  	_ =	shalt  }
0x75: {  	_ =	shalt  }
0x76: {  	_ =	shalt  }
0x77: {  	_ =	shalt  }
0x78: {  	_ =	shalt  }
0x79: {  	_ =	shalt  }
0x7a: {  	_ =	shalt  }
0x7b: {  	_ =	shalt  }
0x7c: {  	_ =	shalt  }
0x7d: {  	_ =	shalt  }
0x7e: {  	_ =	shalt  }
0x7f: {  	_ =	shalt  }
0x80: {  	_ =	shalt  }
0x81: {  	_ =	shalt  }
0x82: {  	_ =	shalt  }
0x83: {  	_ =	shalt  }
0x84: {  	_ =	shalt  }
0x85: {  	_ =	shalt  }
0x86: {  	_ =	shalt  }
0x87: {  	_ =	shalt  }
.Lfunc_end0:
.L_simem_size_0:
called_computation_lowered:
.L_overlay_start_0:
0x88: {  	s0 =	sld [smem:$0x3FD9]  }
0x89: {  	s1 =	sld [smem:$0x3FFE];
	_ =	sdelay $0x3  }
0x8a: {  	s0 =	sadd.s32 s1, s0  }
0x8b: {  	[smem:$0x3FC2] =	sst s0  }
0x8c: {  	_ = 	snop  }
0x8d: {  	s0 =	sld [smem:$0x3FD0];
	_ =	sdelay $0x2  }
0x8e: {  	s13 =	simm.s32 $0xA;
	s2 =	simm.s32 $0x10  }
0x8f: {  	[smem:s2], [sflag:s13] =	dma.local [hbm:s0], $0x1  }
0x90: {  	_ =	swait.eq [sflag:s13], $0x1  }
0x91: {  	[sflag:s13] =	ssyncset.done $0x0  }
0x92: {  	s14 =	sld [smem:$0x11];
	[sflag:s13] =	ssyncadd.s32 $0xFFFFFFFF  }
0x93: {  	s15 =	sld [smem:$0x13];
	(tm) =	ssettm $0x1  }
0x94: {  	s16 =	sld [smem:$0x3FFB];
	_ =	sdelay $0x3  }
0x95: {  	_ =	strace s16  }
0x96: {  	s2 =	sld [smem:$0x3FFC];
	_ =	sdelay $0x3  }
0x97: {  	_ =	strace s2  }
0x98: {  	s2 =	sld [smem:$0x3FFD];
	_ =	sdelay $0x3  }
0x99: {  	_ =	strace s2  }
0x9a: {  	_ =	strace $0x8FFFFFFF  }
0x9b: {  	s17 =	sld [smem:$0x3FDB];
	_ =	sdelay $0x1  }
0x9c: {  	s3 =	simm.s32 $_scs_section_size  }
0x9d: {  	s4 =	simm.s32 $_size__tile_overlayer_lowered;
	s5 =	simm.s32 $_tile_overlayer_lowered  }
0x9e: {  	s20 =	simm.s32 $0x1BFF;
	s19 =	sshll.u32 s5, $0x1;
	s2 =	sadd.s32 s3, s17  }
0x9f: {  	s6 =	simm.s32 $0x0;
	s18 =	sshll.u32 s4, $0x1;
	s4 =	sadd.s32 s19, s2  }
0xa0: {  	[timem:s6], [sflag:s20] =	dma.local [hbm:s4], s18  }
0xa1: {  	_ =	swait.ge [sflag:s20], s18  }
0xa2: {  	s3 =	ssub.s32 $0x0, s18;
	[sflag:s20] =	ssyncset.done $0x0  }
0xa3: {  	[sflag:s20] =	ssyncadd.s32 s3;
	_ =	sdelay $0x1  }
0xa4: {  	s21 =	simm.s32 $0x1B8B  }
0xa5: {  	_ =	swait.ge [sflag:s21], $0x1  }
0xa6: {  	[sflag:s21] =	ssyncset.done $0x0  }
0xa7: {  	s23 =	simm.s32 $0x1B8E;
	s22 =	sld [smem:$0x3FFE];
	[sflag:s21] =	ssyncadd.s32 $0xFFFFFFFF  }
0xa8: {  	s24 =	simm.s32 $execute0_lowered;
	[smem:$0x3FD2] =	sst s23  }
0xa9: {  	s4 =	sshll.u32 s24, $0x1;
	_ =	strace $0x80000046;
	[dreg:$0x1] =	wrdreg $0xFFFFFFFF  }
0xaa: {  	s25 =	simm.s32 $_size_execute0_lowered;
	s2 =	sadd.s32 s2, s4;
	[dreg:$0x0] =	wrdreg $0x0  }
0xab: {  	s4 =	sshll.u32 s25, $0x1;
	[dreg:$0x2] =	wrdreg s2  }
0xac: {  	[dreg:$0x3] =	wrdreg s4  }
0xad: {  	[dreg:$0x4] =	wrdreg $0xC0  }
0xae: {  	_ =	task [dreg:s6], $0x5FFFF  }
0xaf: {  	[dreg:$0x1] =	wrdreg $0xFFFFFFFF  }
0xb0: {  	[dreg:$0x0] =	wrdreg $0x60  }
0xb1: {  	[dreg:$0x2] =	wrdreg s15  }
0xb2: {  	[dreg:$0x3] =	wrdreg s14  }
0xb3: {  	[dreg:$0x4] =	wrdreg s22  }
0xb4: {  	[dreg:$0x5] =	wrdreg $0x9  }
0xb5: {  	_ =	task.clear_ibuf [dreg:s6], $0x6FFFF;
	_ =	strace $0x90000046  }
0xb6: {  	s26 =	simm.s32 $0x9;
	_ =	strace $0x80000048  }
0xb7: {  	_ =	swait.ge [sflag:s26], $0x1  }
0xb8: {  	[sflag:s26] =	ssyncadd.s32 $0xFFFFFFFF  }
0xb9: {  	_ =	strace $0x90000048  }
0xba: {  	_ =	sfence  }
0xbb: {  	s28 =	sld [smem:$0x0];
	_ =	sdelay $0x1  }
0xbc: {  	s29 =	srdreg.scid  }
0xbd: {  	s30 =	sshll.u32 s29, $0xD;
	s31 =	sshrl.u32 s29, $0x2  }
0xbe: {  	s1 =	sand.u32 $0x1, s29;
	s2 =	sand.u32 $0x4000, s30;
	s0 =	sadd.s32 s31, s28  }
0xbf: {  	s1 =	sor.u32 s2, s1;
	s0 =	sshll.u32 s0, $0x11  }
0xc0: {  	s0 =	sor.u32 s0, s1  }
0xc1: {  	s0 =	sadd.s32 $0x8F2B, s0  }
0xc2: {  	[sflag:s0] =	ssyncadd.remote.s32 $0x1  }
0xc3: {  	_ =	sfence.sel $0xFFFF  }
0xc4: {  	[dreg:$0x0] =	wrdreg $0xFFFFFFFF;
	(pc) =	sbr.abs _section_cstart, $3  }
0xc5: {  	[dreg:$0x1] =	wrdreg $0xFFFFFFFF  }
0xc6: {  	_ =	task.clear_ibuf [dreg:s6], $0x2FFFF;
	_ =	strace $0x9FFFFFFF  }
0xc7: {  	(tm) =	ssettm $0x7FFFFFFF  }
tec
execute0_lowered:
.L_overlay_start_1:
0x0: {  	(tag) =	ssettag $0x1  }
0x1: {  	s4 =	rddreg [dreg:$0x0]  }
0x2: {  	s3 =	rddreg [dreg:$0x1]  }
0x3: {  	s1 =	rddreg [dreg:$0x2];
	s2 =	stileid.u32  }
0x4: {  	s0 =	rddreg [dreg:$0x3];
	_ =	strace $0x80000047;
	p0 =	sne.s32 s2, $0x0  }
0x5: {  	_ =	sfence.sel @p0 $0x180000  }
0x6: {  	[bflag:$0x0] =	sbarrier.arrive @p0 $0xFFFF  }
0x7: {  	_ =	strace @p0 $0x90000047  }
0x8: {  	[bflag:$0x2] =	sbarrier.arrive @p0 $0xFFFF  }
0x9: {  	_ =	shalt @p0  }
.LBB2_1:
0xa: {  	s2 =	simm.s32 $0x0  }
0xb: {  	[tilespmem:s2], [sflag:$0x1] =	stream.linear.gather [hbm4b:s4+s2], $0x80, $0x38;
	[tilespmem:$0x300] =	vst v63  }
0xc: {  	s5 =	simm.s32 $0x80  }
0xd: {  	[tilespmem:s5], [sflag:$0x2] =	stream.linear.gather [hbm4b:s3+s2], $0x80, $0x38;
	[tilespmem:$0x300] =	vst v63  }
0xe: {  	s3 =	simm.s32 $0x1  }
0xf: {  	_ =	swait.ge [sflag:s3], $0x80  }
0x10: {  	[sflag:s3] =	ssyncset.done $0x0  }
0x11: {  	s4 =	simm.s32 $0x2;
	[sflag:s3] =	ssyncadd.s32 $0xFFFFFF80  }
0x12: {  	_ =	swait.ge [sflag:s4], $0x80  }
0x13: {  	[sflag:s4] =	ssyncset.done $0x0  }
0x14: {  	[sflag:s4] =	ssyncadd.s32 $0xFFFFFF80  }
0x15: {  	v1 =	vld [tilespmem:$0x0];
	_ =	sdelay $0x2  }
0x16: {  	v2 =	vld [tilespmem:$0x10];
	_ =	sdelay $0x1  }
0x17: {  	v0 =	vimm.s32 $0x0;
	vm0 =	veq.s32 v1, $0x0  }
0x18: {  	v0 =	vsel vm0, $0xFFFFFFFF, v0  }
0x19: {  	[tilespmem:$0x1FFD0] =	vst v0;
	v0 =	vimm.s32 $0x0  }
0x1a: {  	v3 =	vimm.s32 $0x0;
	vm14 =	veq.s32 v2, $0x0;
	v5 =	vsel vm0, $0x1, v0  }
0x1b: {  	v3 =	vsel vm14, $0xFFFFFFFF, v3;
	v52 =	vsel vm14, $0x1, v0;
	vm14 =	veq.s32 v1, $0x1;
	(xrf0) =	vadd.scan.msk.s32 $0xffff, v5  }
0x1c: {  	vm5 =	veq.s32 v2, $0x1;
	v24 =	vsel vm14, $0x1, v0;
	(xrf0) =	vadd.scan.msk.s32 $0xffff, v52  }
0x1d: {  	vm15 =	veq.s32 v1, $0x2;
	v53 =	vsel vm5, $0x1, v0;
	(xrf0) =	vadd.scan.msk.s32 $0xffff, v24  }
0x1e: {  	vm4 =	veq.s32 v2, $0x2;
	v22 =	vsel vm15, $0x1, v0;
	(xrf0) =	vadd.scan.msk.s32 $0xffff, v53  }
0x1f: {  	vm6 =	veq.s32 v1, $0x3;
	v54 =	vsel vm4, $0x1, v0;
	(xrf0) =	vadd.scan.msk.s32 $0xffff, v22  }
0x20: {  	vm2 =	veq.s32 v2, $0x3;
	v23 =	vsel vm6, $0x1, v0;
	(xrf0) =	vadd.scan.msk.s32 $0xffff, v54  }
0x21: {  	vm8 =	veq.s32 v1, $0x4;
	v55 =	vsel vm2, $0x1, v0;
	v30, _, _ =	vpop (xrf0);
	(xrf0) =	vadd.scan.msk.s32 $0xffff, v23  }
0x22: {  	vm3 =	veq.s32 v2, $0x4;
	v25 =	vsel vm8, $0x1, v0;
	(v2sf) =	vpush v30, $0xF;
	v29, _, _ =	vpop (xrf0);
	(xrf0) =	vadd.scan.msk.s32 $0xffff, v55  }
0x23: {  	vm9 =	veq.s32 v1, $0x5;
	v56 =	vsel vm3, $0x1, v0;
	(v2sf) =	vpush v29, $0xF;
	v31, _, _ =	vpop (xrf0);
	(xrf0) =	vadd.scan.msk.s32 $0xffff, v25  }
0x24: {  	v27 =	vsel vm9, $0x1, v0;
	(v2sf) =	vpush v31, $0xF;
	v33, _, _ =	vpop (xrf0);
	(xrf0) =	vadd.scan.msk.s32 $0xffff, v56  }
0x25: {  	vm7 =	veq.s32 v2, $0x5;
	(v2sf) =	vpush v33, $0xF;
	v32, _, _ =	vpop (xrf0);
	(xrf0) =	vadd.scan.msk.s32 $0xffff, v27  }
0x26: {  	v57 =	vsel vm7, $0x1, v0;
	(v2sf) =	vpush v32, $0xF;
	v36, _, _ =	vpop (xrf0)  }
0x27: {  	vm11 =	veq.s32 v1, $0x6;
	(xrf0) =	vadd.scan.msk.s32 $0xffff, v57;
	(v2sf) =	vpush v36, $0xF;
	v37, _, _ =	vpop (xrf0)  }
0x28: {  	v26 =	vsel vm11, $0x1, v0;
	(v2sf) =	vpush v37, $0xF;
	v43, _, _ =	vpop (xrf0)  }
0x29: {  	vm10 =	veq.s32 v2, $0x6;
	(xrf0) =	vadd.scan.msk.s32 $0xffff, v26;
	(v2sf) =	vpush v43, $0xF;
	v39, _, _ =	vpop (xrf0)  }
0x2a: {  	vm12 =	veq.s32 v1, $0x7;
	v58 =	vsel vm10, $0x1, v0;
	v42, _, _ =	vpop (xrf0);
	(v2sf) =	vpush v39, $0xF  }
0x2b: {  	v28 =	vsel vm12, $0x1, v0;
	(xrf0) =	vadd.scan.msk.s32 $0xffff, v58;
	v40, _, _ =	vpop (xrf0);
	(v2sf) =	vpush v42, $0xF  }
0x2c: {  	vm13 =	veq.s32 v2, $0x7;
	(xrf0) =	vadd.scan.msk.s32 $0xffff, v28;
	(v2sf) =	vpush v40, $0xF  }
0x2d: {  	v59 =	vsel vm13, $0x1, v0;
	v44, _, _ =	vpop (xrf0)  }
0x2e: {  	(xrf0) =	vadd.scan.msk.s32 $0xffff, v59;
	(v2sf) =	vpush v44, $0xF  }
0x2f: {  	v34, _, _ =	vpop (xrf0)  }
0x30: {  	(v2sf) =	vpush v34, $0xF  }
0x31: {  	v41, _, _ =	vpop (xrf0);
	s6 =	spop (v2sf)  }
0x32: {  	v35, _, _ =	vpop (xrf0);
	(v2sf) =	vpush v41, $0xF;
	s7 =	spop (v2sf)  }
0x33: {  	(v2sf) =	vpush v35, $0xF;
	s8 =	spop (v2sf)  }
0x34: {  	v38, _, _ =	vpop (xrf0);
	s6 =	sadd.s32 s6, s7;
	s9 =	spop (v2sf)  }
0x35: {  	(v2sf) =	vpush v38, $0xF;
	s26 =	sadd.s32 $0x3, s6;
	s11 =	spop (v2sf)  }
0x36: {  	s10 =	sadd.s32 s8, s9;
	s29 =	sshra.s32 s26, $0x1F;
	s12 =	spop (v2sf)  }
0x37: {  	s30 =	sand.u32 $0x3, s26;
	p0 =	slt.s32 s26, $0x1;
	s13 =	spop (v2sf)  }
0x38: {  	p1 =	sne.s32 s30, $0x0;
	s31 =	sadd.s32 $0x3, s10;
	s14 =	spop (v2sf)  }
0x39: {  	s11 =	sadd.s32 s11, s12;
	p0 =	por !p0, !p1;
	s15 =	spop (v2sf)  }
0x3a: {  	p5 =	slt.s32 s31, $0x1;
	s12 =	sadd.s32 s13, s14;
	s16 =	spop (v2sf)  }
0x3b: {  	p0 =	por !p0, !p0;
	s24 =	sadd.s32 $0x3, s12;
	s17 =	spop (v2sf)  }
0x3c: {  	s13 =	sadd.s32 s15, s16;
	s15 =	sshrl.u32 s29, $0x1E;
	s16 =	simm.s32 $0x1  }
0x3d: {  	s25 =	sshra.s32 s24, $0x1F;
	p3 =	slt.s32 s24, $0x1;
	s18 =	spop (v2sf)  }
0x3e: {  	s14 =	sadd.s32 s15, s26;
	s15 =	simm.s32 $0x1;
	s26 =	sshrl.u32 s25, $0x1E  }
0x3f: {  	s29 =	sadd.s32 $0x3, s13;
	s19 =	spop (v2sf);
	s8 =	sadd.s32 s17, s18  }
0x40: {  	s14 =	sshra.s32 s14, $0x2;
	s15 =	simm.s32 @!p0 $0x0;
	s18 =	sand.u32 $0x3, s31  }
0x41: {  	s17 =	sadd.s32 s10, s6;
	s20 =	spop (v2sf);
	p6 =	sne.s32 s18, $0x0  }
0x42: {  	s14 =	ssub.s32 s14, s15;
	s18 =	simm.s32 $0x1;
	s21 =	spop (v2sf)  }
0x43: {  	v4 =	vimm.s32 $0x0;
	vm1 =	vcmask $0x2724;
	v61 =	vimm.s32 $0xFFFFFFFF;
	s9 =	sadd.s32 s19, s20;
	s19 =	sshra.s32 s31, $0x1F;
	p0 =	por !p5, !p6  }
0x44: {  	v4 =	vsel vm15, $0xFFFFFFFF, v4;
	vm15 =	vcmask $0x704;
	vm0 =	vcmask $0x2320;
	p5 =	slt.s32 s29, $0x1;
	s28 =	spop (v2sf);
	s20 =	sshrl.u32 s19, $0x1E  }
0x45: {  	v7 =	vsel vm1, $0xFFFFFFFF, v0;
	vm1 =	vcmask $0x3330;
	v60 =	vsel vm15, $0xFFFFFFFF, v0;
	p0 =	por !p0, !p0;
	s19 =	simm.s32 $0x1;
	s7 =	sadd.s32 s21, s28  }
0x46: {  	vm15 =	vcmask $0x2B28;
	v18 =	vsel vm1, $0xFFFFFFFF, v0;
	vm1 =	vcmask $0x1B18;
	s15 =	sadd.s32 s20, s31;
	s16 =	simm.s32 @!p0 $0x0;
	s21 =	sadd.s32 $0x3, s11  }
0x47: {  	[tilespmem:$0x1FFE0] =	vst v3;
	v6 =	vsel vm0, $0xFFFFFFFF, v60;
	vm0 =	vcmask $0xF0C;
	v8 =	vsel vm15, $0xFFFFFFFF, v0;
	s28 =	sand.u32 $0x3, s24;
	s20 =	sadd.s32 s11, s17;
	s31 =	sadd.s32 $0x3, s8  }
0x48: {  	v63 =	vld [tilespmem:$0x1FFE0];
	vm15 =	vcmask $0x2F2C;
	v21 =	vsel vm1, $0xFFFFFFFF, v0;
	vm1 =	vcmask $0x3B00;
	s15 =	sshra.s32 s15, $0x2;
	s22 =	sshra.s32 s21, $0x1F;
	s23 =	sand.u32 $0x3, s21  }
0x49: {  	v60 =	vsel vm5, $0xFFFFFFFF, v0;
	v9 =	vsel vm0, $0xFFFFFFFF, v0;
	vm0 =	vcmask $0x1310;
	p1 =	slt.s32 s21, $0x1;
	p4 =	sne.s32 s28, $0x0;
	s25 =	sand.u32 $0x3, s31  }
0x4a: {  	v10 =	vsel vm15, $0xFFFFFFFF, v0;
	v17 =	vsel vm0, $0xFFFFFFFF, v0;
	vm0 =	vcmask $0x3734;
	s28 =	sadd.s32 $0x3, s9;
	s15 =	ssub.s32 s15, s16;
	s16 =	sshrl.u32 s22, $0x1E  }
0x4b: {  	vm15 =	vcmask $0x1714;
	v20 =	vsel vm0, $0xFFFFFFFF, v0;
	vm0 =	vcmask $0x3B38;
	p2 =	sne.s32 s23, $0x0;
	s22 =	sshra.s32 s29, $0x1F;
	s23 =	sand.u32 $0x3, s29  }
0x4c: {  	v19 =	vsel vm15, $0xFFFFFFFF, v0;
	vm15 =	vcmask $0x1F1C;
	v48 =	vsel vm0, $0xFFFFFFFF, v0;
	s16 =	sadd.s32 s16, s21;
	p0 =	por !p1, !p2;
	s22 =	sshrl.u32 s22, $0x1E  }
0x4d: {  	vm0 =	vnez.u8 v63;
	v62 =	vsub.s32 v30, v5;
	v30 =	vbroadcast v30, $0xF;
	v59 =	vld [tilespmem:$0x1FFD0];
	p6 =	sne.s32 s23, $0x0;
	s21 =	simm.s32 $0x1;
	p1 =	slt.s32 s31, $0x1  }
0x4e: {  	v56 =	vsel vm15, $0xFFFFFFFF, v0;
	v24 =	vsub.s32 v31, v24;
	v31 =	vbroadcast v31, $0xF;
	p2 =	sne.s32 s25, $0x0;
	s23 =	simm.s32 $0x1;
	s25 =	sshra.s32 s28, $0x1F  }
0x4f: {  	v24 =	vnsel vm14, $0x0, v24;
	v33 =	vadd.s32 v60, v33;
	v57 =	vsel vm1, $0x0, v61;
	p0 =	por !p0, !p0;
	s16 =	sshra.s32 s16, $0x2;
	s30 =	sadd.s32 s22, s29  }
0x50: {  	v22 =	vsub.s32 v32, v22;
	v60 =	vbroadcast v37, $0xF;
	v23 =	vsub.s32 v37, v23;
	s29 =	sand.u32 $0x3, s28;
	s18 =	simm.s32 @!p0 $0x0;
	p0 =	por !p3, !p4  }
0x51: {  	v23 =	vnsel vm6, $0x0, v23;
	v25 =	vsub.s32 v39, v25;
	v63 =	vbroadcast v39, $0xF;
	p3 =	slt.s32 s28, $0x1;
	p4 =	sne.s32 s29, $0x0;
	s16 =	ssub.s32 s16, s18  }
0x52: {  	v27 =	vsub.s32 v40, v27;
	vm15 =	vnez.u8 v59;
	v59 =	vsel vm0, $0xFFFFFFFF, v0;
	s18 =	sadd.s32 s26, s24;
	p0 =	por !p0, !p0;
	s24 =	sshra.s32 s31, $0x1F  }
0x53: {  	v37 =	vsub.s32 v34, v26;
	v39 =	vbroadcast v34, $0xF;
	v29 =	vadd.s32 v59, v29;
	s18 =	sshra.s32 s18, $0x2;
	s19 =	simm.s32 @!p0 $0x0;
	p0 =	por !p5, !p6  }
0x54: {  	v59 =	vsel vm2, $0xFFFFFFFF, v0;
	v29 =	vadd.s32 v30, v29;
	v30 =	vadd.s32 v31, v33;
	s26 =	sshrl.u32 s24, $0x1E;
	s24 =	simm.s32 $0x1;
	s18 =	ssub.s32 s18, s19  }
0x55: {  	v31 =	vsel vm4, $0xFFFFFFFF, v0;
	v33 =	vbroadcast v32, $0xF;
	v59 =	vadd.s32 v59, v43;
	p0 =	por !p0, !p0;
	s19 =	sshra.s32 s30, $0x2;
	s30 =	sshrl.u32 s25, $0x1E  }
0x56: {  	v43 =	vbroadcast v40, $0xF;
	v40 =	vsel vm13, $0xFFFFFFFF, v0;
	v31 =	vadd.s32 v31, v36;
	s21 =	simm.s32 @!p0 $0x0;
	p0 =	por !p1, !p2;
	s22 =	sadd.s32 s30, s28  }
0x57: {  	v32 =	vadd.s32 v60, v59;
	v60 =	vsel vm10, $0xFFFFFFFF, v0;
	v1 =	vmov s6;
	s30 =	sadd.s32 s12, s20;
	s19 =	ssub.s32 s19, s21;
	p0 =	por !p0, !p0  }
0x58: {  	v31 =	vadd.s32 v33, v31;
	v61 =	vnsel vm14, $0x0, v1;
	v13 =	vmov s17;
	s21 =	sadd.s32 s26, s31;
	s31 =	sshra.s32 s22, $0x2;
	s26 =	sadd.s32 $0x3, s7  }
0x59: {  	v14 =	vmov s14;
	v50 =	vand.u32 s14, v6;
	v12 =	vmov s20;
	s23 =	simm.s32 @!p0 $0x0;
	s21 =	sshra.s32 s21, $0x2;
	p0 =	por !p3, !p4  }
0x5a: {  	v6 =	vmov s13;
	v5 =	vmov s9;
	v34 =	vnsel vm2, $0x0, v12;
	s28 =	sand.u32 $0x3, s26;
	s29 =	sshra.s32 s26, $0x1F;
	p0 =	por !p0, !p0  }
0x5b: {  	v52 =	vand.u32 s15, v7;
	v7 =	vmov s8;
	v51 =	vand.u32 s16, v8;
	s22 =	ssub.s32 s21, s23;
	p6 =	sne.s32 s28, $0x0;
	s24 =	simm.s32 @!p0 $0x0  }
0x5c: {  	v8 =	vmov s12;
	v53 =	vand.u32 s18, v10;
	v10 =	vmov s10;
	s28 =	sadd.s32 s15, s14;
	s21 =	ssub.s32 s31, s24;
	s31 =	sadd.s32 s13, s30  }
0x5d: {  	[tilespmem:$0x1FFF0] =	vst v4;
	v11 =	vmov s30;
	v54 =	vand.u32 s19, v18;
	s24 =	sshrl.u32 s29, $0x1E;
	s29 =	sadd.s32 s8, s31;
	v4 =	vmov s31;
	s31 =	sadd.s32 s16, s28  }
0x5e: {  	s25 =	simm.s32 $0x1;
	p5 =	slt.s32 s26, $0x1;
	v55 =	vand.u32 s22, v20;
	v58 =	vand.u32 s21, v48;
	v3 =	vmov s29;
	s16 =	sadd.s32 s18, s31  }
0x5f: {  	v59 =	vld [tilespmem:$0x1FFF0];
	p0 =	por !p5, !p6;
	s30 =	sadd.s32 s9, s29;
	v15 =	vmov s31;
	v49 =	vand.u32 s31, v9;
	v9 =	vmov s11;
	s18 =	sadd.s32 s19, s16  }
0x60: {  	p0 =	por !p0, !p0;
	s24 =	sadd.s32 s24, s26;
	v2 =	vmov s30;
	v16 =	vmov s16;
	v47 =	vand.u32 s16, v17;
	s20 =	sadd.s32 s22, s18  }
0x61: {  	s25 =	simm.s32 @!p0 $0x0;
	s24 =	sshra.s32 s24, $0x2;
	v17 =	vmov s18;
	v45 =	vand.u32 s18, v19;
	s23 =	sadd.s32 s21, s20;
	v18 =	vmov s20  }
0x62: {  	s24 =	ssub.s32 s24, s25;
	v46 =	vand.u32 s20, v21;
	v19 =	vmov s23;
	v48 =	vand.u32 s23, v56  }
0x63: {  	v56 =	vand.u32 s24, v57;
	v57 =	vnsel vm15, $0x0, v62;
	v62 =	vsel vm3, $0xFFFFFFFF, v0  }
0x64: {  	s17 =	simm.s32 $0x1;
	p0 =	sgt.s32 s10, $0x0;
	s25 =	sadd.s32 s24, s23;
	vm15 =	vnez.u8 v59;
	v59 =	vnsel vm4, $0x0, v31;
	v31 =	vnsel vm5, $0x0, v1  }
0x65: {  	s17 =	simm.s32 @!p0 $0x0;
	p0 =	sgt.s32 s11, $0x0;
	v21 =	vmov s25;
	v33 =	vadd.s32 v62, v42;
	v42 =	vsel vm7, $0xFFFFFFFF, v0  }
0x66: {  	s17 =	simm.s32 @p0 $0x2;
	p0 =	sgt.s32 s12, $0x0;
	v24 =	vadd.s32 v24, v57;
	v22 =	vnsel vm15, $0x0, v22;
	v62 =	vnsel vm8, $0x0, v25  }
0x67: {  	s17 =	simm.s32 @p0 $0x3;
	p0 =	sgt.s32 s13, $0x0;
	v25 =	vnsel vm11, $0x0, v37;
	v57 =	vnsel vm5, $0x0, v30;
	v30 =	vnsel vm8, $0x0, v11  }
0x68: {  	s17 =	simm.s32 @p0 $0x4;
	p0 =	sgt.s32 s8, $0x0;
	v37 =	vnsel vm7, $0x0, v4;
	vm5 =	vcmask $0xB08;
	v33 =	vadd.s32 v63, v33  }
0x69: {  	s17 =	simm.s32 @p0 $0x5;
	p0 =	sgt.s32 s9, $0x0;
	v44 =	vadd.s32 v42, v44;
	v22 =	vadd.s32 v22, v24;
	v24 =	vadd.s32 v60, v41  }
0x6a: {  	s17 =	simm.s32 @p0 $0x6;
	p0 =	sgt.s32 s7, $0x0;
	v63 =	vnsel vm9, $0x0, v27;
	v41 =	vsub.s32 v35, v28;
	v42 =	vbroadcast v35, $0xF  }
0x6b: {  	s17 =	simm.s32 @p0 $0x7;
	v60 =	vnsel vm15, $0x0, v13;
	v35 =	vnsel vm11, $0x0, v3;
	v28 =	vlaneseq.u32  }
0x6c: {  	v20 =	vmov s17;
	v36 =	vadd.s32 v43, v44;
	v22 =	vadd.s32 v23, v22  }
0x6d: {  	v23 =	vadd.s32 v40, v38;
	v43 =	vnsel vm12, $0x0, v41;
	v24 =	vadd.s32 v39, v24  }
0x6e: {  	v44 =	vnsel vm0, $0x0, v29;
	v38 =	vnsel vm12, $0x0, v2;
	v39 =	vnsel vm10, $0x0, v3  }
0x6f: {  	v40 =	vnsel vm13, $0x0, v2;
	v41 =	vadd.s32 v52, v50;
	v22 =	vadd.s32 v62, v22  }
0x70: {  	v23 =	vadd.s32 v42, v23;
	v62 =	vnsel vm3, $0x0, v33;
	v22 =	vadd.s32 v63, v22  }
0x71: {  	v29 =	vnsel vm7, $0x0, v36;
	v24 =	vnsel vm10, $0x0, v24;
	v22 =	vadd.s32 v25, v22  }
0x72: {  	v33 =	vnsel vm4, $0x0, v13;
	v25 =	vadd.s32 v57, v44;
	v22 =	vadd.s32 v43, v22  }
0x73: {  	v25 =	vadd.s32 v59, v25;
	v22 =	vadd.s32 v61, v22;
	v61 =	vnsel vm2, $0x0, v32  }
0x74: {  	v36 =	vnsel vm3, $0x0, v11;
	v42 =	vsel vm5, $0xFFFFFFFF, v0;
	v25 =	vadd.s32 v61, v25  }
0x75: {  	v63 =	vnsel vm6, $0x0, v12;
	v22 =	vadd.s32 v60, v22;
	v25 =	vadd.s32 v62, v25  }
0x76: {  	v23 =	vnsel vm13, $0x0, v23;
	v22 =	vadd.s32 v63, v22;
	v25 =	vadd.s32 v29, v25  }
0x77: {  	v32 =	vnsel vm9, $0x0, v4;
	v22 =	vadd.s32 v30, v22;
	v24 =	vadd.s32 v24, v25  }
0x78: {  	v22 =	vadd.s32 v32, v22;
	v25 =	vand.u32 s28, v42;
	v23 =	vadd.s32 v23, v24  }
0x79: {  	v22 =	vadd.s32 v35, v22;
	v24 =	vshrl.u32 v28, $0x2;
	v23 =	vadd.s32 v31, v23  }
0x7a: {  	v26 =	vadd.s32 v38, v22;
	v43 =	vadd.s32 $0x1, v24;
	vm7 =	vlt.s32 v24, s28  }
0x7b: {  	vm9 =	vgt.s32 v15, v24;
	vm12 =	vgt.s32 v16, v24;
	vm14 =	vgt.s32 v17, v24  }
0x7c: {  	vm4 =	vgt.s32 v18, v24;
	v23 =	vadd.s32 v33, v23;
	vm6 =	vlt.s32 v14, v43  }
0x7d: {  	vm11 =	vlt.s32 v15, v43;
	vm13 =	vlt.s32 v16, v43;
	vm15 =	vlt.s32 v17, v43  }
0x7e: {  	vm5 =	vlt.s32 v18, v43;
	v23 =	vadd.s32 v34, v23;
	vm0 =	vmand vm6, vm7  }
0x7f: {  	vm6 =	vgt.s32 v19, v24;
	v23 =	vadd.s32 v36, v23;
	v44 =	vsel vm0, $0x1, v0  }
0x80: {  	vm0 =	vmand vm11, vm12;
	vm7 =	vmand vm5, vm6;
	v23 =	vadd.s32 v37, v23  }
0x81: {  	v52 =	vsel vm0, $0x3, v0;
	vm0 =	vmand vm13, vm14;
	v22 =	vadd.s32 v39, v23  }
0x82: {  	v23 =	vadd.s32 v51, v41;
	v27 =	vadd.s32 v40, v22;
	v22 =	vmov s28  }
0x83: {  	v23 =	vadd.s32 v53, v23;
	v53 =	vsel vm0, $0x4, v0;
	vm0 =	vmand vm15, vm4  }
0x84: {  	v23 =	vadd.s32 v54, v23;
	vm8 =	vlt.s32 v22, v43;
	v54 =	vsel vm0, $0x5, v0  }
0x85: {  	v23 =	vadd.s32 v55, v23;
	vm10 =	vmand vm8, vm9;
	v55 =	vsel vm7, $0x6, v0  }
0x86: {  	vm8 =	vlt.s32 v19, v43;
	v23 =	vadd.s32 v58, v23;
	v50 =	vsel vm10, $0x2, v0  }
0x87: {  	vm9 =	vgt.s32 v21, v24;
	v23 =	vadd.s32 v56, v23;
	v51 =	vor.u32 v44, v50  }
0x88: {  	vm10 =	vlt.s32 v21, v43;
	v23 =	vadd.s32 v25, v23;
	v25 =	vadd.s32 v52, v51  }
0x89: {  	vm0 =	vmand vm8, vm9;
	v23 =	vadd.s32 v49, v23;
	v25 =	vadd.s32 v53, v25  }
0x8a: {  	v29 =	vnsel vm10, $0x0, v20;
	v23 =	vadd.s32 v47, v23;
	v25 =	vadd.s32 v54, v25  }
0x8b: {  	v56 =	vsel vm0, $0x7, v0;
	v25 =	vadd.s32 v55, v25;
	v23 =	vadd.s32 v45, v23  }
0x8c: {  	v51 =	vsub.s32 v24, v22;
	v25 =	vadd.s32 v29, v25;
	v23 =	vadd.s32 v46, v23  }
0x8d: {  	v29 =	vor.u32 $0x10, v28;
	v25 =	vadd.s32 v56, v25;
	v30 =	vadd.s32 v48, v23  }
0x8e: {  	v56 =	vadd.s32 $0x5, v24;
	vm11 =	veq.s32 v25, $0x0;
	vm12 =	veq.s32 v25, $0x1  }
0x8f: {  	vm13 =	veq.s32 v25, $0x2;
	vm14 =	veq.s32 v25, $0x3;
	vm15 =	veq.s32 v25, $0x4  }
0x90: {  	vm4 =	veq.s32 v25, $0x5;
	vm5 =	veq.s32 v25, $0x6;
	vm0 =	veq.s32 v25, $0x7  }
0x91: {  	vm6 =	vlt.s32 v14, v56;
	vm8 =	vlt.s32 v22, v56;
	v57 =	vnsel vm11, $0x0, v1  }
0x92: {  	v58 =	vnsel vm12, $0x0, v14;
	v59 =	vnsel vm12, $0x0, v10;
	v60 =	vnsel vm12, $0x0, v1  }
0x93: {  	v61 =	vnsel vm13, $0x0, v9;
	v62 =	vnsel vm13, $0x0, v13;
	v63 =	vnsel vm14, $0x0, v15  }
0x94: {  	v38 =	vnsel vm14, $0x0, v8;
	v39 =	vnsel vm14, $0x0, v12;
	v40 =	vnsel vm15, $0x0, v16  }
0x95: {  	v41 =	vnsel vm15, $0x0, v6;
	v42 =	vnsel vm15, $0x0, v11;
	v43 =	vnsel vm4, $0x0, v7  }
0x96: {  	v44 =	vnsel vm4, $0x0, v17;
	v45 =	vnsel vm4, $0x0, v4;
	v46 =	vnsel vm5, $0x0, v18  }
0x97: {  	v47 =	vnsel vm5, $0x0, v5;
	v48 =	vnsel vm5, $0x0, v3;
	v50 =	vnsel vm0, $0x0, v19  }
0x98: {  	v53 =	vsel vm13, v51, v24;
	v54 =	vnsel vm0, $0x0, v2;
	vm12 =	vlt.s32 v15, v56  }
0x99: {  	vm14 =	vlt.s32 v16, v56;
	vm4 =	vlt.s32 v17, v56;
	v23 =	vadd.s32 v59, v57  }
0x9a: {  	v32 =	vadd.s32 v62, v60;
	v31 =	vadd.s32 v63, v58;
	v57 =	vor.u32 $0x4, v24  }
0x9b: {  	v23 =	vadd.s32 v61, v23;
	v32 =	vadd.s32 v39, v32;
	v31 =	vadd.s32 v40, v31  }
0x9c: {  	vm7 =	vlt.s32 v57, s28;
	vm9 =	vgt.s32 v15, v57;
	vm13 =	vgt.s32 v16, v57  }
0x9d: {  	vm15 =	vgt.s32 v17, v57;
	vm5 =	vgt.s32 v18, v57;
	v23 =	vadd.s32 v38, v23  }
0x9e: {  	v32 =	vadd.s32 v42, v32;
	v49 =	vadd.s32 v44, v31;
	vm1 =	vmand vm6, vm7  }
0x9f: {  	vm11 =	vmand vm8, vm9;
	vm6 =	vlt.s32 v18, v56;
	vm7 =	vgt.s32 v19, v57  }
0xa0: {  	vm9 =	vlt.s32 v19, v56;
	v23 =	vadd.s32 v41, v23;
	v25 =	vadd.s32 v46, v49  }
0xa1: {  	v58 =	vsel vm1, $0x1, v0;
	v59 =	vsel vm11, $0x2, v0;
	vm1 =	vmand vm12, vm13  }
0xa2: {  	vm8 =	vmand vm6, vm7;
	vm11 =	vlt.s32 v21, v56;
	v35 =	vadd.s32 v43, v23  }
0xa3: {  	v23 =	vadd.s32 v45, v32;
	v25 =	vadd.s32 v50, v25;
	v37 =	vor.u32 v58, v59  }
0xa4: {  	v60 =	vsel vm1, $0x3, v0;
	vm1 =	vmand vm14, vm15;
	v52 =	vadd.s32 v48, v23  }
0xa5: {  	v23 =	vmov s7;
	v25 =	vsub.s32 v53, v25;
	v37 =	vadd.s32 v60, v37  }
0xa6: {  	v61 =	vsel vm1, $0x4, v0;
	vm1 =	vmand vm4, vm5;
	v33 =	vadd.s32 v47, v35  }
0xa7: {  	v35 =	vsel vm8, $0x6, v0;
	v55 =	vshll.u32 v25, $0x2;
	v25 =	vand.u32 $0x3, v28  }
0xa8: {  	v31 =	vadd.s32 v54, v52;
	v62 =	vadd.s32 v61, v37;
	v32 =	vor.u32 v25, v55  }
0xa9: {  	v63 =	vsel vm1, $0x5, v0;
	v37 =	vnsel vm11, $0x0, v20;
	v31 =	vadd.s32 v32, v31  }
0xaa: {  	s26 =	simm.s32 $0x100;
	v38 =	vnsel vm0, $0x0, v23;
	v52 =	vsub.s32 v57, v22;
	vm10 =	vgt.s32 v31, $0x0  }
0xab: {  	[tilespmem:v26+s26+$0x0] =	vst.idx.msk $0xffff, v28;
	v26 =	vadd.s32 v63, v62;
	v31 =	vnsel vm10, $0x0, v31;
	vm10 =	vgt.s32 v21, v57  }
0xac: {  	v40 =	vadd.s32 v38, v33;
	v26 =	vadd.s32 v35, v26;
	vm1 =	vmand vm9, vm10  }
0xad: {  	vm4 =	vlt.s32 v32, v40;
	v26 =	vadd.s32 v37, v26;
	v39 =	vsel vm1, $0x7, v0  }
0xae: {  	v59 =	vsel vm4, $0x3F800000, v0;
	v31 =	vmin.u32 v31, $0x1F;
	v26 =	vadd.s32 v39, v26  }
0xaf: {  	vm1 =	veq.s32 v26, $0x1;
	vm0 =	veq.s32 v26, $0x2;
	vm2 =	veq.s32 v26, $0x3  }
0xb0: {  	vm3 =	veq.s32 v26, $0x4;
	vm5 =	veq.s32 v26, $0x5;
	vm6 =	veq.s32 v26, $0x6  }
0xb1: {  	vm12 =	veq.s32 v26, $0x7;
	vm11 =	veq.s32 v26, $0x0;
	v42 =	vnsel vm1, $0x0, v1  }
0xb2: {  	v43 =	vnsel vm0, $0x0, v13;
	v44 =	vnsel vm1, $0x0, v14;
	v45 =	vnsel vm2, $0x0, v15  }
0xb3: {  	v46 =	vnsel vm2, $0x0, v12;
	v47 =	vnsel vm3, $0x0, v16;
	v48 =	vnsel vm3, $0x0, v11  }
0xb4: {  	v49 =	vnsel vm5, $0x0, v17;
	v50 =	vnsel vm6, $0x0, v18;
	v51 =	vnsel vm12, $0x0, v19  }
0xb5: {  	[tilespmem:v27+s26+$0x0] =	vst.idx.msk $0xffff, v29;
	v53 =	vnsel vm5, $0x0, v4;
	v33 =	vsel vm0, v52, v57;
	v54 =	vnsel vm6, $0x0, v3  }
0xb6: {  	[tilespmem:$0x180] =	vst v30;
	v55 =	vnsel vm12, $0x0, v2;
	v61 =	vnsel vm11, $0x0, v1;
	v62 =	vnsel vm1, $0x0, v10  }
0xb7: {  	v32 =	vnsel vm0, $0x0, v9;
	v34 =	vnsel vm2, $0x0, v8;
	v35 =	vnsel vm3, $0x0, v6;
	v29 =	vld.idx.msk [tilespmem:v31+s26+$0x0], $0xffff  }
0xb8: {  	v36 =	vnsel vm5, $0x0, v7;
	v28 =	vadd.s32 v43, v42;
	v30 =	vadd.s32 v45, v44  }
0xb9: {  	v37 =	vnsel vm6, $0x0, v5;
	v28 =	vadd.s32 v46, v28;
	v30 =	vadd.s32 v47, v30  }
0xba: {  	v38 =	vnsel vm12, $0x0, v23;
	v28 =	vadd.s32 v48, v28;
	v30 =	vadd.s32 v49, v30  }
0xbb: {  	v63 =	vadd.s32 v62, v61;
	v30 =	vadd.s32 v50, v30;
	v28 =	vadd.s32 v53, v28  }
0xbc: {  	v30 =	vadd.s32 v51, v30;
	v28 =	vadd.s32 v54, v28;
	v41 =	vshrl.u32 v29, $0x1F  }
0xbd: {  	v30 =	vsub.s32 v33, v30;
	v56 =	vand.u32 $0x1, v29;
	v28 =	vadd.s32 v55, v28  }
0xbe: {  	vm13 =	vlt.s32 v29, $0x1;
	v33 =	vadd.s32 v32, v63;
	v30 =	vshll.u32 v30, $0x2  }
0xbf: {  	vm14 =	veq.s32 v56, $0x1;
	v27 =	vadd.s32 v41, v29;
	v26 =	vadd.s32 v34, v33  }
0xc0: {  	v41 =	vadd.s32 $0x9, v24;
	v30 =	vor.u32 v25, v30;
	vm8 =	vmand vm13, vm14  }
0xc1: {  	v27 =	vshra.s32 v27, $0x1;
	v26 =	vadd.s32 v35, v26;
	vm13 =	vlt.s32 v14, v41  }
0xc2: {  	vm14 =	vlt.s32 v22, v41;
	vm9 =	vlt.s32 v15, v41;
	v28 =	vadd.s32 v30, v28  }
0xc3: {  	v57 =	vld.idx.msk [tilespmem:v29+s5+$0x0], $0xffff;
	v58 =	vsel vm8, $0xFFFFFFFF, v0;
	v29 =	vnsel vm4, $0x20, v29;
	v26 =	vadd.s32 v36, v26  }
0xc4: {  	vm15 =	vgt.s32 v28, $0x0;
	v27 =	vadd.s32 v58, v27;
	[tilespmem:$0x1D0] =	vst v29;
	v29 =	vor.u32 $0x8, v24  }
0xc5: {  	v28 =	vnsel vm15, $0x0, v28;
	v27 =	vnsel vm4, $0x0, v27;
	vm12 =	vlt.s32 v29, s28  }
0xc6: {  	vm15 =	vgt.s32 v15, v29;
	vm10 =	vgt.s32 v16, v29;
	v28 =	vmin.u32 v28, $0x1F  }
0xc7: {  	[tilespmem:$0x190] =	vst v27;
	v27 =	vadd.s32 v37, v26;
	v26 =	vor.u32 $0xC, v24;
	vm2 =	vmand vm13, vm12  }
0xc8: {  	vm8 =	vmand vm14, vm15;
	vm12 =	vlt.s32 v16, v41;
	vm13 =	vgt.s32 v17, v29  }
0xc9: {  	vm14 =	vlt.s32 v17, v41;
	vm15 =	vgt.s32 v18, v29;
	v24 =	vadd.s32 $0xD, v24  }
0xca: {  	vm0 =	vlt.s32 v26, s28;
	v27 =	vadd.s32 v38, v27;
	v60 =	vmul.f32 v59, v57  }
0xcb: {  	v43 =	vsel vm2, $0x1, v0;
	v44 =	vsel vm8, $0x2, v0;
	vm2 =	vmand vm9, vm10  }
0xcc: {  	vm8 =	vlt.s32 v18, v41;
	vm9 =	vgt.s32 v19, v29;
	vm6 =	vgt.s32 v15, v26;
	[tilespmem:$0x280] =	vst v60  }
0xcd: {  	vm1 =	vlt.s32 v30, v27;
	v45 =	vor.u32 v43, v44;
	v46 =	vsel vm2, $0x3, v0;
	v28 =	vld.idx.msk [tilespmem:v28+s26+$0x0], $0xffff  }
0xce: {  	vm2 =	vmand vm12, vm13;
	vm10 =	vmand vm8, vm9;
	vm12 =	vgt.s32 v21, v29  }
0xcf: {  	vm13 =	vlt.s32 v21, v41;
	vm8 =	vlt.s32 v15, v24;
	v31 =	vadd.s32 v46, v45  }
0xd0: {  	v47 =	vsel vm2, $0x4, v0;
	vm2 =	vmand vm14, vm15;
	v50 =	vsel vm10, $0x6, v0  }
0xd1: {  	v52 =	vnsel vm13, $0x0, v20;
	v31 =	vadd.s32 v47, v31;
	v48 =	vsel vm2, $0x5, v0  }
0xd2: {  	v54 =	vsel vm1, $0x3F800000, v0;
	v31 =	vadd.s32 v48, v31;
	v42 =	vand.u32 $0x1, v28  }
0xd3: {  	v51 =	vadd.s32 v50, v31;
	vm3 =	vlt.s32 v28, $0x1;
	vm11 =	veq.s32 v42, $0x1  }
0xd4: {  	v39 =	vshrl.u32 v28, $0x1F;
	vm3 =	vmand vm3, vm11;
	vm11 =	vlt.s32 v19, v41  }
0xd5: {  	v30 =	vadd.s32 v52, v51;
	v40 =	vadd.s32 v39, v28;
	vm2 =	vmand vm11, vm12  }
0xd6: {  	v27 =	vshra.s32 v40, $0x1;
	v49 =	vsel vm3, $0xFFFFFFFF, v0;
	v53 =	vsel vm2, $0x7, v0  }
0xd7: {  	v52 =	vsub.s32 v29, v22;
	v27 =	vadd.s32 v49, v27;
	v30 =	vadd.s32 v53, v30  }
0xd8: {  	v31 =	vnsel vm1, $0x20, v28;
	v27 =	vnsel vm1, $0x0, v27;
	vm14 =	veq.s32 v30, $0x0  }
0xd9: {  	vm15 =	veq.s32 v30, $0x1;
	vm9 =	veq.s32 v30, $0x2;
	vm10 =	veq.s32 v30, $0x3  }
0xda: {  	vm11 =	veq.s32 v30, $0x4;
	vm12 =	veq.s32 v30, $0x5;
	vm13 =	veq.s32 v30, $0x6  }
0xdb: {  	vm1 =	veq.s32 v30, $0x7;
	v55 =	vnsel vm14, $0x0, v1;
	v56 =	vnsel vm15, $0x0, v10  }
0xdc: {  	v57 =	vnsel vm15, $0x0, v1;
	v58 =	vnsel vm9, $0x0, v9;
	v59 =	vnsel vm9, $0x0, v13  }
0xdd: {  	v60 =	vnsel vm10, $0x0, v8;
	v61 =	vnsel vm10, $0x0, v12;
	v62 =	vnsel vm11, $0x0, v6  }
0xde: {  	v63 =	vnsel vm11, $0x0, v11;
	v39 =	vnsel vm12, $0x0, v7;
	v40 =	vnsel vm12, $0x0, v4  }
0xdf: {  	v41 =	vnsel vm13, $0x0, v5;
	v42 =	vnsel vm13, $0x0, v3;
	v45 =	vnsel vm15, $0x0, v14  }
0xe0: {  	v28 =	vld.idx.msk [tilespmem:v28+s5+$0x0], $0xffff;
	v46 =	vnsel vm10, $0x0, v15;
	v47 =	vnsel vm11, $0x0, v16;
	v48 =	vnsel vm1, $0x0, v2  }
0xe1: {  	v49 =	vnsel vm12, $0x0, v17;
	v50 =	vnsel vm13, $0x0, v18;
	v51 =	vnsel vm1, $0x0, v19  }
0xe2: {  	v29 =	vsel vm9, v52, v29;
	vm14 =	vlt.s32 v14, v24;
	vm15 =	vlt.s32 v22, v24  }
0xe3: {  	vm9 =	vgt.s32 v16, v26;
	vm10 =	vlt.s32 v16, v24;
	vm11 =	vgt.s32 v17, v26  }
0xe4: {  	vm13 =	vlt.s32 v17, v24;
	v33 =	vadd.s32 v56, v55;
	v34 =	vadd.s32 v59, v57  }
0xe5: {  	v28 =	vmul.f32 v54, v28;
	vm0 =	vmand vm14, vm0;
	vm7 =	vmand vm15, vm6  }
0xe6: {  	vm12 =	vmand vm10, vm11;
	vm14 =	vgt.s32 v18, v26;
	vm15 =	vlt.s32 v18, v24  }
0xe7: {  	vm6 =	vgt.s32 v19, v26;
	vm10 =	vlt.s32 v21, v24;
	v34 =	vadd.s32 v61, v34  }
0xe8: {  	v33 =	vadd.s32 v58, v33;
	v53 =	vsel vm0, $0x1, v0;
	v34 =	vadd.s32 v63, v34  }
0xe9: {  	v54 =	vsel vm7, $0x2, v0;
	vm0 =	vmand vm8, vm9;
	v34 =	vadd.s32 v40, v34  }
0xea: {  	v56 =	vsel vm12, $0x4, v0;
	v44 =	vadd.s32 v42, v34;
	v34 =	vadd.s32 v46, v45  }
0xeb: {  	vm7 =	vmand vm15, vm6;
	vm8 =	vlt.s32 v19, v24;
	v30 =	vadd.s32 v47, v34  }
0xec: {  	vm9 =	vgt.s32 v21, v26;
	v20 =	vnsel vm10, $0x0, v20;
	v30 =	vadd.s32 v49, v30  }
0xed: {  	v33 =	vadd.s32 v60, v33;
	v55 =	vsel vm0, $0x3, v0;
	v30 =	vadd.s32 v50, v30  }
0xee: {  	vm0 =	vmand vm13, vm14;
	v58 =	vsel vm7, $0x6, v0;
	v30 =	vadd.s32 v51, v30  }
0xef: {  	v33 =	vadd.s32 v62, v33;
	v29 =	vsub.s32 v29, v30;
	v30 =	vor.u32 v53, v54  }
0xf0: {  	v57 =	vsel vm0, $0x5, v0;
	v33 =	vadd.s32 v39, v33;
	v30 =	vadd.s32 v55, v30  }
0xf1: {  	v43 =	vadd.s32 v41, v33;
	v29 =	vshll.u32 v29, $0x2;
	v30 =	vadd.s32 v56, v30  }
0xf2: {  	v33 =	vadd.s32 v48, v44;
	v29 =	vor.u32 v25, v29;
	v30 =	vadd.s32 v57, v30  }
0xf3: {  	vm0 =	vmand vm8, vm9;
	v33 =	vadd.s32 v29, v33;
	v59 =	vadd.s32 v58, v30  }
0xf4: {  	v60 =	vsel vm0, $0x7, v0;
	vm11 =	vgt.s32 v33, $0x0;
	v20 =	vadd.s32 v20, v59  }
0xf5: {  	v61 =	vnsel vm1, $0x0, v23;
	v62 =	vnsel vm11, $0x0, v33;
	v20 =	vadd.s32 v60, v20  }
0xf6: {  	v40 =	vsub.s32 v26, v22;
	v63 =	vmin.u32 v62, $0x1F;
	vm1 =	veq.s32 v20, $0x1  }
0xf7: {  	vm0 =	veq.s32 v20, $0x2;
	vm2 =	veq.s32 v20, $0x3;
	vm3 =	veq.s32 v20, $0x4  }
0xf8: {  	[tilespmem:$0x1E0] =	vst v31;
	vm4 =	veq.s32 v20, $0x5;
	vm5 =	veq.s32 v20, $0x6;
	v33 =	vnsel vm1, $0x0, v1  }
0xf9: {  	[tilespmem:$0x1A0] =	vst v27;
	v13 =	vnsel vm0, $0x0, v13;
	v14 =	vnsel vm1, $0x0, v14;
	v15 =	vnsel vm2, $0x0, v15  }
0xfa: {  	[tilespmem:$0x290] =	vst v28;
	v12 =	vnsel vm2, $0x0, v12;
	v34 =	vnsel vm3, $0x0, v16;
	v13 =	vadd.s32 v13, v33  }
0xfb: {  	v11 =	vnsel vm3, $0x0, v11;
	v36 =	vadd.s32 v15, v14;
	v12 =	vadd.s32 v12, v13;
	v35 =	vld.idx.msk [tilespmem:v63+s26+$0x0], $0xffff  }
0xfc: {  	v37 =	vnsel vm4, $0x0, v17;
	v11 =	vadd.s32 v11, v12;
	v12 =	vadd.s32 v34, v36  }
0xfd: {  	vm6 =	veq.s32 v20, $0x7;
	v38 =	vnsel vm5, $0x0, v18;
	v12 =	vadd.s32 v37, v12  }
0xfe: {  	v21 =	vadd.s32 v61, v43;
	v39 =	vnsel vm6, $0x0, v19;
	v12 =	vadd.s32 v38, v12  }
0xff: {  	v4 =	vnsel vm4, $0x0, v4;
	v41 =	vsel vm0, v40, v26;
	v12 =	vadd.s32 v39, v12  }
0x100: {  	v3 =	vnsel vm5, $0x0, v3;
	v4 =	vadd.s32 v4, v11;
	v42 =	vsub.s32 v41, v12  }
0x101: {  	v2 =	vnsel vm6, $0x0, v2;
	v3 =	vadd.s32 v3, v4;
	v43 =	vshll.u32 v42, $0x2  }
0x102: {  	vm12 =	vlt.s32 v29, v21;
	v2 =	vadd.s32 v2, v3;
	v44 =	vor.u32 v25, v43  }
0x103: {  	v46 =	vshrl.u32 v35, $0x1F;
	v47 =	vand.u32 $0x1, v35;
	v2 =	vadd.s32 v44, v2;
	v45 =	vld.idx.msk [tilespmem:v35+s5+$0x0], $0xffff  }
0x104: {  	vm13 =	vlt.s32 v35, $0x1;
	vm14 =	veq.s32 v47, $0x1;
	vm15 =	vgt.s32 v2, $0x0  }
0x105: {  	v11 =	vadd.s32 v46, v35;
	vm8 =	vmand vm13, vm14;
	v2 =	vnsel vm15, $0x0, v2  }
0x106: {  	v11 =	vshra.s32 v11, $0x1;
	v48 =	vsel vm8, $0xFFFFFFFF, v0;
	v2 =	vmin.u32 v2, $0x1F  }
0x107: {  	v50 =	vsel vm12, $0x3F800000, v0;
	v49 =	vnsel vm12, $0x20, v35;
	v11 =	vadd.s32 v48, v11  }
0x108: {  	[tilespmem:$0x1F0] =	vst v49;
	v11 =	vnsel vm12, $0x0, v11;
	v4 =	vmul.f32 v50, v45  }
0x109: {  	[tilespmem:$0x1B0] =	vst v11  }
0x10a: {  	[tilespmem:$0x2A0] =	vst v4  }
0x10b: {  	v2 =	vld.idx.msk [tilespmem:v2+s26+$0x0], $0xffff  }
0x10c: {  	vm12 =	veq.s32 v20, $0x0  }
0x10d: {  	v51 =	vnsel vm1, $0x0, v10;
	v1 =	vnsel vm12, $0x0, v1  }
0x10e: {  	v52 =	vnsel vm0, $0x0, v9;
	v1 =	vadd.s32 v51, v1  }
0x10f: {  	v53 =	vnsel vm2, $0x0, v8;
	v1 =	vadd.s32 v52, v1  }
0x110: {  	v54 =	vnsel vm3, $0x0, v6;
	v1 =	vadd.s32 v53, v1  }
0x111: {  	v55 =	vnsel vm4, $0x0, v7;
	v1 =	vadd.s32 v54, v1  }
0x112: {  	v56 =	vnsel vm5, $0x0, v5;
	v1 =	vadd.s32 v55, v1  }
0x113: {  	v57 =	vnsel vm6, $0x0, v23;
	v1 =	vadd.s32 v56, v1;
	v59 =	vand.u32 $0x1, v2;
	v58 =	vld.idx.msk [tilespmem:v2+s5+$0x0], $0xffff  }
0x114: {  	v60 =	vshrl.u32 v2, $0x1F;
	vm13 =	vlt.s32 v2, $0x1;
	vm14 =	veq.s32 v59, $0x1  }
0x115: {  	v1 =	vadd.s32 v57, v1;
	v61 =	vadd.s32 v60, v2;
	vm0 =	vmand vm13, vm14  }
0x116: {  	vm15 =	vlt.s32 v44, v1;
	v62 =	vshra.s32 v61, $0x1;
	v63 =	vsel vm0, $0xFFFFFFFF, v0  }
0x117: {  	v2 =	vnsel vm15, $0x20, v2;
	v0 =	vsel vm15, $0x3F800000, v0;
	v1 =	vadd.s32 v63, v62  }
0x118: {  	[tilespmem:$0x200] =	vst v2;
	v1 =	vnsel vm15, $0x0, v1;
	v0 =	vmul.f32 v0, v58  }
0x119: {  	[tilespmem:$0x1C0] =	vst v1  }
0x11a: {  	s29 =	simm.s32 $0x180;
	s28 =	sadd.s32 $0xE00, s1;
	[tilespmem:$0x2B0] =	vst v0  }
0x11b: {  	[hbm4b:s28+s2] =	stream.linear.scatter [tilespmem:s29], [sflag:$0x1], $0x100, $0x38;
	[tilespmem:$0x300] =	vst v63  }
0x11c: {  	s31 =	simm.s32 $0x280;
	s30 =	sadd.s32 $0x1000, s1  }
0x11d: {  	[hbm4b:s30+s2] =	stream.linear.scatter [tilespmem:s31], [sflag:$0x2], $0x80, $0x38;
	[tilespmem:$0x300] =	vst v63  }
0x11e: {  	_ =	swait.ge [sflag:s3], $0x100  }
0x11f: {  	[sflag:s3] =	ssyncset.done $0x0  }
0x120: {  	[sflag:s3] =	ssyncadd.s32 $0xFFFFFF00  }
0x121: {  	_ =	swait.ge [sflag:s4], $0x80  }
0x122: {  	[sflag:s4] =	ssyncset.done $0x0  }
0x123: {  	[sflag:s4] =	ssyncadd.s32 $0xFFFFFF80  }
0x124: {  	_ =	sfence.sel $0x180000  }
0x125: {  	[bflag:$0x0] =	sbarrier.arrive $0xFFFF  }
0x126: {  	_ =	strace $0x90000047  }
0x127: {  	s0 =	sadd.s32 $0x100000, s0;
	[bflag:$0x2] =	sbarrier.arrive $0xFFFF  }
0x128: {  	[sflag:s0] =	ssyncadd.tile.s32 $0x1;
	_ =	shalt  }
.Lfunc_end2:
_tile_overlayer_lowered:
.L_overlay_start_2:
0x129: {  	(tag) =	ssettag $0x2  }
0x12a: {  	s0 =	rddreg [dreg:$0x0];
	s2 =	stileid.u32  }
0x12b: {  	s1 =	rddreg [dreg:$0x1];
	p0 =	sne.s32 s2, $0x0  }
0x12c: {  	s3 =	rddreg [dreg:$0x2];
	[bflag:$0x3] =	sbarrier.arrive $0xFFFF;
	s2 =	simm.s32 @!p0 $0x1C03  }
0x12d: {  	[timem:s3], [sflag:s2] =	dma.local @!p0 [hbm:s0], s1  }
0x12e: {  	s0 =	simm.s32 @!p0 $0x3  }
0x12f: {  	_ =	swait.ge @!p0 [sflag:s0], s1  }
0x130: {  	s1 =	ssub.s32 @!p0 $0x0, s1;
	[sflag:s0] =	ssyncset.done @!p0 $0x0  }
0x131: {  	[sflag:s0] =	ssyncadd.s32 @!p0 s1  }
0x132: {  	[bflag:$0x3] =	sbarrier.arrive $0xFFFF  }
0x133: {  	_ =	shalt  }

</sc_bundles>
